<compile_context>
chip_gen: v7x
topology: tpu7x:2x2x1
jax: 0.10.2.dev20260603
libtpu: 0.0.44.dev20260713+nightly
codegen_flags: <defaults>
</compile_context>

<pallas_src>
import functools

import jax
import jax.numpy as jnp
from jax import lax
from jax.experimental import pallas as pl
from jax.experimental.pallas import tpu as pltpu
from jax.experimental.pallas import tpu_sc as plsc

N = 100000
E = 1600000
NC, NS = 2, 16
K = 14
KA = 4
ROWS_PAD = 12544
EPAD = ROWS_PAD * 128
RPC = ROWS_PAD // NC
NP = 102400
NA = NP
PR = N * 16 // 128
PRP = NP * 16 // 128
B_TC = 256
GRID = PRP // B_TC

_SC_PARAMS = pltpu.CompilerParams(use_tc_tiling_on_sc=False)
_SC_PARAMS_NLP = pltpu.CompilerParams(
    use_tc_tiling_on_sc=False, needs_layout_passes=False)


def _zero_fill(zbuf, rows):
    def body(i, _):
        zbuf[i, :] = jnp.zeros((16,), jnp.float32)
        return 0
    lax.fori_loop(0, rows, body, 0)


def _zero_acc(zbuf, acc, s, zsem):
    def zc(i, _):
        pltpu.async_copy(zbuf, acc.at[pl.ds(i * 128, 128)], zsem)
        return 0
    lax.fori_loop(s * 50, (s + 1) * 50, zc, 0)

    def zw(i, _):
        pltpu.make_async_copy(zbuf, acc.at[pl.ds(0, 128)], zsem).wait()
        return 0
    lax.fori_loop(0, 50, zw, 0)


def _writeback(acc, out_hbm, c, s):
    def wb(i, _):
        off = pl.multiple_of(i * 2048, 8)
        pltpu.sync_copy(acc.at[pl.ds(off, 2048)], out_hbm.at[c, pl.ds(off, 2048)])
        return 0
    lax.fori_loop((s * 50) // 16, ((s + 1) * 50) // 16, wb, 0)


def _rsqrt16(x):
    i = lax.bitcast_convert_type(x, jnp.int32)
    i = jnp.full((16,), 0x5F3759DF, jnp.int32) - lax.shift_right_arithmetic(
        i, jnp.full((16,), 1, jnp.int32))
    y = lax.bitcast_convert_type(i, jnp.float32)
    for _ in range(4):
        y = y * (1.5 - 0.5 * x * y * y)
    return y


@functools.cache
def _sc_front_kernel():
    mesh = plsc.VectorSubcoreMesh(core_axis_name="c", subcore_axis_name="s")
    return pl.kernel(
        _sc_front,
        out_type=(
            jax.ShapeDtypeStruct((NP, 16), jnp.float32),
            jax.ShapeDtypeStruct((NP, 16), jnp.float32),
        ),
        mesh=mesh,
        compiler_params=_SC_PARAMS_NLP,
        scratch_types=[
            pltpu.VMEM((2, K, 128), jnp.int32),
            pltpu.VMEM((128,), jnp.float32),
            pltpu.VMEM((2048,), jnp.float32),
            pltpu.VMEM((800,), jnp.float32),
            pltpu.VMEM((800, 16), jnp.float32),
            pltpu.VMEM((800, 16), jnp.float32),
            pltpu.VMEM_SHARED((NA,), jnp.float32),
            pltpu.SemaphoreType.DMA,
            pltpu.SemaphoreType.DMA,
            pltpu.SemaphoreType.DMA,
            pltpu.SemaphoreType.DMA,
        ],
    )


def _sc_front(dst_hbm, xp_hbm, d16_hbm, y1_hbm, dbuf, ones, zbuf, degb, d16b,
              xpb, acc, isem, ssem0, ssem1, zsem):
    c = lax.axis_index("c")
    s = lax.axis_index("s")
    ssems = (ssem0, ssem1)

    def ob(i, _):
        ones[pl.ds(i * 16, 16)] = jnp.full((16,), 1.0, jnp.float32)
        return 0
    lax.fori_loop(0, 8, ob, 0)

    def zb(i, _):
        zbuf[pl.ds(i * 16, 16)] = jnp.zeros((16,), jnp.float32)
        return 0
    lax.fori_loop(0, 128, zb, 0)

    def zc(i, _):
        pltpu.async_copy(zbuf, acc.at[pl.ds(i * 2048, 2048)], zsem)
        return 0
    lax.fori_loop((s * 50) // 16, ((s + 1) * 50) // 16, zc, 0)

    def zw(i, _):
        pltpu.make_async_copy(zbuf, acc.at[pl.ds(0, 2048)], zsem).wait()
        return 0
    lax.fori_loop((s * 50) // 16, ((s + 1) * 50) // 16, zw, 0)
    plsc.subcore_barrier()

    row0 = s * (ROWS_PAD // NS)
    n_chunks = ROWS_PAD // NS // K

    def step(g, slot):
        pltpu.make_async_copy(dst_hbm.at[pl.ds(0, K)], dbuf.at[slot], isem).wait()

        @pl.when(g + 1 < n_chunks)
        def _():
            r = row0 + (g + 1) * K
            pltpu.async_copy(dst_hbm.at[pl.ds(r, K)], dbuf.at[1 - slot], isem)

        @pl.when(g >= 2)
        def _():
            for j in range(K):
                pltpu.make_async_copy(ones, acc.at[dbuf.at[slot, j]], ssems[slot]).wait()

        for j in range(K):
            pltpu.async_copy(ones, acc.at[dbuf.at[slot, j]], ssems[slot], add=True)

    pltpu.async_copy(dst_hbm.at[pl.ds(row0, K)], dbuf.at[0], isem)

    def loop(g2, _):
        step(2 * g2, 0)
        step(2 * g2 + 1, 1)
        return 0
    lax.fori_loop(0, n_chunks // 2, loop, 0)

    for slot in (0, 1):
        for j in range(K):
            pltpu.make_async_copy(ones, acc.at[dbuf.at[slot, j]], ssems[slot]).wait()
    plsc.subcore_barrier()

    wid = c * NS + s
    lane = jnp.arange(16, dtype=jnp.int32)

    if True:
        node0 = wid * 3200

        def chunk(i, _):
            off = node0 + i * 800
            pltpu.sync_copy(acc.at[pl.ds(off, 800)], degb)
            pltpu.sync_copy(xp_hbm.at[pl.ds(off, 800)], xpb)

            def grp(g, _):
                d = degb[pl.ds(g * 16, 16)] + 1.0
                y = _rsqrt16(d)
                row_idx = lane + g * 16
                for l in range(16):
                    plsc.store_scatter(
                        d16b, [row_idx, jnp.full((16,), l, jnp.int32)], y)
                return 0
            lax.fori_loop(0, 50, grp, 0)

            def sc(n, _):
                xpb[n, :] = xpb[n, :] * d16b[n, :]
                return 0
            lax.fori_loop(0, 800, sc, 0)

            pltpu.sync_copy(d16b, d16_hbm.at[pl.ds(off, 800)])
            pltpu.sync_copy(xpb, y1_hbm.at[pl.ds(off, 800)])
            return 0
        lax.fori_loop(0, 4, chunk, 0)


def _agg_pipeline(src_hbm, dst_hbm, table, acc, sbuf, dbuf, rbuf,
                  isems, gsems, ssems, row0, n_chunks):

    EC = KA * 128

    def idx_fetch(g, islot, par):
        e0 = (row0 + g * KA) * 128
        pltpu.async_copy(src_hbm.at[pl.ds(e0, EC)], sbuf.at[islot], isems[par])
        pltpu.async_copy(dst_hbm.at[pl.ds(e0, EC)], dbuf.at[islot], isems[par])

    def idx_wait(islot, par):
        pltpu.make_async_copy(src_hbm.at[pl.ds(0, EC)], sbuf.at[islot], isems[par]).wait()
        pltpu.make_async_copy(dst_hbm.at[pl.ds(0, EC)], dbuf.at[islot], isems[par]).wait()

    def scat_fire(rslot, islot, par):
        pltpu.async_copy(rbuf.at[rslot], acc.at[dbuf.at[islot]],
                         ssems[par], add=True)

    def scat_drain(rslot, islot, par):
        pltpu.make_async_copy(rbuf.at[rslot], acc.at[dbuf.at[islot]],
                              ssems[par]).wait()

    def gath_fire(rslot, islot, par):
        pltpu.async_copy(table.at[sbuf.at[islot]], rbuf.at[rslot], gsems[par])

    def gath_drain(rslot, islot, par):
        pltpu.make_async_copy(table.at[sbuf.at[islot]], rbuf.at[rslot],
                              gsems[par]).wait()

    def step(g, g2, par):
        islot = lax.rem(g2, 2) * 2 + par
        idx_wait(islot, par)

        @pl.when(g >= 2)
        def _():
            scat_drain(par, islot, par)

        gath_fire(par, islot, par)

        @pl.when(g + 2 < n_chunks)
        def _():
            idx_fetch(g + 2, islot ^ 2, par)

        @pl.when(g >= 1)
        def _():
            prev_islot = (islot + 3) % 4
            gath_drain(1 - par, prev_islot, 1 - par)
            scat_fire(1 - par, prev_islot, 1 - par)

    idx_fetch(0, 0, 0)
    idx_fetch(1, 1, 1)

    def loop(g2, _):
        step(2 * g2, g2, 0)
        step(2 * g2 + 1, g2, 1)
        return 0
    lax.fori_loop(0, n_chunks // 2, loop, 0)

    li = (n_chunks - 1) % 4
    gath_drain(1, li, 1)
    scat_fire(1, li, 1)
    scat_drain(0, li, 0)
    scat_drain(1, li, 1)


_AGG_SCRATCH = [
    pltpu.VMEM((4, KA * 128), jnp.int32),
    pltpu.VMEM((4, KA * 128), jnp.int32),
    pltpu.VMEM((2, KA * 128, 16), jnp.float32),
    pltpu.VMEM((128, 16), jnp.float32),
    pltpu.VMEM_SHARED((NP, 16), jnp.float32),
    pltpu.SemaphoreType.DMA,
    pltpu.SemaphoreType.DMA,
    pltpu.SemaphoreType.DMA,
    pltpu.SemaphoreType.DMA,
    pltpu.SemaphoreType.DMA,
    pltpu.SemaphoreType.DMA,
    pltpu.SemaphoreType.DMA,
]


@functools.cache
def _sc_agg1_kernel():
    mesh = plsc.VectorSubcoreMesh(core_axis_name="c", subcore_axis_name="s")
    return pl.kernel(
        _sc_agg1,
        out_type=jax.ShapeDtypeStruct((NC, NP, 16), jnp.float32),
        mesh=mesh,
        compiler_params=_SC_PARAMS,
        scratch_types=list(_AGG_SCRATCH),
    )


def _sc_agg1(src_hbm, dst_hbm, y1_hbm, out_hbm, sbuf, dbuf, rbuf, zbuf, acc,
             isem0, isem1, gsem0, gsem1, ssem0, ssem1, zsem):
    c = lax.axis_index("c")
    s = lax.axis_index("s")
    _zero_fill(zbuf, 128)
    _zero_acc(zbuf, acc, s, zsem)
    plsc.subcore_barrier()

    row0 = c * RPC + s * (RPC // NS)
    _agg_pipeline(src_hbm, dst_hbm, y1_hbm, acc, sbuf, dbuf, rbuf,
                  (isem0, isem1), (gsem0, gsem1), (ssem0, ssem1),
                  row0, (RPC // NS) // KA)
    plsc.subcore_barrier()
    _writeback(acc, out_hbm, c, s)


@functools.cache
def _sc_agg2_kernel():
    mesh = plsc.VectorSubcoreMesh(core_axis_name="c", subcore_axis_name="s")
    return pl.kernel(
        _sc_agg2,
        out_type=jax.ShapeDtypeStruct((NC, NP, 16), jnp.float32),
        mesh=mesh,
        compiler_params=_SC_PARAMS,
        scratch_types=list(_AGG_SCRATCH),
    )


def _sc_agg2(srca_hbm, srcb_hbm, dst_hbm, y2pairs_hbm, out_hbm, sbuf, dbuf,
             rbuf, zbuf, acc, isem0, isem1, gsem0, gsem1, ssem0, ssem1, zsem):
    c = lax.axis_index("c")
    s = lax.axis_index("s")
    _zero_fill(zbuf, 128)
    _zero_acc(zbuf, acc, s, zsem)
    plsc.subcore_barrier()

    row0 = s * (ROWS_PAD // NS)
    n_chunks = ROWS_PAD // NS // KA

    @pl.when(c == 0)
    def _():
        _agg_pipeline(srca_hbm, dst_hbm, y2pairs_hbm, acc, sbuf, dbuf, rbuf,
                      (isem0, isem1), (gsem0, gsem1), (ssem0, ssem1),
                      row0, n_chunks)

    @pl.when(c == 1)
    def _():
        _agg_pipeline(srcb_hbm, dst_hbm, y2pairs_hbm, acc, sbuf, dbuf, rbuf,
                      (isem0, isem1), (gsem0, gsem1), (ssem0, ssem1),
                      row0, n_chunks)

    plsc.subcore_barrier()
    _writeback(acc, out_hbm, c, s)


def _tc2_body(aggp_ref, y1_ref, d16_ref, w1b_ref, b1b_ref, w2b_ref, e32_ref,
              y2p_ref):
    d16 = d16_ref[...]
    pp = (aggp_ref[0] + aggp_ref[1] + y1_ref[...]) * d16
    h1 = jnp.maximum(
        jnp.dot(pp, w1b_ref[...], preferred_element_type=jnp.float32)
        + b1b_ref[...],
        0.0,
    )
    d32 = jnp.dot(d16, e32_ref[...], preferred_element_type=jnp.float32)
    y2p_ref[...] = jnp.dot(
        h1, w2b_ref[...], preferred_element_type=jnp.float32) * d32


def _tc2(agg1p, y1p, d16p, w1blk, b1blk, w2blk, e32):
    return pl.pallas_call(
        _tc2_body,
        grid=(GRID,),
        in_specs=[
            pl.BlockSpec((2, B_TC, 128), lambda i: (0, i, 0)),
            pl.BlockSpec((B_TC, 128), lambda i: (i, 0)),
            pl.BlockSpec((B_TC, 128), lambda i: (i, 0)),
            pl.BlockSpec((128, 512), lambda i: (0, 0)),
            pl.BlockSpec((1, 512), lambda i: (0, 0)),
            pl.BlockSpec((512, 256), lambda i: (0, 0)),
            pl.BlockSpec((128, 256), lambda i: (0, 0)),
        ],
        out_specs=pl.BlockSpec((B_TC, 256), lambda i: (i, 0)),
        out_shape=jax.ShapeDtypeStruct((PRP, 256), jnp.float32),
    )(agg1p, y1p, d16p, w1blk, b1blk, w2blk, e32)


def _tc3_body(aggp_ref, y2p_ref, d16_ref, e32_ref, sa_ref, sb_ref, b2t_ref,
              wout_ref, bout_ref, out_ref, sacc_ref):
    i = pl.program_id(0)
    d32 = jnp.dot(d16_ref[...], e32_ref[...],
                  preferred_element_type=jnp.float32)
    agg32 = (jnp.dot(aggp_ref[0], sa_ref[...], preferred_element_type=jnp.float32)
             + jnp.dot(aggp_ref[1], sb_ref[...], preferred_element_type=jnp.float32))
    h2 = jnp.maximum(
        (agg32 + y2p_ref[...]) * d32 + b2t_ref[...], 0.0)
    rows = i * B_TC + lax.broadcasted_iota(jnp.int32, (B_TC, 256), 0)
    h2 = jnp.where(rows < PR, h2, 0.0)
    ps = jnp.sum(h2, axis=0, keepdims=True)

    @pl.when(i == 0)
    def _():
        sacc_ref[...] = ps

    @pl.when(i > 0)
    def _():
        sacc_ref[...] = sacc_ref[...] + ps

    @pl.when(i == GRID - 1)
    def _():
        fold = jnp.asarray(
            lax.broadcasted_iota(jnp.int32, (256, 32), 0) % 32
            == lax.broadcasted_iota(jnp.int32, (256, 32), 1),
            dtype=jnp.float32,
        )
        g = jnp.dot(sacc_ref[...] * (1.0 / N), fold,
                    preferred_element_type=jnp.float32)
        t = jnp.dot(g, wout_ref[...],
                    preferred_element_type=jnp.float32) + bout_ref[...]
        out_ref[...] = 1.0 / (1.0 + jnp.exp(-t))


def _tc3(agg2p, y2p, d16p, e32, sa, sb, b2t, wout, boutr):
    return pl.pallas_call(
        _tc3_body,
        grid=(GRID,),
        in_specs=[
            pl.BlockSpec((2, B_TC, 128), lambda i: (0, i, 0)),
            pl.BlockSpec((B_TC, 256), lambda i: (i, 0)),
            pl.BlockSpec((B_TC, 128), lambda i: (i, 0)),
            pl.BlockSpec((128, 256), lambda i: (0, 0)),
            pl.BlockSpec((128, 256), lambda i: (0, 0)),
            pl.BlockSpec((128, 256), lambda i: (0, 0)),
            pl.BlockSpec((1, 256), lambda i: (0, 0)),
            pl.BlockSpec((32, 1), lambda i: (0, 0)),
            pl.BlockSpec((1, 1), lambda i: (0, 0)),
        ],
        out_specs=pl.BlockSpec((1, 1), lambda i: (0, 0)),
        out_shape=jax.ShapeDtypeStruct((1, 1), jnp.float32),
        scratch_shapes=[pltpu.VMEM((1, 256), jnp.float32)],
    )(agg2p, y2p, d16p, e32, sa, sb, b2t, wout, boutr)


@jax.jit
def kernel(x, edge_index, W1, b1, W2, b2, Wout, bout):
    pad = EPAD - E
    src = jnp.concatenate([edge_index[0], jnp.zeros((pad,), jnp.int32)])
    dst2d = jnp.concatenate(
        [edge_index[1], jnp.full((pad,), N, jnp.int32)]).reshape(ROWS_PAD, 128)
    src2d = src.reshape(ROWS_PAD, 128)
    xp = jnp.pad(x, ((0, NP - N), (0, 16 - x.shape[1])))
    w1p = jnp.pad(W1, ((0, 16 - W1.shape[0]), (0, 0)))
    eye8 = jnp.eye(8, dtype=jnp.float32)
    w1blk = jnp.kron(eye8, w1p)
    w2blk = jnp.kron(eye8, W2)
    e32 = jnp.kron(eye8, jnp.full((16, 32), 1.0 / 16.0))
    b1blk = jnp.tile(b1, 8).reshape(1, 512)
    b2t = jnp.tile(b2, 8).reshape(1, 256)

    srcf = src2d.reshape(EPAD)
    dstf = dst2d.reshape(EPAD)

    d16, y1 = _sc_front_kernel()(dst2d, xp)
    agg1p = _sc_agg1_kernel()(srcf, dstf, y1)
    src2a = (src * 2).reshape(ROWS_PAD, 128)
    src2b = (src * 2 + 1).reshape(ROWS_PAD, 128)
    y2p = _tc2(
        agg1p.reshape(NC, PRP, 128), y1.reshape(PRP, 128), d16.reshape(PRP, 128),
        w1blk, b1blk, w2blk, e32)
    y2pairs = y2p.reshape(2 * NP, 16)
    agg2p = _sc_agg2_kernel()(src2a.reshape(EPAD), src2b.reshape(EPAD), dstf, y2pairs)
    i16 = jnp.eye(16, dtype=jnp.float32)
    z16 = jnp.zeros((16, 16), jnp.float32)
    sa = jnp.kron(eye8, jnp.concatenate([i16, z16], axis=1))
    sb = jnp.kron(eye8, jnp.concatenate([z16, i16], axis=1))
    out = _tc3(agg2p.reshape(NC, PRP, 128), y2p, d16.reshape(PRP, 128),
               e32, sa, sb, b2t, Wout, bout.reshape(1, 1))
    return out.reshape(1)

# --- scband reference (transcript-rebuilt; emitter-appended) ---
"""Pipeline reference for scband-my-gnnclassification-54443005444159 (READ-ONLY COPY).

The authoritative reference and input builder live on the scoring server;
editing this copy changes nothing except your own understanding.
"""

import jax, jax.numpy as jnp
import numpy as np

N_NODES = 100000
N_EDGES = 1600000


def gcn_conv(x, edge_index, W, b):
    # Faithful PyG GCNConv: add self loops, symmetric normalization,
    # x' = D^{-1/2} (A+I) D^{-1/2} X W + b
    N = x.shape[0]
    loop = jnp.arange(N, dtype=edge_index.dtype)
    src = jnp.concatenate([edge_index[0], loop])
    dst = jnp.concatenate([edge_index[1], loop])
    ones = jnp.ones(src.shape[0], dtype=x.dtype)
    deg = jax.ops.segment_sum(ones, dst, num_segments=N)
    dinv = jnp.where(deg > 0, 1.0 / jnp.sqrt(deg), 0.0)
    norm = dinv[src] * dinv[dst]
    h = x @ W
    msg = h[src] * norm[:, None]
    out = jax.ops.segment_sum(msg, dst, num_segments=N)
    return out + b


def setup_inputs(seed: int = 0):
    key = jax.random.key(seed)
    ks = jax.random.split(key, 8)
    x = jax.random.normal(ks[0], (N_NODES, 9), dtype=jnp.float32)
    edge_index = jax.random.randint(ks[1], (2, N_EDGES), 0, N_NODES, dtype=jnp.int32)
    W1 = jax.random.normal(ks[2], (9, 64), dtype=jnp.float32) * (1.0 / np.sqrt(9))
    b1 = jnp.zeros((64,), dtype=jnp.float32)
    W2 = jax.random.normal(ks[3], (64, 32), dtype=jnp.float32) * (1.0 / np.sqrt(64))
    b2 = jnp.zeros((32,), dtype=jnp.float32)
    Wout = jax.random.normal(ks[4], (32, 1), dtype=jnp.float32) * (1.0 / np.sqrt(32))
    bout = jnp.zeros((1,), dtype=jnp.float32)
    return {"x": x, "edge_index": edge_index, "W1": W1, "b1": b1, "W2": W2, "b2": b2, "Wout": Wout, "bout": bout}


def reference(x, edge_index, W1, b1, W2, b2, Wout, bout):
    h = gcn_conv(x, edge_index, W1, b1)
    h = jax.nn.relu(h)
    h = gcn_conv(h, edge_index, W2, b2)
    h = jax.nn.relu(h)
    # global_mean_pool with batch=None -> mean over all nodes, shape [1, 32]
    g = jnp.mean(h, axis=0, keepdims=True)
    out = jax.nn.sigmoid(g @ Wout + bout)
    return out.squeeze(1)  # shape [1]

if __name__ == "__main__":
    import jax
    _d = setup_inputs()
    print(jax.jit(kernel)(*tuple(_d.values())))

</pallas_src>

<mosaic_0001>
#map = affine_map<(d0, d1) -> (0)>
#map1 = affine_map<(d0, d1) -> (0, 0)>
#map2 = affine_map<(d0, d1) -> (0, 0, 0)>
module attributes {stable_mosaic.version = 14 : i64} {
  func.func @_sc_agg1(%arg0: i32, %arg1: i32, %arg2: memref<1605632xi32, #tpu.memory_space<hbm>>, %arg3: memref<1605632xi32, #tpu.memory_space<hbm>>, %arg4: memref<102400x16xf32, #tpu.memory_space<hbm>>, %arg5: memref<2x102400x16xf32, #tpu.memory_space<hbm>>, %arg6: memref<4x512xi32, #tpu.memory_space<vmem>>, %arg7: memref<4x512xi32, #tpu.memory_space<vmem>>, %arg8: memref<2x512x16xf32, #tpu.memory_space<vmem>>, %arg9: memref<128x16xf32, #tpu.memory_space<vmem>>, %arg10: memref<102400x16xf32, #tpu.memory_space<vmem_shared>>, %arg11: memref<!tpu.dma_semaphore, #tpu.memory_space<semaphore_mem>>, %arg12: memref<!tpu.dma_semaphore, #tpu.memory_space<semaphore_mem>>, %arg13: memref<!tpu.dma_semaphore, #tpu.memory_space<semaphore_mem>>, %arg14: memref<!tpu.dma_semaphore, #tpu.memory_space<semaphore_mem>>, %arg15: memref<!tpu.dma_semaphore, #tpu.memory_space<semaphore_mem>>, %arg16: memref<!tpu.dma_semaphore, #tpu.memory_space<semaphore_mem>>, %arg17: memref<!tpu.dma_semaphore, #tpu.memory_space<semaphore_mem>>) attributes {dimension_semantics = [#tpu.dimension_semantics<core_parallel>, #tpu.dimension_semantics<subcore_parallel>], iteration_bounds = array<i64: 2, 16>, scalar_prefetch = 0 : i64, scratch_operands = 12 : i64, tpu.core_type = #tpu.core_type<sc_vector_subcore>, window_params = [{transform_indices = #map}, {transform_indices = #map}, {transform_indices = #map1}, {transform_indices = #map2}]} {
    %scan3A = arith.constant 0 : i32
    %scan3A_0 = arith.constant 0 : i32
    %scan3A_1 = arith.constant 128 : i32
    %scan3A_2 = arith.addi %scan3A_0, %scan3A_1 : i32
    %scan3A_3 = arith.constant 1 : i32
    %scan3A_4 = scf.for %scan3A_187 = %scan3A_0 to %scan3A_2 step %scan3A_3 iter_args(%scan3A_188 = %scan3A) -> (i32)  : i32 {
      %broadcast_in_dim3A = arith.constant 0.000000e+00 : f32
      %broadcast_in_dim3A_189 = vector.broadcast %broadcast_in_dim3A : f32 to vector<16xf32>
      %swap3A = arith.index_cast %scan3A_187 : i32 to index
      %swap3A_190 = arith.constant 0 : index
      %swap3A_191 = tpu.vector_load %arg9[%swap3A, %swap3A_190] {strides = array<i32>} : memref<128x16xf32, #tpu.memory_space<vmem>>, vector<1x16xf32>,
      %swap3A_192 = vector.shape_cast %swap3A_191 : vector<1x16xf32> to vector<16xf32>
      %swap3A_193 = vector.shape_cast %broadcast_in_dim3A_189 : vector<16xf32> to vector<1x16xf32>
      tpu.vector_store %arg9[%swap3A, %swap3A_190], %swap3A_193 {strides = array<i32>} : memref<128x16xf32, #tpu.memory_space<vmem>>, vector<1x16xf32>,
      %scan3A_194 = arith.constant 0 : i32
      scf.yield %scan3A_194 : i32
    }
    %scan3A_5 = arith.constant 128 : i32
    %mul3A = arith.constant 50 : i32
    %mul3A_6 = arith.muli %arg1, %mul3A : i32
    %add3A = arith.constant 1 : i32
    %add3A_7 = arith.addi %arg1, %add3A : i32
    %mul3A_8 = arith.constant 50 : i32
    %mul3A_9 = arith.muli %add3A_7, %mul3A_8 : i32
    %while3A = arith.constant 0 : i32
    %while3A_10 = arith.subi %mul3A_9, %mul3A_6 : i32
    %while3A_11 = arith.addi %mul3A_6, %while3A_10 : i32
    %while3A_12 = arith.constant 1 : i32
    %while3A_13 = arith.divsi %while3A_10, %while3A_12 : i32
    %while3A_14 = arith.muli %while3A_13, %while3A_12 : i32
    %while3A_15 = arith.addi %mul3A_6, %while3A_14 : i32
    %while3A_16 = arith.constant 1 : i32
    %while3A_17 = scf.for %while3A_187 = %mul3A_6 to %while3A_15 step %while3A_16 iter_args(%while3A_188 = %while3A) -> (i32)  : i32 {
      %mul3A_189 = arith.constant 128 : i32
      %mul3A_190 = arith.muli %while3A_187, %mul3A_189 : i32
      %dma_start3A_191 = arith.constant 0 : i32
      %dma_start3A_192 = tpu.memref_slice %arg10[%mul3A_190, %dma_start3A_191] : memref<102400x16xf32, #tpu.memory_space<vmem_shared>> -> memref<128x16xf32, #tpu.memory_space<vmem_shared>>
      %dma_start3A_193 = arith.constant 0 : i32
      %dma_start3A_194 = tpu.memref_slice %arg10[%mul3A_190, %dma_start3A_193] : memref<102400x16xf32, #tpu.memory_space<vmem_shared>> -> memref<128x16xf32, #tpu.memory_space<vmem_shared>>
      tpu.enqueue_dma source(%arg9 : memref<128x16xf32, #tpu.memory_space<vmem>>) target(%dma_start3A_194 : memref<128x16xf32, #tpu.memory_space<vmem_shared>>) target_semaphore(%arg17 : memref<!tpu.dma_semaphore, #tpu.memory_space<semaphore_mem>>)
      %while3A_195 = arith.constant 0 : i32
      scf.yield %while3A_195 : i32
    }
    %while3A_18 = arith.constant 1 : i32
    %while3A_19 = scf.for %while3A_187 = %while3A_15 to %while3A_11 step %while3A_18 iter_args(%while3A_188 = %while3A_17) -> (i32)  : i32 {
      %mul3A_189 = arith.constant 128 : i32
      %mul3A_190 = arith.muli %while3A_187, %mul3A_189 : i32
      %dma_start3A_191 = arith.constant 0 : i32
      %dma_start3A_192 = tpu.memref_slice %arg10[%mul3A_190, %dma_start3A_191] : memref<102400x16xf32, #tpu.memory_space<vmem_shared>> -> memref<128x16xf32, #tpu.memory_space<vmem_shared>>
      %dma_start3A_193 = arith.constant 0 : i32
      %dma_start3A_194 = tpu.memref_slice %arg10[%mul3A_190, %dma_start3A_193] : memref<102400x16xf32, #tpu.memory_space<vmem_shared>> -> memref<128x16xf32, #tpu.memory_space<vmem_shared>>
      tpu.enqueue_dma source(%arg9 : memref<128x16xf32, #tpu.memory_space<vmem>>) target(%dma_start3A_194 : memref<128x16xf32, #tpu.memory_space<vmem_shared>>) target_semaphore(%arg17 : memref<!tpu.dma_semaphore, #tpu.memory_space<semaphore_mem>>)
      %while3A_195 = arith.constant 0 : i32
      scf.yield %while3A_195 : i32
    }
    %scan3A_20 = arith.constant 0 : i32
    %scan3A_21 = arith.constant 0 : i32
    %scan3A_22 = arith.constant 50 : i32
    %scan3A_23 = arith.addi %scan3A_21, %scan3A_22 : i32
    %scan3A_24 = arith.constant 1 : i32
    %scan3A_25 = scf.for %scan3A_187 = %scan3A_21 to %scan3A_23 step %scan3A_24 iter_args(%scan3A_188 = %scan3A_20) -> (i32)  : i32 {
      %dma_wait3A_189 = arith.constant 0 : i32
      %dma_wait3A_190 = arith.constant 0 : i32
      %dma_wait3A_191 = tpu.memref_slice %arg10[%dma_wait3A_189, %dma_wait3A_190] : memref<102400x16xf32, #tpu.memory_space<vmem_shared>> -> memref<128x16xf32, #tpu.memory_space<vmem_shared>>
      %dma_wait3A_192 = arith.constant 0 : i32
      %dma_wait3A_193 = arith.constant 0 : i32
      %dma_wait3A_194 = tpu.memref_slice %arg10[%dma_wait3A_192, %dma_wait3A_193] : memref<102400x16xf32, #tpu.memory_space<vmem_shared>> -> memref<128x16xf32, #tpu.memory_space<vmem_shared>>
      tpu.wait_dma2 semaphore(%arg17 : memref<!tpu.dma_semaphore, #tpu.memory_space<semaphore_mem>>) src(%arg9 : memref<128x16xf32, #tpu.memory_space<vmem>>) dst(%dma_wait3A_194 : memref<128x16xf32, #tpu.memory_space<vmem_shared>>)
      %scan3A_195 = arith.constant 0 : i32
      scf.yield %scan3A_195 : i32
    }
    %scan3A_26 = arith.constant 50 : i32
    %barrier3A = arith.constant 0 : index
    tpu.barrier barrier_id(%barrier3A)
    %mul3A_27 = arith.constant 6272 : i32
    %mul3A_28 = arith.muli %arg0, %mul3A_27 : i32
    %mul3A_29 = arith.constant 392 : i32
    %mul3A_30 = arith.muli %arg1, %mul3A_29 : i32
    %add3A_31 = arith.addi %mul3A_28, %mul3A_30 : i32
    %add3A_32 = arith.constant 0 : i32
    %add3A_33 = arith.addi %add3A_31, %add3A_32 : i32
    %mul3A_34 = arith.constant 128 : i32
    %mul3A_35 = arith.muli %add3A_33, %mul3A_34 : i32
    %dma_start3A = arith.constant 0 : i32
    %dma_start3A_36 = arith.constant 0 : i32
    %dma_start3A_37 = tpu.memref_slice %arg6[%dma_start3A, %dma_start3A_36] : memref<4x512xi32, #tpu.memory_space<vmem>> -> memref<1x512xi32, #tpu.memory_space<vmem>>
    %dma_start3A_38 = tpu.memref_squeeze %dma_start3A_37 : memref<1x512xi32, #tpu.memory_space<vmem>> -> memref<512xi32, #tpu.memory_space<vmem>>
    %dma_start3A_39 = tpu.memref_slice %arg2[%mul3A_35] : memref<1605632xi32, #tpu.memory_space<hbm>> -> memref<512xi32, #tpu.memory_space<hbm>>
    %dma_start3A_40 = arith.constant 0 : i32
    %dma_start3A_41 = tpu.memref_slice %arg6[%dma_start3A, %dma_start3A_40] : memref<4x512xi32, #tpu.memory_space<vmem>> -> memref<1x512xi32, #tpu.memory_space<vmem>>
    %dma_start3A_42 = tpu.memref_squeeze %dma_start3A_41 : memref<1x512xi32, #tpu.memory_space<vmem>> -> memref<512xi32, #tpu.memory_space<vmem>>
    %dma_start3A_43 = tpu.memref_slice %arg2[%mul3A_35] : memref<1605632xi32, #tpu.memory_space<hbm>> -> memref<512xi32, #tpu.memory_space<hbm>>
    tpu.enqueue_dma source(%dma_start3A_43 : memref<512xi32, #tpu.memory_space<hbm>>) target(%dma_start3A_42 : memref<512xi32, #tpu.memory_space<vmem>>) target_semaphore(%arg11 : memref<!tpu.dma_semaphore, #tpu.memory_space<semaphore_mem>>)
    %dma_start3A_44 = arith.constant 0 : i32
    %dma_start3A_45 = arith.constant 0 : i32
    %dma_start3A_46 = tpu.memref_slice %arg7[%dma_start3A_44, %dma_start3A_45] : memref<4x512xi32, #tpu.memory_space<vmem>> -> memref<1x512xi32, #tpu.memory_space<vmem>>
    %dma_start3A_47 = tpu.memref_squeeze %dma_start3A_46 : memref<1x512xi32, #tpu.memory_space<vmem>> -> memref<512xi32, #tpu.memory_space<vmem>>
    %dma_start3A_48 = tpu.memref_slice %arg3[%mul3A_35] : memref<1605632xi32, #tpu.memory_space<hbm>> -> memref<512xi32, #tpu.memory_space<hbm>>
    %dma_start3A_49 = arith.constant 0 : i32
    %dma_start3A_50 = tpu.memref_slice %arg7[%dma_start3A_44, %dma_start3A_49] : memref<4x512xi32, #tpu.memory_space<vmem>> -> memref<1x512xi32, #tpu.memory_space<vmem>>
    %dma_start3A_51 = tpu.memref_squeeze %dma_start3A_50 : memref<1x512xi32, #tpu.memory_space<vmem>> -> memref<512xi32, #tpu.memory_space<vmem>>
    %dma_start3A_52 = tpu.memref_slice %arg3[%mul3A_35] : memref<1605632xi32, #tpu.memory_space<hbm>> -> memref<512xi32, #tpu.memory_space<hbm>>
    tpu.enqueue_dma source(%dma_start3A_52 : memref<512xi32, #tpu.memory_space<hbm>>) target(%dma_start3A_51 : memref<512xi32, #tpu.memory_space<vmem>>) target_semaphore(%arg11 : memref<!tpu.dma_semaphore, #tpu.memory_space<semaphore_mem>>)
    %add3A_53 = arith.constant 4 : i32
    %add3A_54 = arith.addi %add3A_31, %add3A_53 : i32
    %mul3A_55 = arith.constant 128 : i32
    %mul3A_56 = arith.muli %add3A_54, %mul3A_55 : i32
    %dma_start3A_57 = arith.constant 1 : i32
    %dma_start3A_58 = arith.constant 0 : i32
    %dma_start3A_59 = tpu.memref_slice %arg6[%dma_start3A_57, %dma_start3A_58] : memref<4x512xi32, #tpu.memory_space<vmem>> -> memref<1x512xi32, #tpu.memory_space<vmem>>
    %dma_start3A_60 = tpu.memref_squeeze %dma_start3A_59 : memref<1x512xi32, #tpu.memory_space<vmem>> -> memref<512xi32, #tpu.memory_space<vmem>>
    %dma_start3A_61 = tpu.memref_slice %arg2[%mul3A_56] : memref<1605632xi32, #tpu.memory_space<hbm>> -> memref<512xi32, #tpu.memory_space<hbm>>
    %dma_start3A_62 = arith.constant 0 : i32
    %dma_start3A_63 = tpu.memref_slice %arg6[%dma_start3A_57, %dma_start3A_62] : memref<4x512xi32, #tpu.memory_space<vmem>> -> memref<1x512xi32, #tpu.memory_space<vmem>>
    %dma_start3A_64 = tpu.memref_squeeze %dma_start3A_63 : memref<1x512xi32, #tpu.memory_space<vmem>> -> memref<512xi32, #tpu.memory_space<vmem>>
    %dma_start3A_65 = tpu.memref_slice %arg2[%mul3A_56] : memref<1605632xi32, #tpu.memory_space<hbm>> -> memref<512xi32, #tpu.memory_space<hbm>>
    tpu.enqueue_dma source(%dma_start3A_65 : memref<512xi32, #tpu.memory_space<hbm>>) target(%dma_start3A_64 : memref<512xi32, #tpu.memory_space<vmem>>) target_semaphore(%arg12 : memref<!tpu.dma_semaphore, #tpu.memory_space<semaphore_mem>>)
    %dma_start3A_66 = arith.constant 1 : i32
    %dma_start3A_67 = arith.constant 0 : i32
    %dma_start3A_68 = tpu.memref_slice %arg7[%dma_start3A_66, %dma_start3A_67] : memref<4x512xi32, #tpu.memory_space<vmem>> -> memref<1x512xi32, #tpu.memory_space<vmem>>
    %dma_start3A_69 = tpu.memref_squeeze %dma_start3A_68 : memref<1x512xi32, #tpu.memory_space<vmem>> -> memref<512xi32, #tpu.memory_space<vmem>>
    %dma_start3A_70 = tpu.memref_slice %arg3[%mul3A_56] : memref<1605632xi32, #tpu.memory_space<hbm>> -> memref<512xi32, #tpu.memory_space<hbm>>
    %dma_start3A_71 = arith.constant 0 : i32
    %dma_start3A_72 = tpu.memref_slice %arg7[%dma_start3A_66, %dma_start3A_71] : memref<4x512xi32, #tpu.memory_space<vmem>> -> memref<1x512xi32, #tpu.memory_space<vmem>>
    %dma_start3A_73 = tpu.memref_squeeze %dma_start3A_72 : memref<1x512xi32, #tpu.memory_space<vmem>> -> memref<512xi32, #tpu.memory_space<vmem>>
    %dma_start3A_74 = tpu.memref_slice %arg3[%mul3A_56] : memref<1605632xi32, #tpu.memory_space<hbm>> -> memref<512xi32, #tpu.memory_space<hbm>>
    tpu.enqueue_dma source(%dma_start3A_74 : memref<512xi32, #tpu.memory_space<hbm>>) target(%dma_start3A_73 : memref<512xi32, #tpu.memory_space<vmem>>) target_semaphore(%arg12 : memref<!tpu.dma_semaphore, #tpu.memory_space<semaphore_mem>>)
    %scan3A_75 = arith.constant 0 : i32
    %scan3A_76 = arith.constant 0 : i32
    %scan3A_77 = arith.constant 49 : i32
    %scan3A_78 = arith.addi %scan3A_76, %scan3A_77 : i32
    %scan3A_79 = arith.constant 1 : i32
    %scan3A_80 = scf.for %scan3A_187 = %scan3A_76 to %scan3A_78 step %scan3A_79 iter_args(%scan3A_188 = %scan3A_75) -> (i32)  : i32 {
      %mul3A_189 = arith.constant 2 : i32
      %mul3A_190 = arith.muli %mul3A_189, %scan3A_187 : i32
      %rem3A_191 = arith.constant 2 : i32
      %rem3A_192 = arith.remsi %scan3A_187, %rem3A_191 : i32
      %mul3A_193 = arith.constant 2 : i32
      %mul3A_194 = arith.muli %rem3A_192, %mul3A_193 : i32
      %add3A_195 = arith.constant 0 : i32
      %add3A_196 = arith.addi %mul3A_194, %add3A_195 : i32
      %dma_wait3A_197 = arith.constant 0 : i32
      %dma_wait3A_198 = tpu.memref_slice %arg6[%add3A_196, %dma_wait3A_197] : memref<4x512xi32, #tpu.memory_space<vmem>> -> memref<1x512xi32, #tpu.memory_space<vmem>>
      %dma_wait3A_199 = tpu.memref_squeeze %dma_wait3A_198 : memref<1x512xi32, #tpu.memory_space<vmem>> -> memref<512xi32, #tpu.memory_space<vmem>>
      %dma_wait3A_200 = arith.constant 0 : i32
      %dma_wait3A_201 = tpu.memref_slice %arg2[%dma_wait3A_200] : memref<1605632xi32, #tpu.memory_space<hbm>> -> memref<512xi32, #tpu.memory_space<hbm>>
      %dma_wait3A_202 = arith.constant 0 : i32
      %dma_wait3A_203 = tpu.memref_slice %arg6[%add3A_196, %dma_wait3A_202] : memref<4x512xi32, #tpu.memory_space<vmem>> -> memref<1x512xi32, #tpu.memory_space<vmem>>
      %dma_wait3A_204 = tpu.memref_squeeze %dma_wait3A_203 : memref<1x512xi32, #tpu.memory_space<vmem>> -> memref<512xi32, #tpu.memory_space<vmem>>
      %dma_wait3A_205 = arith.constant 0 : i32
      %dma_wait3A_206 = tpu.memref_slice %arg2[%dma_wait3A_205] : memref<1605632xi32, #tpu.memory_space<hbm>> -> memref<512xi32, #tpu.memory_space<hbm>>
      tpu.wait_dma2 semaphore(%arg11 : memref<!tpu.dma_semaphore, #tpu.memory_space<semaphore_mem>>) src(%dma_wait3A_206 : memref<512xi32, #tpu.memory_space<hbm>>) dst(%dma_wait3A_204 : memref<512xi32, #tpu.memory_space<vmem>>)
      %dma_wait3A_207 = arith.constant 0 : i32
      %dma_wait3A_208 = tpu.memref_slice %arg7[%add3A_196, %dma_wait3A_207] : memref<4x512xi32, #tpu.memory_space<vmem>> -> memref<1x512xi32, #tpu.memory_space<vmem>>
      %dma_wait3A_209 = tpu.memref_squeeze %dma_wait3A_208 : memref<1x512xi32, #tpu.memory_space<vmem>> -> memref<512xi32, #tpu.memory_space<vmem>>
      %dma_wait3A_210 = arith.constant 0 : i32
      %dma_wait3A_211 = tpu.memref_slice %arg3[%dma_wait3A_210] : memref<1605632xi32, #tpu.memory_space<hbm>> -> memref<512xi32, #tpu.memory_space<hbm>>
      %dma_wait3A_212 = arith.constant 0 : i32
      %dma_wait3A_213 = tpu.memref_slice %arg7[%add3A_196, %dma_wait3A_212] : memref<4x512xi32, #tpu.memory_space<vmem>> -> memref<1x512xi32, #tpu.memory_space<vmem>>
      %dma_wait3A_214 = tpu.memref_squeeze %dma_wait3A_213 : memref<1x512xi32, #tpu.memory_space<vmem>> -> memref<512xi32, #tpu.memory_space<vmem>>
      %dma_wait3A_215 = arith.constant 0 : i32
      %dma_wait3A_216 = tpu.memref_slice %arg3[%dma_wait3A_215] : memref<1605632xi32, #tpu.memory_space<hbm>> -> memref<512xi32, #tpu.memory_space<hbm>>
      tpu.wait_dma2 semaphore(%arg11 : memref<!tpu.dma_semaphore, #tpu.memory_space<semaphore_mem>>) src(%dma_wait3A_216 : memref<512xi32, #tpu.memory_space<hbm>>) dst(%dma_wait3A_214 : memref<512xi32, #tpu.memory_space<vmem>>)
      %ge3A = arith.constant 2 : i32
      %ge3A_217 = arith.cmpi sge, %mul3A_190, %ge3A : i32
      %convert_element_type3A = arith.extui %ge3A_217 : i1 to i32
      %cond3A = arith.constant 0 : i32
      %cond3A_218 = arith.cmpi ne, %convert_element_type3A, %cond3A : i32
      scf.if %cond3A_218 {
        %dma_wait3A_300 = arith.constant 0 : i32
        %dma_wait3A_301 = arith.constant 0 : i32
        %dma_wait3A_302 = arith.constant 0 : i32
        %dma_wait3A_303 = tpu.memref_slice %arg8[%dma_wait3A_300, %dma_wait3A_301, %dma_wait3A_302] : memref<2x512x16xf32, #tpu.memory_space<vmem>> -> memref<1x512x16xf32, #tpu.memory_space<vmem>>
        %dma_wait3A_304 = tpu.memref_squeeze %dma_wait3A_303 : memref<1x512x16xf32, #tpu.memory_space<vmem>> -> memref<512x16xf32, #tpu.memory_space<vmem>>
        %dma_wait3A_305 = arith.constant 0 : i32
        %dma_wait3A_306 = tpu.memref_slice %arg7[%add3A_196, %dma_wait3A_305] : memref<4x512xi32, #tpu.memory_space<vmem>> -> memref<1x512xi32, #tpu.memory_space<vmem>>
        %dma_wait3A_307 = tpu.memref_squeeze %dma_wait3A_306 : memref<1x512xi32, #tpu.memory_space<vmem>> -> memref<512xi32, #tpu.memory_space<vmem>>
        %dma_wait3A_308 = arith.constant 0 : i32
        %dma_wait3A_309 = arith.constant 0 : i32
        %dma_wait3A_310 = tpu.memref_slice %arg10[%dma_wait3A_308, %dma_wait3A_309] : memref<102400x16xf32, #tpu.memory_space<vmem_shared>> -> memref<102400x16xf32, #tpu.memory_space<vmem_shared>>
        tpu.wait_indirect_dma semaphore(%arg15 : memref<!tpu.dma_semaphore, #tpu.memory_space<semaphore_mem>>) src(%dma_wait3A_304 : memref<512x16xf32, #tpu.memory_space<vmem>>) dst(%dma_wait3A_310 : memref<102400x16xf32, #tpu.memory_space<vmem_shared>>)
      } else {
      }
      %dma_start3A_219 = arith.constant 0 : i32
      %dma_start3A_220 = arith.constant 0 : i32
      %dma_start3A_221 = arith.constant 0 : i32
      %dma_start3A_222 = tpu.memref_slice %arg8[%dma_start3A_219, %dma_start3A_220, %dma_start3A_221] : memref<2x512x16xf32, #tpu.memory_space<vmem>> -> memref<1x512x16xf32, #tpu.memory_space<vmem>>
      %dma_start3A_223 = tpu.memref_squeeze %dma_start3A_222 : memref<1x512x16xf32, #tpu.memory_space<vmem>> -> memref<512x16xf32, #tpu.memory_space<vmem>>
      %dma_start3A_224 = arith.constant 0 : i32
      %dma_start3A_225 = tpu.memref_slice %arg6[%add3A_196, %dma_start3A_224] : memref<4x512xi32, #tpu.memory_space<vmem>> -> memref<1x512xi32, #tpu.memory_space<vmem>>
      %dma_start3A_226 = tpu.memref_squeeze %dma_start3A_225 : memref<1x512xi32, #tpu.memory_space<vmem>> -> memref<512xi32, #tpu.memory_space<vmem>>
      %dma_start3A_227 = arith.constant 0 : i32
      %dma_start3A_228 = arith.constant 0 : i32
      %dma_start3A_229 = tpu.memref_slice %arg4[%dma_start3A_227, %dma_start3A_228] : memref<102400x16xf32, #tpu.memory_space<hbm>> -> memref<102400x16xf32, #tpu.memory_space<hbm>>
      tpu.enqueue_indirect_dma source(%dma_start3A_229 : memref<102400x16xf32, #tpu.memory_space<hbm>>) target(%dma_start3A_223 : memref<512x16xf32, #tpu.memory_space<vmem>>) offsets(%dma_start3A_226 : memref<512xi32, #tpu.memory_space<vmem>>) semaphore(%arg13 : memref<!tpu.dma_semaphore, #tpu.memory_space<semaphore_mem>>)
      %add3A_230 = arith.constant 2 : i32
      %add3A_231 = arith.addi %mul3A_190, %add3A_230 : i32
      %lt3A = arith.constant 98 : i32
      %lt3A_232 = arith.cmpi slt, %add3A_231, %lt3A : i32
      %convert_element_type3A_233 = arith.extui %lt3A_232 : i1 to i32
      %cond3A_234 = arith.constant 0 : i32
      %cond3A_235 = arith.cmpi ne, %convert_element_type3A_233, %cond3A_234 : i32
      scf.if %cond3A_235 {
        %add3A_300 = arith.constant 2 : i32
        %add3A_301 = arith.addi %mul3A_190, %add3A_300 : i32
        %xor3A = arith.constant 2 : i32
        %xor3A_302 = arith.xori %add3A_196, %xor3A : i32
        %mul3A_303 = arith.constant 4 : i32
        %mul3A_304 = arith.muli %add3A_301, %mul3A_303 : i32
        %add3A_305 = arith.addi %add3A_31, %mul3A_304 : i32
        %mul3A_306 = arith.constant 128 : i32
        %mul3A_307 = arith.muli %add3A_305, %mul3A_306 : i32
        %dma_start3A_308 = arith.constant 0 : i32
        %dma_start3A_309 = tpu.memref_slice %arg6[%xor3A_302, %dma_start3A_308] : memref<4x512xi32, #tpu.memory_space<vmem>> -> memref<1x512xi32, #tpu.memory_space<vmem>>
        %dma_start3A_310 = tpu.memref_squeeze %dma_start3A_309 : memref<1x512xi32, #tpu.memory_space<vmem>> -> memref<512xi32, #tpu.memory_space<vmem>>
        %dma_start3A_311 = tpu.memref_slice %arg2[%mul3A_307] : memref<1605632xi32, #tpu.memory_space<hbm>> -> memref<512xi32, #tpu.memory_space<hbm>>
        %dma_start3A_312 = arith.constant 0 : i32
        %dma_start3A_313 = tpu.memref_slice %arg6[%xor3A_302, %dma_start3A_312] : memref<4x512xi32, #tpu.memory_space<vmem>> -> memref<1x512xi32, #tpu.memory_space<vmem>>
        %dma_start3A_314 = tpu.memref_squeeze %dma_start3A_313 : memref<1x512xi32, #tpu.memory_space<vmem>> -> memref<512xi32, #tpu.memory_space<vmem>>
        %dma_start3A_315 = tpu.memref_slice %arg2[%mul3A_307] : memref<1605632xi32, #tpu.memory_space<hbm>> -> memref<512xi32, #tpu.memory_space<hbm>>
        tpu.enqueue_dma source(%dma_start3A_315 : memref<512xi32, #tpu.memory_space<hbm>>) target(%dma_start3A_314 : memref<512xi32, #tpu.memory_space<vmem>>) target_semaphore(%arg11 : memref<!tpu.dma_semaphore, #tpu.memory_space<semaphore_mem>>)
        %dma_start3A_316 = arith.constant 0 : i32
        %dma_start3A_317 = tpu.memref_slice %arg7[%xor3A_302, %dma_start3A_316] : memref<4x512xi32, #tpu.memory_space<vmem>> -> memref<1x512xi32, #tpu.memory_space<vmem>>
        %dma_start3A_318 = tpu.memref_squeeze %dma_start3A_317 : memref<1x512xi32, #tpu.memory_space<vmem>> -> memref<512xi32, #tpu.memory_space<vmem>>
        %dma_start3A_319 = tpu.memref_slice %arg3[%mul3A_307] : memref<1605632xi32, #tpu.memory_space<hbm>> -> memref<512xi32, #tpu.memory_space<hbm>>
        %dma_start3A_320 = arith.constant 0 : i32
        %dma_start3A_321 = tpu.memref_slice %arg7[%xor3A_302, %dma_start3A_320] : memref<4x512xi32, #tpu.memory_space<vmem>> -> memref<1x512xi32, #tpu.memory_space<vmem>>
        %dma_start3A_322 = tpu.memref_squeeze %dma_start3A_321 : memref<1x512xi32, #tpu.memory_space<vmem>> -> memref<512xi32, #tpu.memory_space<vmem>>
        %dma_start3A_323 = tpu.memref_slice %arg3[%mul3A_307] : memref<1605632xi32, #tpu.memory_space<hbm>> -> memref<512xi32, #tpu.memory_space<hbm>>
        tpu.enqueue_dma source(%dma_start3A_323 : memref<512xi32, #tpu.memory_space<hbm>>) target(%dma_start3A_322 : memref<512xi32, #tpu.memory_space<vmem>>) target_semaphore(%arg11 : memref<!tpu.dma_semaphore, #tpu.memory_space<semaphore_mem>>)
      } else {
      }
      %ge3A_236 = arith.constant 1 : i32
      %ge3A_237 = arith.cmpi sge, %mul3A_190, %ge3A_236 : i32
      %convert_element_type3A_238 = arith.extui %ge3A_237 : i1 to i32
      %cond3A_239 = arith.constant 0 : i32
      %cond3A_240 = arith.cmpi ne, %convert_element_type3A_238, %cond3A_239 : i32
      scf.if %cond3A_240 {
        %add3A_300 = arith.constant 3 : i32
        %add3A_301 = arith.addi %add3A_196, %add3A_300 : i32
        %jit3A_302 = arith.constant 4 : i32
        %eq3A = arith.constant 0 : i32
        %eq3A_303 = arith.cmpi eq, %jit3A_302, %eq3A : i32
        %jit3A_304 = arith.constant 1 : i32
        %select_n3A_305 = arith.select %eq3A_303, %jit3A_304, %jit3A_302 : i32
        %rem3A_306 = arith.remsi %add3A_301, %select_n3A_305 : i32
        %ne3A_307 = arith.constant 0 : i32
        %ne3A_308 = arith.cmpi ne, %rem3A_306, %ne3A_307 : i32
        %lt3A_309 = arith.constant 0 : i32
        %lt3A_310 = arith.cmpi slt, %rem3A_306, %lt3A_309 : i32
        %lt3A_311 = arith.constant 0 : i32
        %lt3A_312 = arith.cmpi slt, %select_n3A_305, %lt3A_311 : i32
        %ne3A_313 = arith.xori %lt3A_310, %lt3A_312 : i1
        %and3A_314 = arith.andi %ne3A_313, %ne3A_308 : i1
        %add3A_315 = arith.addi %rem3A_306, %select_n3A_305 : i32
        %select_n3A_316 = arith.select %and3A_314, %add3A_315, %rem3A_306 : i32
        %dma_wait3A_317 = arith.constant 1 : i32
        %dma_wait3A_318 = arith.constant 0 : i32
        %dma_wait3A_319 = arith.constant 0 : i32
        %dma_wait3A_320 = tpu.memref_slice %arg8[%dma_wait3A_317, %dma_wait3A_318, %dma_wait3A_319] : memref<2x512x16xf32, #tpu.memory_space<vmem>> -> memref<1x512x16xf32, #tpu.memory_space<vmem>>
        %dma_wait3A_321 = tpu.memref_squeeze %dma_wait3A_320 : memref<1x512x16xf32, #tpu.memory_space<vmem>> -> memref<512x16xf32, #tpu.memory_space<vmem>>
        %dma_wait3A_322 = arith.constant 0 : i32
        %dma_wait3A_323 = tpu.memref_slice %arg6[%select_n3A_316, %dma_wait3A_322] : memref<4x512xi32, #tpu.memory_space<vmem>> -> memref<1x512xi32, #tpu.memory_space<vmem>>
        %dma_wait3A_324 = tpu.memref_squeeze %dma_wait3A_323 : memref<1x512xi32, #tpu.memory_space<vmem>> -> memref<512xi32, #tpu.memory_space<vmem>>
        %dma_wait3A_325 = arith.constant 0 : i32
        %dma_wait3A_326 = arith.constant 0 : i32
        %dma_wait3A_327 = tpu.memref_slice %arg4[%dma_wait3A_325, %dma_wait3A_326] : memref<102400x16xf32, #tpu.memory_space<hbm>> -> memref<102400x16xf32, #tpu.memory_space<hbm>>
        tpu.wait_indirect_dma semaphore(%arg14 : memref<!tpu.dma_semaphore, #tpu.memory_space<semaphore_mem>>) src(%dma_wait3A_327 : memref<102400x16xf32, #tpu.memory_space<hbm>>) dst(%dma_wait3A_321 : memref<512x16xf32, #tpu.memory_space<vmem>>)
        %dma_start3A_328 = arith.constant 1 : i32
        %dma_start3A_329 = arith.constant 0 : i32
        %dma_start3A_330 = arith.constant 0 : i32
        %dma_start3A_331 = tpu.memref_slice %arg8[%dma_start3A_328, %dma_start3A_329, %dma_start3A_330] : memref<2x512x16xf32, #tpu.memory_space<vmem>> -> memref<1x512x16xf32, #tpu.memory_space<vmem>>
        %dma_start3A_332 = tpu.memref_squeeze %dma_start3A_331 : memref<1x512x16xf32, #tpu.memory_space<vmem>> -> memref<512x16xf32, #tpu.memory_space<vmem>>
        %dma_start3A_333 = arith.constant 0 : i32
        %dma_start3A_334 = tpu.memref_slice %arg7[%select_n3A_316, %dma_start3A_333] : memref<4x512xi32, #tpu.memory_space<vmem>> -> memref<1x512xi32, #tpu.memory_space<vmem>>
        %dma_start3A_335 = tpu.memref_squeeze %dma_start3A_334 : memref<1x512xi32, #tpu.memory_space<vmem>> -> memref<512xi32, #tpu.memory_space<vmem>>
        %dma_start3A_336 = arith.constant 0 : i32
        %dma_start3A_337 = arith.constant 0 : i32
        %dma_start3A_338 = tpu.memref_slice %arg10[%dma_start3A_336, %dma_start3A_337] : memref<102400x16xf32, #tpu.memory_space<vmem_shared>> -> memref<102400x16xf32, #tpu.memory_space<vmem_shared>>
        tpu.enqueue_indirect_dma source(%dma_start3A_332 : memref<512x16xf32, #tpu.memory_space<vmem>>) target(%dma_start3A_338 : memref<102400x16xf32, #tpu.memory_space<vmem_shared>>) offsets(%dma_start3A_335 : memref<512xi32, #tpu.memory_space<vmem>>) semaphore(%arg16 : memref<!tpu.dma_semaphore, #tpu.memory_space<semaphore_mem>>) {add = true}
      } else {
      }
      %mul3A_241 = arith.constant 2 : i32
      %mul3A_242 = arith.muli %mul3A_241, %scan3A_187 : i32
      %add3A_243 = arith.constant 1 : i32
      %add3A_244 = arith.addi %mul3A_242, %add3A_243 : i32
      %rem3A_245 = arith.constant 2 : i32
      %rem3A_246 = arith.remsi %scan3A_187, %rem3A_245 : i32
      %mul3A_247 = arith.constant 2 : i32
      %mul3A_248 = arith.muli %rem3A_246, %mul3A_247 : i32
      %add3A_249 = arith.constant 1 : i32
      %add3A_250 = arith.addi %mul3A_248, %add3A_249 : i32
      %dma_wait3A_251 = arith.constant 0 : i32
      %dma_wait3A_252 = tpu.memref_slice %arg6[%add3A_250, %dma_wait3A_251] : memref<4x512xi32, #tpu.memory_space<vmem>> -> memref<1x512xi32, #tpu.memory_space<vmem>>
      %dma_wait3A_253 = tpu.memref_squeeze %dma_wait3A_252 : memref<1x512xi32, #tpu.memory_space<vmem>> -> memref<512xi32, #tpu.memory_space<vmem>>
      %dma_wait3A_254 = arith.constant 0 : i32
      %dma_wait3A_255 = tpu.memref_slice %arg2[%dma_wait3A_254] : memref<1605632xi32, #tpu.memory_space<hbm>> -> memref<512xi32, #tpu.memory_space<hbm>>
      %dma_wait3A_256 = arith.constant 0 : i32
      %dma_wait3A_257 = tpu.memref_slice %arg6[%add3A_250, %dma_wait3A_256] : memref<4x512xi32, #tpu.memory_space<vmem>> -> memref<1x512xi32, #tpu.memory_space<vmem>>
      %dma_wait3A_258 = tpu.memref_squeeze %dma_wait3A_257 : memref<1x512xi32, #tpu.memory_space<vmem>> -> memref<512xi32, #tpu.memory_space<vmem>>
      %dma_wait3A_259 = arith.constant 0 : i32
      %dma_wait3A_260 = tpu.memref_slice %arg2[%dma_wait3A_259] : memref<1605632xi32, #tpu.memory_space<hbm>> -> memref<512xi32, #tpu.memory_space<hbm>>
      tpu.wait_dma2 semaphore(%arg12 : memref<!tpu.dma_semaphore, #tpu.memory_space<semaphore_mem>>) src(%dma_wait3A_260 : memref<512xi32, #tpu.memory_space<hbm>>) dst(%dma_wait3A_258 : memref<512xi32, #tpu.memory_space<vmem>>)
      %dma_wait3A_261 = arith.constant 0 : i32
      %dma_wait3A_262 = tpu.memref_slice %arg7[%add3A_250, %dma_wait3A_261] : memref<4x512xi32, #tpu.memory_space<vmem>> -> memref<1x512xi32, #tpu.memory_space<vmem>>
      %dma_wait3A_263 = tpu.memref_squeeze %dma_wait3A_262 : memref<1x512xi32, #tpu.memory_space<vmem>> -> memref<512xi32, #tpu.memory_space<vmem>>
      %dma_wait3A_264 = arith.constant 0 : i32
      %dma_wait3A_265 = tpu.memref_slice %arg3[%dma_wait3A_264] : memref<1605632xi32, #tpu.memory_space<hbm>> -> memref<512xi32, #tpu.memory_space<hbm>>
      %dma_wait3A_266 = arith.constant 0 : i32
      %dma_wait3A_267 = tpu.memref_slice %arg7[%add3A_250, %dma_wait3A_266] : memref<4x512xi32, #tpu.memory_space<vmem>> -> memref<1x512xi32, #tpu.memory_space<vmem>>
      %dma_wait3A_268 = tpu.memref_squeeze %dma_wait3A_267 : memref<1x512xi32, #tpu.memory_space<vmem>> -> memref<512xi32, #tpu.memory_space<vmem>>
      %dma_wait3A_269 = arith.constant 0 : i32
      %dma_wait3A_270 = tpu.memref_slice %arg3[%dma_wait3A_269] : memref<1605632xi32, #tpu.memory_space<hbm>> -> memref<512xi32, #tpu.memory_space<hbm>>
      tpu.wait_dma2 semaphore(%arg12 : memref<!tpu.dma_semaphore, #tpu.memory_space<semaphore_mem>>) src(%dma_wait3A_270 : memref<512xi32, #tpu.memory_space<hbm>>) dst(%dma_wait3A_268 : memref<512xi32, #tpu.memory_space<vmem>>)
      %ge3A_271 = arith.constant 2 : i32
      %ge3A_272 = arith.cmpi sge, %add3A_244, %ge3A_271 : i32
      %convert_element_type3A_273 = arith.extui %ge3A_272 : i1 to i32
      %cond3A_274 = arith.constant 0 : i32
      %cond3A_275 = arith.cmpi ne, %convert_element_type3A_273, %cond3A_274 : i32
      scf.if %cond3A_275 {
        %dma_wait3A_300 = arith.constant 1 : i32
        %dma_wait3A_301 = arith.constant 0 : i32
        %dma_wait3A_302 = arith.constant 0 : i32
        %dma_wait3A_303 = tpu.memref_slice %arg8[%dma_wait3A_300, %dma_wait3A_301, %dma_wait3A_302] : memref<2x512x16xf32, #tpu.memory_space<vmem>> -> memref<1x512x16xf32, #tpu.memory_space<vmem>>
        %dma_wait3A_304 = tpu.memref_squeeze %dma_wait3A_303 : memref<1x512x16xf32, #tpu.memory_space<vmem>> -> memref<512x16xf32, #tpu.memory_space<vmem>>
        %dma_wait3A_305 = arith.constant 0 : i32
        %dma_wait3A_306 = tpu.memref_slice %arg7[%add3A_250, %dma_wait3A_305] : memref<4x512xi32, #tpu.memory_space<vmem>> -> memref<1x512xi32, #tpu.memory_space<vmem>>
        %dma_wait3A_307 = tpu.memref_squeeze %dma_wait3A_306 : memref<1x512xi32, #tpu.memory_space<vmem>> -> memref<512xi32, #tpu.memory_space<vmem>>
        %dma_wait3A_308 = arith.constant 0 : i32
        %dma_wait3A_309 = arith.constant 0 : i32
        %dma_wait3A_310 = tpu.memref_slice %arg10[%dma_wait3A_308, %dma_wait3A_309] : memref<102400x16xf32, #tpu.memory_space<vmem_shared>> -> memref<102400x16xf32, #tpu.memory_space<vmem_shared>>
        tpu.wait_indirect_dma semaphore(%arg16 : memref<!tpu.dma_semaphore, #tpu.memory_space<semaphore_mem>>) src(%dma_wait3A_304 : memref<512x16xf32, #tpu.memory_space<vmem>>) dst(%dma_wait3A_310 : memref<102400x16xf32, #tpu.memory_space<vmem_shared>>)
      } else {
      }
      %dma_start3A_276 = arith.constant 1 : i32
      %dma_start3A_277 = arith.constant 0 : i32
      %dma_start3A_278 = arith.constant 0 : i32
      %dma_start3A_279 = tpu.memref_slice %arg8[%dma_start3A_276, %dma_start3A_277, %dma_start3A_278] : memref<2x512x16xf32, #tpu.memory_space<vmem>> -> memref<1x512x16xf32, #tpu.memory_space<vmem>>
      %dma_start3A_280 = tpu.memref_squeeze %dma_start3A_279 : memref<1x512x16xf32, #tpu.memory_space<vmem>> -> memref<512x16xf32, #tpu.memory_space<vmem>>
      %dma_start3A_281 = arith.constant 0 : i32
      %dma_start3A_282 = tpu.memref_slice %arg6[%add3A_250, %dma_start3A_281] : memref<4x512xi32, #tpu.memory_space<vmem>> -> memref<1x512xi32, #tpu.memory_space<vmem>>
      %dma_start3A_283 = tpu.memref_squeeze %dma_start3A_282 : memref<1x512xi32, #tpu.memory_space<vmem>> -> memref<512xi32, #tpu.memory_space<vmem>>
      %dma_start3A_284 = arith.constant 0 : i32
      %dma_start3A_285 = arith.constant 0 : i32
      %dma_start3A_286 = tpu.memref_slice %arg4[%dma_start3A_284, %dma_start3A_285] : memref<102400x16xf32, #tpu.memory_space<hbm>> -> memref<102400x16xf32, #tpu.memory_space<hbm>>
      tpu.enqueue_indirect_dma source(%dma_start3A_286 : memref<102400x16xf32, #tpu.memory_space<hbm>>) target(%dma_start3A_280 : memref<512x16xf32, #tpu.memory_space<vmem>>) offsets(%dma_start3A_283 : memref<512xi32, #tpu.memory_space<vmem>>) semaphore(%arg14 : memref<!tpu.dma_semaphore, #tpu.memory_space<semaphore_mem>>)
      %add3A_287 = arith.constant 2 : i32
      %add3A_288 = arith.addi %add3A_244, %add3A_287 : i32
      %lt3A_289 = arith.constant 98 : i32
      %lt3A_290 = arith.cmpi slt, %add3A_288, %lt3A_289 : i32
      %convert_element_type3A_291 = arith.extui %lt3A_290 : i1 to i32
      %cond3A_292 = arith.constant 0 : i32
      %cond3A_293 = arith.cmpi ne, %convert_element_type3A_291, %cond3A_292 : i32
      scf.if %cond3A_293 {
        %add3A_300 = arith.constant 2 : i32
        %add3A_301 = arith.addi %add3A_244, %add3A_300 : i32
        %xor3A = arith.constant 2 : i32
        %xor3A_302 = arith.xori %add3A_250, %xor3A : i32
        %mul3A_303 = arith.constant 4 : i32
        %mul3A_304 = arith.muli %add3A_301, %mul3A_303 : i32
        %add3A_305 = arith.addi %add3A_31, %mul3A_304 : i32
        %mul3A_306 = arith.constant 128 : i32
        %mul3A_307 = arith.muli %add3A_305, %mul3A_306 : i32
        %dma_start3A_308 = arith.constant 0 : i32
        %dma_start3A_309 = tpu.memref_slice %arg6[%xor3A_302, %dma_start3A_308] : memref<4x512xi32, #tpu.memory_space<vmem>> -> memref<1x512xi32, #tpu.memory_space<vmem>>
        %dma_start3A_310 = tpu.memref_squeeze %dma_start3A_309 : memref<1x512xi32, #tpu.memory_space<vmem>> -> memref<512xi32, #tpu.memory_space<vmem>>
        %dma_start3A_311 = tpu.memref_slice %arg2[%mul3A_307] : memref<1605632xi32, #tpu.memory_space<hbm>> -> memref<512xi32, #tpu.memory_space<hbm>>
        %dma_start3A_312 = arith.constant 0 : i32
        %dma_start3A_313 = tpu.memref_slice %arg6[%xor3A_302, %dma_start3A_312] : memref<4x512xi32, #tpu.memory_space<vmem>> -> memref<1x512xi32, #tpu.memory_space<vmem>>
        %dma_start3A_314 = tpu.memref_squeeze %dma_start3A_313 : memref<1x512xi32, #tpu.memory_space<vmem>> -> memref<512xi32, #tpu.memory_space<vmem>>
        %dma_start3A_315 = tpu.memref_slice %arg2[%mul3A_307] : memref<1605632xi32, #tpu.memory_space<hbm>> -> memref<512xi32, #tpu.memory_space<hbm>>
        tpu.enqueue_dma source(%dma_start3A_315 : memref<512xi32, #tpu.memory_space<hbm>>) target(%dma_start3A_314 : memref<512xi32, #tpu.memory_space<vmem>>) target_semaphore(%arg12 : memref<!tpu.dma_semaphore, #tpu.memory_space<semaphore_mem>>)
        %dma_start3A_316 = arith.constant 0 : i32
        %dma_start3A_317 = tpu.memref_slice %arg7[%xor3A_302, %dma_start3A_316] : memref<4x512xi32, #tpu.memory_space<vmem>> -> memref<1x512xi32, #tpu.memory_space<vmem>>
        %dma_start3A_318 = tpu.memref_squeeze %dma_start3A_317 : memref<1x512xi32, #tpu.memory_space<vmem>> -> memref<512xi32, #tpu.memory_space<vmem>>
        %dma_start3A_319 = tpu.memref_slice %arg3[%mul3A_307] : memref<1605632xi32, #tpu.memory_space<hbm>> -> memref<512xi32, #tpu.memory_space<hbm>>
        %dma_start3A_320 = arith.constant 0 : i32
        %dma_start3A_321 = tpu.memref_slice %arg7[%xor3A_302, %dma_start3A_320] : memref<4x512xi32, #tpu.memory_space<vmem>> -> memref<1x512xi32, #tpu.memory_space<vmem>>
        %dma_start3A_322 = tpu.memref_squeeze %dma_start3A_321 : memref<1x512xi32, #tpu.memory_space<vmem>> -> memref<512xi32, #tpu.memory_space<vmem>>
        %dma_start3A_323 = tpu.memref_slice %arg3[%mul3A_307] : memref<1605632xi32, #tpu.memory_space<hbm>> -> memref<512xi32, #tpu.memory_space<hbm>>
        tpu.enqueue_dma source(%dma_start3A_323 : memref<512xi32, #tpu.memory_space<hbm>>) target(%dma_start3A_322 : memref<512xi32, #tpu.memory_space<vmem>>) target_semaphore(%arg12 : memref<!tpu.dma_semaphore, #tpu.memory_space<semaphore_mem>>)
      } else {
      }
      %ge3A_294 = arith.constant 1 : i32
      %ge3A_295 = arith.cmpi sge, %add3A_244, %ge3A_294 : i32
      %convert_element_type3A_296 = arith.extui %ge3A_295 : i1 to i32
      %cond3A_297 = arith.constant 0 : i32
      %cond3A_298 = arith.cmpi ne, %convert_element_type3A_296, %cond3A_297 : i32
      scf.if %cond3A_298 {
        %add3A_300 = arith.constant 3 : i32
        %add3A_301 = arith.addi %add3A_250, %add3A_300 : i32
        %jit3A_302 = arith.constant 4 : i32
        %eq3A = arith.constant 0 : i32
        %eq3A_303 = arith.cmpi eq, %jit3A_302, %eq3A : i32
        %jit3A_304 = arith.constant 1 : i32
        %select_n3A_305 = arith.select %eq3A_303, %jit3A_304, %jit3A_302 : i32
        %rem3A_306 = arith.remsi %add3A_301, %select_n3A_305 : i32
        %ne3A_307 = arith.constant 0 : i32
        %ne3A_308 = arith.cmpi ne, %rem3A_306, %ne3A_307 : i32
        %lt3A_309 = arith.constant 0 : i32
        %lt3A_310 = arith.cmpi slt, %rem3A_306, %lt3A_309 : i32
        %lt3A_311 = arith.constant 0 : i32
        %lt3A_312 = arith.cmpi slt, %select_n3A_305, %lt3A_311 : i32
        %ne3A_313 = arith.xori %lt3A_310, %lt3A_312 : i1
        %and3A_314 = arith.andi %ne3A_313, %ne3A_308 : i1
        %add3A_315 = arith.addi %rem3A_306, %select_n3A_305 : i32
        %select_n3A_316 = arith.select %and3A_314, %add3A_315, %rem3A_306 : i32
        %dma_wait3A_317 = arith.constant 0 : i32
        %dma_wait3A_318 = arith.constant 0 : i32
        %dma_wait3A_319 = arith.constant 0 : i32
        %dma_wait3A_320 = tpu.memref_slice %arg8[%dma_wait3A_317, %dma_wait3A_318, %dma_wait3A_319] : memref<2x512x16xf32, #tpu.memory_space<vmem>> -> memref<1x512x16xf32, #tpu.memory_space<vmem>>
        %dma_wait3A_321 = tpu.memref_squeeze %dma_wait3A_320 : memref<1x512x16xf32, #tpu.memory_space<vmem>> -> memref<512x16xf32, #tpu.memory_space<vmem>>
        %dma_wait3A_322 = arith.constant 0 : i32
        %dma_wait3A_323 = tpu.memref_slice %arg6[%select_n3A_316, %dma_wait3A_322] : memref<4x512xi32, #tpu.memory_space<vmem>> -> memref<1x512xi32, #tpu.memory_space<vmem>>
        %dma_wait3A_324 = tpu.memref_squeeze %dma_wait3A_323 : memref<1x512xi32, #tpu.memory_space<vmem>> -> memref<512xi32, #tpu.memory_space<vmem>>
        %dma_wait3A_325 = arith.constant 0 : i32
        %dma_wait3A_326 = arith.constant 0 : i32
        %dma_wait3A_327 = tpu.memref_slice %arg4[%dma_wait3A_325, %dma_wait3A_326] : memref<102400x16xf32, #tpu.memory_space<hbm>> -> memref<102400x16xf32, #tpu.memory_space<hbm>>
        tpu.wait_indirect_dma semaphore(%arg13 : memref<!tpu.dma_semaphore, #tpu.memory_space<semaphore_mem>>) src(%dma_wait3A_327 : memref<102400x16xf32, #tpu.memory_space<hbm>>) dst(%dma_wait3A_321 : memref<512x16xf32, #tpu.memory_space<vmem>>)
        %dma_start3A_328 = arith.constant 0 : i32
        %dma_start3A_329 = arith.constant 0 : i32
        %dma_start3A_330 = arith.constant 0 : i32
        %dma_start3A_331 = tpu.memref_slice %arg8[%dma_start3A_328, %dma_start3A_329, %dma_start3A_330] : memref<2x512x16xf32, #tpu.memory_space<vmem>> -> memref<1x512x16xf32, #tpu.memory_space<vmem>>
        %dma_start3A_332 = tpu.memref_squeeze %dma_start3A_331 : memref<1x512x16xf32, #tpu.memory_space<vmem>> -> memref<512x16xf32, #tpu.memory_space<vmem>>
        %dma_start3A_333 = arith.constant 0 : i32
        %dma_start3A_334 = tpu.memref_slice %arg7[%select_n3A_316, %dma_start3A_333] : memref<4x512xi32, #tpu.memory_space<vmem>> -> memref<1x512xi32, #tpu.memory_space<vmem>>
        %dma_start3A_335 = tpu.memref_squeeze %dma_start3A_334 : memref<1x512xi32, #tpu.memory_space<vmem>> -> memref<512xi32, #tpu.memory_space<vmem>>
        %dma_start3A_336 = arith.constant 0 : i32
        %dma_start3A_337 = arith.constant 0 : i32
        %dma_start3A_338 = tpu.memref_slice %arg10[%dma_start3A_336, %dma_start3A_337] : memref<102400x16xf32, #tpu.memory_space<vmem_shared>> -> memref<102400x16xf32, #tpu.memory_space<vmem_shared>>
        tpu.enqueue_indirect_dma source(%dma_start3A_332 : memref<512x16xf32, #tpu.memory_space<vmem>>) target(%dma_start3A_338 : memref<102400x16xf32, #tpu.memory_space<vmem_shared>>) offsets(%dma_start3A_335 : memref<512xi32, #tpu.memory_space<vmem>>) semaphore(%arg15 : memref<!tpu.dma_semaphore, #tpu.memory_space<semaphore_mem>>) {add = true}
      } else {
      }
      %scan3A_299 = arith.constant 0 : i32
      scf.yield %scan3A_299 : i32
    }
    %scan3A_81 = arith.constant 49 : i32
    %dma_wait3A = arith.constant 1 : i32
    %dma_wait3A_82 = arith.constant 1 : i32
    %dma_wait3A_83 = arith.constant 0 : i32
    %dma_wait3A_84 = arith.constant 0 : i32
    %dma_wait3A_85 = tpu.memref_slice %arg8[%dma_wait3A_82, %dma_wait3A_83, %dma_wait3A_84] : memref<2x512x16xf32, #tpu.memory_space<vmem>> -> memref<1x512x16xf32, #tpu.memory_space<vmem>>
    %dma_wait3A_86 = tpu.memref_squeeze %dma_wait3A_85 : memref<1x512x16xf32, #tpu.memory_space<vmem>> -> memref<512x16xf32, #tpu.memory_space<vmem>>
    %dma_wait3A_87 = arith.constant 0 : i32
    %dma_wait3A_88 = tpu.memref_slice %arg6[%dma_wait3A, %dma_wait3A_87] : memref<4x512xi32, #tpu.memory_space<vmem>> -> memref<1x512xi32, #tpu.memory_space<vmem>>
    %dma_wait3A_89 = tpu.memref_squeeze %dma_wait3A_88 : memref<1x512xi32, #tpu.memory_space<vmem>> -> memref<512xi32, #tpu.memory_space<vmem>>
    %dma_wait3A_90 = arith.constant 0 : i32
    %dma_wait3A_91 = arith.constant 0 : i32
    %dma_wait3A_92 = tpu.memref_slice %arg4[%dma_wait3A_90, %dma_wait3A_91] : memref<102400x16xf32, #tpu.memory_space<hbm>> -> memref<102400x16xf32, #tpu.memory_space<hbm>>
    tpu.wait_indirect_dma semaphore(%arg14 : memref<!tpu.dma_semaphore, #tpu.memory_space<semaphore_mem>>) src(%dma_wait3A_92 : memref<102400x16xf32, #tpu.memory_space<hbm>>) dst(%dma_wait3A_86 : memref<512x16xf32, #tpu.memory_space<vmem>>)
    %dma_start3A_93 = arith.constant 1 : i32
    %dma_start3A_94 = arith.constant 1 : i32
    %dma_start3A_95 = arith.constant 0 : i32
    %dma_start3A_96 = arith.constant 0 : i32
    %dma_start3A_97 = tpu.memref_slice %arg8[%dma_start3A_93, %dma_start3A_95, %dma_start3A_96] : memref<2x512x16xf32, #tpu.memory_space<vmem>> -> memref<1x512x16xf32, #tpu.memory_space<vmem>>
    %dma_start3A_98 = tpu.memref_squeeze %dma_start3A_97 : memref<1x512x16xf32, #tpu.memory_space<vmem>> -> memref<512x16xf32, #tpu.memory_space<vmem>>
    %dma_start3A_99 = arith.constant 0 : i32
    %dma_start3A_100 = tpu.memref_slice %arg7[%dma_start3A_94, %dma_start3A_99] : memref<4x512xi32, #tpu.memory_space<vmem>> -> memref<1x512xi32, #tpu.memory_space<vmem>>
    %dma_start3A_101 = tpu.memref_squeeze %dma_start3A_100 : memref<1x512xi32, #tpu.memory_space<vmem>> -> memref<512xi32, #tpu.memory_space<vmem>>
    %dma_start3A_102 = arith.constant 0 : i32
    %dma_start3A_103 = arith.constant 0 : i32
    %dma_start3A_104 = tpu.memref_slice %arg10[%dma_start3A_102, %dma_start3A_103] : memref<102400x16xf32, #tpu.memory_space<vmem_shared>> -> memref<102400x16xf32, #tpu.memory_space<vmem_shared>>
    tpu.enqueue_indirect_dma source(%dma_start3A_98 : memref<512x16xf32, #tpu.memory_space<vmem>>) target(%dma_start3A_104 : memref<102400x16xf32, #tpu.memory_space<vmem_shared>>) offsets(%dma_start3A_101 : memref<512xi32, #tpu.memory_space<vmem>>) semaphore(%arg16 : memref<!tpu.dma_semaphore, #tpu.memory_space<semaphore_mem>>) {add = true}
    %dma_wait3A_105 = arith.constant 0 : i32
    %dma_wait3A_106 = arith.constant 1 : i32
    %dma_wait3A_107 = arith.constant 0 : i32
    %dma_wait3A_108 = arith.constant 0 : i32
    %dma_wait3A_109 = tpu.memref_slice %arg8[%dma_wait3A_105, %dma_wait3A_107, %dma_wait3A_108] : memref<2x512x16xf32, #tpu.memory_space<vmem>> -> memref<1x512x16xf32, #tpu.memory_space<vmem>>
    %dma_wait3A_110 = tpu.memref_squeeze %dma_wait3A_109 : memref<1x512x16xf32, #tpu.memory_space<vmem>> -> memref<512x16xf32, #tpu.memory_space<vmem>>
    %dma_wait3A_111 = arith.constant 0 : i32
    %dma_wait3A_112 = tpu.memref_slice %arg7[%dma_wait3A_106, %dma_wait3A_111] : memref<4x512xi32, #tpu.memory_space<vmem>> -> memref<1x512xi32, #tpu.memory_space<vmem>>
    %dma_wait3A_113 = tpu.memref_squeeze %dma_wait3A_112 : memref<1x512xi32, #tpu.memory_space<vmem>> -> memref<512xi32, #tpu.memory_space<vmem>>
    %dma_wait3A_114 = arith.constant 0 : i32
    %dma_wait3A_115 = arith.constant 0 : i32
    %dma_wait3A_116 = tpu.memref_slice %arg10[%dma_wait3A_114, %dma_wait3A_115] : memref<102400x16xf32, #tpu.memory_space<vmem_shared>> -> memref<102400x16xf32, #tpu.memory_space<vmem_shared>>
    tpu.wait_indirect_dma semaphore(%arg15 : memref<!tpu.dma_semaphore, #tpu.memory_space<semaphore_mem>>) src(%dma_wait3A_110 : memref<512x16xf32, #tpu.memory_space<vmem>>) dst(%dma_wait3A_116 : memref<102400x16xf32, #tpu.memory_space<vmem_shared>>)
    %dma_wait3A_117 = arith.constant 1 : i32
    %dma_wait3A_118 = arith.constant 1 : i32
    %dma_wait3A_119 = arith.constant 0 : i32
    %dma_wait3A_120 = arith.constant 0 : i32
    %dma_wait3A_121 = tpu.memref_slice %arg8[%dma_wait3A_117, %dma_wait3A_119, %dma_wait3A_120] : memref<2x512x16xf32, #tpu.memory_space<vmem>> -> memref<1x512x16xf32, #tpu.memory_space<vmem>>
    %dma_wait3A_122 = tpu.memref_squeeze %dma_wait3A_121 : memref<1x512x16xf32, #tpu.memory_space<vmem>> -> memref<512x16xf32, #tpu.memory_space<vmem>>
    %dma_wait3A_123 = arith.constant 0 : i32
    %dma_wait3A_124 = tpu.memref_slice %arg7[%dma_wait3A_118, %dma_wait3A_123] : memref<4x512xi32, #tpu.memory_space<vmem>> -> memref<1x512xi32, #tpu.memory_space<vmem>>
    %dma_wait3A_125 = tpu.memref_squeeze %dma_wait3A_124 : memref<1x512xi32, #tpu.memory_space<vmem>> -> memref<512xi32, #tpu.memory_space<vmem>>
    %dma_wait3A_126 = arith.constant 0 : i32
    %dma_wait3A_127 = arith.constant 0 : i32
    %dma_wait3A_128 = tpu.memref_slice %arg10[%dma_wait3A_126, %dma_wait3A_127] : memref<102400x16xf32, #tpu.memory_space<vmem_shared>> -> memref<102400x16xf32, #tpu.memory_space<vmem_shared>>
    tpu.wait_indirect_dma semaphore(%arg16 : memref<!tpu.dma_semaphore, #tpu.memory_space<semaphore_mem>>) src(%dma_wait3A_122 : memref<512x16xf32, #tpu.memory_space<vmem>>) dst(%dma_wait3A_128 : memref<102400x16xf32, #tpu.memory_space<vmem_shared>>)
    %barrier3A_129 = arith.constant 0 : index
    tpu.barrier barrier_id(%barrier3A_129)
    %mul3A_130 = arith.constant 50 : i32
    %mul3A_131 = arith.muli %arg1, %mul3A_130 : i32
    %jit3A = arith.constant 16 : i32
    %div3A = arith.divsi %mul3A_131, %jit3A : i32
    %sign3A = arith.constant 0 : i32
    %sign3A_132 = arith.cmpi sgt, %mul3A_131, %sign3A : i32
    %sign3A_133 = arith.extui %sign3A_132 : i1 to i32
    %sign3A_134 = arith.constant 0 : i32
    %sign3A_135 = arith.cmpi slt, %mul3A_131, %sign3A_134 : i32
    %sign3A_136 = arith.extui %sign3A_135 : i1 to i32
    %sign3A_137 = arith.subi %sign3A_133, %sign3A_136 : i32
    %sign3A_138 = arith.constant 0 : i32
    %sign3A_139 = arith.cmpi sgt, %jit3A, %sign3A_138 : i32
    %sign3A_140 = arith.extui %sign3A_139 : i1 to i32
    %sign3A_141 = arith.constant 0 : i32
    %sign3A_142 = arith.cmpi slt, %jit3A, %sign3A_141 : i32
    %sign3A_143 = arith.extui %sign3A_142 : i1 to i32
    %sign3A_144 = arith.subi %sign3A_140, %sign3A_143 : i32
    %ne3A = arith.cmpi ne, %sign3A_137, %sign3A_144 : i32
    %rem3A = arith.remsi %mul3A_131, %jit3A : i32
    %ne3A_145 = arith.constant 0 : i32
    %ne3A_146 = arith.cmpi ne, %rem3A, %ne3A_145 : i32
    %and3A = arith.andi %ne3A, %ne3A_146 : i1
    %sub3A = arith.constant 1 : i32
    %sub3A_147 = arith.subi %div3A, %sub3A : i32
    %select_n3A = arith.select %and3A, %sub3A_147, %div3A : i32
    %add3A_148 = arith.constant 1 : i32
    %add3A_149 = arith.addi %arg1, %add3A_148 : i32
    %mul3A_150 = arith.constant 50 : i32
    %mul3A_151 = arith.muli %add3A_149, %mul3A_150 : i32
    %jit3A_152 = arith.constant 16 : i32
    %div3A_153 = arith.divsi %mul3A_151, %jit3A_152 : i32
    %sign3A_154 = arith.constant 0 : i32
    %sign3A_155 = arith.cmpi sgt, %mul3A_151, %sign3A_154 : i32
    %sign3A_156 = arith.extui %sign3A_155 : i1 to i32
    %sign3A_157 = arith.constant 0 : i32
    %sign3A_158 = arith.cmpi slt, %mul3A_151, %sign3A_157 : i32
    %sign3A_159 = arith.extui %sign3A_158 : i1 to i32
    %sign3A_160 = arith.subi %sign3A_156, %sign3A_159 : i32
    %sign3A_161 = arith.constant 0 : i32
    %sign3A_162 = arith.cmpi sgt, %jit3A_152, %sign3A_161 : i32
    %sign3A_163 = arith.extui %sign3A_162 : i1 to i32
    %sign3A_164 = arith.constant 0 : i32
    %sign3A_165 = arith.cmpi slt, %jit3A_152, %sign3A_164 : i32
    %sign3A_166 = arith.extui %sign3A_165 : i1 to i32
    %sign3A_167 = arith.subi %sign3A_163, %sign3A_166 : i32
    %ne3A_168 = arith.cmpi ne, %sign3A_160, %sign3A_167 : i32
    %rem3A_169 = arith.remsi %mul3A_151, %jit3A_152 : i32
    %ne3A_170 = arith.constant 0 : i32
    %ne3A_171 = arith.cmpi ne, %rem3A_169, %ne3A_170 : i32
    %and3A_172 = arith.andi %ne3A_168, %ne3A_171 : i1
    %sub3A_173 = arith.constant 1 : i32
    %sub3A_174 = arith.subi %div3A_153, %sub3A_173 : i32
    %select_n3A_175 = arith.select %and3A_172, %sub3A_174, %div3A_153 : i32
    %while3A_176 = arith.constant 0 : i32
    %while3A_177 = arith.subi %select_n3A_175, %select_n3A : i32
    %while3A_178 = arith.addi %select_n3A, %while3A_177 : i32
    %while3A_179 = arith.constant 1 : i32
    %while3A_180 = arith.divsi %while3A_177, %while3A_179 : i32
    %while3A_181 = arith.muli %while3A_180, %while3A_179 : i32
    %while3A_182 = arith.addi %select_n3A, %while3A_181 : i32
    %while3A_183 = arith.constant 1 : i32
    %while3A_184 = scf.for %while3A_187 = %select_n3A to %while3A_182 step %while3A_183 iter_args(%while3A_188 = %while3A_176) -> (i32)  : i32 {
      %mul3A_189 = arith.constant 2048 : i32
      %mul3A_190 = arith.muli %while3A_187, %mul3A_189 : i32
      %multiple_of3A = tpu.assume_multiple %mul3A_190, 8 : i32
      "tpu.region"() ({
        %run_scoped3A = tpu.sem_alloc : memref<!tpu.dma_semaphore, #tpu.memory_space<semaphore_mem>>
        %dma_start3A_192 = arith.constant 0 : i32
        %dma_start3A_193 = tpu.memref_slice %arg5[%arg0, %multiple_of3A, %dma_start3A_192] : memref<2x102400x16xf32, #tpu.memory_space<hbm>> -> memref<1x2048x16xf32, #tpu.memory_space<hbm>>
        %dma_start3A_194 = tpu.memref_squeeze %dma_start3A_193 : memref<1x2048x16xf32, #tpu.memory_space<hbm>> -> memref<2048x16xf32, #tpu.memory_space<hbm>>
        %dma_start3A_195 = arith.constant 0 : i32
        %dma_start3A_196 = tpu.memref_slice %arg10[%multiple_of3A, %dma_start3A_195] : memref<102400x16xf32, #tpu.memory_space<vmem_shared>> -> memref<2048x16xf32, #tpu.memory_space<vmem_shared>>
        tpu.enqueue_dma source(%dma_start3A_196 : memref<2048x16xf32, #tpu.memory_space<vmem_shared>>) target(%dma_start3A_194 : memref<2048x16xf32, #tpu.memory_space<hbm>>) target_semaphore(%run_scoped3A : memref<!tpu.dma_semaphore, #tpu.memory_space<semaphore_mem>>)
        %dma_wait3A_197 = arith.constant 0 : i32
        %dma_wait3A_198 = tpu.memref_slice %arg5[%arg0, %multiple_of3A, %dma_wait3A_197] : memref<2x102400x16xf32, #tpu.memory_space<hbm>> -> memref<1x2048x16xf32, #tpu.memory_space<hbm>>
        %dma_wait3A_199 = tpu.memref_squeeze %dma_wait3A_198 : memref<1x2048x16xf32, #tpu.memory_space<hbm>> -> memref<2048x16xf32, #tpu.memory_space<hbm>>
        %dma_wait3A_200 = arith.constant 0 : i32
        %dma_wait3A_201 = tpu.memref_slice %arg10[%multiple_of3A, %dma_wait3A_200] : memref<102400x16xf32, #tpu.memory_space<vmem_shared>> -> memref<2048x16xf32, #tpu.memory_space<vmem_shared>>
        tpu.wait_dma2 semaphore(%run_scoped3A : memref<!tpu.dma_semaphore, #tpu.memory_space<semaphore_mem>>) src(%dma_wait3A_201 : memref<2048x16xf32, #tpu.memory_space<vmem_shared>>) dst(%dma_wait3A_199 : memref<2048x16xf32, #tpu.memory_space<hbm>>)
        tpu.yield
      }) : () -> ()
      %while3A_191 = arith.constant 0 : i32
      scf.yield %while3A_191 : i32
    }
    %while3A_185 = arith.constant 1 : i32
    %while3A_186 = scf.for %while3A_187 = %while3A_182 to %while3A_178 step %while3A_185 iter_args(%while3A_188 = %while3A_184) -> (i32)  : i32 {
      %mul3A_189 = arith.constant 2048 : i32
      %mul3A_190 = arith.muli %while3A_187, %mul3A_189 : i32
      %multiple_of3A = tpu.assume_multiple %mul3A_190, 8 : i32
      "tpu.region"() ({
        %run_scoped3A = tpu.sem_alloc : memref<!tpu.dma_semaphore, #tpu.memory_space<semaphore_mem>>
        %dma_start3A_192 = arith.constant 0 : i32
        %dma_start3A_193 = tpu.memref_slice %arg5[%arg0, %multiple_of3A, %dma_start3A_192] : memref<2x102400x16xf32, #tpu.memory_space<hbm>> -> memref<1x2048x16xf32, #tpu.memory_space<hbm>>
        %dma_start3A_194 = tpu.memref_squeeze %dma_start3A_193 : memref<1x2048x16xf32, #tpu.memory_space<hbm>> -> memref<2048x16xf32, #tpu.memory_space<hbm>>
        %dma_start3A_195 = arith.constant 0 : i32
        %dma_start3A_196 = tpu.memref_slice %arg10[%multiple_of3A, %dma_start3A_195] : memref<102400x16xf32, #tpu.memory_space<vmem_shared>> -> memref<2048x16xf32, #tpu.memory_space<vmem_shared>>
        tpu.enqueue_dma source(%dma_start3A_196 : memref<2048x16xf32, #tpu.memory_space<vmem_shared>>) target(%dma_start3A_194 : memref<2048x16xf32, #tpu.memory_space<hbm>>) target_semaphore(%run_scoped3A : memref<!tpu.dma_semaphore, #tpu.memory_space<semaphore_mem>>)
        %dma_wait3A_197 = arith.constant 0 : i32
        %dma_wait3A_198 = tpu.memref_slice %arg5[%arg0, %multiple_of3A, %dma_wait3A_197] : memref<2x102400x16xf32, #tpu.memory_space<hbm>> -> memref<1x2048x16xf32, #tpu.memory_space<hbm>>
        %dma_wait3A_199 = tpu.memref_squeeze %dma_wait3A_198 : memref<1x2048x16xf32, #tpu.memory_space<hbm>> -> memref<2048x16xf32, #tpu.memory_space<hbm>>
        %dma_wait3A_200 = arith.constant 0 : i32
        %dma_wait3A_201 = tpu.memref_slice %arg10[%multiple_of3A, %dma_wait3A_200] : memref<102400x16xf32, #tpu.memory_space<vmem_shared>> -> memref<2048x16xf32, #tpu.memory_space<vmem_shared>>
        tpu.wait_dma2 semaphore(%run_scoped3A : memref<!tpu.dma_semaphore, #tpu.memory_space<semaphore_mem>>) src(%dma_wait3A_201 : memref<2048x16xf32, #tpu.memory_space<vmem_shared>>) dst(%dma_wait3A_199 : memref<2048x16xf32, #tpu.memory_space<hbm>>)
        tpu.yield
      }) : () -> ()
      %while3A_191 = arith.constant 0 : i32
      scf.yield %while3A_191 : i32
    }
    return
  }
}

#map = affine_map<(d0, d1) -> (0, 0)>
module attributes {stable_mosaic.version = 14 : i64} {
  func.func @_sc_front(%arg0: i32, %arg1: i32, %arg2: memref<12544x128xi32, #tpu.memory_space<hbm>>, %arg3: memref<102400x16xf32, #tpu.memory_space<hbm>>, %arg4: memref<102400x16xf32, #tpu.memory_space<hbm>>, %arg5: memref<102400x16xf32, #tpu.memory_space<hbm>>, %arg6: memref<2x14x128xi32, #tpu.memory_space<vmem>>, %arg7: memref<128xf32, #tpu.memory_space<vmem>>, %arg8: memref<2048xf32, #tpu.memory_space<vmem>>, %arg9: memref<800xf32, #tpu.memory_space<vmem>>, %arg10: memref<800x16xf32, #tpu.memory_space<vmem>>, %arg11: memref<800x16xf32, #tpu.memory_space<vmem>>, %arg12: memref<102400xf32, #tpu.memory_space<vmem_shared>>, %arg13: memref<!tpu.dma_semaphore, #tpu.memory_space<semaphore_mem>>, %arg14: memref<!tpu.dma_semaphore, #tpu.memory_space<semaphore_mem>>, %arg15: memref<!tpu.dma_semaphore, #tpu.memory_space<semaphore_mem>>, %arg16: memref<!tpu.dma_semaphore, #tpu.memory_space<semaphore_mem>>) attributes {dimension_semantics = [#tpu.dimension_semantics<core_parallel>, #tpu.dimension_semantics<subcore_parallel>], iteration_bounds = array<i64: 2, 16>, scalar_prefetch = 0 : i64, scratch_operands = 11 : i64, tpu.core_type = #tpu.core_type<sc_vector_subcore>, window_params = [{transform_indices = #map}, {transform_indices = #map}, {transform_indices = #map}, {transform_indices = #map}]} {
    %scan3A = arith.constant 0 : i32
    %scan3A_0 = arith.constant 0 : i32
    %scan3A_1 = arith.constant 8 : i32
    %scan3A_2 = arith.addi %scan3A_0, %scan3A_1 : i32
    %scan3A_3 = arith.constant 1 : i32
    %scan3A_4 = scf.for %scan3A_361 = %scan3A_0 to %scan3A_2 step %scan3A_3 iter_args(%scan3A_362 = %scan3A) -> (i32)  : i32 {
      %broadcast_in_dim3A = arith.constant 1.000000e+00 : f32
      %broadcast_in_dim3A_363 = vector.broadcast %broadcast_in_dim3A : f32 to vector<16xf32>
      %mul3A_364 = arith.constant 16 : i32
      %mul3A_365 = arith.muli %scan3A_361, %mul3A_364 : i32
      %swap3A = arith.index_cast %mul3A_365 : i32 to index
      %swap3A_366 = tpu.vector_load %arg7[%swap3A] {strides = array<i32>} : memref<128xf32, #tpu.memory_space<vmem>>, vector<16xf32>,
      tpu.vector_store %arg7[%swap3A], %broadcast_in_dim3A_363 {strides = array<i32>} : memref<128xf32, #tpu.memory_space<vmem>>, vector<16xf32>,
      %scan3A_367 = arith.constant 0 : i32
      scf.yield %scan3A_367 : i32
    }
    %scan3A_5 = arith.constant 8 : i32
    %scan3A_6 = arith.constant 0 : i32
    %scan3A_7 = arith.constant 0 : i32
    %scan3A_8 = arith.constant 128 : i32
    %scan3A_9 = arith.addi %scan3A_7, %scan3A_8 : i32
    %scan3A_10 = arith.constant 1 : i32
    %scan3A_11 = scf.for %scan3A_361 = %scan3A_7 to %scan3A_9 step %scan3A_10 iter_args(%scan3A_362 = %scan3A_6) -> (i32)  : i32 {
      %broadcast_in_dim3A = arith.constant 0.000000e+00 : f32
      %broadcast_in_dim3A_363 = vector.broadcast %broadcast_in_dim3A : f32 to vector<16xf32>
      %mul3A_364 = arith.constant 16 : i32
      %mul3A_365 = arith.muli %scan3A_361, %mul3A_364 : i32
      %swap3A = arith.index_cast %mul3A_365 : i32 to index
      %swap3A_366 = tpu.vector_load %arg8[%swap3A] {strides = array<i32>} : memref<2048xf32, #tpu.memory_space<vmem>>, vector<16xf32>,
      tpu.vector_store %arg8[%swap3A], %broadcast_in_dim3A_363 {strides = array<i32>} : memref<2048xf32, #tpu.memory_space<vmem>>, vector<16xf32>,
      %scan3A_367 = arith.constant 0 : i32
      scf.yield %scan3A_367 : i32
    }
    %scan3A_12 = arith.constant 128 : i32
    %mul3A = arith.constant 50 : i32
    %mul3A_13 = arith.muli %arg1, %mul3A : i32
    %jit3A = arith.constant 16 : i32
    %div3A = arith.divsi %mul3A_13, %jit3A : i32
    %sign3A = arith.constant 0 : i32
    %sign3A_14 = arith.cmpi sgt, %mul3A_13, %sign3A : i32
    %sign3A_15 = arith.extui %sign3A_14 : i1 to i32
    %sign3A_16 = arith.constant 0 : i32
    %sign3A_17 = arith.cmpi slt, %mul3A_13, %sign3A_16 : i32
    %sign3A_18 = arith.extui %sign3A_17 : i1 to i32
    %sign3A_19 = arith.subi %sign3A_15, %sign3A_18 : i32
    %sign3A_20 = arith.constant 0 : i32
    %sign3A_21 = arith.cmpi sgt, %jit3A, %sign3A_20 : i32
    %sign3A_22 = arith.extui %sign3A_21 : i1 to i32
    %sign3A_23 = arith.constant 0 : i32
    %sign3A_24 = arith.cmpi slt, %jit3A, %sign3A_23 : i32
    %sign3A_25 = arith.extui %sign3A_24 : i1 to i32
    %sign3A_26 = arith.subi %sign3A_22, %sign3A_25 : i32
    %ne3A = arith.cmpi ne, %sign3A_19, %sign3A_26 : i32
    %rem3A = arith.remsi %mul3A_13, %jit3A : i32
    %ne3A_27 = arith.constant 0 : i32
    %ne3A_28 = arith.cmpi ne, %rem3A, %ne3A_27 : i32
    %and3A = arith.andi %ne3A, %ne3A_28 : i1
    %sub3A = arith.constant 1 : i32
    %sub3A_29 = arith.subi %div3A, %sub3A : i32
    %select_n3A = arith.select %and3A, %sub3A_29, %div3A : i32
    %add3A = arith.constant 1 : i32
    %add3A_30 = arith.addi %arg1, %add3A : i32
    %mul3A_31 = arith.constant 50 : i32
    %mul3A_32 = arith.muli %add3A_30, %mul3A_31 : i32
    %jit3A_33 = arith.constant 16 : i32
    %div3A_34 = arith.divsi %mul3A_32, %jit3A_33 : i32
    %sign3A_35 = arith.constant 0 : i32
    %sign3A_36 = arith.cmpi sgt, %mul3A_32, %sign3A_35 : i32
    %sign3A_37 = arith.extui %sign3A_36 : i1 to i32
    %sign3A_38 = arith.constant 0 : i32
    %sign3A_39 = arith.cmpi slt, %mul3A_32, %sign3A_38 : i32
    %sign3A_40 = arith.extui %sign3A_39 : i1 to i32
    %sign3A_41 = arith.subi %sign3A_37, %sign3A_40 : i32
    %sign3A_42 = arith.constant 0 : i32
    %sign3A_43 = arith.cmpi sgt, %jit3A_33, %sign3A_42 : i32
    %sign3A_44 = arith.extui %sign3A_43 : i1 to i32
    %sign3A_45 = arith.constant 0 : i32
    %sign3A_46 = arith.cmpi slt, %jit3A_33, %sign3A_45 : i32
    %sign3A_47 = arith.extui %sign3A_46 : i1 to i32
    %sign3A_48 = arith.subi %sign3A_44, %sign3A_47 : i32
    %ne3A_49 = arith.cmpi ne, %sign3A_41, %sign3A_48 : i32
    %rem3A_50 = arith.remsi %mul3A_32, %jit3A_33 : i32
    %ne3A_51 = arith.constant 0 : i32
    %ne3A_52 = arith.cmpi ne, %rem3A_50, %ne3A_51 : i32
    %and3A_53 = arith.andi %ne3A_49, %ne3A_52 : i1
    %sub3A_54 = arith.constant 1 : i32
    %sub3A_55 = arith.subi %div3A_34, %sub3A_54 : i32
    %select_n3A_56 = arith.select %and3A_53, %sub3A_55, %div3A_34 : i32
    %while3A = arith.constant 0 : i32
    %while3A_57 = arith.subi %select_n3A_56, %select_n3A : i32
    %while3A_58 = arith.addi %select_n3A, %while3A_57 : i32
    %while3A_59 = arith.constant 1 : i32
    %while3A_60 = arith.divsi %while3A_57, %while3A_59 : i32
    %while3A_61 = arith.muli %while3A_60, %while3A_59 : i32
    %while3A_62 = arith.addi %select_n3A, %while3A_61 : i32
    %while3A_63 = arith.constant 1 : i32
    %while3A_64 = scf.for %while3A_361 = %select_n3A to %while3A_62 step %while3A_63 iter_args(%while3A_362 = %while3A) -> (i32)  : i32 {
      %mul3A_363 = arith.constant 2048 : i32
      %mul3A_364 = arith.muli %while3A_361, %mul3A_363 : i32
      %dma_start3A_365 = tpu.memref_slice %arg12[%mul3A_364] : memref<102400xf32, #tpu.memory_space<vmem_shared>> -> memref<2048xf32, #tpu.memory_space<vmem_shared>>
      %dma_start3A_366 = tpu.memref_slice %arg12[%mul3A_364] : memref<102400xf32, #tpu.memory_space<vmem_shared>> -> memref<2048xf32, #tpu.memory_space<vmem_shared>>
      tpu.enqueue_dma source(%arg8 : memref<2048xf32, #tpu.memory_space<vmem>>) target(%dma_start3A_366 : memref<2048xf32, #tpu.memory_space<vmem_shared>>) target_semaphore(%arg16 : memref<!tpu.dma_semaphore, #tpu.memory_space<semaphore_mem>>)
      %while3A_367 = arith.constant 0 : i32
      scf.yield %while3A_367 : i32
    }
    %while3A_65 = arith.constant 1 : i32
    %while3A_66 = scf.for %while3A_361 = %while3A_62 to %while3A_58 step %while3A_65 iter_args(%while3A_362 = %while3A_64) -> (i32)  : i32 {
      %mul3A_363 = arith.constant 2048 : i32
      %mul3A_364 = arith.muli %while3A_361, %mul3A_363 : i32
      %dma_start3A_365 = tpu.memref_slice %arg12[%mul3A_364] : memref<102400xf32, #tpu.memory_space<vmem_shared>> -> memref<2048xf32, #tpu.memory_space<vmem_shared>>
      %dma_start3A_366 = tpu.memref_slice %arg12[%mul3A_364] : memref<102400xf32, #tpu.memory_space<vmem_shared>> -> memref<2048xf32, #tpu.memory_space<vmem_shared>>
      tpu.enqueue_dma source(%arg8 : memref<2048xf32, #tpu.memory_space<vmem>>) target(%dma_start3A_366 : memref<2048xf32, #tpu.memory_space<vmem_shared>>) target_semaphore(%arg16 : memref<!tpu.dma_semaphore, #tpu.memory_space<semaphore_mem>>)
      %while3A_367 = arith.constant 0 : i32
      scf.yield %while3A_367 : i32
    }
    %mul3A_67 = arith.constant 50 : i32
    %mul3A_68 = arith.muli %arg1, %mul3A_67 : i32
    %jit3A_69 = arith.constant 16 : i32
    %div3A_70 = arith.divsi %mul3A_68, %jit3A_69 : i32
    %sign3A_71 = arith.constant 0 : i32
    %sign3A_72 = arith.cmpi sgt, %mul3A_68, %sign3A_71 : i32
    %sign3A_73 = arith.extui %sign3A_72 : i1 to i32
    %sign3A_74 = arith.constant 0 : i32
    %sign3A_75 = arith.cmpi slt, %mul3A_68, %sign3A_74 : i32
    %sign3A_76 = arith.extui %sign3A_75 : i1 to i32
    %sign3A_77 = arith.subi %sign3A_73, %sign3A_76 : i32
    %sign3A_78 = arith.constant 0 : i32
    %sign3A_79 = arith.cmpi sgt, %jit3A_69, %sign3A_78 : i32
    %sign3A_80 = arith.extui %sign3A_79 : i1 to i32
    %sign3A_81 = arith.constant 0 : i32
    %sign3A_82 = arith.cmpi slt, %jit3A_69, %sign3A_81 : i32
    %sign3A_83 = arith.extui %sign3A_82 : i1 to i32
    %sign3A_84 = arith.subi %sign3A_80, %sign3A_83 : i32
    %ne3A_85 = arith.cmpi ne, %sign3A_77, %sign3A_84 : i32
    %rem3A_86 = arith.remsi %mul3A_68, %jit3A_69 : i32
    %ne3A_87 = arith.constant 0 : i32
    %ne3A_88 = arith.cmpi ne, %rem3A_86, %ne3A_87 : i32
    %and3A_89 = arith.andi %ne3A_85, %ne3A_88 : i1
    %sub3A_90 = arith.constant 1 : i32
    %sub3A_91 = arith.subi %div3A_70, %sub3A_90 : i32
    %select_n3A_92 = arith.select %and3A_89, %sub3A_91, %div3A_70 : i32
    %add3A_93 = arith.constant 1 : i32
    %add3A_94 = arith.addi %arg1, %add3A_93 : i32
    %mul3A_95 = arith.constant 50 : i32
    %mul3A_96 = arith.muli %add3A_94, %mul3A_95 : i32
    %jit3A_97 = arith.constant 16 : i32
    %div3A_98 = arith.divsi %mul3A_96, %jit3A_97 : i32
    %sign3A_99 = arith.constant 0 : i32
    %sign3A_100 = arith.cmpi sgt, %mul3A_96, %sign3A_99 : i32
    %sign3A_101 = arith.extui %sign3A_100 : i1 to i32
    %sign3A_102 = arith.constant 0 : i32
    %sign3A_103 = arith.cmpi slt, %mul3A_96, %sign3A_102 : i32
    %sign3A_104 = arith.extui %sign3A_103 : i1 to i32
    %sign3A_105 = arith.subi %sign3A_101, %sign3A_104 : i32
    %sign3A_106 = arith.constant 0 : i32
    %sign3A_107 = arith.cmpi sgt, %jit3A_97, %sign3A_106 : i32
    %sign3A_108 = arith.extui %sign3A_107 : i1 to i32
    %sign3A_109 = arith.constant 0 : i32
    %sign3A_110 = arith.cmpi slt, %jit3A_97, %sign3A_109 : i32
    %sign3A_111 = arith.extui %sign3A_110 : i1 to i32
    %sign3A_112 = arith.subi %sign3A_108, %sign3A_111 : i32
    %ne3A_113 = arith.cmpi ne, %sign3A_105, %sign3A_112 : i32
    %rem3A_114 = arith.remsi %mul3A_96, %jit3A_97 : i32
    %ne3A_115 = arith.constant 0 : i32
    %ne3A_116 = arith.cmpi ne, %rem3A_114, %ne3A_115 : i32
    %and3A_117 = arith.andi %ne3A_113, %ne3A_116 : i1
    %sub3A_118 = arith.constant 1 : i32
    %sub3A_119 = arith.subi %div3A_98, %sub3A_118 : i32
    %select_n3A_120 = arith.select %and3A_117, %sub3A_119, %div3A_98 : i32
    %while3A_121 = arith.constant 0 : i32
    %while3A_122 = arith.subi %select_n3A_120, %select_n3A_92 : i32
    %while3A_123 = arith.addi %select_n3A_92, %while3A_122 : i32
    %while3A_124 = arith.constant 1 : i32
    %while3A_125 = arith.divsi %while3A_122, %while3A_124 : i32
    %while3A_126 = arith.muli %while3A_125, %while3A_124 : i32
    %while3A_127 = arith.addi %select_n3A_92, %while3A_126 : i32
    %while3A_128 = arith.constant 1 : i32
    %while3A_129 = scf.for %while3A_361 = %select_n3A_92 to %while3A_127 step %while3A_128 iter_args(%while3A_362 = %while3A_121) -> (i32)  : i32 {
      %dma_wait3A_363 = arith.constant 0 : i32
      %dma_wait3A_364 = tpu.memref_slice %arg12[%dma_wait3A_363] : memref<102400xf32, #tpu.memory_space<vmem_shared>> -> memref<2048xf32, #tpu.memory_space<vmem_shared>>
      %dma_wait3A_365 = arith.constant 0 : i32
      %dma_wait3A_366 = tpu.memref_slice %arg12[%dma_wait3A_365] : memref<102400xf32, #tpu.memory_space<vmem_shared>> -> memref<2048xf32, #tpu.memory_space<vmem_shared>>
      tpu.wait_dma2 semaphore(%arg16 : memref<!tpu.dma_semaphore, #tpu.memory_space<semaphore_mem>>) src(%arg8 : memref<2048xf32, #tpu.memory_space<vmem>>) dst(%dma_wait3A_366 : memref<2048xf32, #tpu.memory_space<vmem_shared>>)
      %while3A_367 = arith.constant 0 : i32
      scf.yield %while3A_367 : i32
    }
    %while3A_130 = arith.constant 1 : i32
    %while3A_131 = scf.for %while3A_361 = %while3A_127 to %while3A_123 step %while3A_130 iter_args(%while3A_362 = %while3A_129) -> (i32)  : i32 {
      %dma_wait3A_363 = arith.constant 0 : i32
      %dma_wait3A_364 = tpu.memref_slice %arg12[%dma_wait3A_363] : memref<102400xf32, #tpu.memory_space<vmem_shared>> -> memref<2048xf32, #tpu.memory_space<vmem_shared>>
      %dma_wait3A_365 = arith.constant 0 : i32
      %dma_wait3A_366 = tpu.memref_slice %arg12[%dma_wait3A_365] : memref<102400xf32, #tpu.memory_space<vmem_shared>> -> memref<2048xf32, #tpu.memory_space<vmem_shared>>
      tpu.wait_dma2 semaphore(%arg16 : memref<!tpu.dma_semaphore, #tpu.memory_space<semaphore_mem>>) src(%arg8 : memref<2048xf32, #tpu.memory_space<vmem>>) dst(%dma_wait3A_366 : memref<2048xf32, #tpu.memory_space<vmem_shared>>)
      %while3A_367 = arith.constant 0 : i32
      scf.yield %while3A_367 : i32
    }
    %barrier3A = arith.constant 0 : index
    tpu.barrier barrier_id(%barrier3A)
    %mul3A_132 = arith.constant 784 : i32
    %mul3A_133 = arith.muli %arg1, %mul3A_132 : i32
    %dma_start3A = arith.constant 0 : i32
    %dma_start3A_134 = arith.constant 0 : i32
    %dma_start3A_135 = arith.constant 0 : i32
    %dma_start3A_136 = tpu.memref_slice %arg6[%dma_start3A, %dma_start3A_134, %dma_start3A_135] : memref<2x14x128xi32, #tpu.memory_space<vmem>> -> memref<1x14x128xi32, #tpu.memory_space<vmem>>
    %dma_start3A_137 = tpu.memref_squeeze %dma_start3A_136 : memref<1x14x128xi32, #tpu.memory_space<vmem>> -> memref<14x128xi32, #tpu.memory_space<vmem>>
    %dma_start3A_138 = arith.constant 0 : i32
    %dma_start3A_139 = tpu.memref_slice %arg2[%mul3A_133, %dma_start3A_138] : memref<12544x128xi32, #tpu.memory_space<hbm>> -> memref<14x128xi32, #tpu.memory_space<hbm>>
    %dma_start3A_140 = arith.constant 0 : i32
    %dma_start3A_141 = arith.constant 0 : i32
    %dma_start3A_142 = tpu.memref_slice %arg6[%dma_start3A, %dma_start3A_140, %dma_start3A_141] : memref<2x14x128xi32, #tpu.memory_space<vmem>> -> memref<1x14x128xi32, #tpu.memory_space<vmem>>
    %dma_start3A_143 = tpu.memref_squeeze %dma_start3A_142 : memref<1x14x128xi32, #tpu.memory_space<vmem>> -> memref<14x128xi32, #tpu.memory_space<vmem>>
    %dma_start3A_144 = arith.constant 0 : i32
    %dma_start3A_145 = tpu.memref_slice %arg2[%mul3A_133, %dma_start3A_144] : memref<12544x128xi32, #tpu.memory_space<hbm>> -> memref<14x128xi32, #tpu.memory_space<hbm>>
    tpu.enqueue_dma source(%dma_start3A_145 : memref<14x128xi32, #tpu.memory_space<hbm>>) target(%dma_start3A_143 : memref<14x128xi32, #tpu.memory_space<vmem>>) target_semaphore(%arg13 : memref<!tpu.dma_semaphore, #tpu.memory_space<semaphore_mem>>)
    %scan3A_146 = arith.constant 0 : i32
    %scan3A_147 = arith.constant 0 : i32
    %scan3A_148 = arith.constant 28 : i32
    %scan3A_149 = arith.addi %scan3A_147, %scan3A_148 : i32
    %scan3A_150 = arith.constant 1 : i32
    %scan3A_151 = scf.for %scan3A_361 = %scan3A_147 to %scan3A_149 step %scan3A_150 iter_args(%scan3A_362 = %scan3A_146) -> (i32)  : i32 {
      %mul3A_363 = arith.constant 2 : i32
      %mul3A_364 = arith.muli %mul3A_363, %scan3A_361 : i32
      %dma_wait3A_365 = arith.constant 0 : i32
      %dma_wait3A_366 = arith.constant 0 : i32
      %dma_wait3A_367 = arith.constant 0 : i32
      %dma_wait3A_368 = tpu.memref_slice %arg6[%dma_wait3A_365, %dma_wait3A_366, %dma_wait3A_367] : memref<2x14x128xi32, #tpu.memory_space<vmem>> -> memref<1x14x128xi32, #tpu.memory_space<vmem>>
      %dma_wait3A_369 = tpu.memref_squeeze %dma_wait3A_368 : memref<1x14x128xi32, #tpu.memory_space<vmem>> -> memref<14x128xi32, #tpu.memory_space<vmem>>
      %dma_wait3A_370 = arith.constant 0 : i32
      %dma_wait3A_371 = arith.constant 0 : i32
      %dma_wait3A_372 = tpu.memref_slice %arg2[%dma_wait3A_370, %dma_wait3A_371] : memref<12544x128xi32, #tpu.memory_space<hbm>> -> memref<14x128xi32, #tpu.memory_space<hbm>>
      %dma_wait3A_373 = arith.constant 0 : i32
      %dma_wait3A_374 = arith.constant 0 : i32
      %dma_wait3A_375 = tpu.memref_slice %arg6[%dma_wait3A_365, %dma_wait3A_373, %dma_wait3A_374] : memref<2x14x128xi32, #tpu.memory_space<vmem>> -> memref<1x14x128xi32, #tpu.memory_space<vmem>>
      %dma_wait3A_376 = tpu.memref_squeeze %dma_wait3A_375 : memref<1x14x128xi32, #tpu.memory_space<vmem>> -> memref<14x128xi32, #tpu.memory_space<vmem>>
      %dma_wait3A_377 = arith.constant 0 : i32
      %dma_wait3A_378 = arith.constant 0 : i32
      %dma_wait3A_379 = tpu.memref_slice %arg2[%dma_wait3A_377, %dma_wait3A_378] : memref<12544x128xi32, #tpu.memory_space<hbm>> -> memref<14x128xi32, #tpu.memory_space<hbm>>
      tpu.wait_dma2 semaphore(%arg13 : memref<!tpu.dma_semaphore, #tpu.memory_space<semaphore_mem>>) src(%dma_wait3A_379 : memref<14x128xi32, #tpu.memory_space<hbm>>) dst(%dma_wait3A_376 : memref<14x128xi32, #tpu.memory_space<vmem>>)
      %add3A_380 = arith.constant 1 : i32
      %add3A_381 = arith.addi %mul3A_364, %add3A_380 : i32
      %lt3A = arith.constant 56 : i32
      %lt3A_382 = arith.cmpi slt, %add3A_381, %lt3A : i32
      %convert_element_type3A = arith.extui %lt3A_382 : i1 to i32
      %cond3A = arith.constant 0 : i32
      %cond3A_383 = arith.cmpi ne, %convert_element_type3A, %cond3A : i32
      scf.if %cond3A_383 {
        %add3A_616 = arith.constant 1 : i32
        %add3A_617 = arith.addi %mul3A_364, %add3A_616 : i32
        %mul3A_618 = arith.constant 14 : i32
        %mul3A_619 = arith.muli %add3A_617, %mul3A_618 : i32
        %add3A_620 = arith.addi %mul3A_133, %mul3A_619 : i32
        %dma_start3A_621 = arith.constant 1 : i32
        %dma_start3A_622 = arith.constant 0 : i32
        %dma_start3A_623 = arith.constant 0 : i32
        %dma_start3A_624 = tpu.memref_slice %arg6[%dma_start3A_621, %dma_start3A_622, %dma_start3A_623] : memref<2x14x128xi32, #tpu.memory_space<vmem>> -> memref<1x14x128xi32, #tpu.memory_space<vmem>>
        %dma_start3A_625 = tpu.memref_squeeze %dma_start3A_624 : memref<1x14x128xi32, #tpu.memory_space<vmem>> -> memref<14x128xi32, #tpu.memory_space<vmem>>
        %dma_start3A_626 = arith.constant 0 : i32
        %dma_start3A_627 = tpu.memref_slice %arg2[%add3A_620, %dma_start3A_626] : memref<12544x128xi32, #tpu.memory_space<hbm>> -> memref<14x128xi32, #tpu.memory_space<hbm>>
        %dma_start3A_628 = arith.constant 0 : i32
        %dma_start3A_629 = arith.constant 0 : i32
        %dma_start3A_630 = tpu.memref_slice %arg6[%dma_start3A_621, %dma_start3A_628, %dma_start3A_629] : memref<2x14x128xi32, #tpu.memory_space<vmem>> -> memref<1x14x128xi32, #tpu.memory_space<vmem>>
        %dma_start3A_631 = tpu.memref_squeeze %dma_start3A_630 : memref<1x14x128xi32, #tpu.memory_space<vmem>> -> memref<14x128xi32, #tpu.memory_space<vmem>>
        %dma_start3A_632 = arith.constant 0 : i32
        %dma_start3A_633 = tpu.memref_slice %arg2[%add3A_620, %dma_start3A_632] : memref<12544x128xi32, #tpu.memory_space<hbm>> -> memref<14x128xi32, #tpu.memory_space<hbm>>
        tpu.enqueue_dma source(%dma_start3A_633 : memref<14x128xi32, #tpu.memory_space<hbm>>) target(%dma_start3A_631 : memref<14x128xi32, #tpu.memory_space<vmem>>) target_semaphore(%arg13 : memref<!tpu.dma_semaphore, #tpu.memory_space<semaphore_mem>>)
      } else {
      }
      %ge3A = arith.constant 2 : i32
      %ge3A_384 = arith.cmpi sge, %mul3A_364, %ge3A : i32
      %convert_element_type3A_385 = arith.extui %ge3A_384 : i1 to i32
      %cond3A_386 = arith.constant 0 : i32
      %cond3A_387 = arith.cmpi ne, %convert_element_type3A_385, %cond3A_386 : i32
      scf.if %cond3A_387 {
        %dma_wait3A_616 = arith.constant 0 : i32
        %dma_wait3A_617 = arith.constant 0 : i32
        %dma_wait3A_618 = arith.constant 0 : i32
        %dma_wait3A_619 = tpu.memref_slice %arg6[%dma_wait3A_616, %dma_wait3A_617, %dma_wait3A_618] : memref<2x14x128xi32, #tpu.memory_space<vmem>> -> memref<1x1x128xi32, #tpu.memory_space<vmem>>
        %dma_wait3A_620 = tpu.memref_squeeze %dma_wait3A_619 : memref<1x1x128xi32, #tpu.memory_space<vmem>> -> memref<128xi32, #tpu.memory_space<vmem>>
        %dma_wait3A_621 = arith.constant 0 : i32
        %dma_wait3A_622 = tpu.memref_slice %arg12[%dma_wait3A_621] : memref<102400xf32, #tpu.memory_space<vmem_shared>> -> memref<102400xf32, #tpu.memory_space<vmem_shared>>
        tpu.wait_indirect_dma semaphore(%arg14 : memref<!tpu.dma_semaphore, #tpu.memory_space<semaphore_mem>>) src(%arg7 : memref<128xf32, #tpu.memory_space<vmem>>) dst(%dma_wait3A_622 : memref<102400xf32, #tpu.memory_space<vmem_shared>>)
        %dma_wait3A_623 = arith.constant 0 : i32
        %dma_wait3A_624 = arith.constant 1 : i32
        %dma_wait3A_625 = arith.constant 0 : i32
        %dma_wait3A_626 = tpu.memref_slice %arg6[%dma_wait3A_623, %dma_wait3A_624, %dma_wait3A_625] : memref<2x14x128xi32, #tpu.memory_space<vmem>> -> memref<1x1x128xi32, #tpu.memory_space<vmem>>
        %dma_wait3A_627 = tpu.memref_squeeze %dma_wait3A_626 : memref<1x1x128xi32, #tpu.memory_space<vmem>> -> memref<128xi32, #tpu.memory_space<vmem>>
        %dma_wait3A_628 = arith.constant 0 : i32
        %dma_wait3A_629 = tpu.memref_slice %arg12[%dma_wait3A_628] : memref<102400xf32, #tpu.memory_space<vmem_shared>> -> memref<102400xf32, #tpu.memory_space<vmem_shared>>
        tpu.wait_indirect_dma semaphore(%arg14 : memref<!tpu.dma_semaphore, #tpu.memory_space<semaphore_mem>>) src(%arg7 : memref<128xf32, #tpu.memory_space<vmem>>) dst(%dma_wait3A_629 : memref<102400xf32, #tpu.memory_space<vmem_shared>>)
        %dma_wait3A_630 = arith.constant 0 : i32
        %dma_wait3A_631 = arith.constant 2 : i32
        %dma_wait3A_632 = arith.constant 0 : i32
        %dma_wait3A_633 = tpu.memref_slice %arg6[%dma_wait3A_630, %dma_wait3A_631, %dma_wait3A_632] : memref<2x14x128xi32, #tpu.memory_space<vmem>> -> memref<1x1x128xi32, #tpu.memory_space<vmem>>
        %dma_wait3A_634 = tpu.memref_squeeze %dma_wait3A_633 : memref<1x1x128xi32, #tpu.memory_space<vmem>> -> memref<128xi32, #tpu.memory_space<vmem>>
        %dma_wait3A_635 = arith.constant 0 : i32
        %dma_wait3A_636 = tpu.memref_slice %arg12[%dma_wait3A_635] : memref<102400xf32, #tpu.memory_space<vmem_shared>> -> memref<102400xf32, #tpu.memory_space<vmem_shared>>
        tpu.wait_indirect_dma semaphore(%arg14 : memref<!tpu.dma_semaphore, #tpu.memory_space<semaphore_mem>>) src(%arg7 : memref<128xf32, #tpu.memory_space<vmem>>) dst(%dma_wait3A_636 : memref<102400xf32, #tpu.memory_space<vmem_shared>>)
        %dma_wait3A_637 = arith.constant 0 : i32
        %dma_wait3A_638 = arith.constant 3 : i32
        %dma_wait3A_639 = arith.constant 0 : i32
        %dma_wait3A_640 = tpu.memref_slice %arg6[%dma_wait3A_637, %dma_wait3A_638, %dma_wait3A_639] : memref<2x14x128xi32, #tpu.memory_space<vmem>> -> memref<1x1x128xi32, #tpu.memory_space<vmem>>
        %dma_wait3A_641 = tpu.memref_squeeze %dma_wait3A_640 : memref<1x1x128xi32, #tpu.memory_space<vmem>> -> memref<128xi32, #tpu.memory_space<vmem>>
        %dma_wait3A_642 = arith.constant 0 : i32
        %dma_wait3A_643 = tpu.memref_slice %arg12[%dma_wait3A_642] : memref<102400xf32, #tpu.memory_space<vmem_shared>> -> memref<102400xf32, #tpu.memory_space<vmem_shared>>
        tpu.wait_indirect_dma semaphore(%arg14 : memref<!tpu.dma_semaphore, #tpu.memory_space<semaphore_mem>>) src(%arg7 : memref<128xf32, #tpu.memory_space<vmem>>) dst(%dma_wait3A_643 : memref<102400xf32, #tpu.memory_space<vmem_shared>>)
        %dma_wait3A_644 = arith.constant 0 : i32
        %dma_wait3A_645 = arith.constant 4 : i32
        %dma_wait3A_646 = arith.constant 0 : i32
        %dma_wait3A_647 = tpu.memref_slice %arg6[%dma_wait3A_644, %dma_wait3A_645, %dma_wait3A_646] : memref<2x14x128xi32, #tpu.memory_space<vmem>> -> memref<1x1x128xi32, #tpu.memory_space<vmem>>
        %dma_wait3A_648 = tpu.memref_squeeze %dma_wait3A_647 : memref<1x1x128xi32, #tpu.memory_space<vmem>> -> memref<128xi32, #tpu.memory_space<vmem>>
        %dma_wait3A_649 = arith.constant 0 : i32
        %dma_wait3A_650 = tpu.memref_slice %arg12[%dma_wait3A_649] : memref<102400xf32, #tpu.memory_space<vmem_shared>> -> memref<102400xf32, #tpu.memory_space<vmem_shared>>
        tpu.wait_indirect_dma semaphore(%arg14 : memref<!tpu.dma_semaphore, #tpu.memory_space<semaphore_mem>>) src(%arg7 : memref<128xf32, #tpu.memory_space<vmem>>) dst(%dma_wait3A_650 : memref<102400xf32, #tpu.memory_space<vmem_shared>>)
        %dma_wait3A_651 = arith.constant 0 : i32
        %dma_wait3A_652 = arith.constant 5 : i32
        %dma_wait3A_653 = arith.constant 0 : i32
        %dma_wait3A_654 = tpu.memref_slice %arg6[%dma_wait3A_651, %dma_wait3A_652, %dma_wait3A_653] : memref<2x14x128xi32, #tpu.memory_space<vmem>> -> memref<1x1x128xi32, #tpu.memory_space<vmem>>
        %dma_wait3A_655 = tpu.memref_squeeze %dma_wait3A_654 : memref<1x1x128xi32, #tpu.memory_space<vmem>> -> memref<128xi32, #tpu.memory_space<vmem>>
        %dma_wait3A_656 = arith.constant 0 : i32
        %dma_wait3A_657 = tpu.memref_slice %arg12[%dma_wait3A_656] : memref<102400xf32, #tpu.memory_space<vmem_shared>> -> memref<102400xf32, #tpu.memory_space<vmem_shared>>
        tpu.wait_indirect_dma semaphore(%arg14 : memref<!tpu.dma_semaphore, #tpu.memory_space<semaphore_mem>>) src(%arg7 : memref<128xf32, #tpu.memory_space<vmem>>) dst(%dma_wait3A_657 : memref<102400xf32, #tpu.memory_space<vmem_shared>>)
        %dma_wait3A_658 = arith.constant 0 : i32
        %dma_wait3A_659 = arith.constant 6 : i32
        %dma_wait3A_660 = arith.constant 0 : i32
        %dma_wait3A_661 = tpu.memref_slice %arg6[%dma_wait3A_658, %dma_wait3A_659, %dma_wait3A_660] : memref<2x14x128xi32, #tpu.memory_space<vmem>> -> memref<1x1x128xi32, #tpu.memory_space<vmem>>
        %dma_wait3A_662 = tpu.memref_squeeze %dma_wait3A_661 : memref<1x1x128xi32, #tpu.memory_space<vmem>> -> memref<128xi32, #tpu.memory_space<vmem>>
        %dma_wait3A_663 = arith.constant 0 : i32
        %dma_wait3A_664 = tpu.memref_slice %arg12[%dma_wait3A_663] : memref<102400xf32, #tpu.memory_space<vmem_shared>> -> memref<102400xf32, #tpu.memory_space<vmem_shared>>
        tpu.wait_indirect_dma semaphore(%arg14 : memref<!tpu.dma_semaphore, #tpu.memory_space<semaphore_mem>>) src(%arg7 : memref<128xf32, #tpu.memory_space<vmem>>) dst(%dma_wait3A_664 : memref<102400xf32, #tpu.memory_space<vmem_shared>>)
        %dma_wait3A_665 = arith.constant 0 : i32
        %dma_wait3A_666 = arith.constant 7 : i32
        %dma_wait3A_667 = arith.constant 0 : i32
        %dma_wait3A_668 = tpu.memref_slice %arg6[%dma_wait3A_665, %dma_wait3A_666, %dma_wait3A_667] : memref<2x14x128xi32, #tpu.memory_space<vmem>> -> memref<1x1x128xi32, #tpu.memory_space<vmem>>
        %dma_wait3A_669 = tpu.memref_squeeze %dma_wait3A_668 : memref<1x1x128xi32, #tpu.memory_space<vmem>> -> memref<128xi32, #tpu.memory_space<vmem>>
        %dma_wait3A_670 = arith.constant 0 : i32
        %dma_wait3A_671 = tpu.memref_slice %arg12[%dma_wait3A_670] : memref<102400xf32, #tpu.memory_space<vmem_shared>> -> memref<102400xf32, #tpu.memory_space<vmem_shared>>
        tpu.wait_indirect_dma semaphore(%arg14 : memref<!tpu.dma_semaphore, #tpu.memory_space<semaphore_mem>>) src(%arg7 : memref<128xf32, #tpu.memory_space<vmem>>) dst(%dma_wait3A_671 : memref<102400xf32, #tpu.memory_space<vmem_shared>>)
        %dma_wait3A_672 = arith.constant 0 : i32
        %dma_wait3A_673 = arith.constant 8 : i32
        %dma_wait3A_674 = arith.constant 0 : i32
        %dma_wait3A_675 = tpu.memref_slice %arg6[%dma_wait3A_672, %dma_wait3A_673, %dma_wait3A_674] : memref<2x14x128xi32, #tpu.memory_space<vmem>> -> memref<1x1x128xi32, #tpu.memory_space<vmem>>
        %dma_wait3A_676 = tpu.memref_squeeze %dma_wait3A_675 : memref<1x1x128xi32, #tpu.memory_space<vmem>> -> memref<128xi32, #tpu.memory_space<vmem>>
        %dma_wait3A_677 = arith.constant 0 : i32
        %dma_wait3A_678 = tpu.memref_slice %arg12[%dma_wait3A_677] : memref<102400xf32, #tpu.memory_space<vmem_shared>> -> memref<102400xf32, #tpu.memory_space<vmem_shared>>
        tpu.wait_indirect_dma semaphore(%arg14 : memref<!tpu.dma_semaphore, #tpu.memory_space<semaphore_mem>>) src(%arg7 : memref<128xf32, #tpu.memory_space<vmem>>) dst(%dma_wait3A_678 : memref<102400xf32, #tpu.memory_space<vmem_shared>>)
        %dma_wait3A_679 = arith.constant 0 : i32
        %dma_wait3A_680 = arith.constant 9 : i32
        %dma_wait3A_681 = arith.constant 0 : i32
        %dma_wait3A_682 = tpu.memref_slice %arg6[%dma_wait3A_679, %dma_wait3A_680, %dma_wait3A_681] : memref<2x14x128xi32, #tpu.memory_space<vmem>> -> memref<1x1x128xi32, #tpu.memory_space<vmem>>
        %dma_wait3A_683 = tpu.memref_squeeze %dma_wait3A_682 : memref<1x1x128xi32, #tpu.memory_space<vmem>> -> memref<128xi32, #tpu.memory_space<vmem>>
        %dma_wait3A_684 = arith.constant 0 : i32
        %dma_wait3A_685 = tpu.memref_slice %arg12[%dma_wait3A_684] : memref<102400xf32, #tpu.memory_space<vmem_shared>> -> memref<102400xf32, #tpu.memory_space<vmem_shared>>
        tpu.wait_indirect_dma semaphore(%arg14 : memref<!tpu.dma_semaphore, #tpu.memory_space<semaphore_mem>>) src(%arg7 : memref<128xf32, #tpu.memory_space<vmem>>) dst(%dma_wait3A_685 : memref<102400xf32, #tpu.memory_space<vmem_shared>>)
        %dma_wait3A_686 = arith.constant 0 : i32
        %dma_wait3A_687 = arith.constant 10 : i32
        %dma_wait3A_688 = arith.constant 0 : i32
        %dma_wait3A_689 = tpu.memref_slice %arg6[%dma_wait3A_686, %dma_wait3A_687, %dma_wait3A_688] : memref<2x14x128xi32, #tpu.memory_space<vmem>> -> memref<1x1x128xi32, #tpu.memory_space<vmem>>
        %dma_wait3A_690 = tpu.memref_squeeze %dma_wait3A_689 : memref<1x1x128xi32, #tpu.memory_space<vmem>> -> memref<128xi32, #tpu.memory_space<vmem>>
        %dma_wait3A_691 = arith.constant 0 : i32
        %dma_wait3A_692 = tpu.memref_slice %arg12[%dma_wait3A_691] : memref<102400xf32, #tpu.memory_space<vmem_shared>> -> memref<102400xf32, #tpu.memory_space<vmem_shared>>
        tpu.wait_indirect_dma semaphore(%arg14 : memref<!tpu.dma_semaphore, #tpu.memory_space<semaphore_mem>>) src(%arg7 : memref<128xf32, #tpu.memory_space<vmem>>) dst(%dma_wait3A_692 : memref<102400xf32, #tpu.memory_space<vmem_shared>>)
        %dma_wait3A_693 = arith.constant 0 : i32
        %dma_wait3A_694 = arith.constant 11 : i32
        %dma_wait3A_695 = arith.constant 0 : i32
        %dma_wait3A_696 = tpu.memref_slice %arg6[%dma_wait3A_693, %dma_wait3A_694, %dma_wait3A_695] : memref<2x14x128xi32, #tpu.memory_space<vmem>> -> memref<1x1x128xi32, #tpu.memory_space<vmem>>
        %dma_wait3A_697 = tpu.memref_squeeze %dma_wait3A_696 : memref<1x1x128xi32, #tpu.memory_space<vmem>> -> memref<128xi32, #tpu.memory_space<vmem>>
        %dma_wait3A_698 = arith.constant 0 : i32
        %dma_wait3A_699 = tpu.memref_slice %arg12[%dma_wait3A_698] : memref<102400xf32, #tpu.memory_space<vmem_shared>> -> memref<102400xf32, #tpu.memory_space<vmem_shared>>
        tpu.wait_indirect_dma semaphore(%arg14 : memref<!tpu.dma_semaphore, #tpu.memory_space<semaphore_mem>>) src(%arg7 : memref<128xf32, #tpu.memory_space<vmem>>) dst(%dma_wait3A_699 : memref<102400xf32, #tpu.memory_space<vmem_shared>>)
        %dma_wait3A_700 = arith.constant 0 : i32
        %dma_wait3A_701 = arith.constant 12 : i32
        %dma_wait3A_702 = arith.constant 0 : i32
        %dma_wait3A_703 = tpu.memref_slice %arg6[%dma_wait3A_700, %dma_wait3A_701, %dma_wait3A_702] : memref<2x14x128xi32, #tpu.memory_space<vmem>> -> memref<1x1x128xi32, #tpu.memory_space<vmem>>
        %dma_wait3A_704 = tpu.memref_squeeze %dma_wait3A_703 : memref<1x1x128xi32, #tpu.memory_space<vmem>> -> memref<128xi32, #tpu.memory_space<vmem>>
        %dma_wait3A_705 = arith.constant 0 : i32
        %dma_wait3A_706 = tpu.memref_slice %arg12[%dma_wait3A_705] : memref<102400xf32, #tpu.memory_space<vmem_shared>> -> memref<102400xf32, #tpu.memory_space<vmem_shared>>
        tpu.wait_indirect_dma semaphore(%arg14 : memref<!tpu.dma_semaphore, #tpu.memory_space<semaphore_mem>>) src(%arg7 : memref<128xf32, #tpu.memory_space<vmem>>) dst(%dma_wait3A_706 : memref<102400xf32, #tpu.memory_space<vmem_shared>>)
        %dma_wait3A_707 = arith.constant 0 : i32
        %dma_wait3A_708 = arith.constant 13 : i32
        %dma_wait3A_709 = arith.constant 0 : i32
        %dma_wait3A_710 = tpu.memref_slice %arg6[%dma_wait3A_707, %dma_wait3A_708, %dma_wait3A_709] : memref<2x14x128xi32, #tpu.memory_space<vmem>> -> memref<1x1x128xi32, #tpu.memory_space<vmem>>
        %dma_wait3A_711 = tpu.memref_squeeze %dma_wait3A_710 : memref<1x1x128xi32, #tpu.memory_space<vmem>> -> memref<128xi32, #tpu.memory_space<vmem>>
        %dma_wait3A_712 = arith.constant 0 : i32
        %dma_wait3A_713 = tpu.memref_slice %arg12[%dma_wait3A_712] : memref<102400xf32, #tpu.memory_space<vmem_shared>> -> memref<102400xf32, #tpu.memory_space<vmem_shared>>
        tpu.wait_indirect_dma semaphore(%arg14 : memref<!tpu.dma_semaphore, #tpu.memory_space<semaphore_mem>>) src(%arg7 : memref<128xf32, #tpu.memory_space<vmem>>) dst(%dma_wait3A_713 : memref<102400xf32, #tpu.memory_space<vmem_shared>>)
      } else {
      }
      %dma_start3A_388 = arith.constant 0 : i32
      %dma_start3A_389 = arith.constant 0 : i32
      %dma_start3A_390 = arith.constant 0 : i32
      %dma_start3A_391 = tpu.memref_slice %arg6[%dma_start3A_388, %dma_start3A_389, %dma_start3A_390] : memref<2x14x128xi32, #tpu.memory_space<vmem>> -> memref<1x1x128xi32, #tpu.memory_space<vmem>>
      %dma_start3A_392 = tpu.memref_squeeze %dma_start3A_391 : memref<1x1x128xi32, #tpu.memory_space<vmem>> -> memref<128xi32, #tpu.memory_space<vmem>>
      %dma_start3A_393 = arith.constant 0 : i32
      %dma_start3A_394 = tpu.memref_slice %arg12[%dma_start3A_393] : memref<102400xf32, #tpu.memory_space<vmem_shared>> -> memref<102400xf32, #tpu.memory_space<vmem_shared>>
      tpu.enqueue_indirect_dma source(%arg7 : memref<128xf32, #tpu.memory_space<vmem>>) target(%dma_start3A_394 : memref<102400xf32, #tpu.memory_space<vmem_shared>>) offsets(%dma_start3A_392 : memref<128xi32, #tpu.memory_space<vmem>>) semaphore(%arg14 : memref<!tpu.dma_semaphore, #tpu.memory_space<semaphore_mem>>) {add = true}
      %dma_start3A_395 = arith.constant 0 : i32
      %dma_start3A_396 = arith.constant 1 : i32
      %dma_start3A_397 = arith.constant 0 : i32
      %dma_start3A_398 = tpu.memref_slice %arg6[%dma_start3A_395, %dma_start3A_396, %dma_start3A_397] : memref<2x14x128xi32, #tpu.memory_space<vmem>> -> memref<1x1x128xi32, #tpu.memory_space<vmem>>
      %dma_start3A_399 = tpu.memref_squeeze %dma_start3A_398 : memref<1x1x128xi32, #tpu.memory_space<vmem>> -> memref<128xi32, #tpu.memory_space<vmem>>
      %dma_start3A_400 = arith.constant 0 : i32
      %dma_start3A_401 = tpu.memref_slice %arg12[%dma_start3A_400] : memref<102400xf32, #tpu.memory_space<vmem_shared>> -> memref<102400xf32, #tpu.memory_space<vmem_shared>>
      tpu.enqueue_indirect_dma source(%arg7 : memref<128xf32, #tpu.memory_space<vmem>>) target(%dma_start3A_401 : memref<102400xf32, #tpu.memory_space<vmem_shared>>) offsets(%dma_start3A_399 : memref<128xi32, #tpu.memory_space<vmem>>) semaphore(%arg14 : memref<!tpu.dma_semaphore, #tpu.memory_space<semaphore_mem>>) {add = true}
      %dma_start3A_402 = arith.constant 0 : i32
      %dma_start3A_403 = arith.constant 2 : i32
      %dma_start3A_404 = arith.constant 0 : i32
      %dma_start3A_405 = tpu.memref_slice %arg6[%dma_start3A_402, %dma_start3A_403, %dma_start3A_404] : memref<2x14x128xi32, #tpu.memory_space<vmem>> -> memref<1x1x128xi32, #tpu.memory_space<vmem>>
      %dma_start3A_406 = tpu.memref_squeeze %dma_start3A_405 : memref<1x1x128xi32, #tpu.memory_space<vmem>> -> memref<128xi32, #tpu.memory_space<vmem>>
      %dma_start3A_407 = arith.constant 0 : i32
      %dma_start3A_408 = tpu.memref_slice %arg12[%dma_start3A_407] : memref<102400xf32, #tpu.memory_space<vmem_shared>> -> memref<102400xf32, #tpu.memory_space<vmem_shared>>
      tpu.enqueue_indirect_dma source(%arg7 : memref<128xf32, #tpu.memory_space<vmem>>) target(%dma_start3A_408 : memref<102400xf32, #tpu.memory_space<vmem_shared>>) offsets(%dma_start3A_406 : memref<128xi32, #tpu.memory_space<vmem>>) semaphore(%arg14 : memref<!tpu.dma_semaphore, #tpu.memory_space<semaphore_mem>>) {add = true}
      %dma_start3A_409 = arith.constant 0 : i32
      %dma_start3A_410 = arith.constant 3 : i32
      %dma_start3A_411 = arith.constant 0 : i32
      %dma_start3A_412 = tpu.memref_slice %arg6[%dma_start3A_409, %dma_start3A_410, %dma_start3A_411] : memref<2x14x128xi32, #tpu.memory_space<vmem>> -> memref<1x1x128xi32, #tpu.memory_space<vmem>>
      %dma_start3A_413 = tpu.memref_squeeze %dma_start3A_412 : memref<1x1x128xi32, #tpu.memory_space<vmem>> -> memref<128xi32, #tpu.memory_space<vmem>>
      %dma_start3A_414 = arith.constant 0 : i32
      %dma_start3A_415 = tpu.memref_slice %arg12[%dma_start3A_414] : memref<102400xf32, #tpu.memory_space<vmem_shared>> -> memref<102400xf32, #tpu.memory_space<vmem_shared>>
      tpu.enqueue_indirect_dma source(%arg7 : memref<128xf32, #tpu.memory_space<vmem>>) target(%dma_start3A_415 : memref<102400xf32, #tpu.memory_space<vmem_shared>>) offsets(%dma_start3A_413 : memref<128xi32, #tpu.memory_space<vmem>>) semaphore(%arg14 : memref<!tpu.dma_semaphore, #tpu.memory_space<semaphore_mem>>) {add = true}
      %dma_start3A_416 = arith.constant 0 : i32
      %dma_start3A_417 = arith.constant 4 : i32
      %dma_start3A_418 = arith.constant 0 : i32
      %dma_start3A_419 = tpu.memref_slice %arg6[%dma_start3A_416, %dma_start3A_417, %dma_start3A_418] : memref<2x14x128xi32, #tpu.memory_space<vmem>> -> memref<1x1x128xi32, #tpu.memory_space<vmem>>
      %dma_start3A_420 = tpu.memref_squeeze %dma_start3A_419 : memref<1x1x128xi32, #tpu.memory_space<vmem>> -> memref<128xi32, #tpu.memory_space<vmem>>
      %dma_start3A_421 = arith.constant 0 : i32
      %dma_start3A_422 = tpu.memref_slice %arg12[%dma_start3A_421] : memref<102400xf32, #tpu.memory_space<vmem_shared>> -> memref<102400xf32, #tpu.memory_space<vmem_shared>>
      tpu.enqueue_indirect_dma source(%arg7 : memref<128xf32, #tpu.memory_space<vmem>>) target(%dma_start3A_422 : memref<102400xf32, #tpu.memory_space<vmem_shared>>) offsets(%dma_start3A_420 : memref<128xi32, #tpu.memory_space<vmem>>) semaphore(%arg14 : memref<!tpu.dma_semaphore, #tpu.memory_space<semaphore_mem>>) {add = true}
      %dma_start3A_423 = arith.constant 0 : i32
      %dma_start3A_424 = arith.constant 5 : i32
      %dma_start3A_425 = arith.constant 0 : i32
      %dma_start3A_426 = tpu.memref_slice %arg6[%dma_start3A_423, %dma_start3A_424, %dma_start3A_425] : memref<2x14x128xi32, #tpu.memory_space<vmem>> -> memref<1x1x128xi32, #tpu.memory_space<vmem>>
      %dma_start3A_427 = tpu.memref_squeeze %dma_start3A_426 : memref<1x1x128xi32, #tpu.memory_space<vmem>> -> memref<128xi32, #tpu.memory_space<vmem>>
      %dma_start3A_428 = arith.constant 0 : i32
      %dma_start3A_429 = tpu.memref_slice %arg12[%dma_start3A_428] : memref<102400xf32, #tpu.memory_space<vmem_shared>> -> memref<102400xf32, #tpu.memory_space<vmem_shared>>
      tpu.enqueue_indirect_dma source(%arg7 : memref<128xf32, #tpu.memory_space<vmem>>) target(%dma_start3A_429 : memref<102400xf32, #tpu.memory_space<vmem_shared>>) offsets(%dma_start3A_427 : memref<128xi32, #tpu.memory_space<vmem>>) semaphore(%arg14 : memref<!tpu.dma_semaphore, #tpu.memory_space<semaphore_mem>>) {add = true}
      %dma_start3A_430 = arith.constant 0 : i32
      %dma_start3A_431 = arith.constant 6 : i32
      %dma_start3A_432 = arith.constant 0 : i32
      %dma_start3A_433 = tpu.memref_slice %arg6[%dma_start3A_430, %dma_start3A_431, %dma_start3A_432] : memref<2x14x128xi32, #tpu.memory_space<vmem>> -> memref<1x1x128xi32, #tpu.memory_space<vmem>>
      %dma_start3A_434 = tpu.memref_squeeze %dma_start3A_433 : memref<1x1x128xi32, #tpu.memory_space<vmem>> -> memref<128xi32, #tpu.memory_space<vmem>>
      %dma_start3A_435 = arith.constant 0 : i32
      %dma_start3A_436 = tpu.memref_slice %arg12[%dma_start3A_435] : memref<102400xf32, #tpu.memory_space<vmem_shared>> -> memref<102400xf32, #tpu.memory_space<vmem_shared>>
      tpu.enqueue_indirect_dma source(%arg7 : memref<128xf32, #tpu.memory_space<vmem>>) target(%dma_start3A_436 : memref<102400xf32, #tpu.memory_space<vmem_shared>>) offsets(%dma_start3A_434 : memref<128xi32, #tpu.memory_space<vmem>>) semaphore(%arg14 : memref<!tpu.dma_semaphore, #tpu.memory_space<semaphore_mem>>) {add = true}
      %dma_start3A_437 = arith.constant 0 : i32
      %dma_start3A_438 = arith.constant 7 : i32
      %dma_start3A_439 = arith.constant 0 : i32
      %dma_start3A_440 = tpu.memref_slice %arg6[%dma_start3A_437, %dma_start3A_438, %dma_start3A_439] : memref<2x14x128xi32, #tpu.memory_space<vmem>> -> memref<1x1x128xi32, #tpu.memory_space<vmem>>
      %dma_start3A_441 = tpu.memref_squeeze %dma_start3A_440 : memref<1x1x128xi32, #tpu.memory_space<vmem>> -> memref<128xi32, #tpu.memory_space<vmem>>
      %dma_start3A_442 = arith.constant 0 : i32
      %dma_start3A_443 = tpu.memref_slice %arg12[%dma_start3A_442] : memref<102400xf32, #tpu.memory_space<vmem_shared>> -> memref<102400xf32, #tpu.memory_space<vmem_shared>>
      tpu.enqueue_indirect_dma source(%arg7 : memref<128xf32, #tpu.memory_space<vmem>>) target(%dma_start3A_443 : memref<102400xf32, #tpu.memory_space<vmem_shared>>) offsets(%dma_start3A_441 : memref<128xi32, #tpu.memory_space<vmem>>) semaphore(%arg14 : memref<!tpu.dma_semaphore, #tpu.memory_space<semaphore_mem>>) {add = true}
      %dma_start3A_444 = arith.constant 0 : i32
      %dma_start3A_445 = arith.constant 8 : i32
      %dma_start3A_446 = arith.constant 0 : i32
      %dma_start3A_447 = tpu.memref_slice %arg6[%dma_start3A_444, %dma_start3A_445, %dma_start3A_446] : memref<2x14x128xi32, #tpu.memory_space<vmem>> -> memref<1x1x128xi32, #tpu.memory_space<vmem>>
      %dma_start3A_448 = tpu.memref_squeeze %dma_start3A_447 : memref<1x1x128xi32, #tpu.memory_space<vmem>> -> memref<128xi32, #tpu.memory_space<vmem>>
      %dma_start3A_449 = arith.constant 0 : i32
      %dma_start3A_450 = tpu.memref_slice %arg12[%dma_start3A_449] : memref<102400xf32, #tpu.memory_space<vmem_shared>> -> memref<102400xf32, #tpu.memory_space<vmem_shared>>
      tpu.enqueue_indirect_dma source(%arg7 : memref<128xf32, #tpu.memory_space<vmem>>) target(%dma_start3A_450 : memref<102400xf32, #tpu.memory_space<vmem_shared>>) offsets(%dma_start3A_448 : memref<128xi32, #tpu.memory_space<vmem>>) semaphore(%arg14 : memref<!tpu.dma_semaphore, #tpu.memory_space<semaphore_mem>>) {add = true}
      %dma_start3A_451 = arith.constant 0 : i32
      %dma_start3A_452 = arith.constant 9 : i32
      %dma_start3A_453 = arith.constant 0 : i32
      %dma_start3A_454 = tpu.memref_slice %arg6[%dma_start3A_451, %dma_start3A_452, %dma_start3A_453] : memref<2x14x128xi32, #tpu.memory_space<vmem>> -> memref<1x1x128xi32, #tpu.memory_space<vmem>>
      %dma_start3A_455 = tpu.memref_squeeze %dma_start3A_454 : memref<1x1x128xi32, #tpu.memory_space<vmem>> -> memref<128xi32, #tpu.memory_space<vmem>>
      %dma_start3A_456 = arith.constant 0 : i32
      %dma_start3A_457 = tpu.memref_slice %arg12[%dma_start3A_456] : memref<102400xf32, #tpu.memory_space<vmem_shared>> -> memref<102400xf32, #tpu.memory_space<vmem_shared>>
      tpu.enqueue_indirect_dma source(%arg7 : memref<128xf32, #tpu.memory_space<vmem>>) target(%dma_start3A_457 : memref<102400xf32, #tpu.memory_space<vmem_shared>>) offsets(%dma_start3A_455 : memref<128xi32, #tpu.memory_space<vmem>>) semaphore(%arg14 : memref<!tpu.dma_semaphore, #tpu.memory_space<semaphore_mem>>) {add = true}
      %dma_start3A_458 = arith.constant 0 : i32
      %dma_start3A_459 = arith.constant 10 : i32
      %dma_start3A_460 = arith.constant 0 : i32
      %dma_start3A_461 = tpu.memref_slice %arg6[%dma_start3A_458, %dma_start3A_459, %dma_start3A_460] : memref<2x14x128xi32, #tpu.memory_space<vmem>> -> memref<1x1x128xi32, #tpu.memory_space<vmem>>
      %dma_start3A_462 = tpu.memref_squeeze %dma_start3A_461 : memref<1x1x128xi32, #tpu.memory_space<vmem>> -> memref<128xi32, #tpu.memory_space<vmem>>
      %dma_start3A_463 = arith.constant 0 : i32
      %dma_start3A_464 = tpu.memref_slice %arg12[%dma_start3A_463] : memref<102400xf32, #tpu.memory_space<vmem_shared>> -> memref<102400xf32, #tpu.memory_space<vmem_shared>>
      tpu.enqueue_indirect_dma source(%arg7 : memref<128xf32, #tpu.memory_space<vmem>>) target(%dma_start3A_464 : memref<102400xf32, #tpu.memory_space<vmem_shared>>) offsets(%dma_start3A_462 : memref<128xi32, #tpu.memory_space<vmem>>) semaphore(%arg14 : memref<!tpu.dma_semaphore, #tpu.memory_space<semaphore_mem>>) {add = true}
      %dma_start3A_465 = arith.constant 0 : i32
      %dma_start3A_466 = arith.constant 11 : i32
      %dma_start3A_467 = arith.constant 0 : i32
      %dma_start3A_468 = tpu.memref_slice %arg6[%dma_start3A_465, %dma_start3A_466, %dma_start3A_467] : memref<2x14x128xi32, #tpu.memory_space<vmem>> -> memref<1x1x128xi32, #tpu.memory_space<vmem>>
      %dma_start3A_469 = tpu.memref_squeeze %dma_start3A_468 : memref<1x1x128xi32, #tpu.memory_space<vmem>> -> memref<128xi32, #tpu.memory_space<vmem>>
      %dma_start3A_470 = arith.constant 0 : i32
      %dma_start3A_471 = tpu.memref_slice %arg12[%dma_start3A_470] : memref<102400xf32, #tpu.memory_space<vmem_shared>> -> memref<102400xf32, #tpu.memory_space<vmem_shared>>
      tpu.enqueue_indirect_dma source(%arg7 : memref<128xf32, #tpu.memory_space<vmem>>) target(%dma_start3A_471 : memref<102400xf32, #tpu.memory_space<vmem_shared>>) offsets(%dma_start3A_469 : memref<128xi32, #tpu.memory_space<vmem>>) semaphore(%arg14 : memref<!tpu.dma_semaphore, #tpu.memory_space<semaphore_mem>>) {add = true}
      %dma_start3A_472 = arith.constant 0 : i32
      %dma_start3A_473 = arith.constant 12 : i32
      %dma_start3A_474 = arith.constant 0 : i32
      %dma_start3A_475 = tpu.memref_slice %arg6[%dma_start3A_472, %dma_start3A_473, %dma_start3A_474] : memref<2x14x128xi32, #tpu.memory_space<vmem>> -> memref<1x1x128xi32, #tpu.memory_space<vmem>>
      %dma_start3A_476 = tpu.memref_squeeze %dma_start3A_475 : memref<1x1x128xi32, #tpu.memory_space<vmem>> -> memref<128xi32, #tpu.memory_space<vmem>>
      %dma_start3A_477 = arith.constant 0 : i32
      %dma_start3A_478 = tpu.memref_slice %arg12[%dma_start3A_477] : memref<102400xf32, #tpu.memory_space<vmem_shared>> -> memref<102400xf32, #tpu.memory_space<vmem_shared>>
      tpu.enqueue_indirect_dma source(%arg7 : memref<128xf32, #tpu.memory_space<vmem>>) target(%dma_start3A_478 : memref<102400xf32, #tpu.memory_space<vmem_shared>>) offsets(%dma_start3A_476 : memref<128xi32, #tpu.memory_space<vmem>>) semaphore(%arg14 : memref<!tpu.dma_semaphore, #tpu.memory_space<semaphore_mem>>) {add = true}
      %dma_start3A_479 = arith.constant 0 : i32
      %dma_start3A_480 = arith.constant 13 : i32
      %dma_start3A_481 = arith.constant 0 : i32
      %dma_start3A_482 = tpu.memref_slice %arg6[%dma_start3A_479, %dma_start3A_480, %dma_start3A_481] : memref<2x14x128xi32, #tpu.memory_space<vmem>> -> memref<1x1x128xi32, #tpu.memory_space<vmem>>
      %dma_start3A_483 = tpu.memref_squeeze %dma_start3A_482 : memref<1x1x128xi32, #tpu.memory_space<vmem>> -> memref<128xi32, #tpu.memory_space<vmem>>
      %dma_start3A_484 = arith.constant 0 : i32
      %dma_start3A_485 = tpu.memref_slice %arg12[%dma_start3A_484] : memref<102400xf32, #tpu.memory_space<vmem_shared>> -> memref<102400xf32, #tpu.memory_space<vmem_shared>>
      tpu.enqueue_indirect_dma source(%arg7 : memref<128xf32, #tpu.memory_space<vmem>>) target(%dma_start3A_485 : memref<102400xf32, #tpu.memory_space<vmem_shared>>) offsets(%dma_start3A_483 : memref<128xi32, #tpu.memory_space<vmem>>) semaphore(%arg14 : memref<!tpu.dma_semaphore, #tpu.memory_space<semaphore_mem>>) {add = true}
      %mul3A_486 = arith.constant 2 : i32
      %mul3A_487 = arith.muli %mul3A_486, %scan3A_361 : i32
      %add3A_488 = arith.constant 1 : i32
      %add3A_489 = arith.addi %mul3A_487, %add3A_488 : i32
      %dma_wait3A_490 = arith.constant 1 : i32
      %dma_wait3A_491 = arith.constant 0 : i32
      %dma_wait3A_492 = arith.constant 0 : i32
      %dma_wait3A_493 = tpu.memref_slice %arg6[%dma_wait3A_490, %dma_wait3A_491, %dma_wait3A_492] : memref<2x14x128xi32, #tpu.memory_space<vmem>> -> memref<1x14x128xi32, #tpu.memory_space<vmem>>
      %dma_wait3A_494 = tpu.memref_squeeze %dma_wait3A_493 : memref<1x14x128xi32, #tpu.memory_space<vmem>> -> memref<14x128xi32, #tpu.memory_space<vmem>>
      %dma_wait3A_495 = arith.constant 0 : i32
      %dma_wait3A_496 = arith.constant 0 : i32
      %dma_wait3A_497 = tpu.memref_slice %arg2[%dma_wait3A_495, %dma_wait3A_496] : memref<12544x128xi32, #tpu.memory_space<hbm>> -> memref<14x128xi32, #tpu.memory_space<hbm>>
      %dma_wait3A_498 = arith.constant 0 : i32
      %dma_wait3A_499 = arith.constant 0 : i32
      %dma_wait3A_500 = tpu.memref_slice %arg6[%dma_wait3A_490, %dma_wait3A_498, %dma_wait3A_499] : memref<2x14x128xi32, #tpu.memory_space<vmem>> -> memref<1x14x128xi32, #tpu.memory_space<vmem>>
      %dma_wait3A_501 = tpu.memref_squeeze %dma_wait3A_500 : memref<1x14x128xi32, #tpu.memory_space<vmem>> -> memref<14x128xi32, #tpu.memory_space<vmem>>
      %dma_wait3A_502 = arith.constant 0 : i32
      %dma_wait3A_503 = arith.constant 0 : i32
      %dma_wait3A_504 = tpu.memref_slice %arg2[%dma_wait3A_502, %dma_wait3A_503] : memref<12544x128xi32, #tpu.memory_space<hbm>> -> memref<14x128xi32, #tpu.memory_space<hbm>>
      tpu.wait_dma2 semaphore(%arg13 : memref<!tpu.dma_semaphore, #tpu.memory_space<semaphore_mem>>) src(%dma_wait3A_504 : memref<14x128xi32, #tpu.memory_space<hbm>>) dst(%dma_wait3A_501 : memref<14x128xi32, #tpu.memory_space<vmem>>)
      %add3A_505 = arith.constant 1 : i32
      %add3A_506 = arith.addi %add3A_489, %add3A_505 : i32
      %lt3A_507 = arith.constant 56 : i32
      %lt3A_508 = arith.cmpi slt, %add3A_506, %lt3A_507 : i32
      %convert_element_type3A_509 = arith.extui %lt3A_508 : i1 to i32
      %cond3A_510 = arith.constant 0 : i32
      %cond3A_511 = arith.cmpi ne, %convert_element_type3A_509, %cond3A_510 : i32
      scf.if %cond3A_511 {
        %add3A_616 = arith.constant 1 : i32
        %add3A_617 = arith.addi %add3A_489, %add3A_616 : i32
        %mul3A_618 = arith.constant 14 : i32
        %mul3A_619 = arith.muli %add3A_617, %mul3A_618 : i32
        %add3A_620 = arith.addi %mul3A_133, %mul3A_619 : i32
        %dma_start3A_621 = arith.constant 0 : i32
        %dma_start3A_622 = arith.constant 0 : i32
        %dma_start3A_623 = arith.constant 0 : i32
        %dma_start3A_624 = tpu.memref_slice %arg6[%dma_start3A_621, %dma_start3A_622, %dma_start3A_623] : memref<2x14x128xi32, #tpu.memory_space<vmem>> -> memref<1x14x128xi32, #tpu.memory_space<vmem>>
        %dma_start3A_625 = tpu.memref_squeeze %dma_start3A_624 : memref<1x14x128xi32, #tpu.memory_space<vmem>> -> memref<14x128xi32, #tpu.memory_space<vmem>>
        %dma_start3A_626 = arith.constant 0 : i32
        %dma_start3A_627 = tpu.memref_slice %arg2[%add3A_620, %dma_start3A_626] : memref<12544x128xi32, #tpu.memory_space<hbm>> -> memref<14x128xi32, #tpu.memory_space<hbm>>
        %dma_start3A_628 = arith.constant 0 : i32
        %dma_start3A_629 = arith.constant 0 : i32
        %dma_start3A_630 = tpu.memref_slice %arg6[%dma_start3A_621, %dma_start3A_628, %dma_start3A_629] : memref<2x14x128xi32, #tpu.memory_space<vmem>> -> memref<1x14x128xi32, #tpu.memory_space<vmem>>
        %dma_start3A_631 = tpu.memref_squeeze %dma_start3A_630 : memref<1x14x128xi32, #tpu.memory_space<vmem>> -> memref<14x128xi32, #tpu.memory_space<vmem>>
        %dma_start3A_632 = arith.constant 0 : i32
        %dma_start3A_633 = tpu.memref_slice %arg2[%add3A_620, %dma_start3A_632] : memref<12544x128xi32, #tpu.memory_space<hbm>> -> memref<14x128xi32, #tpu.memory_space<hbm>>
        tpu.enqueue_dma source(%dma_start3A_633 : memref<14x128xi32, #tpu.memory_space<hbm>>) target(%dma_start3A_631 : memref<14x128xi32, #tpu.memory_space<vmem>>) target_semaphore(%arg13 : memref<!tpu.dma_semaphore, #tpu.memory_space<semaphore_mem>>)
      } else {
      }
      %ge3A_512 = arith.constant 2 : i32
      %ge3A_513 = arith.cmpi sge, %add3A_489, %ge3A_512 : i32
      %convert_element_type3A_514 = arith.extui %ge3A_513 : i1 to i32
      %cond3A_515 = arith.constant 0 : i32
      %cond3A_516 = arith.cmpi ne, %convert_element_type3A_514, %cond3A_515 : i32
      scf.if %cond3A_516 {
        %dma_wait3A_616 = arith.constant 1 : i32
        %dma_wait3A_617 = arith.constant 0 : i32
        %dma_wait3A_618 = arith.constant 0 : i32
        %dma_wait3A_619 = tpu.memref_slice %arg6[%dma_wait3A_616, %dma_wait3A_617, %dma_wait3A_618] : memref<2x14x128xi32, #tpu.memory_space<vmem>> -> memref<1x1x128xi32, #tpu.memory_space<vmem>>
        %dma_wait3A_620 = tpu.memref_squeeze %dma_wait3A_619 : memref<1x1x128xi32, #tpu.memory_space<vmem>> -> memref<128xi32, #tpu.memory_space<vmem>>
        %dma_wait3A_621 = arith.constant 0 : i32
        %dma_wait3A_622 = tpu.memref_slice %arg12[%dma_wait3A_621] : memref<102400xf32, #tpu.memory_space<vmem_shared>> -> memref<102400xf32, #tpu.memory_space<vmem_shared>>
        tpu.wait_indirect_dma semaphore(%arg15 : memref<!tpu.dma_semaphore, #tpu.memory_space<semaphore_mem>>) src(%arg7 : memref<128xf32, #tpu.memory_space<vmem>>) dst(%dma_wait3A_622 : memref<102400xf32, #tpu.memory_space<vmem_shared>>)
        %dma_wait3A_623 = arith.constant 1 : i32
        %dma_wait3A_624 = arith.constant 1 : i32
        %dma_wait3A_625 = arith.constant 0 : i32
        %dma_wait3A_626 = tpu.memref_slice %arg6[%dma_wait3A_623, %dma_wait3A_624, %dma_wait3A_625] : memref<2x14x128xi32, #tpu.memory_space<vmem>> -> memref<1x1x128xi32, #tpu.memory_space<vmem>>
        %dma_wait3A_627 = tpu.memref_squeeze %dma_wait3A_626 : memref<1x1x128xi32, #tpu.memory_space<vmem>> -> memref<128xi32, #tpu.memory_space<vmem>>
        %dma_wait3A_628 = arith.constant 0 : i32
        %dma_wait3A_629 = tpu.memref_slice %arg12[%dma_wait3A_628] : memref<102400xf32, #tpu.memory_space<vmem_shared>> -> memref<102400xf32, #tpu.memory_space<vmem_shared>>
        tpu.wait_indirect_dma semaphore(%arg15 : memref<!tpu.dma_semaphore, #tpu.memory_space<semaphore_mem>>) src(%arg7 : memref<128xf32, #tpu.memory_space<vmem>>) dst(%dma_wait3A_629 : memref<102400xf32, #tpu.memory_space<vmem_shared>>)
        %dma_wait3A_630 = arith.constant 1 : i32
        %dma_wait3A_631 = arith.constant 2 : i32
        %dma_wait3A_632 = arith.constant 0 : i32
        %dma_wait3A_633 = tpu.memref_slice %arg6[%dma_wait3A_630, %dma_wait3A_631, %dma_wait3A_632] : memref<2x14x128xi32, #tpu.memory_space<vmem>> -> memref<1x1x128xi32, #tpu.memory_space<vmem>>
        %dma_wait3A_634 = tpu.memref_squeeze %dma_wait3A_633 : memref<1x1x128xi32, #tpu.memory_space<vmem>> -> memref<128xi32, #tpu.memory_space<vmem>>
        %dma_wait3A_635 = arith.constant 0 : i32
        %dma_wait3A_636 = tpu.memref_slice %arg12[%dma_wait3A_635] : memref<102400xf32, #tpu.memory_space<vmem_shared>> -> memref<102400xf32, #tpu.memory_space<vmem_shared>>
        tpu.wait_indirect_dma semaphore(%arg15 : memref<!tpu.dma_semaphore, #tpu.memory_space<semaphore_mem>>) src(%arg7 : memref<128xf32, #tpu.memory_space<vmem>>) dst(%dma_wait3A_636 : memref<102400xf32, #tpu.memory_space<vmem_shared>>)
        %dma_wait3A_637 = arith.constant 1 : i32
        %dma_wait3A_638 = arith.constant 3 : i32
        %dma_wait3A_639 = arith.constant 0 : i32
        %dma_wait3A_640 = tpu.memref_slice %arg6[%dma_wait3A_637, %dma_wait3A_638, %dma_wait3A_639] : memref<2x14x128xi32, #tpu.memory_space<vmem>> -> memref<1x1x128xi32, #tpu.memory_space<vmem>>
        %dma_wait3A_641 = tpu.memref_squeeze %dma_wait3A_640 : memref<1x1x128xi32, #tpu.memory_space<vmem>> -> memref<128xi32, #tpu.memory_space<vmem>>
        %dma_wait3A_642 = arith.constant 0 : i32
        %dma_wait3A_643 = tpu.memref_slice %arg12[%dma_wait3A_642] : memref<102400xf32, #tpu.memory_space<vmem_shared>> -> memref<102400xf32, #tpu.memory_space<vmem_shared>>
        tpu.wait_indirect_dma semaphore(%arg15 : memref<!tpu.dma_semaphore, #tpu.memory_space<semaphore_mem>>) src(%arg7 : memref<128xf32, #tpu.memory_space<vmem>>) dst(%dma_wait3A_643 : memref<102400xf32, #tpu.memory_space<vmem_shared>>)
        %dma_wait3A_644 = arith.constant 1 : i32
        %dma_wait3A_645 = arith.constant 4 : i32
        %dma_wait3A_646 = arith.constant 0 : i32
        %dma_wait3A_647 = tpu.memref_slice %arg6[%dma_wait3A_644, %dma_wait3A_645, %dma_wait3A_646] : memref<2x14x128xi32, #tpu.memory_space<vmem>> -> memref<1x1x128xi32, #tpu.memory_space<vmem>>
        %dma_wait3A_648 = tpu.memref_squeeze %dma_wait3A_647 : memref<1x1x128xi32, #tpu.memory_space<vmem>> -> memref<128xi32, #tpu.memory_space<vmem>>
        %dma_wait3A_649 = arith.constant 0 : i32
        %dma_wait3A_650 = tpu.memref_slice %arg12[%dma_wait3A_649] : memref<102400xf32, #tpu.memory_space<vmem_shared>> -> memref<102400xf32, #tpu.memory_space<vmem_shared>>
        tpu.wait_indirect_dma semaphore(%arg15 : memref<!tpu.dma_semaphore, #tpu.memory_space<semaphore_mem>>) src(%arg7 : memref<128xf32, #tpu.memory_space<vmem>>) dst(%dma_wait3A_650 : memref<102400xf32, #tpu.memory_space<vmem_shared>>)
        %dma_wait3A_651 = arith.constant 1 : i32
        %dma_wait3A_652 = arith.constant 5 : i32
        %dma_wait3A_653 = arith.constant 0 : i32
        %dma_wait3A_654 = tpu.memref_slice %arg6[%dma_wait3A_651, %dma_wait3A_652, %dma_wait3A_653] : memref<2x14x128xi32, #tpu.memory_space<vmem>> -> memref<1x1x128xi32, #tpu.memory_space<vmem>>
        %dma_wait3A_655 = tpu.memref_squeeze %dma_wait3A_654 : memref<1x1x128xi32, #tpu.memory_space<vmem>> -> memref<128xi32, #tpu.memory_space<vmem>>
        %dma_wait3A_656 = arith.constant 0 : i32
        %dma_wait3A_657 = tpu.memref_slice %arg12[%dma_wait3A_656] : memref<102400xf32, #tpu.memory_space<vmem_shared>> -> memref<102400xf32, #tpu.memory_space<vmem_shared>>
        tpu.wait_indirect_dma semaphore(%arg15 : memref<!tpu.dma_semaphore, #tpu.memory_space<semaphore_mem>>) src(%arg7 : memref<128xf32, #tpu.memory_space<vmem>>) dst(%dma_wait3A_657 : memref<102400xf32, #tpu.memory_space<vmem_shared>>)
        %dma_wait3A_658 = arith.constant 1 : i32
        %dma_wait3A_659 = arith.constant 6 : i32
        %dma_wait3A_660 = arith.constant 0 : i32
        %dma_wait3A_661 = tpu.memref_slice %arg6[%dma_wait3A_658, %dma_wait3A_659, %dma_wait3A_660] : memref<2x14x128xi32, #tpu.memory_space<vmem>> -> memref<1x1x128xi32, #tpu.memory_space<vmem>>
        %dma_wait3A_662 = tpu.memref_squeeze %dma_wait3A_661 : memref<1x1x128xi32, #tpu.memory_space<vmem>> -> memref<128xi32, #tpu.memory_space<vmem>>
        %dma_wait3A_663 = arith.constant 0 : i32
        %dma_wait3A_664 = tpu.memref_slice %arg12[%dma_wait3A_663] : memref<102400xf32, #tpu.memory_space<vmem_shared>> -> memref<102400xf32, #tpu.memory_space<vmem_shared>>
        tpu.wait_indirect_dma semaphore(%arg15 : memref<!tpu.dma_semaphore, #tpu.memory_space<semaphore_mem>>) src(%arg7 : memref<128xf32, #tpu.memory_space<vmem>>) dst(%dma_wait3A_664 : memref<102400xf32, #tpu.memory_space<vmem_shared>>)
        %dma_wait3A_665 = arith.constant 1 : i32
        %dma_wait3A_666 = arith.constant 7 : i32
        %dma_wait3A_667 = arith.constant 0 : i32
        %dma_wait3A_668 = tpu.memref_slice %arg6[%dma_wait3A_665, %dma_wait3A_666, %dma_wait3A_667] : memref<2x14x128xi32, #tpu.memory_space<vmem>> -> memref<1x1x128xi32, #tpu.memory_space<vmem>>
        %dma_wait3A_669 = tpu.memref_squeeze %dma_wait3A_668 : memref<1x1x128xi32, #tpu.memory_space<vmem>> -> memref<128xi32, #tpu.memory_space<vmem>>
        %dma_wait3A_670 = arith.constant 0 : i32
        %dma_wait3A_671 = tpu.memref_slice %arg12[%dma_wait3A_670] : memref<102400xf32, #tpu.memory_space<vmem_shared>> -> memref<102400xf32, #tpu.memory_space<vmem_shared>>
        tpu.wait_indirect_dma semaphore(%arg15 : memref<!tpu.dma_semaphore, #tpu.memory_space<semaphore_mem>>) src(%arg7 : memref<128xf32, #tpu.memory_space<vmem>>) dst(%dma_wait3A_671 : memref<102400xf32, #tpu.memory_space<vmem_shared>>)
        %dma_wait3A_672 = arith.constant 1 : i32
        %dma_wait3A_673 = arith.constant 8 : i32
        %dma_wait3A_674 = arith.constant 0 : i32
        %dma_wait3A_675 = tpu.memref_slice %arg6[%dma_wait3A_672, %dma_wait3A_673, %dma_wait3A_674] : memref<2x14x128xi32, #tpu.memory_space<vmem>> -> memref<1x1x128xi32, #tpu.memory_space<vmem>>
        %dma_wait3A_676 = tpu.memref_squeeze %dma_wait3A_675 : memref<1x1x128xi32, #tpu.memory_space<vmem>> -> memref<128xi32, #tpu.memory_space<vmem>>
        %dma_wait3A_677 = arith.constant 0 : i32
        %dma_wait3A_678 = tpu.memref_slice %arg12[%dma_wait3A_677] : memref<102400xf32, #tpu.memory_space<vmem_shared>> -> memref<102400xf32, #tpu.memory_space<vmem_shared>>
        tpu.wait_indirect_dma semaphore(%arg15 : memref<!tpu.dma_semaphore, #tpu.memory_space<semaphore_mem>>) src(%arg7 : memref<128xf32, #tpu.memory_space<vmem>>) dst(%dma_wait3A_678 : memref<102400xf32, #tpu.memory_space<vmem_shared>>)
        %dma_wait3A_679 = arith.constant 1 : i32
        %dma_wait3A_680 = arith.constant 9 : i32
        %dma_wait3A_681 = arith.constant 0 : i32
        %dma_wait3A_682 = tpu.memref_slice %arg6[%dma_wait3A_679, %dma_wait3A_680, %dma_wait3A_681] : memref<2x14x128xi32, #tpu.memory_space<vmem>> -> memref<1x1x128xi32, #tpu.memory_space<vmem>>
        %dma_wait3A_683 = tpu.memref_squeeze %dma_wait3A_682 : memref<1x1x128xi32, #tpu.memory_space<vmem>> -> memref<128xi32, #tpu.memory_space<vmem>>
        %dma_wait3A_684 = arith.constant 0 : i32
        %dma_wait3A_685 = tpu.memref_slice %arg12[%dma_wait3A_684] : memref<102400xf32, #tpu.memory_space<vmem_shared>> -> memref<102400xf32, #tpu.memory_space<vmem_shared>>
        tpu.wait_indirect_dma semaphore(%arg15 : memref<!tpu.dma_semaphore, #tpu.memory_space<semaphore_mem>>) src(%arg7 : memref<128xf32, #tpu.memory_space<vmem>>) dst(%dma_wait3A_685 : memref<102400xf32, #tpu.memory_space<vmem_shared>>)
        %dma_wait3A_686 = arith.constant 1 : i32
        %dma_wait3A_687 = arith.constant 10 : i32
        %dma_wait3A_688 = arith.constant 0 : i32
        %dma_wait3A_689 = tpu.memref_slice %arg6[%dma_wait3A_686, %dma_wait3A_687, %dma_wait3A_688] : memref<2x14x128xi32, #tpu.memory_space<vmem>> -> memref<1x1x128xi32, #tpu.memory_space<vmem>>
        %dma_wait3A_690 = tpu.memref_squeeze %dma_wait3A_689 : memref<1x1x128xi32, #tpu.memory_space<vmem>> -> memref<128xi32, #tpu.memory_space<vmem>>
        %dma_wait3A_691 = arith.constant 0 : i32
        %dma_wait3A_692 = tpu.memref_slice %arg12[%dma_wait3A_691] : memref<102400xf32, #tpu.memory_space<vmem_shared>> -> memref<102400xf32, #tpu.memory_space<vmem_shared>>
        tpu.wait_indirect_dma semaphore(%arg15 : memref<!tpu.dma_semaphore, #tpu.memory_space<semaphore_mem>>) src(%arg7 : memref<128xf32, #tpu.memory_space<vmem>>) dst(%dma_wait3A_692 : memref<102400xf32, #tpu.memory_space<vmem_shared>>)
        %dma_wait3A_693 = arith.constant 1 : i32
        %dma_wait3A_694 = arith.constant 11 : i32
        %dma_wait3A_695 = arith.constant 0 : i32
        %dma_wait3A_696 = tpu.memref_slice %arg6[%dma_wait3A_693, %dma_wait3A_694, %dma_wait3A_695] : memref<2x14x128xi32, #tpu.memory_space<vmem>> -> memref<1x1x128xi32, #tpu.memory_space<vmem>>
        %dma_wait3A_697 = tpu.memref_squeeze %dma_wait3A_696 : memref<1x1x128xi32, #tpu.memory_space<vmem>> -> memref<128xi32, #tpu.memory_space<vmem>>
        %dma_wait3A_698 = arith.constant 0 : i32
        %dma_wait3A_699 = tpu.memref_slice %arg12[%dma_wait3A_698] : memref<102400xf32, #tpu.memory_space<vmem_shared>> -> memref<102400xf32, #tpu.memory_space<vmem_shared>>
        tpu.wait_indirect_dma semaphore(%arg15 : memref<!tpu.dma_semaphore, #tpu.memory_space<semaphore_mem>>) src(%arg7 : memref<128xf32, #tpu.memory_space<vmem>>) dst(%dma_wait3A_699 : memref<102400xf32, #tpu.memory_space<vmem_shared>>)
        %dma_wait3A_700 = arith.constant 1 : i32
        %dma_wait3A_701 = arith.constant 12 : i32
        %dma_wait3A_702 = arith.constant 0 : i32
        %dma_wait3A_703 = tpu.memref_slice %arg6[%dma_wait3A_700, %dma_wait3A_701, %dma_wait3A_702] : memref<2x14x128xi32, #tpu.memory_space<vmem>> -> memref<1x1x128xi32, #tpu.memory_space<vmem>>
        %dma_wait3A_704 = tpu.memref_squeeze %dma_wait3A_703 : memref<1x1x128xi32, #tpu.memory_space<vmem>> -> memref<128xi32, #tpu.memory_space<vmem>>
        %dma_wait3A_705 = arith.constant 0 : i32
        %dma_wait3A_706 = tpu.memref_slice %arg12[%dma_wait3A_705] : memref<102400xf32, #tpu.memory_space<vmem_shared>> -> memref<102400xf32, #tpu.memory_space<vmem_shared>>
        tpu.wait_indirect_dma semaphore(%arg15 : memref<!tpu.dma_semaphore, #tpu.memory_space<semaphore_mem>>) src(%arg7 : memref<128xf32, #tpu.memory_space<vmem>>) dst(%dma_wait3A_706 : memref<102400xf32, #tpu.memory_space<vmem_shared>>)
        %dma_wait3A_707 = arith.constant 1 : i32
        %dma_wait3A_708 = arith.constant 13 : i32
        %dma_wait3A_709 = arith.constant 0 : i32
        %dma_wait3A_710 = tpu.memref_slice %arg6[%dma_wait3A_707, %dma_wait3A_708, %dma_wait3A_709] : memref<2x14x128xi32, #tpu.memory_space<vmem>> -> memref<1x1x128xi32, #tpu.memory_space<vmem>>
        %dma_wait3A_711 = tpu.memref_squeeze %dma_wait3A_710 : memref<1x1x128xi32, #tpu.memory_space<vmem>> -> memref<128xi32, #tpu.memory_space<vmem>>
        %dma_wait3A_712 = arith.constant 0 : i32
        %dma_wait3A_713 = tpu.memref_slice %arg12[%dma_wait3A_712] : memref<102400xf32, #tpu.memory_space<vmem_shared>> -> memref<102400xf32, #tpu.memory_space<vmem_shared>>
        tpu.wait_indirect_dma semaphore(%arg15 : memref<!tpu.dma_semaphore, #tpu.memory_space<semaphore_mem>>) src(%arg7 : memref<128xf32, #tpu.memory_space<vmem>>) dst(%dma_wait3A_713 : memref<102400xf32, #tpu.memory_space<vmem_shared>>)
      } else {
      }
      %dma_start3A_517 = arith.constant 1 : i32
      %dma_start3A_518 = arith.constant 0 : i32
      %dma_start3A_519 = arith.constant 0 : i32
      %dma_start3A_520 = tpu.memref_slice %arg6[%dma_start3A_517, %dma_start3A_518, %dma_start3A_519] : memref<2x14x128xi32, #tpu.memory_space<vmem>> -> memref<1x1x128xi32, #tpu.memory_space<vmem>>
      %dma_start3A_521 = tpu.memref_squeeze %dma_start3A_520 : memref<1x1x128xi32, #tpu.memory_space<vmem>> -> memref<128xi32, #tpu.memory_space<vmem>>
      %dma_start3A_522 = arith.constant 0 : i32
      %dma_start3A_523 = tpu.memref_slice %arg12[%dma_start3A_522] : memref<102400xf32, #tpu.memory_space<vmem_shared>> -> memref<102400xf32, #tpu.memory_space<vmem_shared>>
      tpu.enqueue_indirect_dma source(%arg7 : memref<128xf32, #tpu.memory_space<vmem>>) target(%dma_start3A_523 : memref<102400xf32, #tpu.memory_space<vmem_shared>>) offsets(%dma_start3A_521 : memref<128xi32, #tpu.memory_space<vmem>>) semaphore(%arg15 : memref<!tpu.dma_semaphore, #tpu.memory_space<semaphore_mem>>) {add = true}
      %dma_start3A_524 = arith.constant 1 : i32
      %dma_start3A_525 = arith.constant 1 : i32
      %dma_start3A_526 = arith.constant 0 : i32
      %dma_start3A_527 = tpu.memref_slice %arg6[%dma_start3A_524, %dma_start3A_525, %dma_start3A_526] : memref<2x14x128xi32, #tpu.memory_space<vmem>> -> memref<1x1x128xi32, #tpu.memory_space<vmem>>
      %dma_start3A_528 = tpu.memref_squeeze %dma_start3A_527 : memref<1x1x128xi32, #tpu.memory_space<vmem>> -> memref<128xi32, #tpu.memory_space<vmem>>
      %dma_start3A_529 = arith.constant 0 : i32
      %dma_start3A_530 = tpu.memref_slice %arg12[%dma_start3A_529] : memref<102400xf32, #tpu.memory_space<vmem_shared>> -> memref<102400xf32, #tpu.memory_space<vmem_shared>>
      tpu.enqueue_indirect_dma source(%arg7 : memref<128xf32, #tpu.memory_space<vmem>>) target(%dma_start3A_530 : memref<102400xf32, #tpu.memory_space<vmem_shared>>) offsets(%dma_start3A_528 : memref<128xi32, #tpu.memory_space<vmem>>) semaphore(%arg15 : memref<!tpu.dma_semaphore, #tpu.memory_space<semaphore_mem>>) {add = true}
      %dma_start3A_531 = arith.constant 1 : i32
      %dma_start3A_532 = arith.constant 2 : i32
      %dma_start3A_533 = arith.constant 0 : i32
      %dma_start3A_534 = tpu.memref_slice %arg6[%dma_start3A_531, %dma_start3A_532, %dma_start3A_533] : memref<2x14x128xi32, #tpu.memory_space<vmem>> -> memref<1x1x128xi32, #tpu.memory_space<vmem>>
      %dma_start3A_535 = tpu.memref_squeeze %dma_start3A_534 : memref<1x1x128xi32, #tpu.memory_space<vmem>> -> memref<128xi32, #tpu.memory_space<vmem>>
      %dma_start3A_536 = arith.constant 0 : i32
      %dma_start3A_537 = tpu.memref_slice %arg12[%dma_start3A_536] : memref<102400xf32, #tpu.memory_space<vmem_shared>> -> memref<102400xf32, #tpu.memory_space<vmem_shared>>
      tpu.enqueue_indirect_dma source(%arg7 : memref<128xf32, #tpu.memory_space<vmem>>) target(%dma_start3A_537 : memref<102400xf32, #tpu.memory_space<vmem_shared>>) offsets(%dma_start3A_535 : memref<128xi32, #tpu.memory_space<vmem>>) semaphore(%arg15 : memref<!tpu.dma_semaphore, #tpu.memory_space<semaphore_mem>>) {add = true}
      %dma_start3A_538 = arith.constant 1 : i32
      %dma_start3A_539 = arith.constant 3 : i32
      %dma_start3A_540 = arith.constant 0 : i32
      %dma_start3A_541 = tpu.memref_slice %arg6[%dma_start3A_538, %dma_start3A_539, %dma_start3A_540] : memref<2x14x128xi32, #tpu.memory_space<vmem>> -> memref<1x1x128xi32, #tpu.memory_space<vmem>>
      %dma_start3A_542 = tpu.memref_squeeze %dma_start3A_541 : memref<1x1x128xi32, #tpu.memory_space<vmem>> -> memref<128xi32, #tpu.memory_space<vmem>>
      %dma_start3A_543 = arith.constant 0 : i32
      %dma_start3A_544 = tpu.memref_slice %arg12[%dma_start3A_543] : memref<102400xf32, #tpu.memory_space<vmem_shared>> -> memref<102400xf32, #tpu.memory_space<vmem_shared>>
      tpu.enqueue_indirect_dma source(%arg7 : memref<128xf32, #tpu.memory_space<vmem>>) target(%dma_start3A_544 : memref<102400xf32, #tpu.memory_space<vmem_shared>>) offsets(%dma_start3A_542 : memref<128xi32, #tpu.memory_space<vmem>>) semaphore(%arg15 : memref<!tpu.dma_semaphore, #tpu.memory_space<semaphore_mem>>) {add = true}
      %dma_start3A_545 = arith.constant 1 : i32
      %dma_start3A_546 = arith.constant 4 : i32
      %dma_start3A_547 = arith.constant 0 : i32
      %dma_start3A_548 = tpu.memref_slice %arg6[%dma_start3A_545, %dma_start3A_546, %dma_start3A_547] : memref<2x14x128xi32, #tpu.memory_space<vmem>> -> memref<1x1x128xi32, #tpu.memory_space<vmem>>
      %dma_start3A_549 = tpu.memref_squeeze %dma_start3A_548 : memref<1x1x128xi32, #tpu.memory_space<vmem>> -> memref<128xi32, #tpu.memory_space<vmem>>
      %dma_start3A_550 = arith.constant 0 : i32
      %dma_start3A_551 = tpu.memref_slice %arg12[%dma_start3A_550] : memref<102400xf32, #tpu.memory_space<vmem_shared>> -> memref<102400xf32, #tpu.memory_space<vmem_shared>>
      tpu.enqueue_indirect_dma source(%arg7 : memref<128xf32, #tpu.memory_space<vmem>>) target(%dma_start3A_551 : memref<102400xf32, #tpu.memory_space<vmem_shared>>) offsets(%dma_start3A_549 : memref<128xi32, #tpu.memory_space<vmem>>) semaphore(%arg15 : memref<!tpu.dma_semaphore, #tpu.memory_space<semaphore_mem>>) {add = true}
      %dma_start3A_552 = arith.constant 1 : i32
      %dma_start3A_553 = arith.constant 5 : i32
      %dma_start3A_554 = arith.constant 0 : i32
      %dma_start3A_555 = tpu.memref_slice %arg6[%dma_start3A_552, %dma_start3A_553, %dma_start3A_554] : memref<2x14x128xi32, #tpu.memory_space<vmem>> -> memref<1x1x128xi32, #tpu.memory_space<vmem>>
      %dma_start3A_556 = tpu.memref_squeeze %dma_start3A_555 : memref<1x1x128xi32, #tpu.memory_space<vmem>> -> memref<128xi32, #tpu.memory_space<vmem>>
      %dma_start3A_557 = arith.constant 0 : i32
      %dma_start3A_558 = tpu.memref_slice %arg12[%dma_start3A_557] : memref<102400xf32, #tpu.memory_space<vmem_shared>> -> memref<102400xf32, #tpu.memory_space<vmem_shared>>
      tpu.enqueue_indirect_dma source(%arg7 : memref<128xf32, #tpu.memory_space<vmem>>) target(%dma_start3A_558 : memref<102400xf32, #tpu.memory_space<vmem_shared>>) offsets(%dma_start3A_556 : memref<128xi32, #tpu.memory_space<vmem>>) semaphore(%arg15 : memref<!tpu.dma_semaphore, #tpu.memory_space<semaphore_mem>>) {add = true}
      %dma_start3A_559 = arith.constant 1 : i32
      %dma_start3A_560 = arith.constant 6 : i32
      %dma_start3A_561 = arith.constant 0 : i32
      %dma_start3A_562 = tpu.memref_slice %arg6[%dma_start3A_559, %dma_start3A_560, %dma_start3A_561] : memref<2x14x128xi32, #tpu.memory_space<vmem>> -> memref<1x1x128xi32, #tpu.memory_space<vmem>>
      %dma_start3A_563 = tpu.memref_squeeze %dma_start3A_562 : memref<1x1x128xi32, #tpu.memory_space<vmem>> -> memref<128xi32, #tpu.memory_space<vmem>>
      %dma_start3A_564 = arith.constant 0 : i32
      %dma_start3A_565 = tpu.memref_slice %arg12[%dma_start3A_564] : memref<102400xf32, #tpu.memory_space<vmem_shared>> -> memref<102400xf32, #tpu.memory_space<vmem_shared>>
      tpu.enqueue_indirect_dma source(%arg7 : memref<128xf32, #tpu.memory_space<vmem>>) target(%dma_start3A_565 : memref<102400xf32, #tpu.memory_space<vmem_shared>>) offsets(%dma_start3A_563 : memref<128xi32, #tpu.memory_space<vmem>>) semaphore(%arg15 : memref<!tpu.dma_semaphore, #tpu.memory_space<semaphore_mem>>) {add = true}
      %dma_start3A_566 = arith.constant 1 : i32
      %dma_start3A_567 = arith.constant 7 : i32
      %dma_start3A_568 = arith.constant 0 : i32
      %dma_start3A_569 = tpu.memref_slice %arg6[%dma_start3A_566, %dma_start3A_567, %dma_start3A_568] : memref<2x14x128xi32, #tpu.memory_space<vmem>> -> memref<1x1x128xi32, #tpu.memory_space<vmem>>
      %dma_start3A_570 = tpu.memref_squeeze %dma_start3A_569 : memref<1x1x128xi32, #tpu.memory_space<vmem>> -> memref<128xi32, #tpu.memory_space<vmem>>
      %dma_start3A_571 = arith.constant 0 : i32
      %dma_start3A_572 = tpu.memref_slice %arg12[%dma_start3A_571] : memref<102400xf32, #tpu.memory_space<vmem_shared>> -> memref<102400xf32, #tpu.memory_space<vmem_shared>>
      tpu.enqueue_indirect_dma source(%arg7 : memref<128xf32, #tpu.memory_space<vmem>>) target(%dma_start3A_572 : memref<102400xf32, #tpu.memory_space<vmem_shared>>) offsets(%dma_start3A_570 : memref<128xi32, #tpu.memory_space<vmem>>) semaphore(%arg15 : memref<!tpu.dma_semaphore, #tpu.memory_space<semaphore_mem>>) {add = true}
      %dma_start3A_573 = arith.constant 1 : i32
      %dma_start3A_574 = arith.constant 8 : i32
      %dma_start3A_575 = arith.constant 0 : i32
      %dma_start3A_576 = tpu.memref_slice %arg6[%dma_start3A_573, %dma_start3A_574, %dma_start3A_575] : memref<2x14x128xi32, #tpu.memory_space<vmem>> -> memref<1x1x128xi32, #tpu.memory_space<vmem>>
      %dma_start3A_577 = tpu.memref_squeeze %dma_start3A_576 : memref<1x1x128xi32, #tpu.memory_space<vmem>> -> memref<128xi32, #tpu.memory_space<vmem>>
      %dma_start3A_578 = arith.constant 0 : i32
      %dma_start3A_579 = tpu.memref_slice %arg12[%dma_start3A_578] : memref<102400xf32, #tpu.memory_space<vmem_shared>> -> memref<102400xf32, #tpu.memory_space<vmem_shared>>
      tpu.enqueue_indirect_dma source(%arg7 : memref<128xf32, #tpu.memory_space<vmem>>) target(%dma_start3A_579 : memref<102400xf32, #tpu.memory_space<vmem_shared>>) offsets(%dma_start3A_577 : memref<128xi32, #tpu.memory_space<vmem>>) semaphore(%arg15 : memref<!tpu.dma_semaphore, #tpu.memory_space<semaphore_mem>>) {add = true}
      %dma_start3A_580 = arith.constant 1 : i32
      %dma_start3A_581 = arith.constant 9 : i32
      %dma_start3A_582 = arith.constant 0 : i32
      %dma_start3A_583 = tpu.memref_slice %arg6[%dma_start3A_580, %dma_start3A_581, %dma_start3A_582] : memref<2x14x128xi32, #tpu.memory_space<vmem>> -> memref<1x1x128xi32, #tpu.memory_space<vmem>>
      %dma_start3A_584 = tpu.memref_squeeze %dma_start3A_583 : memref<1x1x128xi32, #tpu.memory_space<vmem>> -> memref<128xi32, #tpu.memory_space<vmem>>
      %dma_start3A_585 = arith.constant 0 : i32
      %dma_start3A_586 = tpu.memref_slice %arg12[%dma_start3A_585] : memref<102400xf32, #tpu.memory_space<vmem_shared>> -> memref<102400xf32, #tpu.memory_space<vmem_shared>>
      tpu.enqueue_indirect_dma source(%arg7 : memref<128xf32, #tpu.memory_space<vmem>>) target(%dma_start3A_586 : memref<102400xf32, #tpu.memory_space<vmem_shared>>) offsets(%dma_start3A_584 : memref<128xi32, #tpu.memory_space<vmem>>) semaphore(%arg15 : memref<!tpu.dma_semaphore, #tpu.memory_space<semaphore_mem>>) {add = true}
      %dma_start3A_587 = arith.constant 1 : i32
      %dma_start3A_588 = arith.constant 10 : i32
      %dma_start3A_589 = arith.constant 0 : i32
      %dma_start3A_590 = tpu.memref_slice %arg6[%dma_start3A_587, %dma_start3A_588, %dma_start3A_589] : memref<2x14x128xi32, #tpu.memory_space<vmem>> -> memref<1x1x128xi32, #tpu.memory_space<vmem>>
      %dma_start3A_591 = tpu.memref_squeeze %dma_start3A_590 : memref<1x1x128xi32, #tpu.memory_space<vmem>> -> memref<128xi32, #tpu.memory_space<vmem>>
      %dma_start3A_592 = arith.constant 0 : i32
      %dma_start3A_593 = tpu.memref_slice %arg12[%dma_start3A_592] : memref<102400xf32, #tpu.memory_space<vmem_shared>> -> memref<102400xf32, #tpu.memory_space<vmem_shared>>
      tpu.enqueue_indirect_dma source(%arg7 : memref<128xf32, #tpu.memory_space<vmem>>) target(%dma_start3A_593 : memref<102400xf32, #tpu.memory_space<vmem_shared>>) offsets(%dma_start3A_591 : memref<128xi32, #tpu.memory_space<vmem>>) semaphore(%arg15 : memref<!tpu.dma_semaphore, #tpu.memory_space<semaphore_mem>>) {add = true}
      %dma_start3A_594 = arith.constant 1 : i32
      %dma_start3A_595 = arith.constant 11 : i32
      %dma_start3A_596 = arith.constant 0 : i32
      %dma_start3A_597 = tpu.memref_slice %arg6[%dma_start3A_594, %dma_start3A_595, %dma_start3A_596] : memref<2x14x128xi32, #tpu.memory_space<vmem>> -> memref<1x1x128xi32, #tpu.memory_space<vmem>>
      %dma_start3A_598 = tpu.memref_squeeze %dma_start3A_597 : memref<1x1x128xi32, #tpu.memory_space<vmem>> -> memref<128xi32, #tpu.memory_space<vmem>>
      %dma_start3A_599 = arith.constant 0 : i32
      %dma_start3A_600 = tpu.memref_slice %arg12[%dma_start3A_599] : memref<102400xf32, #tpu.memory_space<vmem_shared>> -> memref<102400xf32, #tpu.memory_space<vmem_shared>>
      tpu.enqueue_indirect_dma source(%arg7 : memref<128xf32, #tpu.memory_space<vmem>>) target(%dma_start3A_600 : memref<102400xf32, #tpu.memory_space<vmem_shared>>) offsets(%dma_start3A_598 : memref<128xi32, #tpu.memory_space<vmem>>) semaphore(%arg15 : memref<!tpu.dma_semaphore, #tpu.memory_space<semaphore_mem>>) {add = true}
      %dma_start3A_601 = arith.constant 1 : i32
      %dma_start3A_602 = arith.constant 12 : i32
      %dma_start3A_603 = arith.constant 0 : i32
      %dma_start3A_604 = tpu.memref_slice %arg6[%dma_start3A_601, %dma_start3A_602, %dma_start3A_603] : memref<2x14x128xi32, #tpu.memory_space<vmem>> -> memref<1x1x128xi32, #tpu.memory_space<vmem>>
      %dma_start3A_605 = tpu.memref_squeeze %dma_start3A_604 : memref<1x1x128xi32, #tpu.memory_space<vmem>> -> memref<128xi32, #tpu.memory_space<vmem>>
      %dma_start3A_606 = arith.constant 0 : i32
      %dma_start3A_607 = tpu.memref_slice %arg12[%dma_start3A_606] : memref<102400xf32, #tpu.memory_space<vmem_shared>> -> memref<102400xf32, #tpu.memory_space<vmem_shared>>
      tpu.enqueue_indirect_dma source(%arg7 : memref<128xf32, #tpu.memory_space<vmem>>) target(%dma_start3A_607 : memref<102400xf32, #tpu.memory_space<vmem_shared>>) offsets(%dma_start3A_605 : memref<128xi32, #tpu.memory_space<vmem>>) semaphore(%arg15 : memref<!tpu.dma_semaphore, #tpu.memory_space<semaphore_mem>>) {add = true}
      %dma_start3A_608 = arith.constant 1 : i32
      %dma_start3A_609 = arith.constant 13 : i32
      %dma_start3A_610 = arith.constant 0 : i32
      %dma_start3A_611 = tpu.memref_slice %arg6[%dma_start3A_608, %dma_start3A_609, %dma_start3A_610] : memref<2x14x128xi32, #tpu.memory_space<vmem>> -> memref<1x1x128xi32, #tpu.memory_space<vmem>>
      %dma_start3A_612 = tpu.memref_squeeze %dma_start3A_611 : memref<1x1x128xi32, #tpu.memory_space<vmem>> -> memref<128xi32, #tpu.memory_space<vmem>>
      %dma_start3A_613 = arith.constant 0 : i32
      %dma_start3A_614 = tpu.memref_slice %arg12[%dma_start3A_613] : memref<102400xf32, #tpu.memory_space<vmem_shared>> -> memref<102400xf32, #tpu.memory_space<vmem_shared>>
      tpu.enqueue_indirect_dma source(%arg7 : memref<128xf32, #tpu.memory_space<vmem>>) target(%dma_start3A_614 : memref<102400xf32, #tpu.memory_space<vmem_shared>>) offsets(%dma_start3A_612 : memref<128xi32, #tpu.memory_space<vmem>>) semaphore(%arg15 : memref<!tpu.dma_semaphore, #tpu.memory_space<semaphore_mem>>) {add = true}
      %scan3A_615 = arith.constant 0 : i32
      scf.yield %scan3A_615 : i32
    }
    %scan3A_152 = arith.constant 28 : i32
    %dma_wait3A = arith.constant 0 : i32
    %dma_wait3A_153 = arith.constant 0 : i32
    %dma_wait3A_154 = arith.constant 0 : i32
    %dma_wait3A_155 = tpu.memref_slice %arg6[%dma_wait3A, %dma_wait3A_153, %dma_wait3A_154] : memref<2x14x128xi32, #tpu.memory_space<vmem>> -> memref<1x1x128xi32, #tpu.memory_space<vmem>>
    %dma_wait3A_156 = tpu.memref_squeeze %dma_wait3A_155 : memref<1x1x128xi32, #tpu.memory_space<vmem>> -> memref<128xi32, #tpu.memory_space<vmem>>
    %dma_wait3A_157 = arith.constant 0 : i32
    %dma_wait3A_158 = tpu.memref_slice %arg12[%dma_wait3A_157] : memref<102400xf32, #tpu.memory_space<vmem_shared>> -> memref<102400xf32, #tpu.memory_space<vmem_shared>>
    tpu.wait_indirect_dma semaphore(%arg14 : memref<!tpu.dma_semaphore, #tpu.memory_space<semaphore_mem>>) src(%arg7 : memref<128xf32, #tpu.memory_space<vmem>>) dst(%dma_wait3A_158 : memref<102400xf32, #tpu.memory_space<vmem_shared>>)
    %dma_wait3A_159 = arith.constant 0 : i32
    %dma_wait3A_160 = arith.constant 1 : i32
    %dma_wait3A_161 = arith.constant 0 : i32
    %dma_wait3A_162 = tpu.memref_slice %arg6[%dma_wait3A_159, %dma_wait3A_160, %dma_wait3A_161] : memref<2x14x128xi32, #tpu.memory_space<vmem>> -> memref<1x1x128xi32, #tpu.memory_space<vmem>>
    %dma_wait3A_163 = tpu.memref_squeeze %dma_wait3A_162 : memref<1x1x128xi32, #tpu.memory_space<vmem>> -> memref<128xi32, #tpu.memory_space<vmem>>
    %dma_wait3A_164 = arith.constant 0 : i32
    %dma_wait3A_165 = tpu.memref_slice %arg12[%dma_wait3A_164] : memref<102400xf32, #tpu.memory_space<vmem_shared>> -> memref<102400xf32, #tpu.memory_space<vmem_shared>>
    tpu.wait_indirect_dma semaphore(%arg14 : memref<!tpu.dma_semaphore, #tpu.memory_space<semaphore_mem>>) src(%arg7 : memref<128xf32, #tpu.memory_space<vmem>>) dst(%dma_wait3A_165 : memref<102400xf32, #tpu.memory_space<vmem_shared>>)
    %dma_wait3A_166 = arith.constant 0 : i32
    %dma_wait3A_167 = arith.constant 2 : i32
    %dma_wait3A_168 = arith.constant 0 : i32
    %dma_wait3A_169 = tpu.memref_slice %arg6[%dma_wait3A_166, %dma_wait3A_167, %dma_wait3A_168] : memref<2x14x128xi32, #tpu.memory_space<vmem>> -> memref<1x1x128xi32, #tpu.memory_space<vmem>>
    %dma_wait3A_170 = tpu.memref_squeeze %dma_wait3A_169 : memref<1x1x128xi32, #tpu.memory_space<vmem>> -> memref<128xi32, #tpu.memory_space<vmem>>
    %dma_wait3A_171 = arith.constant 0 : i32
    %dma_wait3A_172 = tpu.memref_slice %arg12[%dma_wait3A_171] : memref<102400xf32, #tpu.memory_space<vmem_shared>> -> memref<102400xf32, #tpu.memory_space<vmem_shared>>
    tpu.wait_indirect_dma semaphore(%arg14 : memref<!tpu.dma_semaphore, #tpu.memory_space<semaphore_mem>>) src(%arg7 : memref<128xf32, #tpu.memory_space<vmem>>) dst(%dma_wait3A_172 : memref<102400xf32, #tpu.memory_space<vmem_shared>>)
    %dma_wait3A_173 = arith.constant 0 : i32
    %dma_wait3A_174 = arith.constant 3 : i32
    %dma_wait3A_175 = arith.constant 0 : i32
    %dma_wait3A_176 = tpu.memref_slice %arg6[%dma_wait3A_173, %dma_wait3A_174, %dma_wait3A_175] : memref<2x14x128xi32, #tpu.memory_space<vmem>> -> memref<1x1x128xi32, #tpu.memory_space<vmem>>
    %dma_wait3A_177 = tpu.memref_squeeze %dma_wait3A_176 : memref<1x1x128xi32, #tpu.memory_space<vmem>> -> memref<128xi32, #tpu.memory_space<vmem>>
    %dma_wait3A_178 = arith.constant 0 : i32
    %dma_wait3A_179 = tpu.memref_slice %arg12[%dma_wait3A_178] : memref<102400xf32, #tpu.memory_space<vmem_shared>> -> memref<102400xf32, #tpu.memory_space<vmem_shared>>
    tpu.wait_indirect_dma semaphore(%arg14 : memref<!tpu.dma_semaphore, #tpu.memory_space<semaphore_mem>>) src(%arg7 : memref<128xf32, #tpu.memory_space<vmem>>) dst(%dma_wait3A_179 : memref<102400xf32, #tpu.memory_space<vmem_shared>>)
    %dma_wait3A_180 = arith.constant 0 : i32
    %dma_wait3A_181 = arith.constant 4 : i32
    %dma_wait3A_182 = arith.constant 0 : i32
    %dma_wait3A_183 = tpu.memref_slice %arg6[%dma_wait3A_180, %dma_wait3A_181, %dma_wait3A_182] : memref<2x14x128xi32, #tpu.memory_space<vmem>> -> memref<1x1x128xi32, #tpu.memory_space<vmem>>
    %dma_wait3A_184 = tpu.memref_squeeze %dma_wait3A_183 : memref<1x1x128xi32, #tpu.memory_space<vmem>> -> memref<128xi32, #tpu.memory_space<vmem>>
    %dma_wait3A_185 = arith.constant 0 : i32
    %dma_wait3A_186 = tpu.memref_slice %arg12[%dma_wait3A_185] : memref<102400xf32, #tpu.memory_space<vmem_shared>> -> memref<102400xf32, #tpu.memory_space<vmem_shared>>
    tpu.wait_indirect_dma semaphore(%arg14 : memref<!tpu.dma_semaphore, #tpu.memory_space<semaphore_mem>>) src(%arg7 : memref<128xf32, #tpu.memory_space<vmem>>) dst(%dma_wait3A_186 : memref<102400xf32, #tpu.memory_space<vmem_shared>>)
    %dma_wait3A_187 = arith.constant 0 : i32
    %dma_wait3A_188 = arith.constant 5 : i32
    %dma_wait3A_189 = arith.constant 0 : i32
    %dma_wait3A_190 = tpu.memref_slice %arg6[%dma_wait3A_187, %dma_wait3A_188, %dma_wait3A_189] : memref<2x14x128xi32, #tpu.memory_space<vmem>> -> memref<1x1x128xi32, #tpu.memory_space<vmem>>
    %dma_wait3A_191 = tpu.memref_squeeze %dma_wait3A_190 : memref<1x1x128xi32, #tpu.memory_space<vmem>> -> memref<128xi32, #tpu.memory_space<vmem>>
    %dma_wait3A_192 = arith.constant 0 : i32
    %dma_wait3A_193 = tpu.memref_slice %arg12[%dma_wait3A_192] : memref<102400xf32, #tpu.memory_space<vmem_shared>> -> memref<102400xf32, #tpu.memory_space<vmem_shared>>
    tpu.wait_indirect_dma semaphore(%arg14 : memref<!tpu.dma_semaphore, #tpu.memory_space<semaphore_mem>>) src(%arg7 : memref<128xf32, #tpu.memory_space<vmem>>) dst(%dma_wait3A_193 : memref<102400xf32, #tpu.memory_space<vmem_shared>>)
    %dma_wait3A_194 = arith.constant 0 : i32
    %dma_wait3A_195 = arith.constant 6 : i32
    %dma_wait3A_196 = arith.constant 0 : i32
    %dma_wait3A_197 = tpu.memref_slice %arg6[%dma_wait3A_194, %dma_wait3A_195, %dma_wait3A_196] : memref<2x14x128xi32, #tpu.memory_space<vmem>> -> memref<1x1x128xi32, #tpu.memory_space<vmem>>
    %dma_wait3A_198 = tpu.memref_squeeze %dma_wait3A_197 : memref<1x1x128xi32, #tpu.memory_space<vmem>> -> memref<128xi32, #tpu.memory_space<vmem>>
    %dma_wait3A_199 = arith.constant 0 : i32
    %dma_wait3A_200 = tpu.memref_slice %arg12[%dma_wait3A_199] : memref<102400xf32, #tpu.memory_space<vmem_shared>> -> memref<102400xf32, #tpu.memory_space<vmem_shared>>
    tpu.wait_indirect_dma semaphore(%arg14 : memref<!tpu.dma_semaphore, #tpu.memory_space<semaphore_mem>>) src(%arg7 : memref<128xf32, #tpu.memory_space<vmem>>) dst(%dma_wait3A_200 : memref<102400xf32, #tpu.memory_space<vmem_shared>>)
    %dma_wait3A_201 = arith.constant 0 : i32
    %dma_wait3A_202 = arith.constant 7 : i32
    %dma_wait3A_203 = arith.constant 0 : i32
    %dma_wait3A_204 = tpu.memref_slice %arg6[%dma_wait3A_201, %dma_wait3A_202, %dma_wait3A_203] : memref<2x14x128xi32, #tpu.memory_space<vmem>> -> memref<1x1x128xi32, #tpu.memory_space<vmem>>
    %dma_wait3A_205 = tpu.memref_squeeze %dma_wait3A_204 : memref<1x1x128xi32, #tpu.memory_space<vmem>> -> memref<128xi32, #tpu.memory_space<vmem>>
    %dma_wait3A_206 = arith.constant 0 : i32
    %dma_wait3A_207 = tpu.memref_slice %arg12[%dma_wait3A_206] : memref<102400xf32, #tpu.memory_space<vmem_shared>> -> memref<102400xf32, #tpu.memory_space<vmem_shared>>
    tpu.wait_indirect_dma semaphore(%arg14 : memref<!tpu.dma_semaphore, #tpu.memory_space<semaphore_mem>>) src(%arg7 : memref<128xf32, #tpu.memory_space<vmem>>) dst(%dma_wait3A_207 : memref<102400xf32, #tpu.memory_space<vmem_shared>>)
    %dma_wait3A_208 = arith.constant 0 : i32
    %dma_wait3A_209 = arith.constant 8 : i32
    %dma_wait3A_210 = arith.constant 0 : i32
    %dma_wait3A_211 = tpu.memref_slice %arg6[%dma_wait3A_208, %dma_wait3A_209, %dma_wait3A_210] : memref<2x14x128xi32, #tpu.memory_space<vmem>> -> memref<1x1x128xi32, #tpu.memory_space<vmem>>
    %dma_wait3A_212 = tpu.memref_squeeze %dma_wait3A_211 : memref<1x1x128xi32, #tpu.memory_space<vmem>> -> memref<128xi32, #tpu.memory_space<vmem>>
    %dma_wait3A_213 = arith.constant 0 : i32
    %dma_wait3A_214 = tpu.memref_slice %arg12[%dma_wait3A_213] : memref<102400xf32, #tpu.memory_space<vmem_shared>> -> memref<102400xf32, #tpu.memory_space<vmem_shared>>
    tpu.wait_indirect_dma semaphore(%arg14 : memref<!tpu.dma_semaphore, #tpu.memory_space<semaphore_mem>>) src(%arg7 : memref<128xf32, #tpu.memory_space<vmem>>) dst(%dma_wait3A_214 : memref<102400xf32, #tpu.memory_space<vmem_shared>>)
    %dma_wait3A_215 = arith.constant 0 : i32
    %dma_wait3A_216 = arith.constant 9 : i32
    %dma_wait3A_217 = arith.constant 0 : i32
    %dma_wait3A_218 = tpu.memref_slice %arg6[%dma_wait3A_215, %dma_wait3A_216, %dma_wait3A_217] : memref<2x14x128xi32, #tpu.memory_space<vmem>> -> memref<1x1x128xi32, #tpu.memory_space<vmem>>
    %dma_wait3A_219 = tpu.memref_squeeze %dma_wait3A_218 : memref<1x1x128xi32, #tpu.memory_space<vmem>> -> memref<128xi32, #tpu.memory_space<vmem>>
    %dma_wait3A_220 = arith.constant 0 : i32
    %dma_wait3A_221 = tpu.memref_slice %arg12[%dma_wait3A_220] : memref<102400xf32, #tpu.memory_space<vmem_shared>> -> memref<102400xf32, #tpu.memory_space<vmem_shared>>
    tpu.wait_indirect_dma semaphore(%arg14 : memref<!tpu.dma_semaphore, #tpu.memory_space<semaphore_mem>>) src(%arg7 : memref<128xf32, #tpu.memory_space<vmem>>) dst(%dma_wait3A_221 : memref<102400xf32, #tpu.memory_space<vmem_shared>>)
    %dma_wait3A_222 = arith.constant 0 : i32
    %dma_wait3A_223 = arith.constant 10 : i32
    %dma_wait3A_224 = arith.constant 0 : i32
    %dma_wait3A_225 = tpu.memref_slice %arg6[%dma_wait3A_222, %dma_wait3A_223, %dma_wait3A_224] : memref<2x14x128xi32, #tpu.memory_space<vmem>> -> memref<1x1x128xi32, #tpu.memory_space<vmem>>
    %dma_wait3A_226 = tpu.memref_squeeze %dma_wait3A_225 : memref<1x1x128xi32, #tpu.memory_space<vmem>> -> memref<128xi32, #tpu.memory_space<vmem>>
    %dma_wait3A_227 = arith.constant 0 : i32
    %dma_wait3A_228 = tpu.memref_slice %arg12[%dma_wait3A_227] : memref<102400xf32, #tpu.memory_space<vmem_shared>> -> memref<102400xf32, #tpu.memory_space<vmem_shared>>
    tpu.wait_indirect_dma semaphore(%arg14 : memref<!tpu.dma_semaphore, #tpu.memory_space<semaphore_mem>>) src(%arg7 : memref<128xf32, #tpu.memory_space<vmem>>) dst(%dma_wait3A_228 : memref<102400xf32, #tpu.memory_space<vmem_shared>>)
    %dma_wait3A_229 = arith.constant 0 : i32
    %dma_wait3A_230 = arith.constant 11 : i32
    %dma_wait3A_231 = arith.constant 0 : i32
    %dma_wait3A_232 = tpu.memref_slice %arg6[%dma_wait3A_229, %dma_wait3A_230, %dma_wait3A_231] : memref<2x14x128xi32, #tpu.memory_space<vmem>> -> memref<1x1x128xi32, #tpu.memory_space<vmem>>
    %dma_wait3A_233 = tpu.memref_squeeze %dma_wait3A_232 : memref<1x1x128xi32, #tpu.memory_space<vmem>> -> memref<128xi32, #tpu.memory_space<vmem>>
    %dma_wait3A_234 = arith.constant 0 : i32
    %dma_wait3A_235 = tpu.memref_slice %arg12[%dma_wait3A_234] : memref<102400xf32, #tpu.memory_space<vmem_shared>> -> memref<102400xf32, #tpu.memory_space<vmem_shared>>
    tpu.wait_indirect_dma semaphore(%arg14 : memref<!tpu.dma_semaphore, #tpu.memory_space<semaphore_mem>>) src(%arg7 : memref<128xf32, #tpu.memory_space<vmem>>) dst(%dma_wait3A_235 : memref<102400xf32, #tpu.memory_space<vmem_shared>>)
    %dma_wait3A_236 = arith.constant 0 : i32
    %dma_wait3A_237 = arith.constant 12 : i32
    %dma_wait3A_238 = arith.constant 0 : i32
    %dma_wait3A_239 = tpu.memref_slice %arg6[%dma_wait3A_236, %dma_wait3A_237, %dma_wait3A_238] : memref<2x14x128xi32, #tpu.memory_space<vmem>> -> memref<1x1x128xi32, #tpu.memory_space<vmem>>
    %dma_wait3A_240 = tpu.memref_squeeze %dma_wait3A_239 : memref<1x1x128xi32, #tpu.memory_space<vmem>> -> memref<128xi32, #tpu.memory_space<vmem>>
    %dma_wait3A_241 = arith.constant 0 : i32
    %dma_wait3A_242 = tpu.memref_slice %arg12[%dma_wait3A_241] : memref<102400xf32, #tpu.memory_space<vmem_shared>> -> memref<102400xf32, #tpu.memory_space<vmem_shared>>
    tpu.wait_indirect_dma semaphore(%arg14 : memref<!tpu.dma_semaphore, #tpu.memory_space<semaphore_mem>>) src(%arg7 : memref<128xf32, #tpu.memory_space<vmem>>) dst(%dma_wait3A_242 : memref<102400xf32, #tpu.memory_space<vmem_shared>>)
    %dma_wait3A_243 = arith.constant 0 : i32
    %dma_wait3A_244 = arith.constant 13 : i32
    %dma_wait3A_245 = arith.constant 0 : i32
    %dma_wait3A_246 = tpu.memref_slice %arg6[%dma_wait3A_243, %dma_wait3A_244, %dma_wait3A_245] : memref<2x14x128xi32, #tpu.memory_space<vmem>> -> memref<1x1x128xi32, #tpu.memory_space<vmem>>
    %dma_wait3A_247 = tpu.memref_squeeze %dma_wait3A_246 : memref<1x1x128xi32, #tpu.memory_space<vmem>> -> memref<128xi32, #tpu.memory_space<vmem>>
    %dma_wait3A_248 = arith.constant 0 : i32
    %dma_wait3A_249 = tpu.memref_slice %arg12[%dma_wait3A_248] : memref<102400xf32, #tpu.memory_space<vmem_shared>> -> memref<102400xf32, #tpu.memory_space<vmem_shared>>
    tpu.wait_indirect_dma semaphore(%arg14 : memref<!tpu.dma_semaphore, #tpu.memory_space<semaphore_mem>>) src(%arg7 : memref<128xf32, #tpu.memory_space<vmem>>) dst(%dma_wait3A_249 : memref<102400xf32, #tpu.memory_space<vmem_shared>>)
    %dma_wait3A_250 = arith.constant 1 : i32
    %dma_wait3A_251 = arith.constant 0 : i32
    %dma_wait3A_252 = arith.constant 0 : i32
    %dma_wait3A_253 = tpu.memref_slice %arg6[%dma_wait3A_250, %dma_wait3A_251, %dma_wait3A_252] : memref<2x14x128xi32, #tpu.memory_space<vmem>> -> memref<1x1x128xi32, #tpu.memory_space<vmem>>
    %dma_wait3A_254 = tpu.memref_squeeze %dma_wait3A_253 : memref<1x1x128xi32, #tpu.memory_space<vmem>> -> memref<128xi32, #tpu.memory_space<vmem>>
    %dma_wait3A_255 = arith.constant 0 : i32
    %dma_wait3A_256 = tpu.memref_slice %arg12[%dma_wait3A_255] : memref<102400xf32, #tpu.memory_space<vmem_shared>> -> memref<102400xf32, #tpu.memory_space<vmem_shared>>
    tpu.wait_indirect_dma semaphore(%arg15 : memref<!tpu.dma_semaphore, #tpu.memory_space<semaphore_mem>>) src(%arg7 : memref<128xf32, #tpu.memory_space<vmem>>) dst(%dma_wait3A_256 : memref<102400xf32, #tpu.memory_space<vmem_shared>>)
    %dma_wait3A_257 = arith.constant 1 : i32
    %dma_wait3A_258 = arith.constant 1 : i32
    %dma_wait3A_259 = arith.constant 0 : i32
    %dma_wait3A_260 = tpu.memref_slice %arg6[%dma_wait3A_257, %dma_wait3A_258, %dma_wait3A_259] : memref<2x14x128xi32, #tpu.memory_space<vmem>> -> memref<1x1x128xi32, #tpu.memory_space<vmem>>
    %dma_wait3A_261 = tpu.memref_squeeze %dma_wait3A_260 : memref<1x1x128xi32, #tpu.memory_space<vmem>> -> memref<128xi32, #tpu.memory_space<vmem>>
    %dma_wait3A_262 = arith.constant 0 : i32
    %dma_wait3A_263 = tpu.memref_slice %arg12[%dma_wait3A_262] : memref<102400xf32, #tpu.memory_space<vmem_shared>> -> memref<102400xf32, #tpu.memory_space<vmem_shared>>
    tpu.wait_indirect_dma semaphore(%arg15 : memref<!tpu.dma_semaphore, #tpu.memory_space<semaphore_mem>>) src(%arg7 : memref<128xf32, #tpu.memory_space<vmem>>) dst(%dma_wait3A_263 : memref<102400xf32, #tpu.memory_space<vmem_shared>>)
    %dma_wait3A_264 = arith.constant 1 : i32
    %dma_wait3A_265 = arith.constant 2 : i32
    %dma_wait3A_266 = arith.constant 0 : i32
    %dma_wait3A_267 = tpu.memref_slice %arg6[%dma_wait3A_264, %dma_wait3A_265, %dma_wait3A_266] : memref<2x14x128xi32, #tpu.memory_space<vmem>> -> memref<1x1x128xi32, #tpu.memory_space<vmem>>
    %dma_wait3A_268 = tpu.memref_squeeze %dma_wait3A_267 : memref<1x1x128xi32, #tpu.memory_space<vmem>> -> memref<128xi32, #tpu.memory_space<vmem>>
    %dma_wait3A_269 = arith.constant 0 : i32
    %dma_wait3A_270 = tpu.memref_slice %arg12[%dma_wait3A_269] : memref<102400xf32, #tpu.memory_space<vmem_shared>> -> memref<102400xf32, #tpu.memory_space<vmem_shared>>
    tpu.wait_indirect_dma semaphore(%arg15 : memref<!tpu.dma_semaphore, #tpu.memory_space<semaphore_mem>>) src(%arg7 : memref<128xf32, #tpu.memory_space<vmem>>) dst(%dma_wait3A_270 : memref<102400xf32, #tpu.memory_space<vmem_shared>>)
    %dma_wait3A_271 = arith.constant 1 : i32
    %dma_wait3A_272 = arith.constant 3 : i32
    %dma_wait3A_273 = arith.constant 0 : i32
    %dma_wait3A_274 = tpu.memref_slice %arg6[%dma_wait3A_271, %dma_wait3A_272, %dma_wait3A_273] : memref<2x14x128xi32, #tpu.memory_space<vmem>> -> memref<1x1x128xi32, #tpu.memory_space<vmem>>
    %dma_wait3A_275 = tpu.memref_squeeze %dma_wait3A_274 : memref<1x1x128xi32, #tpu.memory_space<vmem>> -> memref<128xi32, #tpu.memory_space<vmem>>
    %dma_wait3A_276 = arith.constant 0 : i32
    %dma_wait3A_277 = tpu.memref_slice %arg12[%dma_wait3A_276] : memref<102400xf32, #tpu.memory_space<vmem_shared>> -> memref<102400xf32, #tpu.memory_space<vmem_shared>>
    tpu.wait_indirect_dma semaphore(%arg15 : memref<!tpu.dma_semaphore, #tpu.memory_space<semaphore_mem>>) src(%arg7 : memref<128xf32, #tpu.memory_space<vmem>>) dst(%dma_wait3A_277 : memref<102400xf32, #tpu.memory_space<vmem_shared>>)
    %dma_wait3A_278 = arith.constant 1 : i32
    %dma_wait3A_279 = arith.constant 4 : i32
    %dma_wait3A_280 = arith.constant 0 : i32
    %dma_wait3A_281 = tpu.memref_slice %arg6[%dma_wait3A_278, %dma_wait3A_279, %dma_wait3A_280] : memref<2x14x128xi32, #tpu.memory_space<vmem>> -> memref<1x1x128xi32, #tpu.memory_space<vmem>>
    %dma_wait3A_282 = tpu.memref_squeeze %dma_wait3A_281 : memref<1x1x128xi32, #tpu.memory_space<vmem>> -> memref<128xi32, #tpu.memory_space<vmem>>
    %dma_wait3A_283 = arith.constant 0 : i32
    %dma_wait3A_284 = tpu.memref_slice %arg12[%dma_wait3A_283] : memref<102400xf32, #tpu.memory_space<vmem_shared>> -> memref<102400xf32, #tpu.memory_space<vmem_shared>>
    tpu.wait_indirect_dma semaphore(%arg15 : memref<!tpu.dma_semaphore, #tpu.memory_space<semaphore_mem>>) src(%arg7 : memref<128xf32, #tpu.memory_space<vmem>>) dst(%dma_wait3A_284 : memref<102400xf32, #tpu.memory_space<vmem_shared>>)
    %dma_wait3A_285 = arith.constant 1 : i32
    %dma_wait3A_286 = arith.constant 5 : i32
    %dma_wait3A_287 = arith.constant 0 : i32
    %dma_wait3A_288 = tpu.memref_slice %arg6[%dma_wait3A_285, %dma_wait3A_286, %dma_wait3A_287] : memref<2x14x128xi32, #tpu.memory_space<vmem>> -> memref<1x1x128xi32, #tpu.memory_space<vmem>>
    %dma_wait3A_289 = tpu.memref_squeeze %dma_wait3A_288 : memref<1x1x128xi32, #tpu.memory_space<vmem>> -> memref<128xi32, #tpu.memory_space<vmem>>
    %dma_wait3A_290 = arith.constant 0 : i32
    %dma_wait3A_291 = tpu.memref_slice %arg12[%dma_wait3A_290] : memref<102400xf32, #tpu.memory_space<vmem_shared>> -> memref<102400xf32, #tpu.memory_space<vmem_shared>>
    tpu.wait_indirect_dma semaphore(%arg15 : memref<!tpu.dma_semaphore, #tpu.memory_space<semaphore_mem>>) src(%arg7 : memref<128xf32, #tpu.memory_space<vmem>>) dst(%dma_wait3A_291 : memref<102400xf32, #tpu.memory_space<vmem_shared>>)
    %dma_wait3A_292 = arith.constant 1 : i32
    %dma_wait3A_293 = arith.constant 6 : i32
    %dma_wait3A_294 = arith.constant 0 : i32
    %dma_wait3A_295 = tpu.memref_slice %arg6[%dma_wait3A_292, %dma_wait3A_293, %dma_wait3A_294] : memref<2x14x128xi32, #tpu.memory_space<vmem>> -> memref<1x1x128xi32, #tpu.memory_space<vmem>>
    %dma_wait3A_296 = tpu.memref_squeeze %dma_wait3A_295 : memref<1x1x128xi32, #tpu.memory_space<vmem>> -> memref<128xi32, #tpu.memory_space<vmem>>
    %dma_wait3A_297 = arith.constant 0 : i32
    %dma_wait3A_298 = tpu.memref_slice %arg12[%dma_wait3A_297] : memref<102400xf32, #tpu.memory_space<vmem_shared>> -> memref<102400xf32, #tpu.memory_space<vmem_shared>>
    tpu.wait_indirect_dma semaphore(%arg15 : memref<!tpu.dma_semaphore, #tpu.memory_space<semaphore_mem>>) src(%arg7 : memref<128xf32, #tpu.memory_space<vmem>>) dst(%dma_wait3A_298 : memref<102400xf32, #tpu.memory_space<vmem_shared>>)
    %dma_wait3A_299 = arith.constant 1 : i32
    %dma_wait3A_300 = arith.constant 7 : i32
    %dma_wait3A_301 = arith.constant 0 : i32
    %dma_wait3A_302 = tpu.memref_slice %arg6[%dma_wait3A_299, %dma_wait3A_300, %dma_wait3A_301] : memref<2x14x128xi32, #tpu.memory_space<vmem>> -> memref<1x1x128xi32, #tpu.memory_space<vmem>>
    %dma_wait3A_303 = tpu.memref_squeeze %dma_wait3A_302 : memref<1x1x128xi32, #tpu.memory_space<vmem>> -> memref<128xi32, #tpu.memory_space<vmem>>
    %dma_wait3A_304 = arith.constant 0 : i32
    %dma_wait3A_305 = tpu.memref_slice %arg12[%dma_wait3A_304] : memref<102400xf32, #tpu.memory_space<vmem_shared>> -> memref<102400xf32, #tpu.memory_space<vmem_shared>>
    tpu.wait_indirect_dma semaphore(%arg15 : memref<!tpu.dma_semaphore, #tpu.memory_space<semaphore_mem>>) src(%arg7 : memref<128xf32, #tpu.memory_space<vmem>>) dst(%dma_wait3A_305 : memref<102400xf32, #tpu.memory_space<vmem_shared>>)
    %dma_wait3A_306 = arith.constant 1 : i32
    %dma_wait3A_307 = arith.constant 8 : i32
    %dma_wait3A_308 = arith.constant 0 : i32
    %dma_wait3A_309 = tpu.memref_slice %arg6[%dma_wait3A_306, %dma_wait3A_307, %dma_wait3A_308] : memref<2x14x128xi32, #tpu.memory_space<vmem>> -> memref<1x1x128xi32, #tpu.memory_space<vmem>>
    %dma_wait3A_310 = tpu.memref_squeeze %dma_wait3A_309 : memref<1x1x128xi32, #tpu.memory_space<vmem>> -> memref<128xi32, #tpu.memory_space<vmem>>
    %dma_wait3A_311 = arith.constant 0 : i32
    %dma_wait3A_312 = tpu.memref_slice %arg12[%dma_wait3A_311] : memref<102400xf32, #tpu.memory_space<vmem_shared>> -> memref<102400xf32, #tpu.memory_space<vmem_shared>>
    tpu.wait_indirect_dma semaphore(%arg15 : memref<!tpu.dma_semaphore, #tpu.memory_space<semaphore_mem>>) src(%arg7 : memref<128xf32, #tpu.memory_space<vmem>>) dst(%dma_wait3A_312 : memref<102400xf32, #tpu.memory_space<vmem_shared>>)
    %dma_wait3A_313 = arith.constant 1 : i32
    %dma_wait3A_314 = arith.constant 9 : i32
    %dma_wait3A_315 = arith.constant 0 : i32
    %dma_wait3A_316 = tpu.memref_slice %arg6[%dma_wait3A_313, %dma_wait3A_314, %dma_wait3A_315] : memref<2x14x128xi32, #tpu.memory_space<vmem>> -> memref<1x1x128xi32, #tpu.memory_space<vmem>>
    %dma_wait3A_317 = tpu.memref_squeeze %dma_wait3A_316 : memref<1x1x128xi32, #tpu.memory_space<vmem>> -> memref<128xi32, #tpu.memory_space<vmem>>
    %dma_wait3A_318 = arith.constant 0 : i32
    %dma_wait3A_319 = tpu.memref_slice %arg12[%dma_wait3A_318] : memref<102400xf32, #tpu.memory_space<vmem_shared>> -> memref<102400xf32, #tpu.memory_space<vmem_shared>>
    tpu.wait_indirect_dma semaphore(%arg15 : memref<!tpu.dma_semaphore, #tpu.memory_space<semaphore_mem>>) src(%arg7 : memref<128xf32, #tpu.memory_space<vmem>>) dst(%dma_wait3A_319 : memref<102400xf32, #tpu.memory_space<vmem_shared>>)
    %dma_wait3A_320 = arith.constant 1 : i32
    %dma_wait3A_321 = arith.constant 10 : i32
    %dma_wait3A_322 = arith.constant 0 : i32
    %dma_wait3A_323 = tpu.memref_slice %arg6[%dma_wait3A_320, %dma_wait3A_321, %dma_wait3A_322] : memref<2x14x128xi32, #tpu.memory_space<vmem>> -> memref<1x1x128xi32, #tpu.memory_space<vmem>>
    %dma_wait3A_324 = tpu.memref_squeeze %dma_wait3A_323 : memref<1x1x128xi32, #tpu.memory_space<vmem>> -> memref<128xi32, #tpu.memory_space<vmem>>
    %dma_wait3A_325 = arith.constant 0 : i32
    %dma_wait3A_326 = tpu.memref_slice %arg12[%dma_wait3A_325] : memref<102400xf32, #tpu.memory_space<vmem_shared>> -> memref<102400xf32, #tpu.memory_space<vmem_shared>>
    tpu.wait_indirect_dma semaphore(%arg15 : memref<!tpu.dma_semaphore, #tpu.memory_space<semaphore_mem>>) src(%arg7 : memref<128xf32, #tpu.memory_space<vmem>>) dst(%dma_wait3A_326 : memref<102400xf32, #tpu.memory_space<vmem_shared>>)
    %dma_wait3A_327 = arith.constant 1 : i32
    %dma_wait3A_328 = arith.constant 11 : i32
    %dma_wait3A_329 = arith.constant 0 : i32
    %dma_wait3A_330 = tpu.memref_slice %arg6[%dma_wait3A_327, %dma_wait3A_328, %dma_wait3A_329] : memref<2x14x128xi32, #tpu.memory_space<vmem>> -> memref<1x1x128xi32, #tpu.memory_space<vmem>>
    %dma_wait3A_331 = tpu.memref_squeeze %dma_wait3A_330 : memref<1x1x128xi32, #tpu.memory_space<vmem>> -> memref<128xi32, #tpu.memory_space<vmem>>
    %dma_wait3A_332 = arith.constant 0 : i32
    %dma_wait3A_333 = tpu.memref_slice %arg12[%dma_wait3A_332] : memref<102400xf32, #tpu.memory_space<vmem_shared>> -> memref<102400xf32, #tpu.memory_space<vmem_shared>>
    tpu.wait_indirect_dma semaphore(%arg15 : memref<!tpu.dma_semaphore, #tpu.memory_space<semaphore_mem>>) src(%arg7 : memref<128xf32, #tpu.memory_space<vmem>>) dst(%dma_wait3A_333 : memref<102400xf32, #tpu.memory_space<vmem_shared>>)
    %dma_wait3A_334 = arith.constant 1 : i32
    %dma_wait3A_335 = arith.constant 12 : i32
    %dma_wait3A_336 = arith.constant 0 : i32
    %dma_wait3A_337 = tpu.memref_slice %arg6[%dma_wait3A_334, %dma_wait3A_335, %dma_wait3A_336] : memref<2x14x128xi32, #tpu.memory_space<vmem>> -> memref<1x1x128xi32, #tpu.memory_space<vmem>>
    %dma_wait3A_338 = tpu.memref_squeeze %dma_wait3A_337 : memref<1x1x128xi32, #tpu.memory_space<vmem>> -> memref<128xi32, #tpu.memory_space<vmem>>
    %dma_wait3A_339 = arith.constant 0 : i32
    %dma_wait3A_340 = tpu.memref_slice %arg12[%dma_wait3A_339] : memref<102400xf32, #tpu.memory_space<vmem_shared>> -> memref<102400xf32, #tpu.memory_space<vmem_shared>>
    tpu.wait_indirect_dma semaphore(%arg15 : memref<!tpu.dma_semaphore, #tpu.memory_space<semaphore_mem>>) src(%arg7 : memref<128xf32, #tpu.memory_space<vmem>>) dst(%dma_wait3A_340 : memref<102400xf32, #tpu.memory_space<vmem_shared>>)
    %dma_wait3A_341 = arith.constant 1 : i32
    %dma_wait3A_342 = arith.constant 13 : i32
    %dma_wait3A_343 = arith.constant 0 : i32
    %dma_wait3A_344 = tpu.memref_slice %arg6[%dma_wait3A_341, %dma_wait3A_342, %dma_wait3A_343] : memref<2x14x128xi32, #tpu.memory_space<vmem>> -> memref<1x1x128xi32, #tpu.memory_space<vmem>>
    %dma_wait3A_345 = tpu.memref_squeeze %dma_wait3A_344 : memref<1x1x128xi32, #tpu.memory_space<vmem>> -> memref<128xi32, #tpu.memory_space<vmem>>
    %dma_wait3A_346 = arith.constant 0 : i32
    %dma_wait3A_347 = tpu.memref_slice %arg12[%dma_wait3A_346] : memref<102400xf32, #tpu.memory_space<vmem_shared>> -> memref<102400xf32, #tpu.memory_space<vmem_shared>>
    tpu.wait_indirect_dma semaphore(%arg15 : memref<!tpu.dma_semaphore, #tpu.memory_space<semaphore_mem>>) src(%arg7 : memref<128xf32, #tpu.memory_space<vmem>>) dst(%dma_wait3A_347 : memref<102400xf32, #tpu.memory_space<vmem_shared>>)
    %barrier3A_348 = arith.constant 0 : index
    tpu.barrier barrier_id(%barrier3A_348)
    %mul3A_349 = arith.constant 16 : i32
    %mul3A_350 = arith.muli %arg0, %mul3A_349 : i32
    %add3A_351 = arith.addi %mul3A_350, %arg1 : i32
    %iota3A = tpu.iota {dimensions = array<i32: 0>} : vector<16xi32>
    %mul3A_352 = arith.constant 3200 : i32
    %mul3A_353 = arith.muli %add3A_351, %mul3A_352 : i32
    %scan3A_354 = arith.constant 0 : i32
    %scan3A_355 = arith.constant 0 : i32
    %scan3A_356 = arith.constant 4 : i32
    %scan3A_357 = arith.addi %scan3A_355, %scan3A_356 : i32
    %scan3A_358 = arith.constant 1 : i32
    %scan3A_359 = scf.for %scan3A_361 = %scan3A_355 to %scan3A_357 step %scan3A_358 iter_args(%scan3A_362 = %scan3A_354) -> (i32)  : i32 {
      %mul3A_363 = arith.constant 800 : i32
      %mul3A_364 = arith.muli %scan3A_361, %mul3A_363 : i32
      %add3A_365 = arith.addi %mul3A_353, %mul3A_364 : i32
      "tpu.region"() ({
        %run_scoped3A = tpu.sem_alloc : memref<!tpu.dma_semaphore, #tpu.memory_space<semaphore_mem>>
        %dma_start3A_381 = tpu.memref_slice %arg12[%add3A_365] : memref<102400xf32, #tpu.memory_space<vmem_shared>> -> memref<800xf32, #tpu.memory_space<vmem_shared>>
        %dma_start3A_382 = tpu.memref_slice %arg12[%add3A_365] : memref<102400xf32, #tpu.memory_space<vmem_shared>> -> memref<800xf32, #tpu.memory_space<vmem_shared>>
        tpu.enqueue_dma source(%dma_start3A_382 : memref<800xf32, #tpu.memory_space<vmem_shared>>) target(%arg9 : memref<800xf32, #tpu.memory_space<vmem>>) target_semaphore(%run_scoped3A : memref<!tpu.dma_semaphore, #tpu.memory_space<semaphore_mem>>)
        %dma_wait3A_383 = tpu.memref_slice %arg12[%add3A_365] : memref<102400xf32, #tpu.memory_space<vmem_shared>> -> memref<800xf32, #tpu.memory_space<vmem_shared>>
        %dma_wait3A_384 = tpu.memref_slice %arg12[%add3A_365] : memref<102400xf32, #tpu.memory_space<vmem_shared>> -> memref<800xf32, #tpu.memory_space<vmem_shared>>
        tpu.wait_dma2 semaphore(%run_scoped3A : memref<!tpu.dma_semaphore, #tpu.memory_space<semaphore_mem>>) src(%dma_wait3A_384 : memref<800xf32, #tpu.memory_space<vmem_shared>>) dst(%arg9 : memref<800xf32, #tpu.memory_space<vmem>>)
        tpu.yield
      }) : () -> ()
      "tpu.region"() ({
        %run_scoped3A = tpu.sem_alloc : memref<!tpu.dma_semaphore, #tpu.memory_space<semaphore_mem>>
        %dma_start3A_381 = arith.constant 0 : i32
        %dma_start3A_382 = tpu.memref_slice %arg3[%add3A_365, %dma_start3A_381] : memref<102400x16xf32, #tpu.memory_space<hbm>> -> memref<800x16xf32, #tpu.memory_space<hbm>>
        %dma_start3A_383 = arith.constant 0 : i32
        %dma_start3A_384 = tpu.memref_slice %arg3[%add3A_365, %dma_start3A_383] : memref<102400x16xf32, #tpu.memory_space<hbm>> -> memref<800x16xf32, #tpu.memory_space<hbm>>
        tpu.enqueue_dma source(%dma_start3A_384 : memref<800x16xf32, #tpu.memory_space<hbm>>) target(%arg11 : memref<800x16xf32, #tpu.memory_space<vmem>>) target_semaphore(%run_scoped3A : memref<!tpu.dma_semaphore, #tpu.memory_space<semaphore_mem>>)
        %dma_wait3A_385 = arith.constant 0 : i32
        %dma_wait3A_386 = tpu.memref_slice %arg3[%add3A_365, %dma_wait3A_385] : memref<102400x16xf32, #tpu.memory_space<hbm>> -> memref<800x16xf32, #tpu.memory_space<hbm>>
        %dma_wait3A_387 = arith.constant 0 : i32
        %dma_wait3A_388 = tpu.memref_slice %arg3[%add3A_365, %dma_wait3A_387] : memref<102400x16xf32, #tpu.memory_space<hbm>> -> memref<800x16xf32, #tpu.memory_space<hbm>>
        tpu.wait_dma2 semaphore(%run_scoped3A : memref<!tpu.dma_semaphore, #tpu.memory_space<semaphore_mem>>) src(%dma_wait3A_388 : memref<800x16xf32, #tpu.memory_space<hbm>>) dst(%arg11 : memref<800x16xf32, #tpu.memory_space<vmem>>)
        tpu.yield
      }) : () -> ()
      %scan3A_366 = arith.constant 0 : i32
      %scan3A_367 = arith.constant 0 : i32
      %scan3A_368 = arith.constant 50 : i32
      %scan3A_369 = arith.addi %scan3A_367, %scan3A_368 : i32
      %scan3A_370 = arith.constant 1 : i32
      %scan3A_371 = scf.for %scan3A_381 = %scan3A_367 to %scan3A_369 step %scan3A_370 iter_args(%scan3A_382 = %scan3A_366) -> (i32)  : i32 {
        %mul3A_383 = arith.constant 16 : i32
        %mul3A_384 = arith.muli %scan3A_381, %mul3A_383 : i32
        %get3A = arith.index_cast %mul3A_384 : i32 to index
        %get3A_385 = tpu.vector_load %arg9[%get3A] {strides = array<i32>} : memref<800xf32, #tpu.memory_space<vmem>>, vector<16xf32>,
        %add3A_386 = arith.constant 1.000000e+00 : f32
        %add3A_387 = vector.broadcast %add3A_386 : f32 to vector<16xf32>
        %add3A_388 = arith.addf %get3A_385, %add3A_387 : vector<16xf32>
        %bitcast_convert_type3A = tpu.bitcast %add3A_388 : vector<16xf32> -> vector<16xi32>
        %broadcast_in_dim3A = arith.constant 1597463007 : i32
        %broadcast_in_dim3A_389 = vector.broadcast %broadcast_in_dim3A : i32 to vector<16xi32>
        %broadcast_in_dim3A_390 = arith.constant 1 : i32
        %broadcast_in_dim3A_391 = vector.broadcast %broadcast_in_dim3A_390 : i32 to vector<16xi32>
        %shift_right_arithmetic3A = arith.shrsi %bitcast_convert_type3A, %broadcast_in_dim3A_391 : vector<16xi32>
        %sub3A_392 = arith.subi %broadcast_in_dim3A_389, %shift_right_arithmetic3A : vector<16xi32>
        %bitcast_convert_type3A_393 = tpu.bitcast %sub3A_392 : vector<16xi32> -> vector<16xf32>
        %mul3A_394 = arith.constant 5.000000e-01 : f32
        %mul3A_395 = vector.broadcast %mul3A_394 : f32 to vector<16xf32>
        %mul3A_396 = arith.mulf %mul3A_395, %add3A_388 : vector<16xf32>
        %mul3A_397 = arith.mulf %mul3A_396, %bitcast_convert_type3A_393 : vector<16xf32>
        %mul3A_398 = arith.mulf %mul3A_397, %bitcast_convert_type3A_393 : vector<16xf32>
        %sub3A_399 = arith.constant 1.500000e+00 : f32
        %sub3A_400 = vector.broadcast %sub3A_399 : f32 to vector<16xf32>
        %sub3A_401 = arith.subf %sub3A_400, %mul3A_398 : vector<16xf32>
        %mul3A_402 = arith.mulf %bitcast_convert_type3A_393, %sub3A_401 : vector<16xf32>
        %mul3A_403 = arith.constant 5.000000e-01 : f32
        %mul3A_404 = vector.broadcast %mul3A_403 : f32 to vector<16xf32>
        %mul3A_405 = arith.mulf %mul3A_404, %add3A_388 : vector<16xf32>
        %mul3A_406 = arith.mulf %mul3A_405, %mul3A_402 : vector<16xf32>
        %mul3A_407 = arith.mulf %mul3A_406, %mul3A_402 : vector<16xf32>
        %sub3A_408 = arith.constant 1.500000e+00 : f32
        %sub3A_409 = vector.broadcast %sub3A_408 : f32 to vector<16xf32>
        %sub3A_410 = arith.subf %sub3A_409, %mul3A_407 : vector<16xf32>
        %mul3A_411 = arith.mulf %mul3A_402, %sub3A_410 : vector<16xf32>
        %mul3A_412 = arith.constant 5.000000e-01 : f32
        %mul3A_413 = vector.broadcast %mul3A_412 : f32 to vector<16xf32>
        %mul3A_414 = arith.mulf %mul3A_413, %add3A_388 : vector<16xf32>
        %mul3A_415 = arith.mulf %mul3A_414, %mul3A_411 : vector<16xf32>
        %mul3A_416 = arith.mulf %mul3A_415, %mul3A_411 : vector<16xf32>
        %sub3A_417 = arith.constant 1.500000e+00 : f32
        %sub3A_418 = vector.broadcast %sub3A_417 : f32 to vector<16xf32>
        %sub3A_419 = arith.subf %sub3A_418, %mul3A_416 : vector<16xf32>
        %mul3A_420 = arith.mulf %mul3A_411, %sub3A_419 : vector<16xf32>
        %mul3A_421 = arith.constant 5.000000e-01 : f32
        %mul3A_422 = vector.broadcast %mul3A_421 : f32 to vector<16xf32>
        %mul3A_423 = arith.mulf %mul3A_422, %add3A_388 : vector<16xf32>
        %mul3A_424 = arith.mulf %mul3A_423, %mul3A_420 : vector<16xf32>
        %mul3A_425 = arith.mulf %mul3A_424, %mul3A_420 : vector<16xf32>
        %sub3A_426 = arith.constant 1.500000e+00 : f32
        %sub3A_427 = vector.broadcast %sub3A_426 : f32 to vector<16xf32>
        %sub3A_428 = arith.subf %sub3A_427, %mul3A_425 : vector<16xf32>
        %mul3A_429 = arith.mulf %mul3A_420, %sub3A_428 : vector<16xf32>
        %mul3A_430 = arith.constant 16 : i32
        %mul3A_431 = arith.muli %scan3A_381, %mul3A_430 : i32
        %add3A_432 = vector.broadcast %mul3A_431 : i32 to vector<16xi32>
        %add3A_433 = arith.addi %iota3A, %add3A_432 : vector<16xi32>
        %broadcast_in_dim3A_434 = arith.constant 0 : i32
        %broadcast_in_dim3A_435 = vector.broadcast %broadcast_in_dim3A_434 : i32 to vector<16xi32>
        tpu.vector_store_idx %arg10[%add3A_433, %broadcast_in_dim3A_435], %mul3A_429 : memref<800x16xf32, #tpu.memory_space<vmem>>[vector<16xi32>, vector<16xi32>], vector<16xf32>,
        %broadcast_in_dim3A_436 = arith.constant 1 : i32
        %broadcast_in_dim3A_437 = vector.broadcast %broadcast_in_dim3A_436 : i32 to vector<16xi32>
        tpu.vector_store_idx %arg10[%add3A_433, %broadcast_in_dim3A_437], %mul3A_429 : memref<800x16xf32, #tpu.memory_space<vmem>>[vector<16xi32>, vector<16xi32>], vector<16xf32>,
        %broadcast_in_dim3A_438 = arith.constant 2 : i32
        %broadcast_in_dim3A_439 = vector.broadcast %broadcast_in_dim3A_438 : i32 to vector<16xi32>
        tpu.vector_store_idx %arg10[%add3A_433, %broadcast_in_dim3A_439], %mul3A_429 : memref<800x16xf32, #tpu.memory_space<vmem>>[vector<16xi32>, vector<16xi32>], vector<16xf32>,
        %broadcast_in_dim3A_440 = arith.constant 3 : i32
        %broadcast_in_dim3A_441 = vector.broadcast %broadcast_in_dim3A_440 : i32 to vector<16xi32>
        tpu.vector_store_idx %arg10[%add3A_433, %broadcast_in_dim3A_441], %mul3A_429 : memref<800x16xf32, #tpu.memory_space<vmem>>[vector<16xi32>, vector<16xi32>], vector<16xf32>,
        %broadcast_in_dim3A_442 = arith.constant 4 : i32
        %broadcast_in_dim3A_443 = vector.broadcast %broadcast_in_dim3A_442 : i32 to vector<16xi32>
        tpu.vector_store_idx %arg10[%add3A_433, %broadcast_in_dim3A_443], %mul3A_429 : memref<800x16xf32, #tpu.memory_space<vmem>>[vector<16xi32>, vector<16xi32>], vector<16xf32>,
        %broadcast_in_dim3A_444 = arith.constant 5 : i32
        %broadcast_in_dim3A_445 = vector.broadcast %broadcast_in_dim3A_444 : i32 to vector<16xi32>
        tpu.vector_store_idx %arg10[%add3A_433, %broadcast_in_dim3A_445], %mul3A_429 : memref<800x16xf32, #tpu.memory_space<vmem>>[vector<16xi32>, vector<16xi32>], vector<16xf32>,
        %broadcast_in_dim3A_446 = arith.constant 6 : i32
        %broadcast_in_dim3A_447 = vector.broadcast %broadcast_in_dim3A_446 : i32 to vector<16xi32>
        tpu.vector_store_idx %arg10[%add3A_433, %broadcast_in_dim3A_447], %mul3A_429 : memref<800x16xf32, #tpu.memory_space<vmem>>[vector<16xi32>, vector<16xi32>], vector<16xf32>,
        %broadcast_in_dim3A_448 = arith.constant 7 : i32
        %broadcast_in_dim3A_449 = vector.broadcast %broadcast_in_dim3A_448 : i32 to vector<16xi32>
        tpu.vector_store_idx %arg10[%add3A_433, %broadcast_in_dim3A_449], %mul3A_429 : memref<800x16xf32, #tpu.memory_space<vmem>>[vector<16xi32>, vector<16xi32>], vector<16xf32>,
        %broadcast_in_dim3A_450 = arith.constant 8 : i32
        %broadcast_in_dim3A_451 = vector.broadcast %broadcast_in_dim3A_450 : i32 to vector<16xi32>
        tpu.vector_store_idx %arg10[%add3A_433, %broadcast_in_dim3A_451], %mul3A_429 : memref<800x16xf32, #tpu.memory_space<vmem>>[vector<16xi32>, vector<16xi32>], vector<16xf32>,
        %broadcast_in_dim3A_452 = arith.constant 9 : i32
        %broadcast_in_dim3A_453 = vector.broadcast %broadcast_in_dim3A_452 : i32 to vector<16xi32>
        tpu.vector_store_idx %arg10[%add3A_433, %broadcast_in_dim3A_453], %mul3A_429 : memref<800x16xf32, #tpu.memory_space<vmem>>[vector<16xi32>, vector<16xi32>], vector<16xf32>,
        %broadcast_in_dim3A_454 = arith.constant 10 : i32
        %broadcast_in_dim3A_455 = vector.broadcast %broadcast_in_dim3A_454 : i32 to vector<16xi32>
        tpu.vector_store_idx %arg10[%add3A_433, %broadcast_in_dim3A_455], %mul3A_429 : memref<800x16xf32, #tpu.memory_space<vmem>>[vector<16xi32>, vector<16xi32>], vector<16xf32>,
        %broadcast_in_dim3A_456 = arith.constant 11 : i32
        %broadcast_in_dim3A_457 = vector.broadcast %broadcast_in_dim3A_456 : i32 to vector<16xi32>
        tpu.vector_store_idx %arg10[%add3A_433, %broadcast_in_dim3A_457], %mul3A_429 : memref<800x16xf32, #tpu.memory_space<vmem>>[vector<16xi32>, vector<16xi32>], vector<16xf32>,
        %broadcast_in_dim3A_458 = arith.constant 12 : i32
        %broadcast_in_dim3A_459 = vector.broadcast %broadcast_in_dim3A_458 : i32 to vector<16xi32>
        tpu.vector_store_idx %arg10[%add3A_433, %broadcast_in_dim3A_459], %mul3A_429 : memref<800x16xf32, #tpu.memory_space<vmem>>[vector<16xi32>, vector<16xi32>], vector<16xf32>,
        %broadcast_in_dim3A_460 = arith.constant 13 : i32
        %broadcast_in_dim3A_461 = vector.broadcast %broadcast_in_dim3A_460 : i32 to vector<16xi32>
        tpu.vector_store_idx %arg10[%add3A_433, %broadcast_in_dim3A_461], %mul3A_429 : memref<800x16xf32, #tpu.memory_space<vmem>>[vector<16xi32>, vector<16xi32>], vector<16xf32>,
        %broadcast_in_dim3A_462 = arith.constant 14 : i32
        %broadcast_in_dim3A_463 = vector.broadcast %broadcast_in_dim3A_462 : i32 to vector<16xi32>
        tpu.vector_store_idx %arg10[%add3A_433, %broadcast_in_dim3A_463], %mul3A_429 : memref<800x16xf32, #tpu.memory_space<vmem>>[vector<16xi32>, vector<16xi32>], vector<16xf32>,
        %broadcast_in_dim3A_464 = arith.constant 15 : i32
        %broadcast_in_dim3A_465 = vector.broadcast %broadcast_in_dim3A_464 : i32 to vector<16xi32>
        tpu.vector_store_idx %arg10[%add3A_433, %broadcast_in_dim3A_465], %mul3A_429 : memref<800x16xf32, #tpu.memory_space<vmem>>[vector<16xi32>, vector<16xi32>], vector<16xf32>,
        %scan3A_466 = arith.constant 0 : i32
        scf.yield %scan3A_466 : i32
      }
      %scan3A_372 = arith.constant 50 : i32
      %scan3A_373 = arith.constant 0 : i32
      %scan3A_374 = arith.constant 0 : i32
      %scan3A_375 = arith.constant 800 : i32
      %scan3A_376 = arith.addi %scan3A_374, %scan3A_375 : i32
      %scan3A_377 = arith.constant 1 : i32
      %scan3A_378 = scf.for %scan3A_381 = %scan3A_374 to %scan3A_376 step %scan3A_377 iter_args(%scan3A_382 = %scan3A_373) -> (i32)  : i32 {
        %get3A = arith.index_cast %scan3A_381 : i32 to index
        %get3A_383 = arith.constant 0 : index
        %get3A_384 = tpu.vector_load %arg11[%get3A, %get3A_383] {strides = array<i32>} : memref<800x16xf32, #tpu.memory_space<vmem>>, vector<16xf32>,
        %get3A_385 = arith.index_cast %scan3A_381 : i32 to index
        %get3A_386 = arith.constant 0 : index
        %get3A_387 = tpu.vector_load %arg10[%get3A_385, %get3A_386] {strides = array<i32>} : memref<800x16xf32, #tpu.memory_space<vmem>>, vector<16xf32>,
        %mul3A_388 = arith.mulf %get3A_384, %get3A_387 : vector<16xf32>
        %swap3A = arith.index_cast %scan3A_381 : i32 to index
        %swap3A_389 = arith.constant 0 : index
        %swap3A_390 = tpu.vector_load %arg11[%swap3A, %swap3A_389] {strides = array<i32>} : memref<800x16xf32, #tpu.memory_space<vmem>>, vector<16xf32>,
        tpu.vector_store %arg11[%swap3A, %swap3A_389], %mul3A_388 {strides = array<i32>} : memref<800x16xf32, #tpu.memory_space<vmem>>, vector<16xf32>,
        %scan3A_391 = arith.constant 0 : i32
        scf.yield %scan3A_391 : i32
      }
      %scan3A_379 = arith.constant 800 : i32
      "tpu.region"() ({
        %run_scoped3A = tpu.sem_alloc : memref<!tpu.dma_semaphore, #tpu.memory_space<semaphore_mem>>
        %dma_start3A_381 = arith.constant 0 : i32
        %dma_start3A_382 = tpu.memref_slice %arg4[%add3A_365, %dma_start3A_381] : memref<102400x16xf32, #tpu.memory_space<hbm>> -> memref<800x16xf32, #tpu.memory_space<hbm>>
        %dma_start3A_383 = arith.constant 0 : i32
        %dma_start3A_384 = tpu.memref_slice %arg4[%add3A_365, %dma_start3A_383] : memref<102400x16xf32, #tpu.memory_space<hbm>> -> memref<800x16xf32, #tpu.memory_space<hbm>>
        tpu.enqueue_dma source(%arg10 : memref<800x16xf32, #tpu.memory_space<vmem>>) target(%dma_start3A_384 : memref<800x16xf32, #tpu.memory_space<hbm>>) target_semaphore(%run_scoped3A : memref<!tpu.dma_semaphore, #tpu.memory_space<semaphore_mem>>)
        %dma_wait3A_385 = arith.constant 0 : i32
        %dma_wait3A_386 = tpu.memref_slice %arg4[%add3A_365, %dma_wait3A_385] : memref<102400x16xf32, #tpu.memory_space<hbm>> -> memref<800x16xf32, #tpu.memory_space<hbm>>
        %dma_wait3A_387 = arith.constant 0 : i32
        %dma_wait3A_388 = tpu.memref_slice %arg4[%add3A_365, %dma_wait3A_387] : memref<102400x16xf32, #tpu.memory_space<hbm>> -> memref<800x16xf32, #tpu.memory_space<hbm>>
        tpu.wait_dma2 semaphore(%run_scoped3A : memref<!tpu.dma_semaphore, #tpu.memory_space<semaphore_mem>>) src(%arg10 : memref<800x16xf32, #tpu.memory_space<vmem>>) dst(%dma_wait3A_388 : memref<800x16xf32, #tpu.memory_space<hbm>>)
        tpu.yield
      }) : () -> ()
      "tpu.region"() ({
        %run_scoped3A = tpu.sem_alloc : memref<!tpu.dma_semaphore, #tpu.memory_space<semaphore_mem>>
        %dma_start3A_381 = arith.constant 0 : i32
        %dma_start3A_382 = tpu.memref_slice %arg5[%add3A_365, %dma_start3A_381] : memref<102400x16xf32, #tpu.memory_space<hbm>> -> memref<800x16xf32, #tpu.memory_space<hbm>>
        %dma_start3A_383 = arith.constant 0 : i32
        %dma_start3A_384 = tpu.memref_slice %arg5[%add3A_365, %dma_start3A_383] : memref<102400x16xf32, #tpu.memory_space<hbm>> -> memref<800x16xf32, #tpu.memory_space<hbm>>
        tpu.enqueue_dma source(%arg11 : memref<800x16xf32, #tpu.memory_space<vmem>>) target(%dma_start3A_384 : memref<800x16xf32, #tpu.memory_space<hbm>>) target_semaphore(%run_scoped3A : memref<!tpu.dma_semaphore, #tpu.memory_space<semaphore_mem>>)
        %dma_wait3A_385 = arith.constant 0 : i32
        %dma_wait3A_386 = tpu.memref_slice %arg5[%add3A_365, %dma_wait3A_385] : memref<102400x16xf32, #tpu.memory_space<hbm>> -> memref<800x16xf32, #tpu.memory_space<hbm>>
        %dma_wait3A_387 = arith.constant 0 : i32
        %dma_wait3A_388 = tpu.memref_slice %arg5[%add3A_365, %dma_wait3A_387] : memref<102400x16xf32, #tpu.memory_space<hbm>> -> memref<800x16xf32, #tpu.memory_space<hbm>>
        tpu.wait_dma2 semaphore(%run_scoped3A : memref<!tpu.dma_semaphore, #tpu.memory_space<semaphore_mem>>) src(%arg11 : memref<800x16xf32, #tpu.memory_space<vmem>>) dst(%dma_wait3A_388 : memref<800x16xf32, #tpu.memory_space<hbm>>)
        tpu.yield
      }) : () -> ()
      %scan3A_380 = arith.constant 0 : i32
      scf.yield %scan3A_380 : i32
    }
    %scan3A_360 = arith.constant 4 : i32
    return
  }
}

#map = affine_map<(d0, d1) -> (0)>
#map1 = affine_map<(d0, d1) -> (0, 0)>
#map2 = affine_map<(d0, d1) -> (0, 0, 0)>
module attributes {stable_mosaic.version = 14 : i64} {
  func.func @_sc_agg2(%arg0: i32, %arg1: i32, %arg2: memref<1605632xi32, #tpu.memory_space<hbm>>, %arg3: memref<1605632xi32, #tpu.memory_space<hbm>>, %arg4: memref<1605632xi32, #tpu.memory_space<hbm>>, %arg5: memref<204800x16xf32, #tpu.memory_space<hbm>>, %arg6: memref<2x102400x16xf32, #tpu.memory_space<hbm>>, %arg7: memref<4x512xi32, #tpu.memory_space<vmem>>, %arg8: memref<4x512xi32, #tpu.memory_space<vmem>>, %arg9: memref<2x512x16xf32, #tpu.memory_space<vmem>>, %arg10: memref<128x16xf32, #tpu.memory_space<vmem>>, %arg11: memref<102400x16xf32, #tpu.memory_space<vmem_shared>>, %arg12: memref<!tpu.dma_semaphore, #tpu.memory_space<semaphore_mem>>, %arg13: memref<!tpu.dma_semaphore, #tpu.memory_space<semaphore_mem>>, %arg14: memref<!tpu.dma_semaphore, #tpu.memory_space<semaphore_mem>>, %arg15: memref<!tpu.dma_semaphore, #tpu.memory_space<semaphore_mem>>, %arg16: memref<!tpu.dma_semaphore, #tpu.memory_space<semaphore_mem>>, %arg17: memref<!tpu.dma_semaphore, #tpu.memory_space<semaphore_mem>>, %arg18: memref<!tpu.dma_semaphore, #tpu.memory_space<semaphore_mem>>) attributes {dimension_semantics = [#tpu.dimension_semantics<core_parallel>, #tpu.dimension_semantics<subcore_parallel>], iteration_bounds = array<i64: 2, 16>, scalar_prefetch = 0 : i64, scratch_operands = 12 : i64, tpu.core_type = #tpu.core_type<sc_vector_subcore>, window_params = [{transform_indices = #map}, {transform_indices = #map}, {transform_indices = #map}, {transform_indices = #map1}, {transform_indices = #map2}]} {
    %scan3A = arith.constant 0 : i32
    %scan3A_0 = arith.constant 0 : i32
    %scan3A_1 = arith.constant 128 : i32
    %scan3A_2 = arith.addi %scan3A_0, %scan3A_1 : i32
    %scan3A_3 = arith.constant 1 : i32
    %scan3A_4 = scf.for %scan3A_94 = %scan3A_0 to %scan3A_2 step %scan3A_3 iter_args(%scan3A_95 = %scan3A) -> (i32)  : i32 {
      %broadcast_in_dim3A = arith.constant 0.000000e+00 : f32
      %broadcast_in_dim3A_96 = vector.broadcast %broadcast_in_dim3A : f32 to vector<16xf32>
      %swap3A = arith.index_cast %scan3A_94 : i32 to index
      %swap3A_97 = arith.constant 0 : index
      %swap3A_98 = tpu.vector_load %arg10[%swap3A, %swap3A_97] {strides = array<i32>} : memref<128x16xf32, #tpu.memory_space<vmem>>, vector<1x16xf32>,
      %swap3A_99 = vector.shape_cast %swap3A_98 : vector<1x16xf32> to vector<16xf32>
      %swap3A_100 = vector.shape_cast %broadcast_in_dim3A_96 : vector<16xf32> to vector<1x16xf32>
      tpu.vector_store %arg10[%swap3A, %swap3A_97], %swap3A_100 {strides = array<i32>} : memref<128x16xf32, #tpu.memory_space<vmem>>, vector<1x16xf32>,
      %scan3A_101 = arith.constant 0 : i32
      scf.yield %scan3A_101 : i32
    }
    %scan3A_5 = arith.constant 128 : i32
    %mul3A = arith.constant 50 : i32
    %mul3A_6 = arith.muli %arg1, %mul3A : i32
    %add3A = arith.constant 1 : i32
    %add3A_7 = arith.addi %arg1, %add3A : i32
    %mul3A_8 = arith.constant 50 : i32
    %mul3A_9 = arith.muli %add3A_7, %mul3A_8 : i32
    %while3A = arith.constant 0 : i32
    %while3A_10 = arith.subi %mul3A_9, %mul3A_6 : i32
    %while3A_11 = arith.addi %mul3A_6, %while3A_10 : i32
    %while3A_12 = arith.constant 1 : i32
    %while3A_13 = arith.divsi %while3A_10, %while3A_12 : i32
    %while3A_14 = arith.muli %while3A_13, %while3A_12 : i32
    %while3A_15 = arith.addi %mul3A_6, %while3A_14 : i32
    %while3A_16 = arith.constant 1 : i32
    %while3A_17 = scf.for %while3A_94 = %mul3A_6 to %while3A_15 step %while3A_16 iter_args(%while3A_95 = %while3A) -> (i32)  : i32 {
      %mul3A_96 = arith.constant 128 : i32
      %mul3A_97 = arith.muli %while3A_94, %mul3A_96 : i32
      %dma_start3A = arith.constant 0 : i32
      %dma_start3A_98 = tpu.memref_slice %arg11[%mul3A_97, %dma_start3A] : memref<102400x16xf32, #tpu.memory_space<vmem_shared>> -> memref<128x16xf32, #tpu.memory_space<vmem_shared>>
      %dma_start3A_99 = arith.constant 0 : i32
      %dma_start3A_100 = tpu.memref_slice %arg11[%mul3A_97, %dma_start3A_99] : memref<102400x16xf32, #tpu.memory_space<vmem_shared>> -> memref<128x16xf32, #tpu.memory_space<vmem_shared>>
      tpu.enqueue_dma source(%arg10 : memref<128x16xf32, #tpu.memory_space<vmem>>) target(%dma_start3A_100 : memref<128x16xf32, #tpu.memory_space<vmem_shared>>) target_semaphore(%arg18 : memref<!tpu.dma_semaphore, #tpu.memory_space<semaphore_mem>>)
      %while3A_101 = arith.constant 0 : i32
      scf.yield %while3A_101 : i32
    }
    %while3A_18 = arith.constant 1 : i32
    %while3A_19 = scf.for %while3A_94 = %while3A_15 to %while3A_11 step %while3A_18 iter_args(%while3A_95 = %while3A_17) -> (i32)  : i32 {
      %mul3A_96 = arith.constant 128 : i32
      %mul3A_97 = arith.muli %while3A_94, %mul3A_96 : i32
      %dma_start3A = arith.constant 0 : i32
      %dma_start3A_98 = tpu.memref_slice %arg11[%mul3A_97, %dma_start3A] : memref<102400x16xf32, #tpu.memory_space<vmem_shared>> -> memref<128x16xf32, #tpu.memory_space<vmem_shared>>
      %dma_start3A_99 = arith.constant 0 : i32
      %dma_start3A_100 = tpu.memref_slice %arg11[%mul3A_97, %dma_start3A_99] : memref<102400x16xf32, #tpu.memory_space<vmem_shared>> -> memref<128x16xf32, #tpu.memory_space<vmem_shared>>
      tpu.enqueue_dma source(%arg10 : memref<128x16xf32, #tpu.memory_space<vmem>>) target(%dma_start3A_100 : memref<128x16xf32, #tpu.memory_space<vmem_shared>>) target_semaphore(%arg18 : memref<!tpu.dma_semaphore, #tpu.memory_space<semaphore_mem>>)
      %while3A_101 = arith.constant 0 : i32
      scf.yield %while3A_101 : i32
    }
    %scan3A_20 = arith.constant 0 : i32
    %scan3A_21 = arith.constant 0 : i32
    %scan3A_22 = arith.constant 50 : i32
    %scan3A_23 = arith.addi %scan3A_21, %scan3A_22 : i32
    %scan3A_24 = arith.constant 1 : i32
    %scan3A_25 = scf.for %scan3A_94 = %scan3A_21 to %scan3A_23 step %scan3A_24 iter_args(%scan3A_95 = %scan3A_20) -> (i32)  : i32 {
      %dma_wait3A = arith.constant 0 : i32
      %dma_wait3A_96 = arith.constant 0 : i32
      %dma_wait3A_97 = tpu.memref_slice %arg11[%dma_wait3A, %dma_wait3A_96] : memref<102400x16xf32, #tpu.memory_space<vmem_shared>> -> memref<128x16xf32, #tpu.memory_space<vmem_shared>>
      %dma_wait3A_98 = arith.constant 0 : i32
      %dma_wait3A_99 = arith.constant 0 : i32
      %dma_wait3A_100 = tpu.memref_slice %arg11[%dma_wait3A_98, %dma_wait3A_99] : memref<102400x16xf32, #tpu.memory_space<vmem_shared>> -> memref<128x16xf32, #tpu.memory_space<vmem_shared>>
      tpu.wait_dma2 semaphore(%arg18 : memref<!tpu.dma_semaphore, #tpu.memory_space<semaphore_mem>>) src(%arg10 : memref<128x16xf32, #tpu.memory_space<vmem>>) dst(%dma_wait3A_100 : memref<128x16xf32, #tpu.memory_space<vmem_shared>>)
      %scan3A_101 = arith.constant 0 : i32
      scf.yield %scan3A_101 : i32
    }
    %scan3A_26 = arith.constant 50 : i32
    %barrier3A = arith.constant 0 : index
    tpu.barrier barrier_id(%barrier3A)
    %mul3A_27 = arith.constant 784 : i32
    %mul3A_28 = arith.muli %arg1, %mul3A_27 : i32
    %eq3A = arith.constant 0 : i32
    %eq3A_29 = arith.cmpi eq, %arg0, %eq3A : i32
    %convert_element_type3A = arith.extui %eq3A_29 : i1 to i32
    %cond3A = arith.constant 0 : i32
    %cond3A_30 = arith.cmpi ne, %convert_element_type3A, %cond3A : i32
    scf.if %cond3A_30 {
      %add3A_94 = arith.constant 0 : i32
      %add3A_95 = arith.addi %mul3A_28, %add3A_94 : i32
      %mul3A_96 = arith.constant 128 : i32
      %mul3A_97 = arith.muli %add3A_95, %mul3A_96 : i32
      %dma_start3A = arith.constant 0 : i32
      %dma_start3A_98 = arith.constant 0 : i32
      %dma_start3A_99 = tpu.memref_slice %arg7[%dma_start3A, %dma_start3A_98] : memref<4x512xi32, #tpu.memory_space<vmem>> -> memref<1x512xi32, #tpu.memory_space<vmem>>
      %dma_start3A_100 = tpu.memref_squeeze %dma_start3A_99 : memref<1x512xi32, #tpu.memory_space<vmem>> -> memref<512xi32, #tpu.memory_space<vmem>>
      %dma_start3A_101 = tpu.memref_slice %arg2[%mul3A_97] : memref<1605632xi32, #tpu.memory_space<hbm>> -> memref<512xi32, #tpu.memory_space<hbm>>
      %dma_start3A_102 = arith.constant 0 : i32
      %dma_start3A_103 = tpu.memref_slice %arg7[%dma_start3A, %dma_start3A_102] : memref<4x512xi32, #tpu.memory_space<vmem>> -> memref<1x512xi32, #tpu.memory_space<vmem>>
      %dma_start3A_104 = tpu.memref_squeeze %dma_start3A_103 : memref<1x512xi32, #tpu.memory_space<vmem>> -> memref<512xi32, #tpu.memory_space<vmem>>
      %dma_start3A_105 = tpu.memref_slice %arg2[%mul3A_97] : memref<1605632xi32, #tpu.memory_space<hbm>> -> memref<512xi32, #tpu.memory_space<hbm>>
      tpu.enqueue_dma source(%dma_start3A_105 : memref<512xi32, #tpu.memory_space<hbm>>) target(%dma_start3A_104 : memref<512xi32, #tpu.memory_space<vmem>>) target_semaphore(%arg12 : memref<!tpu.dma_semaphore, #tpu.memory_space<semaphore_mem>>)
      %dma_start3A_106 = arith.constant 0 : i32
      %dma_start3A_107 = arith.constant 0 : i32
      %dma_start3A_108 = tpu.memref_slice %arg8[%dma_start3A_106, %dma_start3A_107] : memref<4x512xi32, #tpu.memory_space<vmem>> -> memref<1x512xi32, #tpu.memory_space<vmem>>
      %dma_start3A_109 = tpu.memref_squeeze %dma_start3A_108 : memref<1x512xi32, #tpu.memory_space<vmem>> -> memref<512xi32, #tpu.memory_space<vmem>>
      %dma_start3A_110 = tpu.memref_slice %arg4[%mul3A_97] : memref<1605632xi32, #tpu.memory_space<hbm>> -> memref<512xi32, #tpu.memory_space<hbm>>
      %dma_start3A_111 = arith.constant 0 : i32
      %dma_start3A_112 = tpu.memref_slice %arg8[%dma_start3A_106, %dma_start3A_111] : memref<4x512xi32, #tpu.memory_space<vmem>> -> memref<1x512xi32, #tpu.memory_space<vmem>>
      %dma_start3A_113 = tpu.memref_squeeze %dma_start3A_112 : memref<1x512xi32, #tpu.memory_space<vmem>> -> memref<512xi32, #tpu.memory_space<vmem>>
      %dma_start3A_114 = tpu.memref_slice %arg4[%mul3A_97] : memref<1605632xi32, #tpu.memory_space<hbm>> -> memref<512xi32, #tpu.memory_space<hbm>>
      tpu.enqueue_dma source(%dma_start3A_114 : memref<512xi32, #tpu.memory_space<hbm>>) target(%dma_start3A_113 : memref<512xi32, #tpu.memory_space<vmem>>) target_semaphore(%arg12 : memref<!tpu.dma_semaphore, #tpu.memory_space<semaphore_mem>>)
      %add3A_115 = arith.constant 4 : i32
      %add3A_116 = arith.addi %mul3A_28, %add3A_115 : i32
      %mul3A_117 = arith.constant 128 : i32
      %mul3A_118 = arith.muli %add3A_116, %mul3A_117 : i32
      %dma_start3A_119 = arith.constant 1 : i32
      %dma_start3A_120 = arith.constant 0 : i32
      %dma_start3A_121 = tpu.memref_slice %arg7[%dma_start3A_119, %dma_start3A_120] : memref<4x512xi32, #tpu.memory_space<vmem>> -> memref<1x512xi32, #tpu.memory_space<vmem>>
      %dma_start3A_122 = tpu.memref_squeeze %dma_start3A_121 : memref<1x512xi32, #tpu.memory_space<vmem>> -> memref<512xi32, #tpu.memory_space<vmem>>
      %dma_start3A_123 = tpu.memref_slice %arg2[%mul3A_118] : memref<1605632xi32, #tpu.memory_space<hbm>> -> memref<512xi32, #tpu.memory_space<hbm>>
      %dma_start3A_124 = arith.constant 0 : i32
      %dma_start3A_125 = tpu.memref_slice %arg7[%dma_start3A_119, %dma_start3A_124] : memref<4x512xi32, #tpu.memory_space<vmem>> -> memref<1x512xi32, #tpu.memory_space<vmem>>
      %dma_start3A_126 = tpu.memref_squeeze %dma_start3A_125 : memref<1x512xi32, #tpu.memory_space<vmem>> -> memref<512xi32, #tpu.memory_space<vmem>>
      %dma_start3A_127 = tpu.memref_slice %arg2[%mul3A_118] : memref<1605632xi32, #tpu.memory_space<hbm>> -> memref<512xi32, #tpu.memory_space<hbm>>
      tpu.enqueue_dma source(%dma_start3A_127 : memref<512xi32, #tpu.memory_space<hbm>>) target(%dma_start3A_126 : memref<512xi32, #tpu.memory_space<vmem>>) target_semaphore(%arg13 : memref<!tpu.dma_semaphore, #tpu.memory_space<semaphore_mem>>)
      %dma_start3A_128 = arith.constant 1 : i32
      %dma_start3A_129 = arith.constant 0 : i32
      %dma_start3A_130 = tpu.memref_slice %arg8[%dma_start3A_128, %dma_start3A_129] : memref<4x512xi32, #tpu.memory_space<vmem>> -> memref<1x512xi32, #tpu.memory_space<vmem>>
      %dma_start3A_131 = tpu.memref_squeeze %dma_start3A_130 : memref<1x512xi32, #tpu.memory_space<vmem>> -> memref<512xi32, #tpu.memory_space<vmem>>
      %dma_start3A_132 = tpu.memref_slice %arg4[%mul3A_118] : memref<1605632xi32, #tpu.memory_space<hbm>> -> memref<512xi32, #tpu.memory_space<hbm>>
      %dma_start3A_133 = arith.constant 0 : i32
      %dma_start3A_134 = tpu.memref_slice %arg8[%dma_start3A_128, %dma_start3A_133] : memref<4x512xi32, #tpu.memory_space<vmem>> -> memref<1x512xi32, #tpu.memory_space<vmem>>
      %dma_start3A_135 = tpu.memref_squeeze %dma_start3A_134 : memref<1x512xi32, #tpu.memory_space<vmem>> -> memref<512xi32, #tpu.memory_space<vmem>>
      %dma_start3A_136 = tpu.memref_slice %arg4[%mul3A_118] : memref<1605632xi32, #tpu.memory_space<hbm>> -> memref<512xi32, #tpu.memory_space<hbm>>
      tpu.enqueue_dma source(%dma_start3A_136 : memref<512xi32, #tpu.memory_space<hbm>>) target(%dma_start3A_135 : memref<512xi32, #tpu.memory_space<vmem>>) target_semaphore(%arg13 : memref<!tpu.dma_semaphore, #tpu.memory_space<semaphore_mem>>)
      %scan3A_137 = arith.constant 0 : i32
      %scan3A_138 = arith.constant 0 : i32
      %scan3A_139 = arith.constant 98 : i32
      %scan3A_140 = arith.addi %scan3A_138, %scan3A_139 : i32
      %scan3A_141 = arith.constant 1 : i32
      %scan3A_142 = scf.for %scan3A_191 = %scan3A_138 to %scan3A_140 step %scan3A_141 iter_args(%scan3A_192 = %scan3A_137) -> (i32)  : i32 {
        %mul3A_193 = arith.constant 2 : i32
        %mul3A_194 = arith.muli %mul3A_193, %scan3A_191 : i32
        %rem3A_195 = arith.constant 2 : i32
        %rem3A_196 = arith.remsi %scan3A_191, %rem3A_195 : i32
        %mul3A_197 = arith.constant 2 : i32
        %mul3A_198 = arith.muli %rem3A_196, %mul3A_197 : i32
        %add3A_199 = arith.constant 0 : i32
        %add3A_200 = arith.addi %mul3A_198, %add3A_199 : i32
        %dma_wait3A_201 = arith.constant 0 : i32
        %dma_wait3A_202 = tpu.memref_slice %arg7[%add3A_200, %dma_wait3A_201] : memref<4x512xi32, #tpu.memory_space<vmem>> -> memref<1x512xi32, #tpu.memory_space<vmem>>
        %dma_wait3A_203 = tpu.memref_squeeze %dma_wait3A_202 : memref<1x512xi32, #tpu.memory_space<vmem>> -> memref<512xi32, #tpu.memory_space<vmem>>
        %dma_wait3A_204 = arith.constant 0 : i32
        %dma_wait3A_205 = tpu.memref_slice %arg2[%dma_wait3A_204] : memref<1605632xi32, #tpu.memory_space<hbm>> -> memref<512xi32, #tpu.memory_space<hbm>>
        %dma_wait3A_206 = arith.constant 0 : i32
        %dma_wait3A_207 = tpu.memref_slice %arg7[%add3A_200, %dma_wait3A_206] : memref<4x512xi32, #tpu.memory_space<vmem>> -> memref<1x512xi32, #tpu.memory_space<vmem>>
        %dma_wait3A_208 = tpu.memref_squeeze %dma_wait3A_207 : memref<1x512xi32, #tpu.memory_space<vmem>> -> memref<512xi32, #tpu.memory_space<vmem>>
        %dma_wait3A_209 = arith.constant 0 : i32
        %dma_wait3A_210 = tpu.memref_slice %arg2[%dma_wait3A_209] : memref<1605632xi32, #tpu.memory_space<hbm>> -> memref<512xi32, #tpu.memory_space<hbm>>
        tpu.wait_dma2 semaphore(%arg12 : memref<!tpu.dma_semaphore, #tpu.memory_space<semaphore_mem>>) src(%dma_wait3A_210 : memref<512xi32, #tpu.memory_space<hbm>>) dst(%dma_wait3A_208 : memref<512xi32, #tpu.memory_space<vmem>>)
        %dma_wait3A_211 = arith.constant 0 : i32
        %dma_wait3A_212 = tpu.memref_slice %arg8[%add3A_200, %dma_wait3A_211] : memref<4x512xi32, #tpu.memory_space<vmem>> -> memref<1x512xi32, #tpu.memory_space<vmem>>
        %dma_wait3A_213 = tpu.memref_squeeze %dma_wait3A_212 : memref<1x512xi32, #tpu.memory_space<vmem>> -> memref<512xi32, #tpu.memory_space<vmem>>
        %dma_wait3A_214 = arith.constant 0 : i32
        %dma_wait3A_215 = tpu.memref_slice %arg4[%dma_wait3A_214] : memref<1605632xi32, #tpu.memory_space<hbm>> -> memref<512xi32, #tpu.memory_space<hbm>>
        %dma_wait3A_216 = arith.constant 0 : i32
        %dma_wait3A_217 = tpu.memref_slice %arg8[%add3A_200, %dma_wait3A_216] : memref<4x512xi32, #tpu.memory_space<vmem>> -> memref<1x512xi32, #tpu.memory_space<vmem>>
        %dma_wait3A_218 = tpu.memref_squeeze %dma_wait3A_217 : memref<1x512xi32, #tpu.memory_space<vmem>> -> memref<512xi32, #tpu.memory_space<vmem>>
        %dma_wait3A_219 = arith.constant 0 : i32
        %dma_wait3A_220 = tpu.memref_slice %arg4[%dma_wait3A_219] : memref<1605632xi32, #tpu.memory_space<hbm>> -> memref<512xi32, #tpu.memory_space<hbm>>
        tpu.wait_dma2 semaphore(%arg12 : memref<!tpu.dma_semaphore, #tpu.memory_space<semaphore_mem>>) src(%dma_wait3A_220 : memref<512xi32, #tpu.memory_space<hbm>>) dst(%dma_wait3A_218 : memref<512xi32, #tpu.memory_space<vmem>>)
        %ge3A = arith.constant 2 : i32
        %ge3A_221 = arith.cmpi sge, %mul3A_194, %ge3A : i32
        %convert_element_type3A_222 = arith.extui %ge3A_221 : i1 to i32
        %cond3A_223 = arith.constant 0 : i32
        %cond3A_224 = arith.cmpi ne, %convert_element_type3A_222, %cond3A_223 : i32
        scf.if %cond3A_224 {
          %dma_wait3A_306 = arith.constant 0 : i32
          %dma_wait3A_307 = arith.constant 0 : i32
          %dma_wait3A_308 = arith.constant 0 : i32
          %dma_wait3A_309 = tpu.memref_slice %arg9[%dma_wait3A_306, %dma_wait3A_307, %dma_wait3A_308] : memref<2x512x16xf32, #tpu.memory_space<vmem>> -> memref<1x512x16xf32, #tpu.memory_space<vmem>>
          %dma_wait3A_310 = tpu.memref_squeeze %dma_wait3A_309 : memref<1x512x16xf32, #tpu.memory_space<vmem>> -> memref<512x16xf32, #tpu.memory_space<vmem>>
          %dma_wait3A_311 = arith.constant 0 : i32
          %dma_wait3A_312 = tpu.memref_slice %arg8[%add3A_200, %dma_wait3A_311] : memref<4x512xi32, #tpu.memory_space<vmem>> -> memref<1x512xi32, #tpu.memory_space<vmem>>
          %dma_wait3A_313 = tpu.memref_squeeze %dma_wait3A_312 : memref<1x512xi32, #tpu.memory_space<vmem>> -> memref<512xi32, #tpu.memory_space<vmem>>
          %dma_wait3A_314 = arith.constant 0 : i32
          %dma_wait3A_315 = arith.constant 0 : i32
          %dma_wait3A_316 = tpu.memref_slice %arg11[%dma_wait3A_314, %dma_wait3A_315] : memref<102400x16xf32, #tpu.memory_space<vmem_shared>> -> memref<102400x16xf32, #tpu.memory_space<vmem_shared>>
          tpu.wait_indirect_dma semaphore(%arg16 : memref<!tpu.dma_semaphore, #tpu.memory_space<semaphore_mem>>) src(%dma_wait3A_310 : memref<512x16xf32, #tpu.memory_space<vmem>>) dst(%dma_wait3A_316 : memref<102400x16xf32, #tpu.memory_space<vmem_shared>>)
        } else {
        }
        %dma_start3A_225 = arith.constant 0 : i32
        %dma_start3A_226 = arith.constant 0 : i32
        %dma_start3A_227 = arith.constant 0 : i32
        %dma_start3A_228 = tpu.memref_slice %arg9[%dma_start3A_225, %dma_start3A_226, %dma_start3A_227] : memref<2x512x16xf32, #tpu.memory_space<vmem>> -> memref<1x512x16xf32, #tpu.memory_space<vmem>>
        %dma_start3A_229 = tpu.memref_squeeze %dma_start3A_228 : memref<1x512x16xf32, #tpu.memory_space<vmem>> -> memref<512x16xf32, #tpu.memory_space<vmem>>
        %dma_start3A_230 = arith.constant 0 : i32
        %dma_start3A_231 = tpu.memref_slice %arg7[%add3A_200, %dma_start3A_230] : memref<4x512xi32, #tpu.memory_space<vmem>> -> memref<1x512xi32, #tpu.memory_space<vmem>>
        %dma_start3A_232 = tpu.memref_squeeze %dma_start3A_231 : memref<1x512xi32, #tpu.memory_space<vmem>> -> memref<512xi32, #tpu.memory_space<vmem>>
        %dma_start3A_233 = arith.constant 0 : i32
        %dma_start3A_234 = arith.constant 0 : i32
        %dma_start3A_235 = tpu.memref_slice %arg5[%dma_start3A_233, %dma_start3A_234] : memref<204800x16xf32, #tpu.memory_space<hbm>> -> memref<204800x16xf32, #tpu.memory_space<hbm>>
        tpu.enqueue_indirect_dma source(%dma_start3A_235 : memref<204800x16xf32, #tpu.memory_space<hbm>>) target(%dma_start3A_229 : memref<512x16xf32, #tpu.memory_space<vmem>>) offsets(%dma_start3A_232 : memref<512xi32, #tpu.memory_space<vmem>>) semaphore(%arg14 : memref<!tpu.dma_semaphore, #tpu.memory_space<semaphore_mem>>)
        %add3A_236 = arith.constant 2 : i32
        %add3A_237 = arith.addi %mul3A_194, %add3A_236 : i32
        %lt3A = arith.constant 196 : i32
        %lt3A_238 = arith.cmpi slt, %add3A_237, %lt3A : i32
        %convert_element_type3A_239 = arith.extui %lt3A_238 : i1 to i32
        %cond3A_240 = arith.constant 0 : i32
        %cond3A_241 = arith.cmpi ne, %convert_element_type3A_239, %cond3A_240 : i32
        scf.if %cond3A_241 {
          %add3A_306 = arith.constant 2 : i32
          %add3A_307 = arith.addi %mul3A_194, %add3A_306 : i32
          %xor3A = arith.constant 2 : i32
          %xor3A_308 = arith.xori %add3A_200, %xor3A : i32
          %mul3A_309 = arith.constant 4 : i32
          %mul3A_310 = arith.muli %add3A_307, %mul3A_309 : i32
          %add3A_311 = arith.addi %mul3A_28, %mul3A_310 : i32
          %mul3A_312 = arith.constant 128 : i32
          %mul3A_313 = arith.muli %add3A_311, %mul3A_312 : i32
          %dma_start3A_314 = arith.constant 0 : i32
          %dma_start3A_315 = tpu.memref_slice %arg7[%xor3A_308, %dma_start3A_314] : memref<4x512xi32, #tpu.memory_space<vmem>> -> memref<1x512xi32, #tpu.memory_space<vmem>>
          %dma_start3A_316 = tpu.memref_squeeze %dma_start3A_315 : memref<1x512xi32, #tpu.memory_space<vmem>> -> memref<512xi32, #tpu.memory_space<vmem>>
          %dma_start3A_317 = tpu.memref_slice %arg2[%mul3A_313] : memref<1605632xi32, #tpu.memory_space<hbm>> -> memref<512xi32, #tpu.memory_space<hbm>>
          %dma_start3A_318 = arith.constant 0 : i32
          %dma_start3A_319 = tpu.memref_slice %arg7[%xor3A_308, %dma_start3A_318] : memref<4x512xi32, #tpu.memory_space<vmem>> -> memref<1x512xi32, #tpu.memory_space<vmem>>
          %dma_start3A_320 = tpu.memref_squeeze %dma_start3A_319 : memref<1x512xi32, #tpu.memory_space<vmem>> -> memref<512xi32, #tpu.memory_space<vmem>>
          %dma_start3A_321 = tpu.memref_slice %arg2[%mul3A_313] : memref<1605632xi32, #tpu.memory_space<hbm>> -> memref<512xi32, #tpu.memory_space<hbm>>
          tpu.enqueue_dma source(%dma_start3A_321 : memref<512xi32, #tpu.memory_space<hbm>>) target(%dma_start3A_320 : memref<512xi32, #tpu.memory_space<vmem>>) target_semaphore(%arg12 : memref<!tpu.dma_semaphore, #tpu.memory_space<semaphore_mem>>)
          %dma_start3A_322 = arith.constant 0 : i32
          %dma_start3A_323 = tpu.memref_slice %arg8[%xor3A_308, %dma_start3A_322] : memref<4x512xi32, #tpu.memory_space<vmem>> -> memref<1x512xi32, #tpu.memory_space<vmem>>
          %dma_start3A_324 = tpu.memref_squeeze %dma_start3A_323 : memref<1x512xi32, #tpu.memory_space<vmem>> -> memref<512xi32, #tpu.memory_space<vmem>>
          %dma_start3A_325 = tpu.memref_slice %arg4[%mul3A_313] : memref<1605632xi32, #tpu.memory_space<hbm>> -> memref<512xi32, #tpu.memory_space<hbm>>
          %dma_start3A_326 = arith.constant 0 : i32
          %dma_start3A_327 = tpu.memref_slice %arg8[%xor3A_308, %dma_start3A_326] : memref<4x512xi32, #tpu.memory_space<vmem>> -> memref<1x512xi32, #tpu.memory_space<vmem>>
          %dma_start3A_328 = tpu.memref_squeeze %dma_start3A_327 : memref<1x512xi32, #tpu.memory_space<vmem>> -> memref<512xi32, #tpu.memory_space<vmem>>
          %dma_start3A_329 = tpu.memref_slice %arg4[%mul3A_313] : memref<1605632xi32, #tpu.memory_space<hbm>> -> memref<512xi32, #tpu.memory_space<hbm>>
          tpu.enqueue_dma source(%dma_start3A_329 : memref<512xi32, #tpu.memory_space<hbm>>) target(%dma_start3A_328 : memref<512xi32, #tpu.memory_space<vmem>>) target_semaphore(%arg12 : memref<!tpu.dma_semaphore, #tpu.memory_space<semaphore_mem>>)
        } else {
        }
        %ge3A_242 = arith.constant 1 : i32
        %ge3A_243 = arith.cmpi sge, %mul3A_194, %ge3A_242 : i32
        %convert_element_type3A_244 = arith.extui %ge3A_243 : i1 to i32
        %cond3A_245 = arith.constant 0 : i32
        %cond3A_246 = arith.cmpi ne, %convert_element_type3A_244, %cond3A_245 : i32
        scf.if %cond3A_246 {
          %add3A_306 = arith.constant 3 : i32
          %add3A_307 = arith.addi %add3A_200, %add3A_306 : i32
          %jit3A_308 = arith.constant 4 : i32
          %eq3A_309 = arith.constant 0 : i32
          %eq3A_310 = arith.cmpi eq, %jit3A_308, %eq3A_309 : i32
          %jit3A_311 = arith.constant 1 : i32
          %select_n3A_312 = arith.select %eq3A_310, %jit3A_311, %jit3A_308 : i32
          %rem3A_313 = arith.remsi %add3A_307, %select_n3A_312 : i32
          %ne3A_314 = arith.constant 0 : i32
          %ne3A_315 = arith.cmpi ne, %rem3A_313, %ne3A_314 : i32
          %lt3A_316 = arith.constant 0 : i32
          %lt3A_317 = arith.cmpi slt, %rem3A_313, %lt3A_316 : i32
          %lt3A_318 = arith.constant 0 : i32
          %lt3A_319 = arith.cmpi slt, %select_n3A_312, %lt3A_318 : i32
          %ne3A_320 = arith.xori %lt3A_317, %lt3A_319 : i1
          %and3A_321 = arith.andi %ne3A_320, %ne3A_315 : i1
          %add3A_322 = arith.addi %rem3A_313, %select_n3A_312 : i32
          %select_n3A_323 = arith.select %and3A_321, %add3A_322, %rem3A_313 : i32
          %dma_wait3A_324 = arith.constant 1 : i32
          %dma_wait3A_325 = arith.constant 0 : i32
          %dma_wait3A_326 = arith.constant 0 : i32
          %dma_wait3A_327 = tpu.memref_slice %arg9[%dma_wait3A_324, %dma_wait3A_325, %dma_wait3A_326] : memref<2x512x16xf32, #tpu.memory_space<vmem>> -> memref<1x512x16xf32, #tpu.memory_space<vmem>>
          %dma_wait3A_328 = tpu.memref_squeeze %dma_wait3A_327 : memref<1x512x16xf32, #tpu.memory_space<vmem>> -> memref<512x16xf32, #tpu.memory_space<vmem>>
          %dma_wait3A_329 = arith.constant 0 : i32
          %dma_wait3A_330 = tpu.memref_slice %arg7[%select_n3A_323, %dma_wait3A_329] : memref<4x512xi32, #tpu.memory_space<vmem>> -> memref<1x512xi32, #tpu.memory_space<vmem>>
          %dma_wait3A_331 = tpu.memref_squeeze %dma_wait3A_330 : memref<1x512xi32, #tpu.memory_space<vmem>> -> memref<512xi32, #tpu.memory_space<vmem>>
          %dma_wait3A_332 = arith.constant 0 : i32
          %dma_wait3A_333 = arith.constant 0 : i32
          %dma_wait3A_334 = tpu.memref_slice %arg5[%dma_wait3A_332, %dma_wait3A_333] : memref<204800x16xf32, #tpu.memory_space<hbm>> -> memref<204800x16xf32, #tpu.memory_space<hbm>>
          tpu.wait_indirect_dma semaphore(%arg15 : memref<!tpu.dma_semaphore, #tpu.memory_space<semaphore_mem>>) src(%dma_wait3A_334 : memref<204800x16xf32, #tpu.memory_space<hbm>>) dst(%dma_wait3A_328 : memref<512x16xf32, #tpu.memory_space<vmem>>)
          %dma_start3A_335 = arith.constant 1 : i32
          %dma_start3A_336 = arith.constant 0 : i32
          %dma_start3A_337 = arith.constant 0 : i32
          %dma_start3A_338 = tpu.memref_slice %arg9[%dma_start3A_335, %dma_start3A_336, %dma_start3A_337] : memref<2x512x16xf32, #tpu.memory_space<vmem>> -> memref<1x512x16xf32, #tpu.memory_space<vmem>>
          %dma_start3A_339 = tpu.memref_squeeze %dma_start3A_338 : memref<1x512x16xf32, #tpu.memory_space<vmem>> -> memref<512x16xf32, #tpu.memory_space<vmem>>
          %dma_start3A_340 = arith.constant 0 : i32
          %dma_start3A_341 = tpu.memref_slice %arg8[%select_n3A_323, %dma_start3A_340] : memref<4x512xi32, #tpu.memory_space<vmem>> -> memref<1x512xi32, #tpu.memory_space<vmem>>
          %dma_start3A_342 = tpu.memref_squeeze %dma_start3A_341 : memref<1x512xi32, #tpu.memory_space<vmem>> -> memref<512xi32, #tpu.memory_space<vmem>>
          %dma_start3A_343 = arith.constant 0 : i32
          %dma_start3A_344 = arith.constant 0 : i32
          %dma_start3A_345 = tpu.memref_slice %arg11[%dma_start3A_343, %dma_start3A_344] : memref<102400x16xf32, #tpu.memory_space<vmem_shared>> -> memref<102400x16xf32, #tpu.memory_space<vmem_shared>>
          tpu.enqueue_indirect_dma source(%dma_start3A_339 : memref<512x16xf32, #tpu.memory_space<vmem>>) target(%dma_start3A_345 : memref<102400x16xf32, #tpu.memory_space<vmem_shared>>) offsets(%dma_start3A_342 : memref<512xi32, #tpu.memory_space<vmem>>) semaphore(%arg17 : memref<!tpu.dma_semaphore, #tpu.memory_space<semaphore_mem>>) {add = true}
        } else {
        }
        %mul3A_247 = arith.constant 2 : i32
        %mul3A_248 = arith.muli %mul3A_247, %scan3A_191 : i32
        %add3A_249 = arith.constant 1 : i32
        %add3A_250 = arith.addi %mul3A_248, %add3A_249 : i32
        %rem3A_251 = arith.constant 2 : i32
        %rem3A_252 = arith.remsi %scan3A_191, %rem3A_251 : i32
        %mul3A_253 = arith.constant 2 : i32
        %mul3A_254 = arith.muli %rem3A_252, %mul3A_253 : i32
        %add3A_255 = arith.constant 1 : i32
        %add3A_256 = arith.addi %mul3A_254, %add3A_255 : i32
        %dma_wait3A_257 = arith.constant 0 : i32
        %dma_wait3A_258 = tpu.memref_slice %arg7[%add3A_256, %dma_wait3A_257] : memref<4x512xi32, #tpu.memory_space<vmem>> -> memref<1x512xi32, #tpu.memory_space<vmem>>
        %dma_wait3A_259 = tpu.memref_squeeze %dma_wait3A_258 : memref<1x512xi32, #tpu.memory_space<vmem>> -> memref<512xi32, #tpu.memory_space<vmem>>
        %dma_wait3A_260 = arith.constant 0 : i32
        %dma_wait3A_261 = tpu.memref_slice %arg2[%dma_wait3A_260] : memref<1605632xi32, #tpu.memory_space<hbm>> -> memref<512xi32, #tpu.memory_space<hbm>>
        %dma_wait3A_262 = arith.constant 0 : i32
        %dma_wait3A_263 = tpu.memref_slice %arg7[%add3A_256, %dma_wait3A_262] : memref<4x512xi32, #tpu.memory_space<vmem>> -> memref<1x512xi32, #tpu.memory_space<vmem>>
        %dma_wait3A_264 = tpu.memref_squeeze %dma_wait3A_263 : memref<1x512xi32, #tpu.memory_space<vmem>> -> memref<512xi32, #tpu.memory_space<vmem>>
        %dma_wait3A_265 = arith.constant 0 : i32
        %dma_wait3A_266 = tpu.memref_slice %arg2[%dma_wait3A_265] : memref<1605632xi32, #tpu.memory_space<hbm>> -> memref<512xi32, #tpu.memory_space<hbm>>
        tpu.wait_dma2 semaphore(%arg13 : memref<!tpu.dma_semaphore, #tpu.memory_space<semaphore_mem>>) src(%dma_wait3A_266 : memref<512xi32, #tpu.memory_space<hbm>>) dst(%dma_wait3A_264 : memref<512xi32, #tpu.memory_space<vmem>>)
        %dma_wait3A_267 = arith.constant 0 : i32
        %dma_wait3A_268 = tpu.memref_slice %arg8[%add3A_256, %dma_wait3A_267] : memref<4x512xi32, #tpu.memory_space<vmem>> -> memref<1x512xi32, #tpu.memory_space<vmem>>
        %dma_wait3A_269 = tpu.memref_squeeze %dma_wait3A_268 : memref<1x512xi32, #tpu.memory_space<vmem>> -> memref<512xi32, #tpu.memory_space<vmem>>
        %dma_wait3A_270 = arith.constant 0 : i32
        %dma_wait3A_271 = tpu.memref_slice %arg4[%dma_wait3A_270] : memref<1605632xi32, #tpu.memory_space<hbm>> -> memref<512xi32, #tpu.memory_space<hbm>>
        %dma_wait3A_272 = arith.constant 0 : i32
        %dma_wait3A_273 = tpu.memref_slice %arg8[%add3A_256, %dma_wait3A_272] : memref<4x512xi32, #tpu.memory_space<vmem>> -> memref<1x512xi32, #tpu.memory_space<vmem>>
        %dma_wait3A_274 = tpu.memref_squeeze %dma_wait3A_273 : memref<1x512xi32, #tpu.memory_space<vmem>> -> memref<512xi32, #tpu.memory_space<vmem>>
        %dma_wait3A_275 = arith.constant 0 : i32
        %dma_wait3A_276 = tpu.memref_slice %arg4[%dma_wait3A_275] : memref<1605632xi32, #tpu.memory_space<hbm>> -> memref<512xi32, #tpu.memory_space<hbm>>
        tpu.wait_dma2 semaphore(%arg13 : memref<!tpu.dma_semaphore, #tpu.memory_space<semaphore_mem>>) src(%dma_wait3A_276 : memref<512xi32, #tpu.memory_space<hbm>>) dst(%dma_wait3A_274 : memref<512xi32, #tpu.memory_space<vmem>>)
        %ge3A_277 = arith.constant 2 : i32
        %ge3A_278 = arith.cmpi sge, %add3A_250, %ge3A_277 : i32
        %convert_element_type3A_279 = arith.extui %ge3A_278 : i1 to i32
        %cond3A_280 = arith.constant 0 : i32
        %cond3A_281 = arith.cmpi ne, %convert_element_type3A_279, %cond3A_280 : i32
        scf.if %cond3A_281 {
          %dma_wait3A_306 = arith.constant 1 : i32
          %dma_wait3A_307 = arith.constant 0 : i32
          %dma_wait3A_308 = arith.constant 0 : i32
          %dma_wait3A_309 = tpu.memref_slice %arg9[%dma_wait3A_306, %dma_wait3A_307, %dma_wait3A_308] : memref<2x512x16xf32, #tpu.memory_space<vmem>> -> memref<1x512x16xf32, #tpu.memory_space<vmem>>
          %dma_wait3A_310 = tpu.memref_squeeze %dma_wait3A_309 : memref<1x512x16xf32, #tpu.memory_space<vmem>> -> memref<512x16xf32, #tpu.memory_space<vmem>>
          %dma_wait3A_311 = arith.constant 0 : i32
          %dma_wait3A_312 = tpu.memref_slice %arg8[%add3A_256, %dma_wait3A_311] : memref<4x512xi32, #tpu.memory_space<vmem>> -> memref<1x512xi32, #tpu.memory_space<vmem>>
          %dma_wait3A_313 = tpu.memref_squeeze %dma_wait3A_312 : memref<1x512xi32, #tpu.memory_space<vmem>> -> memref<512xi32, #tpu.memory_space<vmem>>
          %dma_wait3A_314 = arith.constant 0 : i32
          %dma_wait3A_315 = arith.constant 0 : i32
          %dma_wait3A_316 = tpu.memref_slice %arg11[%dma_wait3A_314, %dma_wait3A_315] : memref<102400x16xf32, #tpu.memory_space<vmem_shared>> -> memref<102400x16xf32, #tpu.memory_space<vmem_shared>>
          tpu.wait_indirect_dma semaphore(%arg17 : memref<!tpu.dma_semaphore, #tpu.memory_space<semaphore_mem>>) src(%dma_wait3A_310 : memref<512x16xf32, #tpu.memory_space<vmem>>) dst(%dma_wait3A_316 : memref<102400x16xf32, #tpu.memory_space<vmem_shared>>)
        } else {
        }
        %dma_start3A_282 = arith.constant 1 : i32
        %dma_start3A_283 = arith.constant 0 : i32
        %dma_start3A_284 = arith.constant 0 : i32
        %dma_start3A_285 = tpu.memref_slice %arg9[%dma_start3A_282, %dma_start3A_283, %dma_start3A_284] : memref<2x512x16xf32, #tpu.memory_space<vmem>> -> memref<1x512x16xf32, #tpu.memory_space<vmem>>
        %dma_start3A_286 = tpu.memref_squeeze %dma_start3A_285 : memref<1x512x16xf32, #tpu.memory_space<vmem>> -> memref<512x16xf32, #tpu.memory_space<vmem>>
        %dma_start3A_287 = arith.constant 0 : i32
        %dma_start3A_288 = tpu.memref_slice %arg7[%add3A_256, %dma_start3A_287] : memref<4x512xi32, #tpu.memory_space<vmem>> -> memref<1x512xi32, #tpu.memory_space<vmem>>
        %dma_start3A_289 = tpu.memref_squeeze %dma_start3A_288 : memref<1x512xi32, #tpu.memory_space<vmem>> -> memref<512xi32, #tpu.memory_space<vmem>>
        %dma_start3A_290 = arith.constant 0 : i32
        %dma_start3A_291 = arith.constant 0 : i32
        %dma_start3A_292 = tpu.memref_slice %arg5[%dma_start3A_290, %dma_start3A_291] : memref<204800x16xf32, #tpu.memory_space<hbm>> -> memref<204800x16xf32, #tpu.memory_space<hbm>>
        tpu.enqueue_indirect_dma source(%dma_start3A_292 : memref<204800x16xf32, #tpu.memory_space<hbm>>) target(%dma_start3A_286 : memref<512x16xf32, #tpu.memory_space<vmem>>) offsets(%dma_start3A_289 : memref<512xi32, #tpu.memory_space<vmem>>) semaphore(%arg15 : memref<!tpu.dma_semaphore, #tpu.memory_space<semaphore_mem>>)
        %add3A_293 = arith.constant 2 : i32
        %add3A_294 = arith.addi %add3A_250, %add3A_293 : i32
        %lt3A_295 = arith.constant 196 : i32
        %lt3A_296 = arith.cmpi slt, %add3A_294, %lt3A_295 : i32
        %convert_element_type3A_297 = arith.extui %lt3A_296 : i1 to i32
        %cond3A_298 = arith.constant 0 : i32
        %cond3A_299 = arith.cmpi ne, %convert_element_type3A_297, %cond3A_298 : i32
        scf.if %cond3A_299 {
          %add3A_306 = arith.constant 2 : i32
          %add3A_307 = arith.addi %add3A_250, %add3A_306 : i32
          %xor3A = arith.constant 2 : i32
          %xor3A_308 = arith.xori %add3A_256, %xor3A : i32
          %mul3A_309 = arith.constant 4 : i32
          %mul3A_310 = arith.muli %add3A_307, %mul3A_309 : i32
          %add3A_311 = arith.addi %mul3A_28, %mul3A_310 : i32
          %mul3A_312 = arith.constant 128 : i32
          %mul3A_313 = arith.muli %add3A_311, %mul3A_312 : i32
          %dma_start3A_314 = arith.constant 0 : i32
          %dma_start3A_315 = tpu.memref_slice %arg7[%xor3A_308, %dma_start3A_314] : memref<4x512xi32, #tpu.memory_space<vmem>> -> memref<1x512xi32, #tpu.memory_space<vmem>>
          %dma_start3A_316 = tpu.memref_squeeze %dma_start3A_315 : memref<1x512xi32, #tpu.memory_space<vmem>> -> memref<512xi32, #tpu.memory_space<vmem>>
          %dma_start3A_317 = tpu.memref_slice %arg2[%mul3A_313] : memref<1605632xi32, #tpu.memory_space<hbm>> -> memref<512xi32, #tpu.memory_space<hbm>>
          %dma_start3A_318 = arith.constant 0 : i32
          %dma_start3A_319 = tpu.memref_slice %arg7[%xor3A_308, %dma_start3A_318] : memref<4x512xi32, #tpu.memory_space<vmem>> -> memref<1x512xi32, #tpu.memory_space<vmem>>
          %dma_start3A_320 = tpu.memref_squeeze %dma_start3A_319 : memref<1x512xi32, #tpu.memory_space<vmem>> -> memref<512xi32, #tpu.memory_space<vmem>>
          %dma_start3A_321 = tpu.memref_slice %arg2[%mul3A_313] : memref<1605632xi32, #tpu.memory_space<hbm>> -> memref<512xi32, #tpu.memory_space<hbm>>
          tpu.enqueue_dma source(%dma_start3A_321 : memref<512xi32, #tpu.memory_space<hbm>>) target(%dma_start3A_320 : memref<512xi32, #tpu.memory_space<vmem>>) target_semaphore(%arg13 : memref<!tpu.dma_semaphore, #tpu.memory_space<semaphore_mem>>)
          %dma_start3A_322 = arith.constant 0 : i32
          %dma_start3A_323 = tpu.memref_slice %arg8[%xor3A_308, %dma_start3A_322] : memref<4x512xi32, #tpu.memory_space<vmem>> -> memref<1x512xi32, #tpu.memory_space<vmem>>
          %dma_start3A_324 = tpu.memref_squeeze %dma_start3A_323 : memref<1x512xi32, #tpu.memory_space<vmem>> -> memref<512xi32, #tpu.memory_space<vmem>>
          %dma_start3A_325 = tpu.memref_slice %arg4[%mul3A_313] : memref<1605632xi32, #tpu.memory_space<hbm>> -> memref<512xi32, #tpu.memory_space<hbm>>
          %dma_start3A_326 = arith.constant 0 : i32
          %dma_start3A_327 = tpu.memref_slice %arg8[%xor3A_308, %dma_start3A_326] : memref<4x512xi32, #tpu.memory_space<vmem>> -> memref<1x512xi32, #tpu.memory_space<vmem>>
          %dma_start3A_328 = tpu.memref_squeeze %dma_start3A_327 : memref<1x512xi32, #tpu.memory_space<vmem>> -> memref<512xi32, #tpu.memory_space<vmem>>
          %dma_start3A_329 = tpu.memref_slice %arg4[%mul3A_313] : memref<1605632xi32, #tpu.memory_space<hbm>> -> memref<512xi32, #tpu.memory_space<hbm>>
          tpu.enqueue_dma source(%dma_start3A_329 : memref<512xi32, #tpu.memory_space<hbm>>) target(%dma_start3A_328 : memref<512xi32, #tpu.memory_space<vmem>>) target_semaphore(%arg13 : memref<!tpu.dma_semaphore, #tpu.memory_space<semaphore_mem>>)
        } else {
        }
        %ge3A_300 = arith.constant 1 : i32
        %ge3A_301 = arith.cmpi sge, %add3A_250, %ge3A_300 : i32
        %convert_element_type3A_302 = arith.extui %ge3A_301 : i1 to i32
        %cond3A_303 = arith.constant 0 : i32
        %cond3A_304 = arith.cmpi ne, %convert_element_type3A_302, %cond3A_303 : i32
        scf.if %cond3A_304 {
          %add3A_306 = arith.constant 3 : i32
          %add3A_307 = arith.addi %add3A_256, %add3A_306 : i32
          %jit3A_308 = arith.constant 4 : i32
          %eq3A_309 = arith.constant 0 : i32
          %eq3A_310 = arith.cmpi eq, %jit3A_308, %eq3A_309 : i32
          %jit3A_311 = arith.constant 1 : i32
          %select_n3A_312 = arith.select %eq3A_310, %jit3A_311, %jit3A_308 : i32
          %rem3A_313 = arith.remsi %add3A_307, %select_n3A_312 : i32
          %ne3A_314 = arith.constant 0 : i32
          %ne3A_315 = arith.cmpi ne, %rem3A_313, %ne3A_314 : i32
          %lt3A_316 = arith.constant 0 : i32
          %lt3A_317 = arith.cmpi slt, %rem3A_313, %lt3A_316 : i32
          %lt3A_318 = arith.constant 0 : i32
          %lt3A_319 = arith.cmpi slt, %select_n3A_312, %lt3A_318 : i32
          %ne3A_320 = arith.xori %lt3A_317, %lt3A_319 : i1
          %and3A_321 = arith.andi %ne3A_320, %ne3A_315 : i1
          %add3A_322 = arith.addi %rem3A_313, %select_n3A_312 : i32
          %select_n3A_323 = arith.select %and3A_321, %add3A_322, %rem3A_313 : i32
          %dma_wait3A_324 = arith.constant 0 : i32
          %dma_wait3A_325 = arith.constant 0 : i32
          %dma_wait3A_326 = arith.constant 0 : i32
          %dma_wait3A_327 = tpu.memref_slice %arg9[%dma_wait3A_324, %dma_wait3A_325, %dma_wait3A_326] : memref<2x512x16xf32, #tpu.memory_space<vmem>> -> memref<1x512x16xf32, #tpu.memory_space<vmem>>
          %dma_wait3A_328 = tpu.memref_squeeze %dma_wait3A_327 : memref<1x512x16xf32, #tpu.memory_space<vmem>> -> memref<512x16xf32, #tpu.memory_space<vmem>>
          %dma_wait3A_329 = arith.constant 0 : i32
          %dma_wait3A_330 = tpu.memref_slice %arg7[%select_n3A_323, %dma_wait3A_329] : memref<4x512xi32, #tpu.memory_space<vmem>> -> memref<1x512xi32, #tpu.memory_space<vmem>>
          %dma_wait3A_331 = tpu.memref_squeeze %dma_wait3A_330 : memref<1x512xi32, #tpu.memory_space<vmem>> -> memref<512xi32, #tpu.memory_space<vmem>>
          %dma_wait3A_332 = arith.constant 0 : i32
          %dma_wait3A_333 = arith.constant 0 : i32
          %dma_wait3A_334 = tpu.memref_slice %arg5[%dma_wait3A_332, %dma_wait3A_333] : memref<204800x16xf32, #tpu.memory_space<hbm>> -> memref<204800x16xf32, #tpu.memory_space<hbm>>
          tpu.wait_indirect_dma semaphore(%arg14 : memref<!tpu.dma_semaphore, #tpu.memory_space<semaphore_mem>>) src(%dma_wait3A_334 : memref<204800x16xf32, #tpu.memory_space<hbm>>) dst(%dma_wait3A_328 : memref<512x16xf32, #tpu.memory_space<vmem>>)
          %dma_start3A_335 = arith.constant 0 : i32
          %dma_start3A_336 = arith.constant 0 : i32
          %dma_start3A_337 = arith.constant 0 : i32
          %dma_start3A_338 = tpu.memref_slice %arg9[%dma_start3A_335, %dma_start3A_336, %dma_start3A_337] : memref<2x512x16xf32, #tpu.memory_space<vmem>> -> memref<1x512x16xf32, #tpu.memory_space<vmem>>
          %dma_start3A_339 = tpu.memref_squeeze %dma_start3A_338 : memref<1x512x16xf32, #tpu.memory_space<vmem>> -> memref<512x16xf32, #tpu.memory_space<vmem>>
          %dma_start3A_340 = arith.constant 0 : i32
          %dma_start3A_341 = tpu.memref_slice %arg8[%select_n3A_323, %dma_start3A_340] : memref<4x512xi32, #tpu.memory_space<vmem>> -> memref<1x512xi32, #tpu.memory_space<vmem>>
          %dma_start3A_342 = tpu.memref_squeeze %dma_start3A_341 : memref<1x512xi32, #tpu.memory_space<vmem>> -> memref<512xi32, #tpu.memory_space<vmem>>
          %dma_start3A_343 = arith.constant 0 : i32
          %dma_start3A_344 = arith.constant 0 : i32
          %dma_start3A_345 = tpu.memref_slice %arg11[%dma_start3A_343, %dma_start3A_344] : memref<102400x16xf32, #tpu.memory_space<vmem_shared>> -> memref<102400x16xf32, #tpu.memory_space<vmem_shared>>
          tpu.enqueue_indirect_dma source(%dma_start3A_339 : memref<512x16xf32, #tpu.memory_space<vmem>>) target(%dma_start3A_345 : memref<102400x16xf32, #tpu.memory_space<vmem_shared>>) offsets(%dma_start3A_342 : memref<512xi32, #tpu.memory_space<vmem>>) semaphore(%arg16 : memref<!tpu.dma_semaphore, #tpu.memory_space<semaphore_mem>>) {add = true}
        } else {
        }
        %scan3A_305 = arith.constant 0 : i32
        scf.yield %scan3A_305 : i32
      }
      %scan3A_143 = arith.constant 98 : i32
      %dma_wait3A = arith.constant 3 : i32
      %dma_wait3A_144 = arith.constant 1 : i32
      %dma_wait3A_145 = arith.constant 0 : i32
      %dma_wait3A_146 = arith.constant 0 : i32
      %dma_wait3A_147 = tpu.memref_slice %arg9[%dma_wait3A_144, %dma_wait3A_145, %dma_wait3A_146] : memref<2x512x16xf32, #tpu.memory_space<vmem>> -> memref<1x512x16xf32, #tpu.memory_space<vmem>>
      %dma_wait3A_148 = tpu.memref_squeeze %dma_wait3A_147 : memref<1x512x16xf32, #tpu.memory_space<vmem>> -> memref<512x16xf32, #tpu.memory_space<vmem>>
      %dma_wait3A_149 = arith.constant 0 : i32
      %dma_wait3A_150 = tpu.memref_slice %arg7[%dma_wait3A, %dma_wait3A_149] : memref<4x512xi32, #tpu.memory_space<vmem>> -> memref<1x512xi32, #tpu.memory_space<vmem>>
      %dma_wait3A_151 = tpu.memref_squeeze %dma_wait3A_150 : memref<1x512xi32, #tpu.memory_space<vmem>> -> memref<512xi32, #tpu.memory_space<vmem>>
      %dma_wait3A_152 = arith.constant 0 : i32
      %dma_wait3A_153 = arith.constant 0 : i32
      %dma_wait3A_154 = tpu.memref_slice %arg5[%dma_wait3A_152, %dma_wait3A_153] : memref<204800x16xf32, #tpu.memory_space<hbm>> -> memref<204800x16xf32, #tpu.memory_space<hbm>>
      tpu.wait_indirect_dma semaphore(%arg15 : memref<!tpu.dma_semaphore, #tpu.memory_space<semaphore_mem>>) src(%dma_wait3A_154 : memref<204800x16xf32, #tpu.memory_space<hbm>>) dst(%dma_wait3A_148 : memref<512x16xf32, #tpu.memory_space<vmem>>)
      %dma_start3A_155 = arith.constant 1 : i32
      %dma_start3A_156 = arith.constant 3 : i32
      %dma_start3A_157 = arith.constant 0 : i32
      %dma_start3A_158 = arith.constant 0 : i32
      %dma_start3A_159 = tpu.memref_slice %arg9[%dma_start3A_155, %dma_start3A_157, %dma_start3A_158] : memref<2x512x16xf32, #tpu.memory_space<vmem>> -> memref<1x512x16xf32, #tpu.memory_space<vmem>>
      %dma_start3A_160 = tpu.memref_squeeze %dma_start3A_159 : memref<1x512x16xf32, #tpu.memory_space<vmem>> -> memref<512x16xf32, #tpu.memory_space<vmem>>
      %dma_start3A_161 = arith.constant 0 : i32
      %dma_start3A_162 = tpu.memref_slice %arg8[%dma_start3A_156, %dma_start3A_161] : memref<4x512xi32, #tpu.memory_space<vmem>> -> memref<1x512xi32, #tpu.memory_space<vmem>>
      %dma_start3A_163 = tpu.memref_squeeze %dma_start3A_162 : memref<1x512xi32, #tpu.memory_space<vmem>> -> memref<512xi32, #tpu.memory_space<vmem>>
      %dma_start3A_164 = arith.constant 0 : i32
      %dma_start3A_165 = arith.constant 0 : i32
      %dma_start3A_166 = tpu.memref_slice %arg11[%dma_start3A_164, %dma_start3A_165] : memref<102400x16xf32, #tpu.memory_space<vmem_shared>> -> memref<102400x16xf32, #tpu.memory_space<vmem_shared>>
      tpu.enqueue_indirect_dma source(%dma_start3A_160 : memref<512x16xf32, #tpu.memory_space<vmem>>) target(%dma_start3A_166 : memref<102400x16xf32, #tpu.memory_space<vmem_shared>>) offsets(%dma_start3A_163 : memref<512xi32, #tpu.memory_space<vmem>>) semaphore(%arg17 : memref<!tpu.dma_semaphore, #tpu.memory_space<semaphore_mem>>) {add = true}
      %dma_wait3A_167 = arith.constant 0 : i32
      %dma_wait3A_168 = arith.constant 3 : i32
      %dma_wait3A_169 = arith.constant 0 : i32
      %dma_wait3A_170 = arith.constant 0 : i32
      %dma_wait3A_171 = tpu.memref_slice %arg9[%dma_wait3A_167, %dma_wait3A_169, %dma_wait3A_170] : memref<2x512x16xf32, #tpu.memory_space<vmem>> -> memref<1x512x16xf32, #tpu.memory_space<vmem>>
      %dma_wait3A_172 = tpu.memref_squeeze %dma_wait3A_171 : memref<1x512x16xf32, #tpu.memory_space<vmem>> -> memref<512x16xf32, #tpu.memory_space<vmem>>
      %dma_wait3A_173 = arith.constant 0 : i32
      %dma_wait3A_174 = tpu.memref_slice %arg8[%dma_wait3A_168, %dma_wait3A_173] : memref<4x512xi32, #tpu.memory_space<vmem>> -> memref<1x512xi32, #tpu.memory_space<vmem>>
      %dma_wait3A_175 = tpu.memref_squeeze %dma_wait3A_174 : memref<1x512xi32, #tpu.memory_space<vmem>> -> memref<512xi32, #tpu.memory_space<vmem>>
      %dma_wait3A_176 = arith.constant 0 : i32
      %dma_wait3A_177 = arith.constant 0 : i32
      %dma_wait3A_178 = tpu.memref_slice %arg11[%dma_wait3A_176, %dma_wait3A_177] : memref<102400x16xf32, #tpu.memory_space<vmem_shared>> -> memref<102400x16xf32, #tpu.memory_space<vmem_shared>>
      tpu.wait_indirect_dma semaphore(%arg16 : memref<!tpu.dma_semaphore, #tpu.memory_space<semaphore_mem>>) src(%dma_wait3A_172 : memref<512x16xf32, #tpu.memory_space<vmem>>) dst(%dma_wait3A_178 : memref<102400x16xf32, #tpu.memory_space<vmem_shared>>)
      %dma_wait3A_179 = arith.constant 1 : i32
      %dma_wait3A_180 = arith.constant 3 : i32
      %dma_wait3A_181 = arith.constant 0 : i32
      %dma_wait3A_182 = arith.constant 0 : i32
      %dma_wait3A_183 = tpu.memref_slice %arg9[%dma_wait3A_179, %dma_wait3A_181, %dma_wait3A_182] : memref<2x512x16xf32, #tpu.memory_space<vmem>> -> memref<1x512x16xf32, #tpu.memory_space<vmem>>
      %dma_wait3A_184 = tpu.memref_squeeze %dma_wait3A_183 : memref<1x512x16xf32, #tpu.memory_space<vmem>> -> memref<512x16xf32, #tpu.memory_space<vmem>>
      %dma_wait3A_185 = arith.constant 0 : i32
      %dma_wait3A_186 = tpu.memref_slice %arg8[%dma_wait3A_180, %dma_wait3A_185] : memref<4x512xi32, #tpu.memory_space<vmem>> -> memref<1x512xi32, #tpu.memory_space<vmem>>
      %dma_wait3A_187 = tpu.memref_squeeze %dma_wait3A_186 : memref<1x512xi32, #tpu.memory_space<vmem>> -> memref<512xi32, #tpu.memory_space<vmem>>
      %dma_wait3A_188 = arith.constant 0 : i32
      %dma_wait3A_189 = arith.constant 0 : i32
      %dma_wait3A_190 = tpu.memref_slice %arg11[%dma_wait3A_188, %dma_wait3A_189] : memref<102400x16xf32, #tpu.memory_space<vmem_shared>> -> memref<102400x16xf32, #tpu.memory_space<vmem_shared>>
      tpu.wait_indirect_dma semaphore(%arg17 : memref<!tpu.dma_semaphore, #tpu.memory_space<semaphore_mem>>) src(%dma_wait3A_184 : memref<512x16xf32, #tpu.memory_space<vmem>>) dst(%dma_wait3A_190 : memref<102400x16xf32, #tpu.memory_space<vmem_shared>>)
    } else {
    }
    %eq3A_31 = arith.constant 1 : i32
    %eq3A_32 = arith.cmpi eq, %arg0, %eq3A_31 : i32
    %convert_element_type3A_33 = arith.extui %eq3A_32 : i1 to i32
    %cond3A_34 = arith.constant 0 : i32
    %cond3A_35 = arith.cmpi ne, %convert_element_type3A_33, %cond3A_34 : i32
    scf.if %cond3A_35 {
      %add3A_94 = arith.constant 0 : i32
      %add3A_95 = arith.addi %mul3A_28, %add3A_94 : i32
      %mul3A_96 = arith.constant 128 : i32
      %mul3A_97 = arith.muli %add3A_95, %mul3A_96 : i32
      %dma_start3A = arith.constant 0 : i32
      %dma_start3A_98 = arith.constant 0 : i32
      %dma_start3A_99 = tpu.memref_slice %arg7[%dma_start3A, %dma_start3A_98] : memref<4x512xi32, #tpu.memory_space<vmem>> -> memref<1x512xi32, #tpu.memory_space<vmem>>
      %dma_start3A_100 = tpu.memref_squeeze %dma_start3A_99 : memref<1x512xi32, #tpu.memory_space<vmem>> -> memref<512xi32, #tpu.memory_space<vmem>>
      %dma_start3A_101 = tpu.memref_slice %arg3[%mul3A_97] : memref<1605632xi32, #tpu.memory_space<hbm>> -> memref<512xi32, #tpu.memory_space<hbm>>
      %dma_start3A_102 = arith.constant 0 : i32
      %dma_start3A_103 = tpu.memref_slice %arg7[%dma_start3A, %dma_start3A_102] : memref<4x512xi32, #tpu.memory_space<vmem>> -> memref<1x512xi32, #tpu.memory_space<vmem>>
      %dma_start3A_104 = tpu.memref_squeeze %dma_start3A_103 : memref<1x512xi32, #tpu.memory_space<vmem>> -> memref<512xi32, #tpu.memory_space<vmem>>
      %dma_start3A_105 = tpu.memref_slice %arg3[%mul3A_97] : memref<1605632xi32, #tpu.memory_space<hbm>> -> memref<512xi32, #tpu.memory_space<hbm>>
      tpu.enqueue_dma source(%dma_start3A_105 : memref<512xi32, #tpu.memory_space<hbm>>) target(%dma_start3A_104 : memref<512xi32, #tpu.memory_space<vmem>>) target_semaphore(%arg12 : memref<!tpu.dma_semaphore, #tpu.memory_space<semaphore_mem>>)
      %dma_start3A_106 = arith.constant 0 : i32
      %dma_start3A_107 = arith.constant 0 : i32
      %dma_start3A_108 = tpu.memref_slice %arg8[%dma_start3A_106, %dma_start3A_107] : memref<4x512xi32, #tpu.memory_space<vmem>> -> memref<1x512xi32, #tpu.memory_space<vmem>>
      %dma_start3A_109 = tpu.memref_squeeze %dma_start3A_108 : memref<1x512xi32, #tpu.memory_space<vmem>> -> memref<512xi32, #tpu.memory_space<vmem>>
      %dma_start3A_110 = tpu.memref_slice %arg4[%mul3A_97] : memref<1605632xi32, #tpu.memory_space<hbm>> -> memref<512xi32, #tpu.memory_space<hbm>>
      %dma_start3A_111 = arith.constant 0 : i32
      %dma_start3A_112 = tpu.memref_slice %arg8[%dma_start3A_106, %dma_start3A_111] : memref<4x512xi32, #tpu.memory_space<vmem>> -> memref<1x512xi32, #tpu.memory_space<vmem>>
      %dma_start3A_113 = tpu.memref_squeeze %dma_start3A_112 : memref<1x512xi32, #tpu.memory_space<vmem>> -> memref<512xi32, #tpu.memory_space<vmem>>
      %dma_start3A_114 = tpu.memref_slice %arg4[%mul3A_97] : memref<1605632xi32, #tpu.memory_space<hbm>> -> memref<512xi32, #tpu.memory_space<hbm>>
      tpu.enqueue_dma source(%dma_start3A_114 : memref<512xi32, #tpu.memory_space<hbm>>) target(%dma_start3A_113 : memref<512xi32, #tpu.memory_space<vmem>>) target_semaphore(%arg12 : memref<!tpu.dma_semaphore, #tpu.memory_space<semaphore_mem>>)
      %add3A_115 = arith.constant 4 : i32
      %add3A_116 = arith.addi %mul3A_28, %add3A_115 : i32
      %mul3A_117 = arith.constant 128 : i32
      %mul3A_118 = arith.muli %add3A_116, %mul3A_117 : i32
      %dma_start3A_119 = arith.constant 1 : i32
      %dma_start3A_120 = arith.constant 0 : i32
      %dma_start3A_121 = tpu.memref_slice %arg7[%dma_start3A_119, %dma_start3A_120] : memref<4x512xi32, #tpu.memory_space<vmem>> -> memref<1x512xi32, #tpu.memory_space<vmem>>
      %dma_start3A_122 = tpu.memref_squeeze %dma_start3A_121 : memref<1x512xi32, #tpu.memory_space<vmem>> -> memref<512xi32, #tpu.memory_space<vmem>>
      %dma_start3A_123 = tpu.memref_slice %arg3[%mul3A_118] : memref<1605632xi32, #tpu.memory_space<hbm>> -> memref<512xi32, #tpu.memory_space<hbm>>
      %dma_start3A_124 = arith.constant 0 : i32
      %dma_start3A_125 = tpu.memref_slice %arg7[%dma_start3A_119, %dma_start3A_124] : memref<4x512xi32, #tpu.memory_space<vmem>> -> memref<1x512xi32, #tpu.memory_space<vmem>>
      %dma_start3A_126 = tpu.memref_squeeze %dma_start3A_125 : memref<1x512xi32, #tpu.memory_space<vmem>> -> memref<512xi32, #tpu.memory_space<vmem>>
      %dma_start3A_127 = tpu.memref_slice %arg3[%mul3A_118] : memref<1605632xi32, #tpu.memory_space<hbm>> -> memref<512xi32, #tpu.memory_space<hbm>>
      tpu.enqueue_dma source(%dma_start3A_127 : memref<512xi32, #tpu.memory_space<hbm>>) target(%dma_start3A_126 : memref<512xi32, #tpu.memory_space<vmem>>) target_semaphore(%arg13 : memref<!tpu.dma_semaphore, #tpu.memory_space<semaphore_mem>>)
      %dma_start3A_128 = arith.constant 1 : i32
      %dma_start3A_129 = arith.constant 0 : i32
      %dma_start3A_130 = tpu.memref_slice %arg8[%dma_start3A_128, %dma_start3A_129] : memref<4x512xi32, #tpu.memory_space<vmem>> -> memref<1x512xi32, #tpu.memory_space<vmem>>
      %dma_start3A_131 = tpu.memref_squeeze %dma_start3A_130 : memref<1x512xi32, #tpu.memory_space<vmem>> -> memref<512xi32, #tpu.memory_space<vmem>>
      %dma_start3A_132 = tpu.memref_slice %arg4[%mul3A_118] : memref<1605632xi32, #tpu.memory_space<hbm>> -> memref<512xi32, #tpu.memory_space<hbm>>
      %dma_start3A_133 = arith.constant 0 : i32
      %dma_start3A_134 = tpu.memref_slice %arg8[%dma_start3A_128, %dma_start3A_133] : memref<4x512xi32, #tpu.memory_space<vmem>> -> memref<1x512xi32, #tpu.memory_space<vmem>>
      %dma_start3A_135 = tpu.memref_squeeze %dma_start3A_134 : memref<1x512xi32, #tpu.memory_space<vmem>> -> memref<512xi32, #tpu.memory_space<vmem>>
      %dma_start3A_136 = tpu.memref_slice %arg4[%mul3A_118] : memref<1605632xi32, #tpu.memory_space<hbm>> -> memref<512xi32, #tpu.memory_space<hbm>>
      tpu.enqueue_dma source(%dma_start3A_136 : memref<512xi32, #tpu.memory_space<hbm>>) target(%dma_start3A_135 : memref<512xi32, #tpu.memory_space<vmem>>) target_semaphore(%arg13 : memref<!tpu.dma_semaphore, #tpu.memory_space<semaphore_mem>>)
      %scan3A_137 = arith.constant 0 : i32
      %scan3A_138 = arith.constant 0 : i32
      %scan3A_139 = arith.constant 98 : i32
      %scan3A_140 = arith.addi %scan3A_138, %scan3A_139 : i32
      %scan3A_141 = arith.constant 1 : i32
      %scan3A_142 = scf.for %scan3A_191 = %scan3A_138 to %scan3A_140 step %scan3A_141 iter_args(%scan3A_192 = %scan3A_137) -> (i32)  : i32 {
        %mul3A_193 = arith.constant 2 : i32
        %mul3A_194 = arith.muli %mul3A_193, %scan3A_191 : i32
        %rem3A_195 = arith.constant 2 : i32
        %rem3A_196 = arith.remsi %scan3A_191, %rem3A_195 : i32
        %mul3A_197 = arith.constant 2 : i32
        %mul3A_198 = arith.muli %rem3A_196, %mul3A_197 : i32
        %add3A_199 = arith.constant 0 : i32
        %add3A_200 = arith.addi %mul3A_198, %add3A_199 : i32
        %dma_wait3A_201 = arith.constant 0 : i32
        %dma_wait3A_202 = tpu.memref_slice %arg7[%add3A_200, %dma_wait3A_201] : memref<4x512xi32, #tpu.memory_space<vmem>> -> memref<1x512xi32, #tpu.memory_space<vmem>>
        %dma_wait3A_203 = tpu.memref_squeeze %dma_wait3A_202 : memref<1x512xi32, #tpu.memory_space<vmem>> -> memref<512xi32, #tpu.memory_space<vmem>>
        %dma_wait3A_204 = arith.constant 0 : i32
        %dma_wait3A_205 = tpu.memref_slice %arg3[%dma_wait3A_204] : memref<1605632xi32, #tpu.memory_space<hbm>> -> memref<512xi32, #tpu.memory_space<hbm>>
        %dma_wait3A_206 = arith.constant 0 : i32
        %dma_wait3A_207 = tpu.memref_slice %arg7[%add3A_200, %dma_wait3A_206] : memref<4x512xi32, #tpu.memory_space<vmem>> -> memref<1x512xi32, #tpu.memory_space<vmem>>
        %dma_wait3A_208 = tpu.memref_squeeze %dma_wait3A_207 : memref<1x512xi32, #tpu.memory_space<vmem>> -> memref<512xi32, #tpu.memory_space<vmem>>
        %dma_wait3A_209 = arith.constant 0 : i32
        %dma_wait3A_210 = tpu.memref_slice %arg3[%dma_wait3A_209] : memref<1605632xi32, #tpu.memory_space<hbm>> -> memref<512xi32, #tpu.memory_space<hbm>>
        tpu.wait_dma2 semaphore(%arg12 : memref<!tpu.dma_semaphore, #tpu.memory_space<semaphore_mem>>) src(%dma_wait3A_210 : memref<512xi32, #tpu.memory_space<hbm>>) dst(%dma_wait3A_208 : memref<512xi32, #tpu.memory_space<vmem>>)
        %dma_wait3A_211 = arith.constant 0 : i32
        %dma_wait3A_212 = tpu.memref_slice %arg8[%add3A_200, %dma_wait3A_211] : memref<4x512xi32, #tpu.memory_space<vmem>> -> memref<1x512xi32, #tpu.memory_space<vmem>>
        %dma_wait3A_213 = tpu.memref_squeeze %dma_wait3A_212 : memref<1x512xi32, #tpu.memory_space<vmem>> -> memref<512xi32, #tpu.memory_space<vmem>>
        %dma_wait3A_214 = arith.constant 0 : i32
        %dma_wait3A_215 = tpu.memref_slice %arg4[%dma_wait3A_214] : memref<1605632xi32, #tpu.memory_space<hbm>> -> memref<512xi32, #tpu.memory_space<hbm>>
        %dma_wait3A_216 = arith.constant 0 : i32
        %dma_wait3A_217 = tpu.memref_slice %arg8[%add3A_200, %dma_wait3A_216] : memref<4x512xi32, #tpu.memory_space<vmem>> -> memref<1x512xi32, #tpu.memory_space<vmem>>
        %dma_wait3A_218 = tpu.memref_squeeze %dma_wait3A_217 : memref<1x512xi32, #tpu.memory_space<vmem>> -> memref<512xi32, #tpu.memory_space<vmem>>
        %dma_wait3A_219 = arith.constant 0 : i32
        %dma_wait3A_220 = tpu.memref_slice %arg4[%dma_wait3A_219] : memref<1605632xi32, #tpu.memory_space<hbm>> -> memref<512xi32, #tpu.memory_space<hbm>>
        tpu.wait_dma2 semaphore(%arg12 : memref<!tpu.dma_semaphore, #tpu.memory_space<semaphore_mem>>) src(%dma_wait3A_220 : memref<512xi32, #tpu.memory_space<hbm>>) dst(%dma_wait3A_218 : memref<512xi32, #tpu.memory_space<vmem>>)
        %ge3A = arith.constant 2 : i32
        %ge3A_221 = arith.cmpi sge, %mul3A_194, %ge3A : i32
        %convert_element_type3A_222 = arith.extui %ge3A_221 : i1 to i32
        %cond3A_223 = arith.constant 0 : i32
        %cond3A_224 = arith.cmpi ne, %convert_element_type3A_222, %cond3A_223 : i32
        scf.if %cond3A_224 {
          %dma_wait3A_306 = arith.constant 0 : i32
          %dma_wait3A_307 = arith.constant 0 : i32
          %dma_wait3A_308 = arith.constant 0 : i32
          %dma_wait3A_309 = tpu.memref_slice %arg9[%dma_wait3A_306, %dma_wait3A_307, %dma_wait3A_308] : memref<2x512x16xf32, #tpu.memory_space<vmem>> -> memref<1x512x16xf32, #tpu.memory_space<vmem>>
          %dma_wait3A_310 = tpu.memref_squeeze %dma_wait3A_309 : memref<1x512x16xf32, #tpu.memory_space<vmem>> -> memref<512x16xf32, #tpu.memory_space<vmem>>
          %dma_wait3A_311 = arith.constant 0 : i32
          %dma_wait3A_312 = tpu.memref_slice %arg8[%add3A_200, %dma_wait3A_311] : memref<4x512xi32, #tpu.memory_space<vmem>> -> memref<1x512xi32, #tpu.memory_space<vmem>>
          %dma_wait3A_313 = tpu.memref_squeeze %dma_wait3A_312 : memref<1x512xi32, #tpu.memory_space<vmem>> -> memref<512xi32, #tpu.memory_space<vmem>>
          %dma_wait3A_314 = arith.constant 0 : i32
          %dma_wait3A_315 = arith.constant 0 : i32
          %dma_wait3A_316 = tpu.memref_slice %arg11[%dma_wait3A_314, %dma_wait3A_315] : memref<102400x16xf32, #tpu.memory_space<vmem_shared>> -> memref<102400x16xf32, #tpu.memory_space<vmem_shared>>
          tpu.wait_indirect_dma semaphore(%arg16 : memref<!tpu.dma_semaphore, #tpu.memory_space<semaphore_mem>>) src(%dma_wait3A_310 : memref<512x16xf32, #tpu.memory_space<vmem>>) dst(%dma_wait3A_316 : memref<102400x16xf32, #tpu.memory_space<vmem_shared>>)
        } else {
        }
        %dma_start3A_225 = arith.constant 0 : i32
        %dma_start3A_226 = arith.constant 0 : i32
        %dma_start3A_227 = arith.constant 0 : i32
        %dma_start3A_228 = tpu.memref_slice %arg9[%dma_start3A_225, %dma_start3A_226, %dma_start3A_227] : memref<2x512x16xf32, #tpu.memory_space<vmem>> -> memref<1x512x16xf32, #tpu.memory_space<vmem>>
        %dma_start3A_229 = tpu.memref_squeeze %dma_start3A_228 : memref<1x512x16xf32, #tpu.memory_space<vmem>> -> memref<512x16xf32, #tpu.memory_space<vmem>>
        %dma_start3A_230 = arith.constant 0 : i32
        %dma_start3A_231 = tpu.memref_slice %arg7[%add3A_200, %dma_start3A_230] : memref<4x512xi32, #tpu.memory_space<vmem>> -> memref<1x512xi32, #tpu.memory_space<vmem>>
        %dma_start3A_232 = tpu.memref_squeeze %dma_start3A_231 : memref<1x512xi32, #tpu.memory_space<vmem>> -> memref<512xi32, #tpu.memory_space<vmem>>
        %dma_start3A_233 = arith.constant 0 : i32
        %dma_start3A_234 = arith.constant 0 : i32
        %dma_start3A_235 = tpu.memref_slice %arg5[%dma_start3A_233, %dma_start3A_234] : memref<204800x16xf32, #tpu.memory_space<hbm>> -> memref<204800x16xf32, #tpu.memory_space<hbm>>
        tpu.enqueue_indirect_dma source(%dma_start3A_235 : memref<204800x16xf32, #tpu.memory_space<hbm>>) target(%dma_start3A_229 : memref<512x16xf32, #tpu.memory_space<vmem>>) offsets(%dma_start3A_232 : memref<512xi32, #tpu.memory_space<vmem>>) semaphore(%arg14 : memref<!tpu.dma_semaphore, #tpu.memory_space<semaphore_mem>>)
        %add3A_236 = arith.constant 2 : i32
        %add3A_237 = arith.addi %mul3A_194, %add3A_236 : i32
        %lt3A = arith.constant 196 : i32
        %lt3A_238 = arith.cmpi slt, %add3A_237, %lt3A : i32
        %convert_element_type3A_239 = arith.extui %lt3A_238 : i1 to i32
        %cond3A_240 = arith.constant 0 : i32
        %cond3A_241 = arith.cmpi ne, %convert_element_type3A_239, %cond3A_240 : i32
        scf.if %cond3A_241 {
          %add3A_306 = arith.constant 2 : i32
          %add3A_307 = arith.addi %mul3A_194, %add3A_306 : i32
          %xor3A = arith.constant 2 : i32
          %xor3A_308 = arith.xori %add3A_200, %xor3A : i32
          %mul3A_309 = arith.constant 4 : i32
          %mul3A_310 = arith.muli %add3A_307, %mul3A_309 : i32
          %add3A_311 = arith.addi %mul3A_28, %mul3A_310 : i32
          %mul3A_312 = arith.constant 128 : i32
          %mul3A_313 = arith.muli %add3A_311, %mul3A_312 : i32
          %dma_start3A_314 = arith.constant 0 : i32
          %dma_start3A_315 = tpu.memref_slice %arg7[%xor3A_308, %dma_start3A_314] : memref<4x512xi32, #tpu.memory_space<vmem>> -> memref<1x512xi32, #tpu.memory_space<vmem>>
          %dma_start3A_316 = tpu.memref_squeeze %dma_start3A_315 : memref<1x512xi32, #tpu.memory_space<vmem>> -> memref<512xi32, #tpu.memory_space<vmem>>
          %dma_start3A_317 = tpu.memref_slice %arg3[%mul3A_313] : memref<1605632xi32, #tpu.memory_space<hbm>> -> memref<512xi32, #tpu.memory_space<hbm>>
          %dma_start3A_318 = arith.constant 0 : i32
          %dma_start3A_319 = tpu.memref_slice %arg7[%xor3A_308, %dma_start3A_318] : memref<4x512xi32, #tpu.memory_space<vmem>> -> memref<1x512xi32, #tpu.memory_space<vmem>>
          %dma_start3A_320 = tpu.memref_squeeze %dma_start3A_319 : memref<1x512xi32, #tpu.memory_space<vmem>> -> memref<512xi32, #tpu.memory_space<vmem>>
          %dma_start3A_321 = tpu.memref_slice %arg3[%mul3A_313] : memref<1605632xi32, #tpu.memory_space<hbm>> -> memref<512xi32, #tpu.memory_space<hbm>>
          tpu.enqueue_dma source(%dma_start3A_321 : memref<512xi32, #tpu.memory_space<hbm>>) target(%dma_start3A_320 : memref<512xi32, #tpu.memory_space<vmem>>) target_semaphore(%arg12 : memref<!tpu.dma_semaphore, #tpu.memory_space<semaphore_mem>>)
          %dma_start3A_322 = arith.constant 0 : i32
          %dma_start3A_323 = tpu.memref_slice %arg8[%xor3A_308, %dma_start3A_322] : memref<4x512xi32, #tpu.memory_space<vmem>> -> memref<1x512xi32, #tpu.memory_space<vmem>>
          %dma_start3A_324 = tpu.memref_squeeze %dma_start3A_323 : memref<1x512xi32, #tpu.memory_space<vmem>> -> memref<512xi32, #tpu.memory_space<vmem>>
          %dma_start3A_325 = tpu.memref_slice %arg4[%mul3A_313] : memref<1605632xi32, #tpu.memory_space<hbm>> -> memref<512xi32, #tpu.memory_space<hbm>>
          %dma_start3A_326 = arith.constant 0 : i32
          %dma_start3A_327 = tpu.memref_slice %arg8[%xor3A_308, %dma_start3A_326] : memref<4x512xi32, #tpu.memory_space<vmem>> -> memref<1x512xi32, #tpu.memory_space<vmem>>
          %dma_start3A_328 = tpu.memref_squeeze %dma_start3A_327 : memref<1x512xi32, #tpu.memory_space<vmem>> -> memref<512xi32, #tpu.memory_space<vmem>>
          %dma_start3A_329 = tpu.memref_slice %arg4[%mul3A_313] : memref<1605632xi32, #tpu.memory_space<hbm>> -> memref<512xi32, #tpu.memory_space<hbm>>
          tpu.enqueue_dma source(%dma_start3A_329 : memref<512xi32, #tpu.memory_space<hbm>>) target(%dma_start3A_328 : memref<512xi32, #tpu.memory_space<vmem>>) target_semaphore(%arg12 : memref<!tpu.dma_semaphore, #tpu.memory_space<semaphore_mem>>)
        } else {
        }
        %ge3A_242 = arith.constant 1 : i32
        %ge3A_243 = arith.cmpi sge, %mul3A_194, %ge3A_242 : i32
        %convert_element_type3A_244 = arith.extui %ge3A_243 : i1 to i32
        %cond3A_245 = arith.constant 0 : i32
        %cond3A_246 = arith.cmpi ne, %convert_element_type3A_244, %cond3A_245 : i32
        scf.if %cond3A_246 {
          %add3A_306 = arith.constant 3 : i32
          %add3A_307 = arith.addi %add3A_200, %add3A_306 : i32
          %jit3A_308 = arith.constant 4 : i32
          %eq3A_309 = arith.constant 0 : i32
          %eq3A_310 = arith.cmpi eq, %jit3A_308, %eq3A_309 : i32
          %jit3A_311 = arith.constant 1 : i32
          %select_n3A_312 = arith.select %eq3A_310, %jit3A_311, %jit3A_308 : i32
          %rem3A_313 = arith.remsi %add3A_307, %select_n3A_312 : i32
          %ne3A_314 = arith.constant 0 : i32
          %ne3A_315 = arith.cmpi ne, %rem3A_313, %ne3A_314 : i32
          %lt3A_316 = arith.constant 0 : i32
          %lt3A_317 = arith.cmpi slt, %rem3A_313, %lt3A_316 : i32
          %lt3A_318 = arith.constant 0 : i32
          %lt3A_319 = arith.cmpi slt, %select_n3A_312, %lt3A_318 : i32
          %ne3A_320 = arith.xori %lt3A_317, %lt3A_319 : i1
          %and3A_321 = arith.andi %ne3A_320, %ne3A_315 : i1
          %add3A_322 = arith.addi %rem3A_313, %select_n3A_312 : i32
          %select_n3A_323 = arith.select %and3A_321, %add3A_322, %rem3A_313 : i32
          %dma_wait3A_324 = arith.constant 1 : i32
          %dma_wait3A_325 = arith.constant 0 : i32
          %dma_wait3A_326 = arith.constant 0 : i32
          %dma_wait3A_327 = tpu.memref_slice %arg9[%dma_wait3A_324, %dma_wait3A_325, %dma_wait3A_326] : memref<2x512x16xf32, #tpu.memory_space<vmem>> -> memref<1x512x16xf32, #tpu.memory_space<vmem>>
          %dma_wait3A_328 = tpu.memref_squeeze %dma_wait3A_327 : memref<1x512x16xf32, #tpu.memory_space<vmem>> -> memref<512x16xf32, #tpu.memory_space<vmem>>
          %dma_wait3A_329 = arith.constant 0 : i32
          %dma_wait3A_330 = tpu.memref_slice %arg7[%select_n3A_323, %dma_wait3A_329] : memref<4x512xi32, #tpu.memory_space<vmem>> -> memref<1x512xi32, #tpu.memory_space<vmem>>
          %dma_wait3A_331 = tpu.memref_squeeze %dma_wait3A_330 : memref<1x512xi32, #tpu.memory_space<vmem>> -> memref<512xi32, #tpu.memory_space<vmem>>
          %dma_wait3A_332 = arith.constant 0 : i32
          %dma_wait3A_333 = arith.constant 0 : i32
          %dma_wait3A_334 = tpu.memref_slice %arg5[%dma_wait3A_332, %dma_wait3A_333] : memref<204800x16xf32, #tpu.memory_space<hbm>> -> memref<204800x16xf32, #tpu.memory_space<hbm>>
          tpu.wait_indirect_dma semaphore(%arg15 : memref<!tpu.dma_semaphore, #tpu.memory_space<semaphore_mem>>) src(%dma_wait3A_334 : memref<204800x16xf32, #tpu.memory_space<hbm>>) dst(%dma_wait3A_328 : memref<512x16xf32, #tpu.memory_space<vmem>>)
          %dma_start3A_335 = arith.constant 1 : i32
          %dma_start3A_336 = arith.constant 0 : i32
          %dma_start3A_337 = arith.constant 0 : i32
          %dma_start3A_338 = tpu.memref_slice %arg9[%dma_start3A_335, %dma_start3A_336, %dma_start3A_337] : memref<2x512x16xf32, #tpu.memory_space<vmem>> -> memref<1x512x16xf32, #tpu.memory_space<vmem>>
          %dma_start3A_339 = tpu.memref_squeeze %dma_start3A_338 : memref<1x512x16xf32, #tpu.memory_space<vmem>> -> memref<512x16xf32, #tpu.memory_space<vmem>>
          %dma_start3A_340 = arith.constant 0 : i32
          %dma_start3A_341 = tpu.memref_slice %arg8[%select_n3A_323, %dma_start3A_340] : memref<4x512xi32, #tpu.memory_space<vmem>> -> memref<1x512xi32, #tpu.memory_space<vmem>>
          %dma_start3A_342 = tpu.memref_squeeze %dma_start3A_341 : memref<1x512xi32, #tpu.memory_space<vmem>> -> memref<512xi32, #tpu.memory_space<vmem>>
          %dma_start3A_343 = arith.constant 0 : i32
          %dma_start3A_344 = arith.constant 0 : i32
          %dma_start3A_345 = tpu.memref_slice %arg11[%dma_start3A_343, %dma_start3A_344] : memref<102400x16xf32, #tpu.memory_space<vmem_shared>> -> memref<102400x16xf32, #tpu.memory_space<vmem_shared>>
          tpu.enqueue_indirect_dma source(%dma_start3A_339 : memref<512x16xf32, #tpu.memory_space<vmem>>) target(%dma_start3A_345 : memref<102400x16xf32, #tpu.memory_space<vmem_shared>>) offsets(%dma_start3A_342 : memref<512xi32, #tpu.memory_space<vmem>>) semaphore(%arg17 : memref<!tpu.dma_semaphore, #tpu.memory_space<semaphore_mem>>) {add = true}
        } else {
        }
        %mul3A_247 = arith.constant 2 : i32
        %mul3A_248 = arith.muli %mul3A_247, %scan3A_191 : i32
        %add3A_249 = arith.constant 1 : i32
        %add3A_250 = arith.addi %mul3A_248, %add3A_249 : i32
        %rem3A_251 = arith.constant 2 : i32
        %rem3A_252 = arith.remsi %scan3A_191, %rem3A_251 : i32
        %mul3A_253 = arith.constant 2 : i32
        %mul3A_254 = arith.muli %rem3A_252, %mul3A_253 : i32
        %add3A_255 = arith.constant 1 : i32
        %add3A_256 = arith.addi %mul3A_254, %add3A_255 : i32
        %dma_wait3A_257 = arith.constant 0 : i32
        %dma_wait3A_258 = tpu.memref_slice %arg7[%add3A_256, %dma_wait3A_257] : memref<4x512xi32, #tpu.memory_space<vmem>> -> memref<1x512xi32, #tpu.memory_space<vmem>>
        %dma_wait3A_259 = tpu.memref_squeeze %dma_wait3A_258 : memref<1x512xi32, #tpu.memory_space<vmem>> -> memref<512xi32, #tpu.memory_space<vmem>>
        %dma_wait3A_260 = arith.constant 0 : i32
        %dma_wait3A_261 = tpu.memref_slice %arg3[%dma_wait3A_260] : memref<1605632xi32, #tpu.memory_space<hbm>> -> memref<512xi32, #tpu.memory_space<hbm>>
        %dma_wait3A_262 = arith.constant 0 : i32
        %dma_wait3A_263 = tpu.memref_slice %arg7[%add3A_256, %dma_wait3A_262] : memref<4x512xi32, #tpu.memory_space<vmem>> -> memref<1x512xi32, #tpu.memory_space<vmem>>
        %dma_wait3A_264 = tpu.memref_squeeze %dma_wait3A_263 : memref<1x512xi32, #tpu.memory_space<vmem>> -> memref<512xi32, #tpu.memory_space<vmem>>
        %dma_wait3A_265 = arith.constant 0 : i32
        %dma_wait3A_266 = tpu.memref_slice %arg3[%dma_wait3A_265] : memref<1605632xi32, #tpu.memory_space<hbm>> -> memref<512xi32, #tpu.memory_space<hbm>>
        tpu.wait_dma2 semaphore(%arg13 : memref<!tpu.dma_semaphore, #tpu.memory_space<semaphore_mem>>) src(%dma_wait3A_266 : memref<512xi32, #tpu.memory_space<hbm>>) dst(%dma_wait3A_264 : memref<512xi32, #tpu.memory_space<vmem>>)
        %dma_wait3A_267 = arith.constant 0 : i32
        %dma_wait3A_268 = tpu.memref_slice %arg8[%add3A_256, %dma_wait3A_267] : memref<4x512xi32, #tpu.memory_space<vmem>> -> memref<1x512xi32, #tpu.memory_space<vmem>>
        %dma_wait3A_269 = tpu.memref_squeeze %dma_wait3A_268 : memref<1x512xi32, #tpu.memory_space<vmem>> -> memref<512xi32, #tpu.memory_space<vmem>>
        %dma_wait3A_270 = arith.constant 0 : i32
        %dma_wait3A_271 = tpu.memref_slice %arg4[%dma_wait3A_270] : memref<1605632xi32, #tpu.memory_space<hbm>> -> memref<512xi32, #tpu.memory_space<hbm>>
        %dma_wait3A_272 = arith.constant 0 : i32
        %dma_wait3A_273 = tpu.memref_slice %arg8[%add3A_256, %dma_wait3A_272] : memref<4x512xi32, #tpu.memory_space<vmem>> -> memref<1x512xi32, #tpu.memory_space<vmem>>
        %dma_wait3A_274 = tpu.memref_squeeze %dma_wait3A_273 : memref<1x512xi32, #tpu.memory_space<vmem>> -> memref<512xi32, #tpu.memory_space<vmem>>
        %dma_wait3A_275 = arith.constant 0 : i32
        %dma_wait3A_276 = tpu.memref_slice %arg4[%dma_wait3A_275] : memref<1605632xi32, #tpu.memory_space<hbm>> -> memref<512xi32, #tpu.memory_space<hbm>>
        tpu.wait_dma2 semaphore(%arg13 : memref<!tpu.dma_semaphore, #tpu.memory_space<semaphore_mem>>) src(%dma_wait3A_276 : memref<512xi32, #tpu.memory_space<hbm>>) dst(%dma_wait3A_274 : memref<512xi32, #tpu.memory_space<vmem>>)
        %ge3A_277 = arith.constant 2 : i32
        %ge3A_278 = arith.cmpi sge, %add3A_250, %ge3A_277 : i32
        %convert_element_type3A_279 = arith.extui %ge3A_278 : i1 to i32
        %cond3A_280 = arith.constant 0 : i32
        %cond3A_281 = arith.cmpi ne, %convert_element_type3A_279, %cond3A_280 : i32
        scf.if %cond3A_281 {
          %dma_wait3A_306 = arith.constant 1 : i32
          %dma_wait3A_307 = arith.constant 0 : i32
          %dma_wait3A_308 = arith.constant 0 : i32
          %dma_wait3A_309 = tpu.memref_slice %arg9[%dma_wait3A_306, %dma_wait3A_307, %dma_wait3A_308] : memref<2x512x16xf32, #tpu.memory_space<vmem>> -> memref<1x512x16xf32, #tpu.memory_space<vmem>>
          %dma_wait3A_310 = tpu.memref_squeeze %dma_wait3A_309 : memref<1x512x16xf32, #tpu.memory_space<vmem>> -> memref<512x16xf32, #tpu.memory_space<vmem>>
          %dma_wait3A_311 = arith.constant 0 : i32
          %dma_wait3A_312 = tpu.memref_slice %arg8[%add3A_256, %dma_wait3A_311] : memref<4x512xi32, #tpu.memory_space<vmem>> -> memref<1x512xi32, #tpu.memory_space<vmem>>
          %dma_wait3A_313 = tpu.memref_squeeze %dma_wait3A_312 : memref<1x512xi32, #tpu.memory_space<vmem>> -> memref<512xi32, #tpu.memory_space<vmem>>
          %dma_wait3A_314 = arith.constant 0 : i32
          %dma_wait3A_315 = arith.constant 0 : i32
          %dma_wait3A_316 = tpu.memref_slice %arg11[%dma_wait3A_314, %dma_wait3A_315] : memref<102400x16xf32, #tpu.memory_space<vmem_shared>> -> memref<102400x16xf32, #tpu.memory_space<vmem_shared>>
          tpu.wait_indirect_dma semaphore(%arg17 : memref<!tpu.dma_semaphore, #tpu.memory_space<semaphore_mem>>) src(%dma_wait3A_310 : memref<512x16xf32, #tpu.memory_space<vmem>>) dst(%dma_wait3A_316 : memref<102400x16xf32, #tpu.memory_space<vmem_shared>>)
        } else {
        }
        %dma_start3A_282 = arith.constant 1 : i32
        %dma_start3A_283 = arith.constant 0 : i32
        %dma_start3A_284 = arith.constant 0 : i32
        %dma_start3A_285 = tpu.memref_slice %arg9[%dma_start3A_282, %dma_start3A_283, %dma_start3A_284] : memref<2x512x16xf32, #tpu.memory_space<vmem>> -> memref<1x512x16xf32, #tpu.memory_space<vmem>>
        %dma_start3A_286 = tpu.memref_squeeze %dma_start3A_285 : memref<1x512x16xf32, #tpu.memory_space<vmem>> -> memref<512x16xf32, #tpu.memory_space<vmem>>
        %dma_start3A_287 = arith.constant 0 : i32
        %dma_start3A_288 = tpu.memref_slice %arg7[%add3A_256, %dma_start3A_287] : memref<4x512xi32, #tpu.memory_space<vmem>> -> memref<1x512xi32, #tpu.memory_space<vmem>>
        %dma_start3A_289 = tpu.memref_squeeze %dma_start3A_288 : memref<1x512xi32, #tpu.memory_space<vmem>> -> memref<512xi32, #tpu.memory_space<vmem>>
        %dma_start3A_290 = arith.constant 0 : i32
        %dma_start3A_291 = arith.constant 0 : i32
        %dma_start3A_292 = tpu.memref_slice %arg5[%dma_start3A_290, %dma_start3A_291] : memref<204800x16xf32, #tpu.memory_space<hbm>> -> memref<204800x16xf32, #tpu.memory_space<hbm>>
        tpu.enqueue_indirect_dma source(%dma_start3A_292 : memref<204800x16xf32, #tpu.memory_space<hbm>>) target(%dma_start3A_286 : memref<512x16xf32, #tpu.memory_space<vmem>>) offsets(%dma_start3A_289 : memref<512xi32, #tpu.memory_space<vmem>>) semaphore(%arg15 : memref<!tpu.dma_semaphore, #tpu.memory_space<semaphore_mem>>)
        %add3A_293 = arith.constant 2 : i32
        %add3A_294 = arith.addi %add3A_250, %add3A_293 : i32
        %lt3A_295 = arith.constant 196 : i32
        %lt3A_296 = arith.cmpi slt, %add3A_294, %lt3A_295 : i32
        %convert_element_type3A_297 = arith.extui %lt3A_296 : i1 to i32
        %cond3A_298 = arith.constant 0 : i32
        %cond3A_299 = arith.cmpi ne, %convert_element_type3A_297, %cond3A_298 : i32
        scf.if %cond3A_299 {
          %add3A_306 = arith.constant 2 : i32
          %add3A_307 = arith.addi %add3A_250, %add3A_306 : i32
          %xor3A = arith.constant 2 : i32
          %xor3A_308 = arith.xori %add3A_256, %xor3A : i32
          %mul3A_309 = arith.constant 4 : i32
          %mul3A_310 = arith.muli %add3A_307, %mul3A_309 : i32
          %add3A_311 = arith.addi %mul3A_28, %mul3A_310 : i32
          %mul3A_312 = arith.constant 128 : i32
          %mul3A_313 = arith.muli %add3A_311, %mul3A_312 : i32
          %dma_start3A_314 = arith.constant 0 : i32
          %dma_start3A_315 = tpu.memref_slice %arg7[%xor3A_308, %dma_start3A_314] : memref<4x512xi32, #tpu.memory_space<vmem>> -> memref<1x512xi32, #tpu.memory_space<vmem>>
          %dma_start3A_316 = tpu.memref_squeeze %dma_start3A_315 : memref<1x512xi32, #tpu.memory_space<vmem>> -> memref<512xi32, #tpu.memory_space<vmem>>
          %dma_start3A_317 = tpu.memref_slice %arg3[%mul3A_313] : memref<1605632xi32, #tpu.memory_space<hbm>> -> memref<512xi32, #tpu.memory_space<hbm>>
          %dma_start3A_318 = arith.constant 0 : i32
          %dma_start3A_319 = tpu.memref_slice %arg7[%xor3A_308, %dma_start3A_318] : memref<4x512xi32, #tpu.memory_space<vmem>> -> memref<1x512xi32, #tpu.memory_space<vmem>>
          %dma_start3A_320 = tpu.memref_squeeze %dma_start3A_319 : memref<1x512xi32, #tpu.memory_space<vmem>> -> memref<512xi32, #tpu.memory_space<vmem>>
          %dma_start3A_321 = tpu.memref_slice %arg3[%mul3A_313] : memref<1605632xi32, #tpu.memory_space<hbm>> -> memref<512xi32, #tpu.memory_space<hbm>>
          tpu.enqueue_dma source(%dma_start3A_321 : memref<512xi32, #tpu.memory_space<hbm>>) target(%dma_start3A_320 : memref<512xi32, #tpu.memory_space<vmem>>) target_semaphore(%arg13 : memref<!tpu.dma_semaphore, #tpu.memory_space<semaphore_mem>>)
          %dma_start3A_322 = arith.constant 0 : i32
          %dma_start3A_323 = tpu.memref_slice %arg8[%xor3A_308, %dma_start3A_322] : memref<4x512xi32, #tpu.memory_space<vmem>> -> memref<1x512xi32, #tpu.memory_space<vmem>>
          %dma_start3A_324 = tpu.memref_squeeze %dma_start3A_323 : memref<1x512xi32, #tpu.memory_space<vmem>> -> memref<512xi32, #tpu.memory_space<vmem>>
          %dma_start3A_325 = tpu.memref_slice %arg4[%mul3A_313] : memref<1605632xi32, #tpu.memory_space<hbm>> -> memref<512xi32, #tpu.memory_space<hbm>>
          %dma_start3A_326 = arith.constant 0 : i32
          %dma_start3A_327 = tpu.memref_slice %arg8[%xor3A_308, %dma_start3A_326] : memref<4x512xi32, #tpu.memory_space<vmem>> -> memref<1x512xi32, #tpu.memory_space<vmem>>
          %dma_start3A_328 = tpu.memref_squeeze %dma_start3A_327 : memref<1x512xi32, #tpu.memory_space<vmem>> -> memref<512xi32, #tpu.memory_space<vmem>>
          %dma_start3A_329 = tpu.memref_slice %arg4[%mul3A_313] : memref<1605632xi32, #tpu.memory_space<hbm>> -> memref<512xi32, #tpu.memory_space<hbm>>
          tpu.enqueue_dma source(%dma_start3A_329 : memref<512xi32, #tpu.memory_space<hbm>>) target(%dma_start3A_328 : memref<512xi32, #tpu.memory_space<vmem>>) target_semaphore(%arg13 : memref<!tpu.dma_semaphore, #tpu.memory_space<semaphore_mem>>)
        } else {
        }
        %ge3A_300 = arith.constant 1 : i32
        %ge3A_301 = arith.cmpi sge, %add3A_250, %ge3A_300 : i32
        %convert_element_type3A_302 = arith.extui %ge3A_301 : i1 to i32
        %cond3A_303 = arith.constant 0 : i32
        %cond3A_304 = arith.cmpi ne, %convert_element_type3A_302, %cond3A_303 : i32
        scf.if %cond3A_304 {
          %add3A_306 = arith.constant 3 : i32
          %add3A_307 = arith.addi %add3A_256, %add3A_306 : i32
          %jit3A_308 = arith.constant 4 : i32
          %eq3A_309 = arith.constant 0 : i32
          %eq3A_310 = arith.cmpi eq, %jit3A_308, %eq3A_309 : i32
          %jit3A_311 = arith.constant 1 : i32
          %select_n3A_312 = arith.select %eq3A_310, %jit3A_311, %jit3A_308 : i32
          %rem3A_313 = arith.remsi %add3A_307, %select_n3A_312 : i32
          %ne3A_314 = arith.constant 0 : i32
          %ne3A_315 = arith.cmpi ne, %rem3A_313, %ne3A_314 : i32
          %lt3A_316 = arith.constant 0 : i32
          %lt3A_317 = arith.cmpi slt, %rem3A_313, %lt3A_316 : i32
          %lt3A_318 = arith.constant 0 : i32
          %lt3A_319 = arith.cmpi slt, %select_n3A_312, %lt3A_318 : i32
          %ne3A_320 = arith.xori %lt3A_317, %lt3A_319 : i1
          %and3A_321 = arith.andi %ne3A_320, %ne3A_315 : i1
          %add3A_322 = arith.addi %rem3A_313, %select_n3A_312 : i32
          %select_n3A_323 = arith.select %and3A_321, %add3A_322, %rem3A_313 : i32
          %dma_wait3A_324 = arith.constant 0 : i32
          %dma_wait3A_325 = arith.constant 0 : i32
          %dma_wait3A_326 = arith.constant 0 : i32
          %dma_wait3A_327 = tpu.memref_slice %arg9[%dma_wait3A_324, %dma_wait3A_325, %dma_wait3A_326] : memref<2x512x16xf32, #tpu.memory_space<vmem>> -> memref<1x512x16xf32, #tpu.memory_space<vmem>>
          %dma_wait3A_328 = tpu.memref_squeeze %dma_wait3A_327 : memref<1x512x16xf32, #tpu.memory_space<vmem>> -> memref<512x16xf32, #tpu.memory_space<vmem>>
          %dma_wait3A_329 = arith.constant 0 : i32
          %dma_wait3A_330 = tpu.memref_slice %arg7[%select_n3A_323, %dma_wait3A_329] : memref<4x512xi32, #tpu.memory_space<vmem>> -> memref<1x512xi32, #tpu.memory_space<vmem>>
          %dma_wait3A_331 = tpu.memref_squeeze %dma_wait3A_330 : memref<1x512xi32, #tpu.memory_space<vmem>> -> memref<512xi32, #tpu.memory_space<vmem>>
          %dma_wait3A_332 = arith.constant 0 : i32
          %dma_wait3A_333 = arith.constant 0 : i32
          %dma_wait3A_334 = tpu.memref_slice %arg5[%dma_wait3A_332, %dma_wait3A_333] : memref<204800x16xf32, #tpu.memory_space<hbm>> -> memref<204800x16xf32, #tpu.memory_space<hbm>>
          tpu.wait_indirect_dma semaphore(%arg14 : memref<!tpu.dma_semaphore, #tpu.memory_space<semaphore_mem>>) src(%dma_wait3A_334 : memref<204800x16xf32, #tpu.memory_space<hbm>>) dst(%dma_wait3A_328 : memref<512x16xf32, #tpu.memory_space<vmem>>)
          %dma_start3A_335 = arith.constant 0 : i32
          %dma_start3A_336 = arith.constant 0 : i32
          %dma_start3A_337 = arith.constant 0 : i32
          %dma_start3A_338 = tpu.memref_slice %arg9[%dma_start3A_335, %dma_start3A_336, %dma_start3A_337] : memref<2x512x16xf32, #tpu.memory_space<vmem>> -> memref<1x512x16xf32, #tpu.memory_space<vmem>>
          %dma_start3A_339 = tpu.memref_squeeze %dma_start3A_338 : memref<1x512x16xf32, #tpu.memory_space<vmem>> -> memref<512x16xf32, #tpu.memory_space<vmem>>
          %dma_start3A_340 = arith.constant 0 : i32
          %dma_start3A_341 = tpu.memref_slice %arg8[%select_n3A_323, %dma_start3A_340] : memref<4x512xi32, #tpu.memory_space<vmem>> -> memref<1x512xi32, #tpu.memory_space<vmem>>
          %dma_start3A_342 = tpu.memref_squeeze %dma_start3A_341 : memref<1x512xi32, #tpu.memory_space<vmem>> -> memref<512xi32, #tpu.memory_space<vmem>>
          %dma_start3A_343 = arith.constant 0 : i32
          %dma_start3A_344 = arith.constant 0 : i32
          %dma_start3A_345 = tpu.memref_slice %arg11[%dma_start3A_343, %dma_start3A_344] : memref<102400x16xf32, #tpu.memory_space<vmem_shared>> -> memref<102400x16xf32, #tpu.memory_space<vmem_shared>>
          tpu.enqueue_indirect_dma source(%dma_start3A_339 : memref<512x16xf32, #tpu.memory_space<vmem>>) target(%dma_start3A_345 : memref<102400x16xf32, #tpu.memory_space<vmem_shared>>) offsets(%dma_start3A_342 : memref<512xi32, #tpu.memory_space<vmem>>) semaphore(%arg16 : memref<!tpu.dma_semaphore, #tpu.memory_space<semaphore_mem>>) {add = true}
        } else {
        }
        %scan3A_305 = arith.constant 0 : i32
        scf.yield %scan3A_305 : i32
      }
      %scan3A_143 = arith.constant 98 : i32
      %dma_wait3A = arith.constant 3 : i32
      %dma_wait3A_144 = arith.constant 1 : i32
      %dma_wait3A_145 = arith.constant 0 : i32
      %dma_wait3A_146 = arith.constant 0 : i32
      %dma_wait3A_147 = tpu.memref_slice %arg9[%dma_wait3A_144, %dma_wait3A_145, %dma_wait3A_146] : memref<2x512x16xf32, #tpu.memory_space<vmem>> -> memref<1x512x16xf32, #tpu.memory_space<vmem>>
      %dma_wait3A_148 = tpu.memref_squeeze %dma_wait3A_147 : memref<1x512x16xf32, #tpu.memory_space<vmem>> -> memref<512x16xf32, #tpu.memory_space<vmem>>
      %dma_wait3A_149 = arith.constant 0 : i32
      %dma_wait3A_150 = tpu.memref_slice %arg7[%dma_wait3A, %dma_wait3A_149] : memref<4x512xi32, #tpu.memory_space<vmem>> -> memref<1x512xi32, #tpu.memory_space<vmem>>
      %dma_wait3A_151 = tpu.memref_squeeze %dma_wait3A_150 : memref<1x512xi32, #tpu.memory_space<vmem>> -> memref<512xi32, #tpu.memory_space<vmem>>
      %dma_wait3A_152 = arith.constant 0 : i32
      %dma_wait3A_153 = arith.constant 0 : i32
      %dma_wait3A_154 = tpu.memref_slice %arg5[%dma_wait3A_152, %dma_wait3A_153] : memref<204800x16xf32, #tpu.memory_space<hbm>> -> memref<204800x16xf32, #tpu.memory_space<hbm>>
      tpu.wait_indirect_dma semaphore(%arg15 : memref<!tpu.dma_semaphore, #tpu.memory_space<semaphore_mem>>) src(%dma_wait3A_154 : memref<204800x16xf32, #tpu.memory_space<hbm>>) dst(%dma_wait3A_148 : memref<512x16xf32, #tpu.memory_space<vmem>>)
      %dma_start3A_155 = arith.constant 1 : i32
      %dma_start3A_156 = arith.constant 3 : i32
      %dma_start3A_157 = arith.constant 0 : i32
      %dma_start3A_158 = arith.constant 0 : i32
      %dma_start3A_159 = tpu.memref_slice %arg9[%dma_start3A_155, %dma_start3A_157, %dma_start3A_158] : memref<2x512x16xf32, #tpu.memory_space<vmem>> -> memref<1x512x16xf32, #tpu.memory_space<vmem>>
      %dma_start3A_160 = tpu.memref_squeeze %dma_start3A_159 : memref<1x512x16xf32, #tpu.memory_space<vmem>> -> memref<512x16xf32, #tpu.memory_space<vmem>>
      %dma_start3A_161 = arith.constant 0 : i32
      %dma_start3A_162 = tpu.memref_slice %arg8[%dma_start3A_156, %dma_start3A_161] : memref<4x512xi32, #tpu.memory_space<vmem>> -> memref<1x512xi32, #tpu.memory_space<vmem>>
      %dma_start3A_163 = tpu.memref_squeeze %dma_start3A_162 : memref<1x512xi32, #tpu.memory_space<vmem>> -> memref<512xi32, #tpu.memory_space<vmem>>
      %dma_start3A_164 = arith.constant 0 : i32
      %dma_start3A_165 = arith.constant 0 : i32
      %dma_start3A_166 = tpu.memref_slice %arg11[%dma_start3A_164, %dma_start3A_165] : memref<102400x16xf32, #tpu.memory_space<vmem_shared>> -> memref<102400x16xf32, #tpu.memory_space<vmem_shared>>
      tpu.enqueue_indirect_dma source(%dma_start3A_160 : memref<512x16xf32, #tpu.memory_space<vmem>>) target(%dma_start3A_166 : memref<102400x16xf32, #tpu.memory_space<vmem_shared>>) offsets(%dma_start3A_163 : memref<512xi32, #tpu.memory_space<vmem>>) semaphore(%arg17 : memref<!tpu.dma_semaphore, #tpu.memory_space<semaphore_mem>>) {add = true}
      %dma_wait3A_167 = arith.constant 0 : i32
      %dma_wait3A_168 = arith.constant 3 : i32
      %dma_wait3A_169 = arith.constant 0 : i32
      %dma_wait3A_170 = arith.constant 0 : i32
      %dma_wait3A_171 = tpu.memref_slice %arg9[%dma_wait3A_167, %dma_wait3A_169, %dma_wait3A_170] : memref<2x512x16xf32, #tpu.memory_space<vmem>> -> memref<1x512x16xf32, #tpu.memory_space<vmem>>
      %dma_wait3A_172 = tpu.memref_squeeze %dma_wait3A_171 : memref<1x512x16xf32, #tpu.memory_space<vmem>> -> memref<512x16xf32, #tpu.memory_space<vmem>>
      %dma_wait3A_173 = arith.constant 0 : i32
      %dma_wait3A_174 = tpu.memref_slice %arg8[%dma_wait3A_168, %dma_wait3A_173] : memref<4x512xi32, #tpu.memory_space<vmem>> -> memref<1x512xi32, #tpu.memory_space<vmem>>
      %dma_wait3A_175 = tpu.memref_squeeze %dma_wait3A_174 : memref<1x512xi32, #tpu.memory_space<vmem>> -> memref<512xi32, #tpu.memory_space<vmem>>
      %dma_wait3A_176 = arith.constant 0 : i32
      %dma_wait3A_177 = arith.constant 0 : i32
      %dma_wait3A_178 = tpu.memref_slice %arg11[%dma_wait3A_176, %dma_wait3A_177] : memref<102400x16xf32, #tpu.memory_space<vmem_shared>> -> memref<102400x16xf32, #tpu.memory_space<vmem_shared>>
      tpu.wait_indirect_dma semaphore(%arg16 : memref<!tpu.dma_semaphore, #tpu.memory_space<semaphore_mem>>) src(%dma_wait3A_172 : memref<512x16xf32, #tpu.memory_space<vmem>>) dst(%dma_wait3A_178 : memref<102400x16xf32, #tpu.memory_space<vmem_shared>>)
      %dma_wait3A_179 = arith.constant 1 : i32
      %dma_wait3A_180 = arith.constant 3 : i32
      %dma_wait3A_181 = arith.constant 0 : i32
      %dma_wait3A_182 = arith.constant 0 : i32
      %dma_wait3A_183 = tpu.memref_slice %arg9[%dma_wait3A_179, %dma_wait3A_181, %dma_wait3A_182] : memref<2x512x16xf32, #tpu.memory_space<vmem>> -> memref<1x512x16xf32, #tpu.memory_space<vmem>>
      %dma_wait3A_184 = tpu.memref_squeeze %dma_wait3A_183 : memref<1x512x16xf32, #tpu.memory_space<vmem>> -> memref<512x16xf32, #tpu.memory_space<vmem>>
      %dma_wait3A_185 = arith.constant 0 : i32
      %dma_wait3A_186 = tpu.memref_slice %arg8[%dma_wait3A_180, %dma_wait3A_185] : memref<4x512xi32, #tpu.memory_space<vmem>> -> memref<1x512xi32, #tpu.memory_space<vmem>>
      %dma_wait3A_187 = tpu.memref_squeeze %dma_wait3A_186 : memref<1x512xi32, #tpu.memory_space<vmem>> -> memref<512xi32, #tpu.memory_space<vmem>>
      %dma_wait3A_188 = arith.constant 0 : i32
      %dma_wait3A_189 = arith.constant 0 : i32
      %dma_wait3A_190 = tpu.memref_slice %arg11[%dma_wait3A_188, %dma_wait3A_189] : memref<102400x16xf32, #tpu.memory_space<vmem_shared>> -> memref<102400x16xf32, #tpu.memory_space<vmem_shared>>
      tpu.wait_indirect_dma semaphore(%arg17 : memref<!tpu.dma_semaphore, #tpu.memory_space<semaphore_mem>>) src(%dma_wait3A_184 : memref<512x16xf32, #tpu.memory_space<vmem>>) dst(%dma_wait3A_190 : memref<102400x16xf32, #tpu.memory_space<vmem_shared>>)
    } else {
    }
    %barrier3A_36 = arith.constant 0 : index
    tpu.barrier barrier_id(%barrier3A_36)
    %mul3A_37 = arith.constant 50 : i32
    %mul3A_38 = arith.muli %arg1, %mul3A_37 : i32
    %jit3A = arith.constant 16 : i32
    %div3A = arith.divsi %mul3A_38, %jit3A : i32
    %sign3A = arith.constant 0 : i32
    %sign3A_39 = arith.cmpi sgt, %mul3A_38, %sign3A : i32
    %sign3A_40 = arith.extui %sign3A_39 : i1 to i32
    %sign3A_41 = arith.constant 0 : i32
    %sign3A_42 = arith.cmpi slt, %mul3A_38, %sign3A_41 : i32
    %sign3A_43 = arith.extui %sign3A_42 : i1 to i32
    %sign3A_44 = arith.subi %sign3A_40, %sign3A_43 : i32
    %sign3A_45 = arith.constant 0 : i32
    %sign3A_46 = arith.cmpi sgt, %jit3A, %sign3A_45 : i32
    %sign3A_47 = arith.extui %sign3A_46 : i1 to i32
    %sign3A_48 = arith.constant 0 : i32
    %sign3A_49 = arith.cmpi slt, %jit3A, %sign3A_48 : i32
    %sign3A_50 = arith.extui %sign3A_49 : i1 to i32
    %sign3A_51 = arith.subi %sign3A_47, %sign3A_50 : i32
    %ne3A = arith.cmpi ne, %sign3A_44, %sign3A_51 : i32
    %rem3A = arith.remsi %mul3A_38, %jit3A : i32
    %ne3A_52 = arith.constant 0 : i32
    %ne3A_53 = arith.cmpi ne, %rem3A, %ne3A_52 : i32
    %and3A = arith.andi %ne3A, %ne3A_53 : i1
    %sub3A = arith.constant 1 : i32
    %sub3A_54 = arith.subi %div3A, %sub3A : i32
    %select_n3A = arith.select %and3A, %sub3A_54, %div3A : i32
    %add3A_55 = arith.constant 1 : i32
    %add3A_56 = arith.addi %arg1, %add3A_55 : i32
    %mul3A_57 = arith.constant 50 : i32
    %mul3A_58 = arith.muli %add3A_56, %mul3A_57 : i32
    %jit3A_59 = arith.constant 16 : i32
    %div3A_60 = arith.divsi %mul3A_58, %jit3A_59 : i32
    %sign3A_61 = arith.constant 0 : i32
    %sign3A_62 = arith.cmpi sgt, %mul3A_58, %sign3A_61 : i32
    %sign3A_63 = arith.extui %sign3A_62 : i1 to i32
    %sign3A_64 = arith.constant 0 : i32
    %sign3A_65 = arith.cmpi slt, %mul3A_58, %sign3A_64 : i32
    %sign3A_66 = arith.extui %sign3A_65 : i1 to i32
    %sign3A_67 = arith.subi %sign3A_63, %sign3A_66 : i32
    %sign3A_68 = arith.constant 0 : i32
    %sign3A_69 = arith.cmpi sgt, %jit3A_59, %sign3A_68 : i32
    %sign3A_70 = arith.extui %sign3A_69 : i1 to i32
    %sign3A_71 = arith.constant 0 : i32
    %sign3A_72 = arith.cmpi slt, %jit3A_59, %sign3A_71 : i32
    %sign3A_73 = arith.extui %sign3A_72 : i1 to i32
    %sign3A_74 = arith.subi %sign3A_70, %sign3A_73 : i32
    %ne3A_75 = arith.cmpi ne, %sign3A_67, %sign3A_74 : i32
    %rem3A_76 = arith.remsi %mul3A_58, %jit3A_59 : i32
    %ne3A_77 = arith.constant 0 : i32
    %ne3A_78 = arith.cmpi ne, %rem3A_76, %ne3A_77 : i32
    %and3A_79 = arith.andi %ne3A_75, %ne3A_78 : i1
    %sub3A_80 = arith.constant 1 : i32
    %sub3A_81 = arith.subi %div3A_60, %sub3A_80 : i32
    %select_n3A_82 = arith.select %and3A_79, %sub3A_81, %div3A_60 : i32
    %while3A_83 = arith.constant 0 : i32
    %while3A_84 = arith.subi %select_n3A_82, %select_n3A : i32
    %while3A_85 = arith.addi %select_n3A, %while3A_84 : i32
    %while3A_86 = arith.constant 1 : i32
    %while3A_87 = arith.divsi %while3A_84, %while3A_86 : i32
    %while3A_88 = arith.muli %while3A_87, %while3A_86 : i32
    %while3A_89 = arith.addi %select_n3A, %while3A_88 : i32
    %while3A_90 = arith.constant 1 : i32
    %while3A_91 = scf.for %while3A_94 = %select_n3A to %while3A_89 step %while3A_90 iter_args(%while3A_95 = %while3A_83) -> (i32)  : i32 {
      %mul3A_96 = arith.constant 2048 : i32
      %mul3A_97 = arith.muli %while3A_94, %mul3A_96 : i32
      %multiple_of3A = tpu.assume_multiple %mul3A_97, 8 : i32
      "tpu.region"() ({
        %run_scoped3A = tpu.sem_alloc : memref<!tpu.dma_semaphore, #tpu.memory_space<semaphore_mem>>
        %dma_start3A = arith.constant 0 : i32
        %dma_start3A_99 = tpu.memref_slice %arg6[%arg0, %multiple_of3A, %dma_start3A] : memref<2x102400x16xf32, #tpu.memory_space<hbm>> -> memref<1x2048x16xf32, #tpu.memory_space<hbm>>
        %dma_start3A_100 = tpu.memref_squeeze %dma_start3A_99 : memref<1x2048x16xf32, #tpu.memory_space<hbm>> -> memref<2048x16xf32, #tpu.memory_space<hbm>>
        %dma_start3A_101 = arith.constant 0 : i32
        %dma_start3A_102 = tpu.memref_slice %arg11[%multiple_of3A, %dma_start3A_101] : memref<102400x16xf32, #tpu.memory_space<vmem_shared>> -> memref<2048x16xf32, #tpu.memory_space<vmem_shared>>
        tpu.enqueue_dma source(%dma_start3A_102 : memref<2048x16xf32, #tpu.memory_space<vmem_shared>>) target(%dma_start3A_100 : memref<2048x16xf32, #tpu.memory_space<hbm>>) target_semaphore(%run_scoped3A : memref<!tpu.dma_semaphore, #tpu.memory_space<semaphore_mem>>)
        %dma_wait3A = arith.constant 0 : i32
        %dma_wait3A_103 = tpu.memref_slice %arg6[%arg0, %multiple_of3A, %dma_wait3A] : memref<2x102400x16xf32, #tpu.memory_space<hbm>> -> memref<1x2048x16xf32, #tpu.memory_space<hbm>>
        %dma_wait3A_104 = tpu.memref_squeeze %dma_wait3A_103 : memref<1x2048x16xf32, #tpu.memory_space<hbm>> -> memref<2048x16xf32, #tpu.memory_space<hbm>>
        %dma_wait3A_105 = arith.constant 0 : i32
        %dma_wait3A_106 = tpu.memref_slice %arg11[%multiple_of3A, %dma_wait3A_105] : memref<102400x16xf32, #tpu.memory_space<vmem_shared>> -> memref<2048x16xf32, #tpu.memory_space<vmem_shared>>
        tpu.wait_dma2 semaphore(%run_scoped3A : memref<!tpu.dma_semaphore, #tpu.memory_space<semaphore_mem>>) src(%dma_wait3A_106 : memref<2048x16xf32, #tpu.memory_space<vmem_shared>>) dst(%dma_wait3A_104 : memref<2048x16xf32, #tpu.memory_space<hbm>>)
        tpu.yield
      }) : () -> ()
      %while3A_98 = arith.constant 0 : i32
      scf.yield %while3A_98 : i32
    }
    %while3A_92 = arith.constant 1 : i32
    %while3A_93 = scf.for %while3A_94 = %while3A_89 to %while3A_85 step %while3A_92 iter_args(%while3A_95 = %while3A_91) -> (i32)  : i32 {
      %mul3A_96 = arith.constant 2048 : i32
      %mul3A_97 = arith.muli %while3A_94, %mul3A_96 : i32
      %multiple_of3A = tpu.assume_multiple %mul3A_97, 8 : i32
      "tpu.region"() ({
        %run_scoped3A = tpu.sem_alloc : memref<!tpu.dma_semaphore, #tpu.memory_space<semaphore_mem>>
        %dma_start3A = arith.constant 0 : i32
        %dma_start3A_99 = tpu.memref_slice %arg6[%arg0, %multiple_of3A, %dma_start3A] : memref<2x102400x16xf32, #tpu.memory_space<hbm>> -> memref<1x2048x16xf32, #tpu.memory_space<hbm>>
        %dma_start3A_100 = tpu.memref_squeeze %dma_start3A_99 : memref<1x2048x16xf32, #tpu.memory_space<hbm>> -> memref<2048x16xf32, #tpu.memory_space<hbm>>
        %dma_start3A_101 = arith.constant 0 : i32
        %dma_start3A_102 = tpu.memref_slice %arg11[%multiple_of3A, %dma_start3A_101] : memref<102400x16xf32, #tpu.memory_space<vmem_shared>> -> memref<2048x16xf32, #tpu.memory_space<vmem_shared>>
        tpu.enqueue_dma source(%dma_start3A_102 : memref<2048x16xf32, #tpu.memory_space<vmem_shared>>) target(%dma_start3A_100 : memref<2048x16xf32, #tpu.memory_space<hbm>>) target_semaphore(%run_scoped3A : memref<!tpu.dma_semaphore, #tpu.memory_space<semaphore_mem>>)
        %dma_wait3A = arith.constant 0 : i32
        %dma_wait3A_103 = tpu.memref_slice %arg6[%arg0, %multiple_of3A, %dma_wait3A] : memref<2x102400x16xf32, #tpu.memory_space<hbm>> -> memref<1x2048x16xf32, #tpu.memory_space<hbm>>
        %dma_wait3A_104 = tpu.memref_squeeze %dma_wait3A_103 : memref<1x2048x16xf32, #tpu.memory_space<hbm>> -> memref<2048x16xf32, #tpu.memory_space<hbm>>
        %dma_wait3A_105 = arith.constant 0 : i32
        %dma_wait3A_106 = tpu.memref_slice %arg11[%multiple_of3A, %dma_wait3A_105] : memref<102400x16xf32, #tpu.memory_space<vmem_shared>> -> memref<2048x16xf32, #tpu.memory_space<vmem_shared>>
        tpu.wait_dma2 semaphore(%run_scoped3A : memref<!tpu.dma_semaphore, #tpu.memory_space<semaphore_mem>>) src(%dma_wait3A_106 : memref<2048x16xf32, #tpu.memory_space<vmem_shared>>) dst(%dma_wait3A_104 : memref<2048x16xf32, #tpu.memory_space<hbm>>)
        tpu.yield
      }) : () -> ()
      %while3A_98 = arith.constant 0 : i32
      scf.yield %while3A_98 : i32
    }
    return
  }
}

module attributes {stable_mosaic.version = 14 : i64} {
  func.func @_tc2_body(%arg0: i32, %arg1: memref<2x256x128xf32, #tpu.memory_space<vmem>>, %arg2: memref<256x128xf32, #tpu.memory_space<vmem>>, %arg3: memref<256x128xf32, #tpu.memory_space<vmem>>, %arg4: memref<128x512xf32, #tpu.memory_space<vmem>>, %arg5: memref<1x512xf32, #tpu.memory_space<vmem>>, %arg6: memref<512x256xf32, #tpu.memory_space<vmem>>, %arg7: memref<128x256xf32, #tpu.memory_space<vmem>>, %arg8: memref<256x256xf32, #tpu.memory_space<vmem>>) attributes {dimension_semantics = [#tpu.dimension_semantics<arbitrary>], iteration_bounds = array<i64: 50>, scalar_prefetch = 0 : i64, scratch_operands = 0 : i64, tpu.core_type = #tpu.core_type<tc>, window_params = [{transform_indices = @transform_0, window_bounds = array<i64: 2, 256, 128>}, {transform_indices = @transform_1, window_bounds = array<i64: 256, 128>}, {transform_indices = @transform_2, window_bounds = array<i64: 256, 128>}, {pipeline_mode = #tpu.pipeline_mode<synchronous>, transform_indices = @transform_3, window_bounds = array<i64: 128, 512>}, {pipeline_mode = #tpu.pipeline_mode<synchronous>, transform_indices = @transform_4, window_bounds = array<i64: 1, 512>}, {pipeline_mode = #tpu.pipeline_mode<synchronous>, transform_indices = @transform_5, window_bounds = array<i64: 512, 256>}, {pipeline_mode = #tpu.pipeline_mode<synchronous>, transform_indices = @transform_6, window_bounds = array<i64: 128, 256>}, {transform_indices = @transform_7, window_bounds = array<i64: 256, 256>}]} {
    %get3A = arith.constant 0 : index
    %get3A_0 = arith.constant 0 : index
    %get3A_1 = vector.load %arg3[%get3A, %get3A_0] : memref<256x128xf32, #tpu.memory_space<vmem>>, vector<256x128xf32>
    %get3A_2 = arith.constant 0 : index
    %get3A_3 = arith.constant 0 : index
    %get3A_4 = arith.constant 0 : index
    %get3A_5 = vector.load %arg1[%get3A_2, %get3A_3, %get3A_4] : memref<2x256x128xf32, #tpu.memory_space<vmem>>, vector<1x256x128xf32>
    %get3A_6 = vector.shape_cast %get3A_5 : vector<1x256x128xf32> to vector<256x128xf32>
    %get3A_7 = arith.constant 1 : index
    %get3A_8 = arith.constant 0 : index
    %get3A_9 = arith.constant 0 : index
    %get3A_10 = vector.load %arg1[%get3A_7, %get3A_8, %get3A_9] : memref<2x256x128xf32, #tpu.memory_space<vmem>>, vector<1x256x128xf32>
    %get3A_11 = vector.shape_cast %get3A_10 : vector<1x256x128xf32> to vector<256x128xf32>
    %add3A = arith.addf %get3A_6, %get3A_11 : vector<256x128xf32>
    %get3A_12 = arith.constant 0 : index
    %get3A_13 = arith.constant 0 : index
    %get3A_14 = vector.load %arg2[%get3A_12, %get3A_13] : memref<256x128xf32, #tpu.memory_space<vmem>>, vector<256x128xf32>
    %add3A_15 = arith.addf %add3A, %get3A_14 : vector<256x128xf32>
    %mul3A = arith.mulf %add3A_15, %get3A_1 : vector<256x128xf32>
    %get3A_16 = arith.constant 0 : index
    %get3A_17 = arith.constant 0 : index
    %get3A_18 = vector.load %arg4[%get3A_16, %get3A_17] : memref<128x512xf32, #tpu.memory_space<vmem>>, vector<128x512xf32>
    %dot_general3A = arith.constant dense<0.000000e+00> : vector<256x512xf32>
    %dot_general3A_19 = tpu.matmul %mul3A, %get3A_18, %dot_general3A {dimension_numbers = #tpu.dot_dimension_numbers<[1], [0], [0], [1], [0, 0, 1, 1], [], []>, transpose_lhs_hint = false} : vector<256x128xf32>, vector<128x512xf32>, vector<256x512xf32> -> vector<256x512xf32>
    %get3A_20 = arith.constant 0 : index
    %get3A_21 = arith.constant 0 : index
    %get3A_22 = vector.load %arg5[%get3A_20, %get3A_21] : memref<1x512xf32, #tpu.memory_space<vmem>>, vector<1x512xf32>
    %add3A_23 = vector.broadcast %get3A_22 : vector<1x512xf32> to vector<256x512xf32>
    %add3A_24 = arith.addf %dot_general3A_19, %add3A_23 : vector<256x512xf32>
    %max3A = arith.constant 0.000000e+00 : f32
    %max3A_25 = vector.broadcast %max3A : f32 to vector<256x512xf32>
    %max3A_26 = arith.maximumf %add3A_24, %max3A_25 : vector<256x512xf32>
    %get3A_27 = arith.constant 0 : index
    %get3A_28 = arith.constant 0 : index
    %get3A_29 = vector.load %arg7[%get3A_27, %get3A_28] : memref<128x256xf32, #tpu.memory_space<vmem>>, vector<128x256xf32>
    %dot_general3A_30 = arith.constant dense<0.000000e+00> : vector<256x256xf32>
    %dot_general3A_31 = tpu.matmul %get3A_1, %get3A_29, %dot_general3A_30 {dimension_numbers = #tpu.dot_dimension_numbers<[1], [0], [0], [1], [0, 0, 1, 1], [], []>, transpose_lhs_hint = false} : vector<256x128xf32>, vector<128x256xf32>, vector<256x256xf32> -> vector<256x256xf32>
    %get3A_32 = arith.constant 0 : index
    %get3A_33 = arith.constant 0 : index
    %get3A_34 = vector.load %arg6[%get3A_32, %get3A_33] : memref<512x256xf32, #tpu.memory_space<vmem>>, vector<512x256xf32>
    %dot_general3A_35 = arith.constant dense<0.000000e+00> : vector<256x256xf32>
    %dot_general3A_36 = tpu.matmul %max3A_26, %get3A_34, %dot_general3A_35 {dimension_numbers = #tpu.dot_dimension_numbers<[1], [0], [0], [1], [0, 0, 1, 1], [], []>, transpose_lhs_hint = false} : vector<256x512xf32>, vector<512x256xf32>, vector<256x256xf32> -> vector<256x256xf32>
    %mul3A_37 = arith.mulf %dot_general3A_36, %dot_general3A_31 : vector<256x256xf32>
    %swap3A = arith.constant 0 : index
    %swap3A_38 = arith.constant 0 : index
    %swap3A_39 = vector.load %arg8[%swap3A, %swap3A_38] : memref<256x256xf32, #tpu.memory_space<vmem>>, vector<256x256xf32>
    tpu.vector_store %arg8[%swap3A, %swap3A_38], %mul3A_37 {strides = array<i32>} : memref<256x256xf32, #tpu.memory_space<vmem>>, vector<256x256xf32>,
    return
  }
  func.func @transform_0(%arg0: i32) -> (i32, i32, i32) {
    %c0_i32 = arith.constant 0 : i32
    %c0_i32_0 = arith.constant 0 : i32
    %c0_i32_1 = arith.constant 0 : i32
    return %c0_i32, %arg0, %c0_i32_0 : i32, i32, i32
  }
  func.func @transform_1(%arg0: i32) -> (i32, i32) {
    %c0_i32 = arith.constant 0 : i32
    %c0_i32_0 = arith.constant 0 : i32
    return %arg0, %c0_i32 : i32, i32
  }
  func.func @transform_2(%arg0: i32) -> (i32, i32) {
    %c0_i32 = arith.constant 0 : i32
    %c0_i32_0 = arith.constant 0 : i32
    return %arg0, %c0_i32 : i32, i32
  }
  func.func @transform_3(%arg0: i32) -> (i32, i32) {
    %c0_i32 = arith.constant 0 : i32
    %c0_i32_0 = arith.constant 0 : i32
    %c0_i32_1 = arith.constant 0 : i32
    return %c0_i32, %c0_i32_0 : i32, i32
  }
  func.func @transform_4(%arg0: i32) -> (i32, i32) {
    %c0_i32 = arith.constant 0 : i32
    %c0_i32_0 = arith.constant 0 : i32
    %c0_i32_1 = arith.constant 0 : i32
    return %c0_i32, %c0_i32_0 : i32, i32
  }
  func.func @transform_5(%arg0: i32) -> (i32, i32) {
    %c0_i32 = arith.constant 0 : i32
    %c0_i32_0 = arith.constant 0 : i32
    %c0_i32_1 = arith.constant 0 : i32
    return %c0_i32, %c0_i32_0 : i32, i32
  }
  func.func @transform_6(%arg0: i32) -> (i32, i32) {
    %c0_i32 = arith.constant 0 : i32
    %c0_i32_0 = arith.constant 0 : i32
    %c0_i32_1 = arith.constant 0 : i32
    return %c0_i32, %c0_i32_0 : i32, i32
  }
  func.func @transform_7(%arg0: i32) -> (i32, i32) {
    %c0_i32 = arith.constant 0 : i32
    %c0_i32_0 = arith.constant 0 : i32
    return %arg0, %c0_i32 : i32, i32
  }
}

module attributes {stable_mosaic.version = 14 : i64} {
  func.func @_tc3_body(%arg0: i32, %arg1: memref<2x256x128xf32, #tpu.memory_space<vmem>>, %arg2: memref<256x256xf32, #tpu.memory_space<vmem>>, %arg3: memref<256x128xf32, #tpu.memory_space<vmem>>, %arg4: memref<128x256xf32, #tpu.memory_space<vmem>>, %arg5: memref<128x256xf32, #tpu.memory_space<vmem>>, %arg6: memref<128x256xf32, #tpu.memory_space<vmem>>, %arg7: memref<1x256xf32, #tpu.memory_space<vmem>>, %arg8: memref<32x1xf32, #tpu.memory_space<vmem>>, %arg9: memref<1x1xf32, #tpu.memory_space<vmem>>, %arg10: memref<1x1xf32, #tpu.memory_space<vmem>>, %arg11: memref<1x256xf32, #tpu.memory_space<vmem>>) attributes {dimension_semantics = [#tpu.dimension_semantics<arbitrary>], iteration_bounds = array<i64: 50>, scalar_prefetch = 0 : i64, scratch_operands = 1 : i64, tpu.core_type = #tpu.core_type<tc>, window_params = [{transform_indices = @transform_0, window_bounds = array<i64: 2, 256, 128>}, {transform_indices = @transform_1, window_bounds = array<i64: 256, 256>}, {transform_indices = @transform_2, window_bounds = array<i64: 256, 128>}, {pipeline_mode = #tpu.pipeline_mode<synchronous>, transform_indices = @transform_3, window_bounds = array<i64: 128, 256>}, {pipeline_mode = #tpu.pipeline_mode<synchronous>, transform_indices = @transform_4, window_bounds = array<i64: 128, 256>}, {pipeline_mode = #tpu.pipeline_mode<synchronous>, transform_indices = @transform_5, window_bounds = array<i64: 128, 256>}, {pipeline_mode = #tpu.pipeline_mode<synchronous>, transform_indices = @transform_6, window_bounds = array<i64: 1, 256>}, {pipeline_mode = #tpu.pipeline_mode<synchronous>, transform_indices = @transform_7, window_bounds = array<i64: 32, 1>}, {pipeline_mode = #tpu.pipeline_mode<synchronous>, transform_indices = @transform_8, window_bounds = array<i64: 1, 1>}, {pipeline_mode = #tpu.pipeline_mode<synchronous>, transform_indices = @transform_9, window_bounds = array<i64: 1, 1>}]} {
    %get3A = arith.constant 0 : index
    %get3A_0 = arith.constant 0 : index
    %get3A_1 = vector.load %arg3[%get3A, %get3A_0] : memref<256x128xf32, #tpu.memory_space<vmem>>, vector<256x128xf32>
    %get3A_2 = arith.constant 0 : index
    %get3A_3 = arith.constant 0 : index
    %get3A_4 = vector.load %arg4[%get3A_2, %get3A_3] : memref<128x256xf32, #tpu.memory_space<vmem>>, vector<128x256xf32>
    %dot_general3A = arith.constant dense<0.000000e+00> : vector<256x256xf32>
    %dot_general3A_5 = tpu.matmul %get3A_1, %get3A_4, %dot_general3A {dimension_numbers = #tpu.dot_dimension_numbers<[1], [0], [0], [1], [0, 0, 1, 1], [], []>, transpose_lhs_hint = false} : vector<256x128xf32>, vector<128x256xf32>, vector<256x256xf32> -> vector<256x256xf32>
    %get3A_6 = arith.constant 0 : index
    %get3A_7 = arith.constant 0 : index
    %get3A_8 = arith.constant 0 : index
    %get3A_9 = vector.load %arg1[%get3A_6, %get3A_7, %get3A_8] : memref<2x256x128xf32, #tpu.memory_space<vmem>>, vector<1x256x128xf32>
    %get3A_10 = vector.shape_cast %get3A_9 : vector<1x256x128xf32> to vector<256x128xf32>
    %get3A_11 = arith.constant 0 : index
    %get3A_12 = arith.constant 0 : index
    %get3A_13 = vector.load %arg5[%get3A_11, %get3A_12] : memref<128x256xf32, #tpu.memory_space<vmem>>, vector<128x256xf32>
    %dot_general3A_14 = arith.constant dense<0.000000e+00> : vector<256x256xf32>
    %dot_general3A_15 = tpu.matmul %get3A_10, %get3A_13, %dot_general3A_14 {dimension_numbers = #tpu.dot_dimension_numbers<[1], [0], [0], [1], [0, 0, 1, 1], [], []>, transpose_lhs_hint = false} : vector<256x128xf32>, vector<128x256xf32>, vector<256x256xf32> -> vector<256x256xf32>
    %get3A_16 = arith.constant 1 : index
    %get3A_17 = arith.constant 0 : index
    %get3A_18 = arith.constant 0 : index
    %get3A_19 = vector.load %arg1[%get3A_16, %get3A_17, %get3A_18] : memref<2x256x128xf32, #tpu.memory_space<vmem>>, vector<1x256x128xf32>
    %get3A_20 = vector.shape_cast %get3A_19 : vector<1x256x128xf32> to vector<256x128xf32>
    %get3A_21 = arith.constant 0 : index
    %get3A_22 = arith.constant 0 : index
    %get3A_23 = vector.load %arg6[%get3A_21, %get3A_22] : memref<128x256xf32, #tpu.memory_space<vmem>>, vector<128x256xf32>
    %dot_general3A_24 = arith.constant dense<0.000000e+00> : vector<256x256xf32>
    %dot_general3A_25 = tpu.matmul %get3A_20, %get3A_23, %dot_general3A_24 {dimension_numbers = #tpu.dot_dimension_numbers<[1], [0], [0], [1], [0, 0, 1, 1], [], []>, transpose_lhs_hint = false} : vector<256x128xf32>, vector<128x256xf32>, vector<256x256xf32> -> vector<256x256xf32>
    %add3A = arith.addf %dot_general3A_15, %dot_general3A_25 : vector<256x256xf32>
    %get3A_26 = arith.constant 0 : index
    %get3A_27 = arith.constant 0 : index
    %get3A_28 = vector.load %arg2[%get3A_26, %get3A_27] : memref<256x256xf32, #tpu.memory_space<vmem>>, vector<256x256xf32>
    %add3A_29 = arith.addf %add3A, %get3A_28 : vector<256x256xf32>
    %mul3A = arith.mulf %add3A_29, %dot_general3A_5 : vector<256x256xf32>
    %get3A_30 = arith.constant 0 : index
    %get3A_31 = arith.constant 0 : index
    %get3A_32 = vector.load %arg7[%get3A_30, %get3A_31] : memref<1x256xf32, #tpu.memory_space<vmem>>, vector<1x256xf32>
    %add3A_33 = vector.broadcast %get3A_32 : vector<1x256xf32> to vector<256x256xf32>
    %add3A_34 = arith.addf %mul3A, %add3A_33 : vector<256x256xf32>
    %max3A = arith.constant 0.000000e+00 : f32
    %max3A_35 = vector.broadcast %max3A : f32 to vector<256x256xf32>
    %max3A_36 = arith.maximumf %add3A_34, %max3A_35 : vector<256x256xf32>
    %mul3A_37 = arith.constant 256 : i32
    %mul3A_38 = arith.muli %arg0, %mul3A_37 : i32
    %iota3A = tpu.iota {dimensions = array<i32: 0>} : vector<256x256xi32>
    %add3A_39 = vector.broadcast %mul3A_38 : i32 to vector<256x256xi32>
    %add3A_40 = arith.addi %add3A_39, %iota3A : vector<256x256xi32>
    %lt3A = arith.constant 12500 : i32
    %lt3A_41 = vector.broadcast %lt3A : i32 to vector<256x256xi32>
    %lt3A_42 = arith.cmpi slt, %add3A_40, %lt3A_41 : vector<256x256xi32>
    %jit3A = arith.constant 0.000000e+00 : f32
    %broadcast_in_dim3A = vector.broadcast %jit3A : f32 to vector<256x256xf32>
    %select_n3A = arith.select %lt3A_42, %max3A_36, %broadcast_in_dim3A : vector<256x256xi1>, vector<256x256xf32>
    %reduce_sum3A = arith.constant dense<0.000000e+00> : vector<256xf32>
    %reduce_sum3A_43 = vector.multi_reduction <add>, %select_n3A, %reduce_sum3A [0] : vector<256x256xf32> to vector<256xf32>
    %broadcast_in_dim3A_44 = vector.shape_cast %reduce_sum3A_43 : vector<256xf32> to vector<1x256xf32>
    %eq3A = arith.constant 0 : i32
    %eq3A_45 = arith.cmpi eq, %arg0, %eq3A : i32
    %convert_element_type3A = arith.extui %eq3A_45 : i1 to i32
    %cond3A = arith.constant 0 : i32
    %cond3A_46 = arith.cmpi ne, %convert_element_type3A, %cond3A : i32
    scf.if %cond3A_46 {
      %swap3A = arith.constant 0 : index
      %swap3A_56 = arith.constant 0 : index
      %swap3A_57 = vector.load %arg11[%swap3A, %swap3A_56] : memref<1x256xf32, #tpu.memory_space<vmem>>, vector<1x256xf32>
      tpu.vector_store %arg11[%swap3A, %swap3A_56], %broadcast_in_dim3A_44 {strides = array<i32>} : memref<1x256xf32, #tpu.memory_space<vmem>>, vector<1x256xf32>,
    } else {
    }
    %gt3A = arith.constant 0 : i32
    %gt3A_47 = arith.cmpi sgt, %arg0, %gt3A : i32
    %convert_element_type3A_48 = arith.extui %gt3A_47 : i1 to i32
    %cond3A_49 = arith.constant 0 : i32
    %cond3A_50 = arith.cmpi ne, %convert_element_type3A_48, %cond3A_49 : i32
    scf.if %cond3A_50 {
      %get3A_56 = arith.constant 0 : index
      %get3A_57 = arith.constant 0 : index
      %get3A_58 = vector.load %arg11[%get3A_56, %get3A_57] : memref<1x256xf32, #tpu.memory_space<vmem>>, vector<1x256xf32>
      %add3A_59 = arith.addf %get3A_58, %broadcast_in_dim3A_44 : vector<1x256xf32>
      %swap3A = arith.constant 0 : index
      %swap3A_60 = arith.constant 0 : index
      %swap3A_61 = vector.load %arg11[%swap3A, %swap3A_60] : memref<1x256xf32, #tpu.memory_space<vmem>>, vector<1x256xf32>
      tpu.vector_store %arg11[%swap3A, %swap3A_60], %add3A_59 {strides = array<i32>} : memref<1x256xf32, #tpu.memory_space<vmem>>, vector<1x256xf32>,
    } else {
    }
    %eq3A_51 = arith.constant 49 : i32
    %eq3A_52 = arith.cmpi eq, %arg0, %eq3A_51 : i32
    %convert_element_type3A_53 = arith.extui %eq3A_52 : i1 to i32
    %cond3A_54 = arith.constant 0 : i32
    %cond3A_55 = arith.cmpi ne, %convert_element_type3A_53, %cond3A_54 : i32
    scf.if %cond3A_55 {
      %iota3A_56 = tpu.iota {dimensions = array<i32: 0>} : vector<256x32xi32>
      %jit3A_57 = arith.constant 32 : i32
      %eq3A_58 = arith.constant 0 : i32
      %eq3A_59 = arith.cmpi eq, %jit3A_57, %eq3A_58 : i32
      %jit3A_60 = arith.constant 1 : i32
      %select_n3A_61 = arith.select %eq3A_59, %jit3A_60, %jit3A_57 : i32
      %rem3A = vector.broadcast %select_n3A_61 : i32 to vector<256x32xi32>
      %rem3A_62 = arith.remsi %iota3A_56, %rem3A : vector<256x32xi32>
      %ne3A = arith.constant 0 : i32
      %ne3A_63 = vector.broadcast %ne3A : i32 to vector<256x32xi32>
      %ne3A_64 = arith.cmpi ne, %rem3A_62, %ne3A_63 : vector<256x32xi32>
      %lt3A_65 = arith.constant 0 : i32
      %lt3A_66 = vector.broadcast %lt3A_65 : i32 to vector<256x32xi32>
      %lt3A_67 = arith.cmpi slt, %rem3A_62, %lt3A_66 : vector<256x32xi32>
      %lt3A_68 = arith.constant 0 : i32
      %lt3A_69 = arith.cmpi slt, %select_n3A_61, %lt3A_68 : i32
      %ne3A_70 = vector.broadcast %lt3A_69 : i1 to vector<256x32xi1>
      %ne3A_71 = vector.broadcast %ne3A_70 : vector<256x32xi1> to vector<256x32xi1>
      %ne3A_72 = arith.xori %lt3A_67, %ne3A_71 : vector<256x32xi1>
      %and3A = arith.andi %ne3A_72, %ne3A_64 : vector<256x32xi1>
      %add3A_73 = vector.broadcast %select_n3A_61 : i32 to vector<256x32xi32>
      %add3A_74 = arith.addi %rem3A_62, %add3A_73 : vector<256x32xi32>
      %select_n3A_75 = arith.select %and3A, %add3A_74, %rem3A_62 : vector<256x32xi1>, vector<256x32xi32>
      %iota3A_76 = tpu.iota {dimensions = array<i32: 1>} : vector<256x32xi32>
      %eq3A_77 = arith.cmpi eq, %select_n3A_75, %iota3A_76 : vector<256x32xi32>
      %convert_element_type3A_78 = arith.extui %eq3A_77 : vector<256x32xi1> to vector<256x32xi32>
      %convert_element_type3A_79 = arith.sitofp %convert_element_type3A_78 : vector<256x32xi32> to vector<256x32xf32>
      %get3A_80 = arith.constant 0 : index
      %get3A_81 = arith.constant 0 : index
      %get3A_82 = vector.load %arg11[%get3A_80, %get3A_81] : memref<1x256xf32, #tpu.memory_space<vmem>>, vector<1x256xf32>
      %mul3A_83 = arith.constant 9.99999974E-6 : f32
      %mul3A_84 = vector.broadcast %mul3A_83 : f32 to vector<1x256xf32>
      %mul3A_85 = arith.mulf %get3A_82, %mul3A_84 : vector<1x256xf32>
      %dot_general3A_86 = arith.constant dense<0.000000e+00> : vector<1x32xf32>
      %dot_general3A_87 = tpu.matmul %mul3A_85, %convert_element_type3A_79, %dot_general3A_86 {dimension_numbers = #tpu.dot_dimension_numbers<[1], [0], [0], [1], [0, 0, 1, 1], [], []>, transpose_lhs_hint = false} : vector<1x256xf32>, vector<256x32xf32>, vector<1x32xf32> -> vector<1x32xf32>
      %get3A_88 = arith.constant 0 : index
      %get3A_89 = arith.constant 0 : index
      %get3A_90 = vector.load %arg8[%get3A_88, %get3A_89] : memref<32x1xf32, #tpu.memory_space<vmem>>, vector<32x1xf32>
      %dot_general3A_91 = arith.constant dense<0.000000e+00> : vector<1x1xf32>
      %dot_general3A_92 = tpu.matmul %dot_general3A_87, %get3A_90, %dot_general3A_91 {dimension_numbers = #tpu.dot_dimension_numbers<[1], [0], [0], [1], [0, 0, 1, 1], [], []>, transpose_lhs_hint = false} : vector<1x32xf32>, vector<32x1xf32>, vector<1x1xf32> -> vector<1x1xf32>
      %get3A_93 = arith.constant 0 : index
      %get3A_94 = arith.constant 0 : index
      %get3A_95 = vector.load %arg9[%get3A_93, %get3A_94] : memref<1x1xf32, #tpu.memory_space<vmem>>, vector<1x1xf32>
      %add3A_96 = arith.addf %dot_general3A_92, %get3A_95 : vector<1x1xf32>
      %neg3A = arith.constant 0.000000e+00 : f32
      %neg3A_97 = vector.broadcast %neg3A : f32 to vector<1x1xf32>
      %neg3A_98 = arith.subf %neg3A_97, %add3A_96 : vector<1x1xf32>
      %exp3A = math.exp %neg3A_98 : vector<1x1xf32>
      %add3A_99 = arith.constant 1.000000e+00 : f32
      %add3A_100 = vector.broadcast %add3A_99 : f32 to vector<1x1xf32>
      %add3A_101 = arith.addf %add3A_100, %exp3A : vector<1x1xf32>
      %div3A = arith.constant 1.000000e+00 : f32
      %div3A_102 = vector.broadcast %div3A : f32 to vector<1x1xf32>
      %div3A_103 = arith.divf %div3A_102, %add3A_101 : vector<1x1xf32>
      %swap3A = arith.constant 0 : index
      %swap3A_104 = arith.constant 0 : index
      %swap3A_105 = vector.load %arg10[%swap3A, %swap3A_104] : memref<1x1xf32, #tpu.memory_space<vmem>>, vector<1x1xf32>
      tpu.vector_store %arg10[%swap3A, %swap3A_104], %div3A_103 {strides = array<i32>} : memref<1x1xf32, #tpu.memory_space<vmem>>, vector<1x1xf32>,
    } else {
    }
    return
  }
  func.func @transform_0(%arg0: i32) -> (i32, i32, i32) {
    %c0_i32 = arith.constant 0 : i32
    %c0_i32_0 = arith.constant 0 : i32
    %c0_i32_1 = arith.constant 0 : i32
    return %c0_i32, %arg0, %c0_i32_0 : i32, i32, i32
  }
  func.func @transform_1(%arg0: i32) -> (i32, i32) {
    %c0_i32 = arith.constant 0 : i32
    %c0_i32_0 = arith.constant 0 : i32
    return %arg0, %c0_i32 : i32, i32
  }
  func.func @transform_2(%arg0: i32) -> (i32, i32) {
    %c0_i32 = arith.constant 0 : i32
    %c0_i32_0 = arith.constant 0 : i32
    return %arg0, %c0_i32 : i32, i32
  }
  func.func @transform_3(%arg0: i32) -> (i32, i32) {
    %c0_i32 = arith.constant 0 : i32
    %c0_i32_0 = arith.constant 0 : i32
    %c0_i32_1 = arith.constant 0 : i32
    return %c0_i32, %c0_i32_0 : i32, i32
  }
  func.func @transform_4(%arg0: i32) -> (i32, i32) {
    %c0_i32 = arith.constant 0 : i32
    %c0_i32_0 = arith.constant 0 : i32
    %c0_i32_1 = arith.constant 0 : i32
    return %c0_i32, %c0_i32_0 : i32, i32
  }
  func.func @transform_5(%arg0: i32) -> (i32, i32) {
    %c0_i32 = arith.constant 0 : i32
    %c0_i32_0 = arith.constant 0 : i32
    %c0_i32_1 = arith.constant 0 : i32
    return %c0_i32, %c0_i32_0 : i32, i32
  }
  func.func @transform_6(%arg0: i32) -> (i32, i32) {
    %c0_i32 = arith.constant 0 : i32
    %c0_i32_0 = arith.constant 0 : i32
    %c0_i32_1 = arith.constant 0 : i32
    return %c0_i32, %c0_i32_0 : i32, i32
  }
  func.func @transform_7(%arg0: i32) -> (i32, i32) {
    %c0_i32 = arith.constant 0 : i32
    %c0_i32_0 = arith.constant 0 : i32
    %c0_i32_1 = arith.constant 0 : i32
    return %c0_i32, %c0_i32_0 : i32, i32
  }
  func.func @transform_8(%arg0: i32) -> (i32, i32) {
    %c0_i32 = arith.constant 0 : i32
    %c0_i32_0 = arith.constant 0 : i32
    %c0_i32_1 = arith.constant 0 : i32
    return %c0_i32, %c0_i32_0 : i32, i32
  }
  func.func @transform_9(%arg0: i32) -> (i32, i32) {
    %c0_i32 = arith.constant 0 : i32
    %c0_i32_0 = arith.constant 0 : i32
    %c0_i32_1 = arith.constant 0 : i32
    return %c0_i32, %c0_i32_0 : i32, i32
  }
}

</mosaic_0001>

<sc_bundles>
// kernel: kernel.10.cloned.1.call-start
scs
__scs_entry_jumppad:
0x0: {  	(pc) =	sbr.rel $0x88, $3  }
0x1: {  	(tag) =	ssettag $0x0;
	lr =	simm.s32 $0x1  }
0x2: {  	[smem:$0x3F99] =	sst lr;
	_ =	strace $0xD0000000  }
0x3: {  	_ = 	snop  }
0x4: {  	_ = 	snop  }
0x5: {  	_ = 	snop  }
0x6: {  	_ = 	snop  }
0x7: {  	_ = 	snop  }
__scs_overlays_trampoline_lowered:
0x8: {  	[smem:$0x3FA8] =	sst s0  }
0x9: {  	[smem:$0x3FA9] =	sst s1  }
0xa: {  	[smem:$0x3FAA] =	sst s2  }
0xb: {  	[smem:$0x3FAB] =	sst s3  }
0xc: {  	[smem:$0x3FAC] =	sst s4  }
0xd: {  	[smem:$0x3FAD] =	sst s5  }
0xe: {  	[smem:$0x3FAE] =	sst s6  }
0xf: {  	[smem:$0x3FAF] =	sst s7  }
0x10: {  	[smem:$0x3FB0] =	sst s8  }
0x11: {  	[smem:$0x3FB1] =	sst s9;
	s0 =	simm.s32 @!p0 $0x0  }
0x12: {  	s1 =	sld [smem:$0x3F97];
	s0 =	simm.s32 @p0 $0x1  }
0x13: {  	[smem:$0x3FB2] =	sst s0;
	s0 =	simm.s32 @!p1 $0x0  }
0x14: {  	s2 =	sld [smem:$0x3F96];
	s0 =	simm.s32 @p1 $0x1  }
0x15: {  	[smem:$0x3FB3] =	sst s0;
	s0 =	simm.s32 @!p2 $0x0  }
0x16: {  	s3 =	sld [smem:$0x3FDB];
	s0 =	simm.s32 @p2 $0x1  }
0x17: {  	s4 =	simm.s32 $0x1BF5;
	[smem:$0x3FB5] =	sst s0  }
0x18: {  	s0 =	sld [smem:$0x3F98];
	_ =	swait.ge [sflag:s4], $0x0  }
0x19: {  	s7 =	sld [smem:$0x3F99]  }
0x1a: {  	s8 =	sadd.s32 $0xFFFFE003, lr  }
0x1b: {  	s9 =	sadd.s32 $0xFFFFFEF7, lr;
	s5 =	simm.s32 $0xFFFFFFFF;
	p2 =	slt.u32 s8, $0xFFFFF086  }
0x1c: {  	p1 =	slt.u32 s9, $0xF7A;
	s5 =	simm.s32 @!p2 $0x0  }
0x1d: {  	s5 =	simm.s32 @p1 $0x1;
	p0 =	seq.s32 s7, s2  }
0x1e: {  	s7 =	smul.u32 @!p0 $0xF7A, s2;
	p2 =	seq.s32 @!p0 s5, $0x0  }
0x1f: {  	s9 =	smul.u32 $0xF7A, s1;
	s8 =	simm.s32 @!p0 $0x1BF5;
	p2 =	por !p2, p0  }
0x20: {  	[sflag:s8] =	ssyncset.s32 @!p0 $0xFFFFF086;
	s6 =	sadd.s32 @!p0 s3, s7;
	s7 =	simm.s32 @!p0 $0x108  }
0x21: {  	s3 =	sadd.s32 s3, s9;
	s6 =	sadd.s32 @!p0 $0x88, s6;
	s7 =	simm.s32 @p2 $0x1082  }
0x22: {  	[simem:s7], [sflag:s8] =	dma.local @!p0 [hbm:s6], $0xF7A  }
0x23: {  	s9 =	sor.u32 $0xD0000000, s2;
	s6 =	simm.s32 $0x108;
	_ =	swait.ge @!p0 [sflag:s8], $0x0  }
0x24: {  	s3 =	sadd.s32 $0x88, s3;
	s6 =	simm.s32 @!p1 $0x1082;
	[sflag:s4] =	ssyncset.s32 $0xFFFFF086  }
0x25: {  	[simem:s6], [sflag:s4] =	dma.local [hbm:s3], $0xF7A  }
0x26: {  	[smem:$0x3F99] =	sst s1;
	(tag) =	ssettag s2;
	_ =	strace s9  }
0x27: {  	s1 =	sld [smem:$0x3FA9]  }
0x28: {  	s2 =	sld [smem:$0x3FAA]  }
0x29: {  	s4 =	sld [smem:$0x3FAC]  }
0x2a: {  	p0 =	seq.s32 s5, $0x0;
	s5 =	sld [smem:$0x3FAD]  }
0x2b: {  	s6 =	sld [smem:$0x3FAE]  }
0x2c: {  	s7 =	sld [smem:$0x3FAF]  }
0x2d: {  	s3 =	simm.s32 $0x108;
	s8 =	sld [smem:$0x3FB0]  }
0x2e: {  	s3 =	simm.s32 @!p0 $0x1082;
	s9 =	sld [smem:$0x3FB1]  }
0x2f: {  	lr =	sadd.s32 s0, s3;
	s0 =	sld [smem:$0x3FA8]  }
0x30: {  	s3 =	sld [smem:$0x3FAB]  }
0x31: {  	[smem:$0x3FB4] =	sst s10  }
0x32: {  	s10 =	sld [smem:$0x3FB2];
	_ =	sdelay $0x3  }
0x33: {  	p0 =	seq.s32 s10, $0x1;
	s10 =	sld [smem:$0x3FB4];
	_ =	sdelay $0x3  }
0x34: {  	[smem:$0x3FB4] =	sst s10  }
0x35: {  	s10 =	sld [smem:$0x3FB3];
	_ =	sdelay $0x3  }
0x36: {  	p1 =	seq.s32 s10, $0x1;
	s10 =	sld [smem:$0x3FB4];
	_ =	sdelay $0x3  }
0x37: {  	[smem:$0x3FB4] =	sst s10  }
0x38: {  	s10 =	sld [smem:$0x3FB5]  }
0x39: {  	_ = 	snop;
	(pc) =	sbr.ind lr, $3  }
0x3a: {  	_ = 	snop  }
0x3b: {  	_ = 	snop  }
0x3c: {  	p2 =	seq.s32 s10, $0x1;
	s10 =	sld [smem:$0x3FB4]  }
0x3d: {  	_ =	shalt  }
0x3e: {  	_ =	shalt  }
0x3f: {  	_ =	shalt  }
0x40: {  	_ =	shalt  }
0x41: {  	_ =	shalt  }
0x42: {  	_ =	shalt  }
0x43: {  	_ =	shalt  }
0x44: {  	_ =	shalt  }
0x45: {  	_ =	shalt  }
0x46: {  	_ =	shalt  }
0x47: {  	_ =	shalt  }
0x48: {  	_ =	shalt  }
0x49: {  	_ =	shalt  }
0x4a: {  	_ =	shalt  }
0x4b: {  	_ =	shalt  }
0x4c: {  	_ =	shalt  }
0x4d: {  	_ =	shalt  }
0x4e: {  	_ =	shalt  }
0x4f: {  	_ =	shalt  }
0x50: {  	_ =	shalt  }
0x51: {  	_ =	shalt  }
0x52: {  	_ =	shalt  }
0x53: {  	_ =	shalt  }
0x54: {  	_ =	shalt  }
0x55: {  	_ =	shalt  }
0x56: {  	_ =	shalt  }
0x57: {  	_ =	shalt  }
0x58: {  	_ =	shalt  }
0x59: {  	_ =	shalt  }
0x5a: {  	_ =	shalt  }
0x5b: {  	_ =	shalt  }
0x5c: {  	_ =	shalt  }
0x5d: {  	_ =	shalt  }
0x5e: {  	_ =	shalt  }
0x5f: {  	_ =	shalt  }
0x60: {  	_ =	shalt  }
0x61: {  	_ =	shalt  }
0x62: {  	_ =	shalt  }
0x63: {  	_ =	shalt  }
0x64: {  	_ =	shalt  }
0x65: {  	_ =	shalt  }
0x66: {  	_ =	shalt  }
0x67: {  	_ =	shalt  }
0x68: {  	_ =	shalt  }
0x69: {  	_ =	shalt  }
0x6a: {  	_ =	shalt  }
0x6b: {  	_ =	shalt  }
0x6c: {  	_ =	shalt  }
0x6d: {  	_ =	shalt  }
0x6e: {  	_ =	shalt  }
0x6f: {  	_ =	shalt  }
0x70: {  	_ =	shalt  }
0x71: {  	_ =	shalt  }
0x72: {  	_ =	shalt  }
0x73: {  	_ =	shalt  }
0x74: {  	_ =	shalt  }
0x75: {  	_ =	shalt  }
0x76: {  	_ =	shalt  }
0x77: {  	_ =	shalt  }
0x78: {  	_ =	shalt  }
0x79: {  	_ =	shalt  }
0x7a: {  	_ =	shalt  }
0x7b: {  	_ =	shalt  }
0x7c: {  	_ =	shalt  }
0x7d: {  	_ =	shalt  }
0x7e: {  	_ =	shalt  }
0x7f: {  	_ =	shalt  }
0x80: {  	_ =	shalt  }
0x81: {  	_ =	shalt  }
0x82: {  	_ =	shalt  }
0x83: {  	_ =	shalt  }
0x84: {  	_ =	shalt  }
0x85: {  	_ =	shalt  }
0x86: {  	_ =	shalt  }
0x87: {  	_ =	shalt  }
.Lfunc_end0:
.L_simem_size_0:
called_computation.1_lowered:
.L_overlay_start_0:
0x88: {  	s2 =	sld [smem:$0x3FD9]  }
0x89: {  	s3 =	sld [smem:$0x3FFE];
	_ =	sdelay $0x1  }
0x8a: {  	s1 =	srdreg.scid  }
0x8b: {  	s0 =	sand.u32 $0x1, s1  }
0x8c: {  	s16 =	sshll.u32 s0, $0xA;
	s2 =	sadd.s32 s3, s2  }
0x8d: {  	s2 =	sadd.s32 s2, s16  }
0x8e: {  	[smem:$0x3FC0] =	sst s2  }
0x8f: {  	_ = 	snop  }
0x90: {  	(tm) =	ssettm $0x1  }
0x91: {  	s17 =	sld [smem:$0x3FFB];
	_ =	sdelay $0x3  }
0x92: {  	_ =	strace s17  }
0x93: {  	s2 =	sld [smem:$0x3FFC];
	_ =	sdelay $0x3  }
0x94: {  	_ =	strace s2  }
0x95: {  	s2 =	sld [smem:$0x3FFD];
	_ =	sdelay $0x3  }
0x96: {  	_ =	strace s2  }
0x97: {  	_ =	strace $0x8FFFFFFF  }
0x98: {  	s18 =	sld [smem:$0x3FDB];
	_ =	sdelay $0x1  }
0x99: {  	s19 =	simm.s32 $_scs_section_size  }
0x9a: {  	s4 =	simm.s32 $_size__tile_overlayer_lowered;
	s5 =	simm.s32 $_tile_overlayer_lowered  }
0x9b: {  	s22 =	simm.s32 $0x1BFF;
	s21 =	sshll.u32 s5, $0x1;
	s2 =	sadd.s32 s19, s18  }
0x9c: {  	s6 =	simm.s32 $0x0;
	s20 =	sshll.u32 s4, $0x1;
	s4 =	sadd.s32 s21, s2  }
0x9d: {  	[timem:s6], [sflag:s22] =	dma.local [hbm:s4], s20  }
0x9e: {  	_ =	swait.ge [sflag:s22], s20  }
0x9f: {  	s3 =	ssub.s32 $0x0, s20;
	[sflag:s22] =	ssyncset.done $0x0  }
0xa0: {  	[sflag:s22] =	ssyncadd.s32 s3;
	_ =	sdelay $0x1  }
0xa1: {  	s23 =	simm.s32 $0x1B8B  }
0xa2: {  	_ =	swait.ge [sflag:s23], $0x1  }
0xa3: {  	[sflag:s23] =	ssyncset.done $0x0  }
0xa4: {  	s25 =	simm.s32 $0x1B8E;
	s24 =	sld [smem:$0x3FFE];
	[sflag:s23] =	ssyncadd.s32 $0xFFFFFFFF  }
0xa5: {  	s26 =	simm.s32 $execute0_lowered;
	[smem:$0x3FD2] =	sst s25  }
0xa6: {  	s4 =	sshll.u32 s26, $0x1;
	_ =	strace $0x80000049;
	[dreg:$0x1] =	wrdreg $0xFFFFFFFF  }
0xa7: {  	s28 =	simm.s32 $_size_execute0_lowered;
	s2 =	sadd.s32 s2, s4;
	[dreg:$0x0] =	wrdreg $0x0  }
0xa8: {  	s4 =	sshll.u32 s28, $0x1;
	[dreg:$0x2] =	wrdreg s2  }
0xa9: {  	[dreg:$0x3] =	wrdreg s4  }
0xaa: {  	[dreg:$0x4] =	wrdreg $0xC0  }
0xab: {  	_ =	task [dreg:s6], $0x5FFFF  }
0xac: {  	[dreg:$0x1] =	wrdreg $0xFFFFFFFF  }
0xad: {  	[dreg:$0x0] =	wrdreg $0x60  }
0xae: {  	[dreg:$0x2] =	wrdreg s24  }
0xaf: {  	[dreg:$0x3] =	wrdreg $0x58000  }
0xb0: {  	[dreg:$0x4] =	wrdreg $0x9  }
0xb1: {  	_ =	task.clear_ibuf [dreg:s6], $0x5FFFF;
	_ =	strace $0x90000049  }
0xb2: {  	s29 =	simm.s32 $0x9;
	_ =	strace $0x8000004B  }
0xb3: {  	_ =	swait.ge [sflag:s29], $0x1  }
0xb4: {  	[sflag:s29] =	ssyncadd.s32 $0xFFFFFFFF  }
0xb5: {  	_ =	strace $0x9000004B  }
0xb6: {  	_ =	sfence  }
0xb7: {  	s30 =	sld [smem:$0x0];
	_ =	sdelay $0x2  }
0xb8: {  	s31 =	sshll.u32 s1, $0xD;
	s1 =	sshrl.u32 s1, $0x2  }
0xb9: {  	s3 =	sand.u32 $0x4000, s31;
	s1 =	sadd.s32 s1, s30  }
0xba: {  	s0 =	sor.u32 s3, s0;
	s1 =	sshll.u32 s1, $0x11  }
0xbb: {  	s0 =	sor.u32 s1, s0  }
0xbc: {  	s0 =	sadd.s32 $0x8F2B, s0  }
0xbd: {  	[sflag:s0] =	ssyncadd.remote.s32 $0x1  }
0xbe: {  	_ =	sfence.sel $0xFFFF  }
0xbf: {  	[dreg:$0x0] =	wrdreg $0xFFFFFFFF;
	(pc) =	sbr.abs _section_cstart, $3  }
0xc0: {  	[dreg:$0x1] =	wrdreg $0xFFFFFFFF  }
0xc1: {  	_ =	task.clear_ibuf [dreg:s6], $0x2FFFF;
	_ =	strace $0x9FFFFFFF  }
0xc2: {  	(tm) =	ssettm $0x7FFFFFFF  }
0xc3: {  	_ =	shalt  }
tec
execute0_lowered:
.L_overlay_start_1:
0x0: {  	(tag) =	ssettag $0x1  }
0x1: {  	s0 =	rddreg [dreg:$0x0]  }
0x2: {  	s1 =	rddreg [dreg:$0x1];
	s3 =	simm.s32 $0x0;
	s2 =	srdreg.scid  }
0x3: {  	s13 =	stileid.u32;
	s17 =	simm.s32 $0x5000;
	s18 =	simm.s32 $0x7  }
0x4: {  	s20 =	simm.s32 $0x200;
	s21 =	simm.s32 $0xA00;
	s7 =	smul.u32 $0x188, s13  }
0x5: {  	s28 =	simm.s32 $0x4;
	s29 =	simm.s32 $0x5;
	s11 =	smul.u32 $0x32, s13  }
0x6: {  	s30 =	simm.s32 $0x6;
	s31 =	simm.s32 $0x8;
	s12 =	smul.u32 $0x64000, s13  }
0x7: {  	[smem:$0x7FF] =	sst s3;
	s2 =	sand.u32 $0x1, s2;
	s13 =	smul.u32 $0x1880, s13  }
0x8: {  	s6 =	sadd.s32 $0xC9000, s0;
	s8 =	sadd.s32 $0x34000, s0;
	s5 =	smul.u32 $0x1880, s2  }
0x9: {  	s4 =	sadd.s32 $0x65000, s0;
	s9 =	ssub.s32 $0x2, s2;
	s16 =	smul.u32 $0x190000, s2  }
0xa: {  	_ =	strace $0x8000004A;
	s2 =	smul.u32 $0x18800, s2;
	s10 =	sshrl.u32 s9, $0x1  }
0xb: {  	s23 =	sadd.s32 $0x32, s11;
	s7 =	sadd.s32 s7, s5;
	s5 =	sadd.s32 $0x15C000, s0  }
0xc: {  	s22 =	ssub.s32 s9, s10;
	s9 =	sshrl.u32 s11, $0x4;
	s19 =	sshrl.u32 s23, $0x4  }
0xd: {  	s23 =	simm.s32 $0x1000;
	s7 =	sshll.u32 s7, $0x4;
	s0 =	smax.u32 s22, $0x1  }
0xe: {  	s14 =	ssub.s32 s19, s9;
	s22 =	simm.s32 $0x1;
	p0 =	sle.u32 s19, s9  }
0xf: {  	s24 =	sadd.s32 s6, s7;
	s25 =	sadd.s32 s8, s7;
	[dreg:$0x7] =	wrdreg s0  }
0x10: {  	s7 =	sor.u32 $0x40, s7;
	s0 =	simm.s32 $0x0;
	[dreg:$0x3] =	wrdreg s24  }
0x11: {  	[dreg:$0x4] =	wrdreg s25;
	s26 =	sadd.s32 s6, s7;
	s7 =	sadd.s32 s8, s7  }
.Ltmp0:
0x12: {  	s24 =	sshrl.u32 s12, $0x2;
	[dreg:$0x5] =	wrdreg s26;
	(pc) =	sbr.rel .LBB2_1-.Ltmp0, $4  }
0x13: {  	s6 =	sadd.s32 s2, s6;
	s25 =	sadd.s32 s2, s8;
	[dreg:$0x6] =	wrdreg s7  }
0x14: {  	s11 =	sadd.s32 s24, s1;
	s12 =	sadd.s32 s13, s6;
	s13 =	sadd.s32 s13, s25  }
0x15: {  	s26 =	sshll.u32 s9, $0xF;
	s24 =	simm.s32 $0x2;
	s25 =	simm.s32 $0x3000  }
0x16: {  	v0 =	vimm.f32 $0.0e+00;
	s15 =	sadd.s32 s26, s1;
	s16 =	sadd.s32 s26, s16;
	s26 =	simm.s32 $0x3  }
.LBB2_17:
0x17: {  	_ =	swait.ge [sflag:s31], $0x1000  }
0x18: {  	[sflag:s31] =	ssyncset.done $0x0  }
0x19: {  	[sflag:s31] =	ssyncadd.s32 $0xFFFFF000  }
.LBB2_18:
0x1a: {  	s0 =	sadd.s32 $0x1, s0;
	s2 =	rddreg [dreg:$0x7]  }
0x1b: {  	p1 =	sne.s32 s0, s2  }
.Ltmp1:
0x1c: {  	_ = 	snop;
	(pc) =	sbr.rel @!p1 .LBB2_19-.Ltmp1, $1  }
0x1d: {  	_ =	sdelay $0x3  }
.LBB2_1:
0x1e: {  	s2 =	simm.s32 $0x0  }
.LBB2_2:
0x1f: {  	p1 =	sne.s32 s2, $0x1FC0  }
.Ltmp2:
0x20: {  	_ = 	snop;
	(pc) =	sbr.rel @p1 .LBB2_2-.Ltmp2, $3  }
0x21: {  	_ =	sdelay $0x1  }
0x22: {  	s6 =	sshra.s32 s2, $0x2  }
0x23: {  	s2 =	sadd.s32 $0x40, s2;
	[tilespmem:s6+$0x5000] =	vst v0  }
0x24: {  	s2 =	simm.s32 $0x0  }
.LBB2_4:
0x25: {  	p1 =	sne.s32 s2, $0x62000  }
.Ltmp3:
0x26: {  	_ = 	snop;
	(pc) =	sbr.rel @p1 .LBB2_4-.Ltmp3, $4  }
0x27: {  	_ = 	snop  }
0x28: {  	s6 =	sshra.s32 s2, $0x2  }
0x29: {  	s2 =	sadd.s32 $0x2000, s2;
	s6 =	sadd.s32 s6, s11  }
0x2a: {  	[spmem:s6] =	stream.linear.scatter [tilespmem:s17], [sflag:$0x7], $0x800, $0x38;
	[tilespmem:$0x1E800] =	vst v63  }
0x2b: {  	_ =	swait.ge [sflag:s18], $0x800  }
0x2c: {  	s2 =	simm.s32 $0x31;
	[sflag:s18] =	ssyncset.done $0x0  }
.LBB2_6:
0x2d: {  	p1 =	sne.s32 s2, $0x1;
	s2 =	sadd.s32 $0xFFFFFFFF, s2;
	[sflag:s18] =	ssyncadd.s32 $0xFFFFF800  }
.Ltmp4:
0x2e: {  	(pc) =	sbr.rel @p1 .LBB2_6-.Ltmp4, $3  }
0x2f: {  	_ =	sdelay $0x1  }
0x30: {  	_ =	swait.ge [sflag:s18], $0x800  }
0x31: {  	[sflag:s18] =	ssyncset.done $0x0  }
0x32: {  	[sflag:s18] =	ssyncadd.s32 $0xFFFFF800  }
0x33: {  	[bflag:$0x0] =	sbarrier.arrive $0xFFFF  }
0x34: {  	s2 =	simm.s32 $0x0;
	s6 =	rddreg [dreg:$0x3]  }
0x35: {  	[tilespmem:s2], [sflag:$0x1] =	stream.linear.gather [hbm4b:s6+s2], $0x200, $0x38;
	[tilespmem:$0x1E800] =	vst v63  }
0x36: {  	s7 =	simm.s32 $0x800;
	s9 =	rddreg [dreg:$0x4]  }
0x37: {  	[tilespmem:s7], [sflag:$0x1] =	stream.linear.gather [hbm4b:s9+s2], $0x200, $0x38;
	[tilespmem:$0x1E800] =	vst v63  }
.Ltmp5:
0x38: {  	s10 =	rddreg [dreg:$0x5];
	(pc) =	sbr.rel .LBB2_8-.Ltmp5, $4  }
0x39: {  	[tilespmem:s20], [sflag:$0x2] =	stream.linear.gather [hbm4b:s10+s2], $0x200, $0x38;
	[tilespmem:$0x1E800] =	vst v63  }
0x3a: {  	s19 =	rddreg [dreg:$0x6]  }
0x3b: {  	[tilespmem:s21], [sflag:$0x2] =	stream.linear.gather [hbm4b:s19+s2], $0x200, $0x38;
	[tilespmem:$0x1E800] =	vst v63  }
0x3c: {  	s6 =	simm.s32 $0x0;
	s19 =	simm.s32 $0x600  }
.LBB2_12:
0x3d: {  	_ =	swait.ge [sflag:s28], $0x2000  }
0x3e: {  	s9 =	sand.u32 $0x600, s19;
	[sflag:s28] =	ssyncset.done $0x0  }
0x3f: {  	s9 =	sor.u32 $0x800, s9;
	[sflag:s28] =	ssyncadd.s32 $0xFFFFE000  }
0x40: {  	[spmem:s1] =	stream.indirect.scatter.add.f32 [tilespmem:s25], [sflag:$0x6], $0x10, s9, s20, $0xb8;
	[tilespmem:$0x1E800] =	vst v63  }
.LBB2_13:
0x41: {  	_ =	swait.ge [sflag:s24], $0x200  }
0x42: {  	[sflag:s24] =	ssyncset.done $0x0  }
0x43: {  	[sflag:s24] =	ssyncadd.s32 $0xFFFFFE00  }
0x44: {  	_ =	swait.ge [sflag:s24], $0x200  }
0x45: {  	p2 =	seq.s32 s2, $0x0;
	[sflag:s24] =	ssyncset.done $0x0  }
0x46: {  	s9 =	simm.s32 @!p2 $0x6;
	[sflag:s24] =	ssyncadd.s32 $0xFFFFFE00  }
0x47: {  	_ =	swait.ge @!p2 [sflag:s9], $0x2000  }
0x48: {  	[sflag:s9] =	ssyncset.done @!p2 $0x0  }
0x49: {  	s8 =	sadd.s32 $0x200, s8;
	[sflag:s9] =	ssyncadd.s32 @!p2 $0xFFFFE000  }
0x4a: {  	[tilespmem:s25], [sflag:$0x4] =	stream.indirect.gather [hbm4b:s4+s20], $0x10, s8, s20, $0xb8;
	[tilespmem:$0x1E800] =	vst v63  }
0x4b: {  	s7 =	sshll.u32 @!p1 s7, $0xA;
	s8 =	sadd.s32 @!p1 s2, s12  }
0x4c: {  	s7 =	sxor.u32 @!p1 $0x600, s7;
	s9 =	simm.s32 @!p1 $0x0;
	s8 =	sadd.s32 @!p1 $0xC0, s8  }
0x4d: {  	[tilespmem:s7], [sflag:$0x2] =	stream.linear.gather @!p1 [hbm4b:s8+s9], $0x200, $0x38;
	[tilespmem:$0x1E800] =	vst v63  }
0x4e: {  	s8 =	sadd.s32 @!p1 s2, s13  }
0x4f: {  	s7 =	sor.u32 @!p1 $0x800, s7;
	s2 =	sadd.s32 $0x80, s2;
	s8 =	sadd.s32 @!p1 $0xC0, s8  }
0x50: {  	[tilespmem:s7], [sflag:$0x2] =	stream.linear.gather @!p1 [hbm4b:s8+s9], $0x200, $0x38;
	[tilespmem:$0x1E800] =	vst v63  }
0x51: {  	p1 =	sne.s32 s2, $0x1880  }
.Ltmp6:
0x52: {  	_ = 	snop;
	(pc) =	sbr.rel @!p1 .LBB2_14-.Ltmp6, $4  }
0x53: {  	s10 =	sadd.s32 $0xFFFFFA00, s19;
	_ =	swait.ge [sflag:s26], $0x2000  }
0x54: {  	s6 =	sadd.s32 $0x1, s6;
	s7 =	sand.u32 $0x400, s10;
	[sflag:s26] =	ssyncset.done $0x0  }
0x55: {  	s19 =	sadd.s32 $0x400, s19;
	s7 =	sor.u32 $0x800, s7;
	[sflag:s26] =	ssyncadd.s32 $0xFFFFE000  }
0x56: {  	[spmem:s1] =	stream.indirect.scatter.add.f32 [tilespmem:s23], [sflag:$0x5], $0x10, s7, s20, $0xb8;
	[tilespmem:$0x1E800] =	vst v63  }
.LBB2_8:
0x57: {  	_ =	swait.ge [sflag:s22], $0x200;
	p1 =	sne.s32 s2, $0x0  }
.Ltmp7:
0x58: {  	[sflag:s22] =	ssyncset.done $0x0;
	(pc) =	sbr.rel @!p1 .LBB2_9-.Ltmp7, $4  }
0x59: {  	[sflag:s22] =	ssyncadd.s32 $0xFFFFFE00  }
0x5a: {  	_ =	swait.ge [sflag:s22], $0x200  }
0x5b: {  	s7 =	sand.u32 $0x1, s6;
	[sflag:s22] =	ssyncset.done $0x0  }
0x5c: {  	s8 =	sshll.u32 s7, $0xA;
	[sflag:s22] =	ssyncadd.s32 $0xFFFFFE00  }
0x5d: {  	p2 =	seq.s32 s2, $0x1800  }
.Ltmp8:
0x5e: {  	_ = 	snop;
	(pc) =	sbr.rel @p2 .LBB2_12-.Ltmp8, $4  }
.Ltmp9:
0x5f: {  	_ =	swait.ge [sflag:s29], $0x2000;
	(pc) =	sbr.rel @!p2 .LBB2_11-.Ltmp9, $4  }
0x60: {  	[sflag:s29] =	ssyncset.done $0x0  }
0x61: {  	p1 =	por $0x1, $0x1;
	[sflag:s29] =	ssyncadd.s32 $0xFFFFE000  }
0x62: {  	[tilespmem:s23], [sflag:$0x3] =	stream.indirect.gather [hbm4b:s4+s20], $0x10, s8, s20, $0xb8;
	[tilespmem:$0x1E800] =	vst v63  }
0x63: {  	_ = 	snop  }
.LBB2_9:
0x64: {  	[tilespmem:s23], [sflag:$0x3] =	stream.indirect.gather [hbm4b:s4+s20], $0x10, s8, s20, $0xb8;
	[tilespmem:$0x1E800] =	vst v63  }
.LBB2_11:
0x65: {  	s9 =	sadd.s32 s2, s12  }
0x66: {  	s10 =	sxor.u32 $0x400, s8;
	p2 =	seq.s32 s2, $0x0;
	s9 =	sadd.s32 $0x80, s9  }
0x67: {  	[tilespmem:s10], [sflag:$0x1] =	stream.linear.gather [hbm4b:s9+s3], $0x200, $0x38;
	[tilespmem:$0x1E800] =	vst v63  }
.Ltmp10:
0x68: {  	_ = 	snop;
	(pc) =	sbr.rel @!p2 .LBB2_12-.Ltmp10, $4  }
.Ltmp11:
0x69: {  	_ = 	snop;
	(pc) =	sbr.rel @p2 .LBB2_13-.Ltmp11, $4  }
0x6a: {  	s9 =	sadd.s32 s2, s13  }
0x6b: {  	p1 =	por $0x0, $0x0;
	s10 =	sor.u32 $0x800, s10;
	s9 =	sadd.s32 $0x80, s9  }
0x6c: {  	[tilespmem:s10], [sflag:$0x1] =	stream.linear.gather [hbm4b:s9+s3], $0x200, $0x38;
	[tilespmem:$0x1E800] =	vst v63  }
0x6d: {  	_ = 	snop  }
.LBB2_14:
0x6e: {  	_ =	swait.ge [sflag:s28], $0x2000  }
0x6f: {  	[sflag:s28] =	ssyncset.done $0x0  }
0x70: {  	[sflag:s28] =	ssyncadd.s32 $0xFFFFE000  }
0x71: {  	[spmem:s1] =	stream.indirect.scatter.add.f32 [tilespmem:s25], [sflag:$0x6], $0x10, s21, s20, $0xb8;
	[tilespmem:$0x1E800] =	vst v63  }
0x72: {  	_ =	swait.ge [sflag:s29], $0x2000  }
0x73: {  	[sflag:s29] =	ssyncset.done $0x0  }
0x74: {  	[sflag:s29] =	ssyncadd.s32 $0xFFFFE000  }
.Ltmp12:
0x75: {  	_ =	swait.ge [sflag:s30], $0x2000;
	(pc) =	sbr.rel @p0 .LBB2_18-.Ltmp12, $3  }
0x76: {  	[sflag:s30] =	ssyncset.done $0x0  }
0x77: {  	[sflag:s30] =	ssyncadd.s32 $0xFFFFE000  }
0x78: {  	[bflag:$0x0] =	sbarrier.arrive $0xFFFF;
	_ =	sdelay $0x1  }
0x79: {  	p1 =	sne.s32 s14, $0x1  }
.Ltmp13:
0x7a: {  	s2 =	stileid.u32;
	(pc) =	sbr.rel @!p1 .LBB2_17-.Ltmp13, $4  }
0x7b: {  	s6 =	sshrl.u32 s16, $0x3;
	s2 =	sshll.u32 s2, $0x6  }
0x7c: {  	s7 =	sshrl.u32 s15, $0x3;
	s6 =	sadd.s32 s5, s6;
	s2 =	sor.u32 $0x1C08, s2  }
0x7d: {  	[hbm:s6], [sflag:s2] =	dma.local [spmem:s7], $0x1000  }
0x7e: {  	s8 =	smov.u32 s16;
	s6 =	sadd.s32 $0xFFFFFFFF, s14;
	s7 =	sadd.s32 $0x8000, s15  }
.LBB2_16:
0x7f: {  	_ =	swait.ge [sflag:s31], $0x1000  }
0x80: {  	s8 =	sadd.s32 $0x8000, s8;
	s10 =	sshrl.u32 s7, $0x3;
	p1 =	sne.s32 s6, $0x1  }
.Ltmp14:
0x81: {  	s9 =	sshrl.u32 s8, $0x3;
	[sflag:s31] =	ssyncset.done $0x0;
	(pc) =	sbr.rel @p1 .LBB2_16-.Ltmp14, $4  }
0x82: {  	s9 =	sadd.s32 s5, s9;
	[sflag:s31] =	ssyncadd.s32 $0xFFFFF000  }
0x83: {  	[hbm:s9], [sflag:s2] =	dma.local [spmem:s10], $0x1000  }
0x84: {  	s6 =	sadd.s32 $0xFFFFFFFF, s6  }
0x85: {  	s7 =	sadd.s32 $0x8000, s7  }
.Ltmp15:
0x86: {  	_ = 	snop;
	(pc) =	sbr.rel .LBB2_17-.Ltmp15, $1  }
0x87: {  	_ =	sdelay $0x3  }
.LBB2_19:
0x88: {  	_ =	sfence.sel $0x180000  }
0x89: {  	[bflag:$0x0] =	sbarrier.arrive $0xFFFF  }
0x8a: {  	_ =	strace $0x9000004A  }
0x8b: {  	s0 =	stileid.u32;
	[bflag:$0x2] =	sbarrier.arrive $0xFFFF  }
0x8c: {  	p0 =	sne.s32 s0, $0x0;
	s0 =	rddreg [dreg:$0x2]  }
0x8d: {  	s0 =	sadd.s32 @!p0 $0x100000, s0  }
0x8e: {  	[sflag:s0] =	ssyncadd.tile.s32 @!p0 $0x1;
	_ =	shalt  }
.Lfunc_end2:
_tile_overlayer_lowered:
.L_overlay_start_2:
0x8f: {  	(tag) =	ssettag $0x2  }
0x90: {  	s0 =	rddreg [dreg:$0x0];
	s2 =	stileid.u32  }
0x91: {  	s1 =	rddreg [dreg:$0x1];
	p0 =	sne.s32 s2, $0x0  }
0x92: {  	s3 =	rddreg [dreg:$0x2];
	[bflag:$0x3] =	sbarrier.arrive $0xFFFF;
	s2 =	simm.s32 @!p0 $0x1C08  }
0x93: {  	[timem:s3], [sflag:s2] =	dma.local @!p0 [hbm:s0], s1  }
0x94: {  	s0 =	simm.s32 @!p0 $0x8  }
0x95: {  	_ =	swait.ge @!p0 [sflag:s0], s1  }
0x96: {  	s1 =	ssub.s32 @!p0 $0x0, s1;
	[sflag:s0] =	ssyncset.done @!p0 $0x0  }
0x97: {  	[sflag:s0] =	ssyncadd.s32 @!p0 s1  }
0x98: {  	[bflag:$0x3] =	sbarrier.arrive $0xFFFF  }
0x99: {  	_ =	shalt  }

// kernel: kernel.13.cloned.1.call-start
scs
__scs_entry_jumppad:
0x0: {  	(pc) =	sbr.rel $0x88, $3  }
0x1: {  	(tag) =	ssettag $0x0;
	lr =	simm.s32 $0x1  }
0x2: {  	[smem:$0x3F99] =	sst lr;
	_ =	strace $0xD0000000  }
0x3: {  	_ = 	snop  }
0x4: {  	_ = 	snop  }
0x5: {  	_ = 	snop  }
0x6: {  	_ = 	snop  }
0x7: {  	_ = 	snop  }
__scs_overlays_trampoline_lowered:
0x8: {  	[smem:$0x3FA8] =	sst s0  }
0x9: {  	[smem:$0x3FA9] =	sst s1  }
0xa: {  	[smem:$0x3FAA] =	sst s2  }
0xb: {  	[smem:$0x3FAB] =	sst s3  }
0xc: {  	[smem:$0x3FAC] =	sst s4  }
0xd: {  	[smem:$0x3FAD] =	sst s5  }
0xe: {  	[smem:$0x3FAE] =	sst s6  }
0xf: {  	[smem:$0x3FAF] =	sst s7  }
0x10: {  	[smem:$0x3FB0] =	sst s8  }
0x11: {  	[smem:$0x3FB1] =	sst s9;
	s0 =	simm.s32 @!p0 $0x0  }
0x12: {  	s1 =	sld [smem:$0x3F97];
	s0 =	simm.s32 @p0 $0x1  }
0x13: {  	[smem:$0x3FB2] =	sst s0;
	s0 =	simm.s32 @!p1 $0x0  }
0x14: {  	s2 =	sld [smem:$0x3F96];
	s0 =	simm.s32 @p1 $0x1  }
0x15: {  	[smem:$0x3FB3] =	sst s0;
	s0 =	simm.s32 @!p2 $0x0  }
0x16: {  	s3 =	sld [smem:$0x3FDB];
	s0 =	simm.s32 @p2 $0x1  }
0x17: {  	s4 =	simm.s32 $0x1BF5;
	[smem:$0x3FB5] =	sst s0  }
0x18: {  	s0 =	sld [smem:$0x3F98];
	_ =	swait.ge [sflag:s4], $0x0  }
0x19: {  	s7 =	sld [smem:$0x3F99]  }
0x1a: {  	s8 =	sadd.s32 $0xFFFFE003, lr  }
0x1b: {  	s9 =	sadd.s32 $0xFFFFFEF7, lr;
	s5 =	simm.s32 $0xFFFFFFFF;
	p2 =	slt.u32 s8, $0xFFFFF086  }
0x1c: {  	p1 =	slt.u32 s9, $0xF7A;
	s5 =	simm.s32 @!p2 $0x0  }
0x1d: {  	s5 =	simm.s32 @p1 $0x1;
	p0 =	seq.s32 s7, s2  }
0x1e: {  	s7 =	smul.u32 @!p0 $0xF7A, s2;
	p2 =	seq.s32 @!p0 s5, $0x0  }
0x1f: {  	s9 =	smul.u32 $0xF7A, s1;
	s8 =	simm.s32 @!p0 $0x1BF5;
	p2 =	por !p2, p0  }
0x20: {  	[sflag:s8] =	ssyncset.s32 @!p0 $0xFFFFF086;
	s6 =	sadd.s32 @!p0 s3, s7;
	s7 =	simm.s32 @!p0 $0x108  }
0x21: {  	s3 =	sadd.s32 s3, s9;
	s6 =	sadd.s32 @!p0 $0x88, s6;
	s7 =	simm.s32 @p2 $0x1082  }
0x22: {  	[simem:s7], [sflag:s8] =	dma.local @!p0 [hbm:s6], $0xF7A  }
0x23: {  	s9 =	sor.u32 $0xD0000000, s2;
	s6 =	simm.s32 $0x108;
	_ =	swait.ge @!p0 [sflag:s8], $0x0  }
0x24: {  	s3 =	sadd.s32 $0x88, s3;
	s6 =	simm.s32 @!p1 $0x1082;
	[sflag:s4] =	ssyncset.s32 $0xFFFFF086  }
0x25: {  	[simem:s6], [sflag:s4] =	dma.local [hbm:s3], $0xF7A  }
0x26: {  	[smem:$0x3F99] =	sst s1;
	(tag) =	ssettag s2;
	_ =	strace s9  }
0x27: {  	s1 =	sld [smem:$0x3FA9]  }
0x28: {  	s2 =	sld [smem:$0x3FAA]  }
0x29: {  	s4 =	sld [smem:$0x3FAC]  }
0x2a: {  	p0 =	seq.s32 s5, $0x0;
	s5 =	sld [smem:$0x3FAD]  }
0x2b: {  	s6 =	sld [smem:$0x3FAE]  }
0x2c: {  	s7 =	sld [smem:$0x3FAF]  }
0x2d: {  	s3 =	simm.s32 $0x108;
	s8 =	sld [smem:$0x3FB0]  }
0x2e: {  	s3 =	simm.s32 @!p0 $0x1082;
	s9 =	sld [smem:$0x3FB1]  }
0x2f: {  	lr =	sadd.s32 s0, s3;
	s0 =	sld [smem:$0x3FA8]  }
0x30: {  	s3 =	sld [smem:$0x3FAB]  }
0x31: {  	[smem:$0x3FB4] =	sst s10  }
0x32: {  	s10 =	sld [smem:$0x3FB2];
	_ =	sdelay $0x3  }
0x33: {  	p0 =	seq.s32 s10, $0x1;
	s10 =	sld [smem:$0x3FB4];
	_ =	sdelay $0x3  }
0x34: {  	[smem:$0x3FB4] =	sst s10  }
0x35: {  	s10 =	sld [smem:$0x3FB3];
	_ =	sdelay $0x3  }
0x36: {  	p1 =	seq.s32 s10, $0x1;
	s10 =	sld [smem:$0x3FB4];
	_ =	sdelay $0x3  }
0x37: {  	[smem:$0x3FB4] =	sst s10  }
0x38: {  	s10 =	sld [smem:$0x3FB5]  }
0x39: {  	_ = 	snop;
	(pc) =	sbr.ind lr, $3  }
0x3a: {  	_ = 	snop  }
0x3b: {  	_ = 	snop  }
0x3c: {  	p2 =	seq.s32 s10, $0x1;
	s10 =	sld [smem:$0x3FB4]  }
0x3d: {  	_ =	shalt  }
0x3e: {  	_ =	shalt  }
0x3f: {  	_ =	shalt  }
0x40: {  	_ =	shalt  }
0x41: {  	_ =	shalt  }
0x42: {  	_ =	shalt  }
0x43: {  	_ =	shalt  }
0x44: {  	_ =	shalt  }
0x45: {  	_ =	shalt  }
0x46: {  	_ =	shalt  }
0x47: {  	_ =	shalt  }
0x48: {  	_ =	shalt  }
0x49: {  	_ =	shalt  }
0x4a: {  	_ =	shalt  }
0x4b: {  	_ =	shalt  }
0x4c: {  	_ =	shalt  }
0x4d: {  	_ =	shalt  }
0x4e: {  	_ =	shalt  }
0x4f: {  	_ =	shalt  }
0x50: {  	_ =	shalt  }
0x51: {  	_ =	shalt  }
0x52: {  	_ =	shalt  }
0x53: {  	_ =	shalt  }
0x54: {  	_ =	shalt  }
0x55: {  	_ =	shalt  }
0x56: {  	_ =	shalt  }
0x57: {  	_ =	shalt  }
0x58: {  	_ =	shalt  }
0x59: {  	_ =	shalt  }
0x5a: {  	_ =	shalt  }
0x5b: {  	_ =	shalt  }
0x5c: {  	_ =	shalt  }
0x5d: {  	_ =	shalt  }
0x5e: {  	_ =	shalt  }
0x5f: {  	_ =	shalt  }
0x60: {  	_ =	shalt  }
0x61: {  	_ =	shalt  }
0x62: {  	_ =	shalt  }
0x63: {  	_ =	shalt  }
0x64: {  	_ =	shalt  }
0x65: {  	_ =	shalt  }
0x66: {  	_ =	shalt  }
0x67: {  	_ =	shalt  }
0x68: {  	_ =	shalt  }
0x69: {  	_ =	shalt  }
0x6a: {  	_ =	shalt  }
0x6b: {  	_ =	shalt  }
0x6c: {  	_ =	shalt  }
0x6d: {  	_ =	shalt  }
0x6e: {  	_ =	shalt  }
0x6f: {  	_ =	shalt  }
0x70: {  	_ =	shalt  }
0x71: {  	_ =	shalt  }
0x72: {  	_ =	shalt  }
0x73: {  	_ =	shalt  }
0x74: {  	_ =	shalt  }
0x75: {  	_ =	shalt  }
0x76: {  	_ =	shalt  }
0x77: {  	_ =	shalt  }
0x78: {  	_ =	shalt  }
0x79: {  	_ =	shalt  }
0x7a: {  	_ =	shalt  }
0x7b: {  	_ =	shalt  }
0x7c: {  	_ =	shalt  }
0x7d: {  	_ =	shalt  }
0x7e: {  	_ =	shalt  }
0x7f: {  	_ =	shalt  }
0x80: {  	_ =	shalt  }
0x81: {  	_ =	shalt  }
0x82: {  	_ =	shalt  }
0x83: {  	_ =	shalt  }
0x84: {  	_ =	shalt  }
0x85: {  	_ =	shalt  }
0x86: {  	_ =	shalt  }
0x87: {  	_ =	shalt  }
.Lfunc_end0:
.L_simem_size_0:
called_computation.2_lowered:
.L_overlay_start_0:
0x88: {  	s2 =	sld [smem:$0x3FD9]  }
0x89: {  	s3 =	sld [smem:$0x3FFE];
	_ =	sdelay $0x1  }
0x8a: {  	s1 =	srdreg.scid  }
0x8b: {  	s0 =	sand.u32 $0x1, s1  }
0x8c: {  	s16 =	sshll.u32 s0, $0xA;
	s2 =	sadd.s32 s3, s2  }
0x8d: {  	s2 =	sadd.s32 s2, s16  }
0x8e: {  	[smem:$0x3FC0] =	sst s2  }
0x8f: {  	_ = 	snop  }
0x90: {  	(tm) =	ssettm $0x1  }
0x91: {  	s17 =	sld [smem:$0x3FFB];
	_ =	sdelay $0x3  }
0x92: {  	_ =	strace s17  }
0x93: {  	s2 =	sld [smem:$0x3FFC];
	_ =	sdelay $0x3  }
0x94: {  	_ =	strace s2  }
0x95: {  	s2 =	sld [smem:$0x3FFD];
	_ =	sdelay $0x3  }
0x96: {  	_ =	strace s2  }
0x97: {  	_ =	strace $0x8FFFFFFF  }
0x98: {  	s18 =	sld [smem:$0x3FDB];
	_ =	sdelay $0x1  }
0x99: {  	s19 =	simm.s32 $_scs_section_size  }
0x9a: {  	s4 =	simm.s32 $_size__tile_overlayer_lowered;
	s5 =	simm.s32 $_tile_overlayer_lowered  }
0x9b: {  	s22 =	simm.s32 $0x1BFF;
	s21 =	sshll.u32 s5, $0x1;
	s2 =	sadd.s32 s19, s18  }
0x9c: {  	s6 =	simm.s32 $0x0;
	s20 =	sshll.u32 s4, $0x1;
	s4 =	sadd.s32 s21, s2  }
0x9d: {  	[timem:s6], [sflag:s22] =	dma.local [hbm:s4], s20  }
0x9e: {  	_ =	swait.ge [sflag:s22], s20  }
0x9f: {  	s3 =	ssub.s32 $0x0, s20;
	[sflag:s22] =	ssyncset.done $0x0  }
0xa0: {  	[sflag:s22] =	ssyncadd.s32 s3;
	_ =	sdelay $0x1  }
0xa1: {  	s23 =	simm.s32 $0x1B8B  }
0xa2: {  	_ =	swait.ge [sflag:s23], $0x1  }
0xa3: {  	[sflag:s23] =	ssyncset.done $0x0  }
0xa4: {  	s25 =	simm.s32 $0x1B8E;
	s24 =	sld [smem:$0x3FFE];
	[sflag:s23] =	ssyncadd.s32 $0xFFFFFFFF  }
0xa5: {  	s26 =	simm.s32 $execute0_lowered;
	[smem:$0x3FD2] =	sst s25  }
0xa6: {  	s4 =	sshll.u32 s26, $0x1;
	_ =	strace $0x8000004C;
	[dreg:$0x1] =	wrdreg $0xFFFFFFFF  }
0xa7: {  	s28 =	simm.s32 $_size_execute0_lowered;
	s2 =	sadd.s32 s2, s4;
	[dreg:$0x0] =	wrdreg $0x0  }
0xa8: {  	s4 =	sshll.u32 s28, $0x1;
	[dreg:$0x2] =	wrdreg s2  }
0xa9: {  	[dreg:$0x3] =	wrdreg s4  }
0xaa: {  	[dreg:$0x4] =	wrdreg $0xC0  }
0xab: {  	_ =	task [dreg:s6], $0x5FFFF  }
0xac: {  	[dreg:$0x1] =	wrdreg $0xFFFFFFFF  }
0xad: {  	[dreg:$0x0] =	wrdreg $0x60  }
0xae: {  	[dreg:$0x2] =	wrdreg s24  }
0xaf: {  	[dreg:$0x3] =	wrdreg $0x58000  }
0xb0: {  	[dreg:$0x4] =	wrdreg $0x9  }
0xb1: {  	_ =	task.clear_ibuf [dreg:s6], $0x5FFFF;
	_ =	strace $0x9000004C  }
0xb2: {  	s29 =	simm.s32 $0x9;
	_ =	strace $0x8000004E  }
0xb3: {  	_ =	swait.ge [sflag:s29], $0x1  }
0xb4: {  	[sflag:s29] =	ssyncadd.s32 $0xFFFFFFFF  }
0xb5: {  	_ =	strace $0x9000004E  }
0xb6: {  	_ =	sfence  }
0xb7: {  	s30 =	sld [smem:$0x0];
	_ =	sdelay $0x2  }
0xb8: {  	s31 =	sshll.u32 s1, $0xD;
	s1 =	sshrl.u32 s1, $0x2  }
0xb9: {  	s3 =	sand.u32 $0x4000, s31;
	s1 =	sadd.s32 s1, s30  }
0xba: {  	s0 =	sor.u32 s3, s0;
	s1 =	sshll.u32 s1, $0x11  }
0xbb: {  	s0 =	sor.u32 s1, s0  }
0xbc: {  	s0 =	sadd.s32 $0x8F2B, s0  }
0xbd: {  	[sflag:s0] =	ssyncadd.remote.s32 $0x1  }
0xbe: {  	_ =	sfence.sel $0xFFFF  }
0xbf: {  	[dreg:$0x0] =	wrdreg $0xFFFFFFFF;
	(pc) =	sbr.abs _section_cstart, $3  }
0xc0: {  	[dreg:$0x1] =	wrdreg $0xFFFFFFFF  }
0xc1: {  	_ =	task.clear_ibuf [dreg:s6], $0x2FFFF;
	_ =	strace $0x9FFFFFFF  }
0xc2: {  	(tm) =	ssettm $0x7FFFFFFF  }
0xc3: {  	_ =	shalt  }
tec
execute0_lowered:
.L_overlay_start_1:
0x0: {  	(tag) =	ssettag $0x1  }
0x1: {  	s0 =	rddreg [dreg:$0x0]  }
0x2: {  	s1 =	rddreg [dreg:$0x1];
	s2 =	simm.s32 $0x0  }
0x3: {  	s4 =	srdreg.scid;
	s15 =	stileid.u32;
	s17 =	simm.s32 $0x5000  }
0x4: {  	s18 =	simm.s32 $0x7;
	s20 =	simm.s32 $0x200;
	s28 =	simm.s32 $0x4  }
0x5: {  	s29 =	simm.s32 $0x5;
	s31 =	simm.s32 $0x6;
	[smem:$0x7FF] =	sst s2  }
0x6: {  	s3 =	sadd.s32 $0x12B000, s0;
	s8 =	sadd.s32 $0xFA000, s0;
	s12 =	smul.u32 $0x32, s15  }
0x7: {  	s11 =	sand.u32 $0x1, s4;
	s9 =	sadd.s32 $0x34000, s0;
	s10 =	smul.u32 $0x3100, s15  }
0x8: {  	s4 =	sadd.s32 $0x15C000, s0;
	s5 =	sadd.s32 $0x1C0000, s0;
	s24 =	smul.u32 $0x64000, s15  }
0x9: {  	_ =	strace $0x8000004D;
	s6 =	ssub.s32 $0x2, s11;
	p0 =	seq.s32 s11, $0x1  }
0xa: {  	s11 =	smul.u32 $0x190000, s11;
	s7 =	sshrl.u32 s6, $0x1;
	s13 =	sadd.s32 $0x32, s12  }
0xb: {  	s14 =	sor.u32 $0x40, s10;
	s25 =	sshrl.u32 s12, $0x4;
	s26 =	sshrl.u32 s24, $0x2  }
0xc: {  	s24 =	simm.s32 $0x2;
	s21 =	ssub.s32 s6, s7;
	s6 =	sadd.s32 s3, s10  }
0xd: {  	s7 =	sadd.s32 s9, s10;
	s3 =	sadd.s32 s3, s14;
	s22 =	sadd.s32 s9, s14  }
0xe: {  	s10 =	sadd.s32 s8, s10;
	s23 =	sadd.s32 s8, s14;
	s19 =	sshrl.u32 s13, $0x4  }
0xf: {  	s30 =	sshll.u32 s25, $0xF;
	s13 =	sadd.s32 s26, s1;
	[dreg:$0x3] =	wrdreg s3  }
.Ltmp0:
0x10: {  	s26 =	simm.s32 $0x3;
	[dreg:$0x4] =	wrdreg s22;
	(pc) =	sbr.rel .LBB2_1-.Ltmp0, $4  }
0x11: {  	[dreg:$0x5] =	wrdreg s23;
	s0 =	smax.u32 s21, $0x1;
	s14 =	ssub.s32 s19, s25  }
0x12: {  	s15 =	sadd.s32 s30, s1;
	s16 =	sadd.s32 s30, s11;
	s22 =	simm.s32 $0x1  }
0x13: {  	s23 =	simm.s32 $0x1000;
	p1 =	sle.u32 s19, s25;
	s25 =	simm.s32 $0x3000  }
0x14: {  	v0 =	vimm.f32 $0.0e+00;
	s3 =	simm.s32 $0x0;
	[dreg:$0x6] =	wrdreg s0;
	s0 =	simm.s32 $0x8  }
.LBB2_25:
0x15: {  	_ =	swait.ge [sflag:s0], $0x1000  }
0x16: {  	[sflag:s0] =	ssyncset.done $0x0  }
0x17: {  	[sflag:s0] =	ssyncadd.s32 $0xFFFFF000  }
.LBB2_26:
0x18: {  	s3 =	sadd.s32 $0x1, s3;
	s8 =	rddreg [dreg:$0x6]  }
0x19: {  	p2 =	sne.s32 s3, s8  }
.Ltmp1:
0x1a: {  	_ = 	snop;
	(pc) =	sbr.rel @!p2 .LBB2_27-.Ltmp1, $1  }
0x1b: {  	_ =	sdelay $0x3  }
.LBB2_1:
0x1c: {  	s8 =	simm.s32 $0x0  }
.LBB2_2:
0x1d: {  	p2 =	sne.s32 s8, $0x1FC0  }
.Ltmp2:
0x1e: {  	_ = 	snop;
	(pc) =	sbr.rel @p2 .LBB2_2-.Ltmp2, $3  }
0x1f: {  	_ =	sdelay $0x1  }
0x20: {  	s11 =	sshra.s32 s8, $0x2  }
0x21: {  	s8 =	sadd.s32 $0x40, s8;
	[tilespmem:s11+$0x5000] =	vst v0  }
0x22: {  	s8 =	simm.s32 $0x0  }
.LBB2_4:
0x23: {  	p2 =	sne.s32 s8, $0x62000  }
.Ltmp3:
0x24: {  	_ = 	snop;
	(pc) =	sbr.rel @p2 .LBB2_4-.Ltmp3, $4  }
0x25: {  	_ = 	snop  }
0x26: {  	s11 =	sshra.s32 s8, $0x2  }
0x27: {  	s8 =	sadd.s32 $0x2000, s8;
	s11 =	sadd.s32 s11, s13  }
0x28: {  	[spmem:s11] =	stream.linear.scatter [tilespmem:s17], [sflag:$0x7], $0x800, $0x38;
	[tilespmem:$0x1E800] =	vst v63  }
0x29: {  	_ =	swait.ge [sflag:s18], $0x800  }
0x2a: {  	s8 =	simm.s32 $0x31;
	[sflag:s18] =	ssyncset.done $0x0  }
.LBB2_6:
0x2b: {  	p2 =	sne.s32 s8, $0x1;
	s8 =	sadd.s32 $0xFFFFFFFF, s8;
	[sflag:s18] =	ssyncadd.s32 $0xFFFFF800  }
.Ltmp4:
0x2c: {  	(pc) =	sbr.rel @p2 .LBB2_6-.Ltmp4, $3  }
0x2d: {  	_ =	sdelay $0x1  }
0x2e: {  	_ =	swait.ge [sflag:s18], $0x800  }
0x2f: {  	[sflag:s18] =	ssyncset.done $0x0  }
.Ltmp5:
0x30: {  	(pc) =	sbr.rel @!p0 .LBB2_8-.Ltmp5, $4  }
0x31: {  	_ = 	snop  }
0x32: {  	[sflag:s18] =	ssyncadd.s32 $0xFFFFF800  }
0x33: {  	[bflag:$0x0] =	sbarrier.arrive $0xFFFF  }
0x34: {  	s8 =	simm.s32 $0x0  }
0x35: {  	[tilespmem:s8], [sflag:$0x1] =	stream.linear.gather [hbm4b:s10+s8], $0x200, $0x38;
	[tilespmem:$0x1E800] =	vst v63  }
0x36: {  	s9 =	simm.s32 $0x800  }
0x37: {  	[tilespmem:s9], [sflag:$0x1] =	stream.linear.gather [hbm4b:s7+s8], $0x200, $0x38;
	[tilespmem:$0x1E800] =	vst v63  }
.Ltmp6:
0x38: {  	s21 =	rddreg [dreg:$0x5];
	(pc) =	sbr.rel .LBB2_16-.Ltmp6, $4  }
0x39: {  	[tilespmem:s20], [sflag:$0x2] =	stream.linear.gather [hbm4b:s21+s8], $0x200, $0x38;
	[tilespmem:$0x1E800] =	vst v63  }
0x3a: {  	s30 =	rddreg [dreg:$0x4];
	s11 =	simm.s32 $0xA00  }
0x3b: {  	[tilespmem:s11], [sflag:$0x2] =	stream.linear.gather [hbm4b:s30+s8], $0x200, $0x38;
	[tilespmem:$0x1E800] =	vst v63  }
0x3c: {  	s19 =	simm.s32 $0x0;
	s11 =	simm.s32 $0x600  }
.LBB2_20:
0x3d: {  	_ =	swait.ge [sflag:s28], $0x2000  }
0x3e: {  	s9 =	sand.u32 $0x600, s11;
	[sflag:s28] =	ssyncset.done $0x0  }
0x3f: {  	s9 =	sor.u32 $0x800, s9;
	[sflag:s28] =	ssyncadd.s32 $0xFFFFE000  }
0x40: {  	[spmem:s1] =	stream.indirect.scatter.add.f32 [tilespmem:s25], [sflag:$0x6], $0x10, s9, s20, $0xb8;
	[tilespmem:$0x1E800] =	vst v63  }
.LBB2_21:
0x41: {  	_ =	swait.ge [sflag:s24], $0x200  }
0x42: {  	[sflag:s24] =	ssyncset.done $0x0  }
0x43: {  	[sflag:s24] =	ssyncadd.s32 $0xFFFFFE00  }
0x44: {  	_ =	swait.ge [sflag:s24], $0x200  }
0x45: {  	p3 =	seq.s32 s8, $0x0;
	[sflag:s24] =	ssyncset.done $0x0  }
0x46: {  	s9 =	simm.s32 @!p3 $0x6;
	[sflag:s24] =	ssyncadd.s32 $0xFFFFFE00  }
0x47: {  	_ =	swait.ge @!p3 [sflag:s9], $0x2000  }
0x48: {  	[sflag:s9] =	ssyncset.done @!p3 $0x0  }
0x49: {  	s12 =	sadd.s32 $0x200, s30;
	[sflag:s9] =	ssyncadd.s32 @!p3 $0xFFFFE000  }
0x4a: {  	[tilespmem:s25], [sflag:$0x4] =	stream.indirect.gather [hbm4b:s4+s20], $0x10, s12, s20, $0xb8;
	[tilespmem:$0x1E800] =	vst v63  }
0x4b: {  	s9 =	sshll.u32 @!p2 s21, $0xA;
	s12 =	sadd.s32 @!p2 s8, s10  }
0x4c: {  	s21 =	simm.s32 @!p2 $0x0;
	s9 =	sxor.u32 @!p2 $0x600, s9;
	s12 =	sadd.s32 @!p2 $0xC0, s12  }
0x4d: {  	[tilespmem:s9], [sflag:$0x2] =	stream.linear.gather @!p2 [hbm4b:s12+s21], $0x200, $0x38;
	[tilespmem:$0x1E800] =	vst v63  }
0x4e: {  	s12 =	sadd.s32 @!p2 s8, s7  }
0x4f: {  	s9 =	sor.u32 @!p2 $0x800, s9;
	s8 =	sadd.s32 $0x80, s8;
	s12 =	sadd.s32 @!p2 $0xC0, s12  }
0x50: {  	[tilespmem:s9], [sflag:$0x2] =	stream.linear.gather @!p2 [hbm4b:s12+s21], $0x200, $0x38;
	[tilespmem:$0x1E800] =	vst v63  }
0x51: {  	p2 =	sne.s32 s8, $0x3100  }
.Ltmp7:
0x52: {  	_ = 	snop;
	(pc) =	sbr.rel @!p2 .LBB2_22-.Ltmp7, $4  }
0x53: {  	s30 =	sadd.s32 $0xFFFFFA00, s11;
	_ =	swait.ge [sflag:s26], $0x2000  }
0x54: {  	s19 =	sadd.s32 $0x1, s19;
	s9 =	sand.u32 $0x400, s30;
	[sflag:s26] =	ssyncset.done $0x0  }
0x55: {  	s11 =	sadd.s32 $0x400, s11;
	s9 =	sor.u32 $0x800, s9;
	[sflag:s26] =	ssyncadd.s32 $0xFFFFE000  }
0x56: {  	[spmem:s1] =	stream.indirect.scatter.add.f32 [tilespmem:s23], [sflag:$0x5], $0x10, s9, s20, $0xb8;
	[tilespmem:$0x1E800] =	vst v63  }
.LBB2_16:
0x57: {  	_ =	swait.ge [sflag:s22], $0x200;
	p2 =	sne.s32 s8, $0x0  }
.Ltmp8:
0x58: {  	[sflag:s22] =	ssyncset.done $0x0;
	(pc) =	sbr.rel @!p2 .LBB2_17-.Ltmp8, $4  }
0x59: {  	[sflag:s22] =	ssyncadd.s32 $0xFFFFFE00  }
0x5a: {  	_ =	swait.ge [sflag:s22], $0x200  }
0x5b: {  	s21 =	sand.u32 $0x1, s19;
	[sflag:s22] =	ssyncset.done $0x0  }
0x5c: {  	s30 =	sshll.u32 s21, $0xA;
	[sflag:s22] =	ssyncadd.s32 $0xFFFFFE00  }
0x5d: {  	p3 =	seq.s32 s8, $0x3080  }
.Ltmp9:
0x5e: {  	_ = 	snop;
	(pc) =	sbr.rel @p3 .LBB2_20-.Ltmp9, $4  }
.Ltmp10:
0x5f: {  	_ =	swait.ge [sflag:s29], $0x2000;
	(pc) =	sbr.rel @!p3 .LBB2_19-.Ltmp10, $4  }
0x60: {  	[sflag:s29] =	ssyncset.done $0x0  }
0x61: {  	p2 =	por $0x1, $0x1;
	[sflag:s29] =	ssyncadd.s32 $0xFFFFE000  }
0x62: {  	[tilespmem:s23], [sflag:$0x3] =	stream.indirect.gather [hbm4b:s4+s20], $0x10, s30, s20, $0xb8;
	[tilespmem:$0x1E800] =	vst v63  }
0x63: {  	_ = 	snop  }
.LBB2_17:
0x64: {  	[tilespmem:s23], [sflag:$0x3] =	stream.indirect.gather [hbm4b:s4+s20], $0x10, s30, s20, $0xb8;
	[tilespmem:$0x1E800] =	vst v63  }
.LBB2_19:
0x65: {  	s9 =	sadd.s32 s8, s10  }
0x66: {  	s12 =	sxor.u32 $0x400, s30;
	p3 =	seq.s32 s8, $0x0;
	s9 =	sadd.s32 $0x80, s9  }
0x67: {  	[tilespmem:s12], [sflag:$0x1] =	stream.linear.gather [hbm4b:s9+s2], $0x200, $0x38;
	[tilespmem:$0x1E800] =	vst v63  }
.Ltmp11:
0x68: {  	_ = 	snop;
	(pc) =	sbr.rel @!p3 .LBB2_20-.Ltmp11, $4  }
.Ltmp12:
0x69: {  	_ = 	snop;
	(pc) =	sbr.rel @p3 .LBB2_21-.Ltmp12, $4  }
0x6a: {  	s9 =	sadd.s32 s8, s7  }
0x6b: {  	p2 =	por $0x0, $0x0;
	s12 =	sor.u32 $0x800, s12;
	s9 =	sadd.s32 $0x80, s9  }
0x6c: {  	[tilespmem:s12], [sflag:$0x1] =	stream.linear.gather [hbm4b:s9+s2], $0x200, $0x38;
	[tilespmem:$0x1E800] =	vst v63  }
0x6d: {  	_ = 	snop  }
.LBB2_8:
0x6e: {  	[tilespmem:s8], [sflag:$0x1] =	stream.linear.gather [hbm4b:s6+s8], $0x200, $0x38;
	[tilespmem:$0x1E800] =	vst v63  }
0x6f: {  	s9 =	simm.s32 $0x800  }
0x70: {  	[tilespmem:s9], [sflag:$0x1] =	stream.linear.gather [hbm4b:s7+s8], $0x200, $0x38;
	[tilespmem:$0x1E800] =	vst v63  }
.Ltmp13:
0x71: {  	s21 =	rddreg [dreg:$0x3];
	(pc) =	sbr.rel .LBB2_9-.Ltmp13, $4  }
0x72: {  	[tilespmem:s20], [sflag:$0x2] =	stream.linear.gather [hbm4b:s21+s8], $0x200, $0x38;
	[tilespmem:$0x1E800] =	vst v63  }
0x73: {  	s30 =	rddreg [dreg:$0x4];
	s11 =	simm.s32 $0xA00  }
0x74: {  	[tilespmem:s11], [sflag:$0x2] =	stream.linear.gather [hbm4b:s30+s8], $0x200, $0x38;
	[tilespmem:$0x1E800] =	vst v63  }
0x75: {  	s19 =	simm.s32 $0x0;
	s11 =	simm.s32 $0x600  }
.LBB2_13:
0x76: {  	_ =	swait.ge [sflag:s28], $0x2000  }
0x77: {  	s9 =	sand.u32 $0x600, s11;
	[sflag:s28] =	ssyncset.done $0x0  }
0x78: {  	s9 =	sor.u32 $0x800, s9;
	[sflag:s28] =	ssyncadd.s32 $0xFFFFE000  }
0x79: {  	[spmem:s1] =	stream.indirect.scatter.add.f32 [tilespmem:s25], [sflag:$0x6], $0x10, s9, s20, $0xb8;
	[tilespmem:$0x1E800] =	vst v63  }
.LBB2_14:
0x7a: {  	_ =	swait.ge [sflag:s24], $0x200  }
0x7b: {  	[sflag:s24] =	ssyncset.done $0x0  }
0x7c: {  	[sflag:s24] =	ssyncadd.s32 $0xFFFFFE00  }
0x7d: {  	_ =	swait.ge [sflag:s24], $0x200  }
0x7e: {  	p3 =	seq.s32 s8, $0x0;
	[sflag:s24] =	ssyncset.done $0x0  }
0x7f: {  	s9 =	simm.s32 @!p3 $0x6;
	[sflag:s24] =	ssyncadd.s32 $0xFFFFFE00  }
0x80: {  	_ =	swait.ge @!p3 [sflag:s9], $0x2000  }
0x81: {  	[sflag:s9] =	ssyncset.done @!p3 $0x0  }
0x82: {  	s12 =	sadd.s32 $0x200, s30;
	[sflag:s9] =	ssyncadd.s32 @!p3 $0xFFFFE000  }
0x83: {  	[tilespmem:s25], [sflag:$0x4] =	stream.indirect.gather [hbm4b:s4+s20], $0x10, s12, s20, $0xb8;
	[tilespmem:$0x1E800] =	vst v63  }
0x84: {  	s9 =	sshll.u32 @!p2 s21, $0xA;
	s12 =	sadd.s32 @!p2 s8, s6  }
0x85: {  	s21 =	simm.s32 @!p2 $0x0;
	s9 =	sxor.u32 @!p2 $0x600, s9;
	s12 =	sadd.s32 @!p2 $0xC0, s12  }
0x86: {  	[tilespmem:s9], [sflag:$0x2] =	stream.linear.gather @!p2 [hbm4b:s12+s21], $0x200, $0x38;
	[tilespmem:$0x1E800] =	vst v63  }
0x87: {  	s12 =	sadd.s32 @!p2 s8, s7  }
0x88: {  	s9 =	sor.u32 @!p2 $0x800, s9;
	s8 =	sadd.s32 $0x80, s8;
	s12 =	sadd.s32 @!p2 $0xC0, s12  }
0x89: {  	[tilespmem:s9], [sflag:$0x2] =	stream.linear.gather @!p2 [hbm4b:s12+s21], $0x200, $0x38;
	[tilespmem:$0x1E800] =	vst v63  }
0x8a: {  	p2 =	seq.s32 s8, $0x3100  }
.Ltmp14:
0x8b: {  	_ = 	snop;
	(pc) =	sbr.rel @p2 .LBB2_22-.Ltmp14, $4  }
0x8c: {  	s30 =	sadd.s32 $0xFFFFFA00, s11;
	_ =	swait.ge [sflag:s26], $0x2000  }
0x8d: {  	s19 =	sadd.s32 $0x1, s19;
	s9 =	sand.u32 $0x400, s30;
	[sflag:s26] =	ssyncset.done $0x0  }
0x8e: {  	s11 =	sadd.s32 $0x400, s11;
	s9 =	sor.u32 $0x800, s9;
	[sflag:s26] =	ssyncadd.s32 $0xFFFFE000  }
0x8f: {  	[spmem:s1] =	stream.indirect.scatter.add.f32 [tilespmem:s23], [sflag:$0x5], $0x10, s9, s20, $0xb8;
	[tilespmem:$0x1E800] =	vst v63  }
.LBB2_9:
0x90: {  	_ =	swait.ge [sflag:s22], $0x200;
	p2 =	sne.s32 s8, $0x0  }
.Ltmp15:
0x91: {  	[sflag:s22] =	ssyncset.done $0x0;
	(pc) =	sbr.rel @!p2 .LBB2_10-.Ltmp15, $4  }
0x92: {  	[sflag:s22] =	ssyncadd.s32 $0xFFFFFE00  }
0x93: {  	_ =	swait.ge [sflag:s22], $0x200  }
0x94: {  	s21 =	sand.u32 $0x1, s19;
	[sflag:s22] =	ssyncset.done $0x0  }
0x95: {  	s30 =	sshll.u32 s21, $0xA;
	[sflag:s22] =	ssyncadd.s32 $0xFFFFFE00  }
0x96: {  	p3 =	seq.s32 s8, $0x3080  }
.Ltmp16:
0x97: {  	_ = 	snop;
	(pc) =	sbr.rel @p3 .LBB2_13-.Ltmp16, $4  }
.Ltmp17:
0x98: {  	_ =	swait.ge [sflag:s29], $0x2000;
	(pc) =	sbr.rel @!p3 .LBB2_12-.Ltmp17, $4  }
0x99: {  	[sflag:s29] =	ssyncset.done $0x0  }
0x9a: {  	p2 =	por $0x1, $0x1;
	[sflag:s29] =	ssyncadd.s32 $0xFFFFE000  }
0x9b: {  	[tilespmem:s23], [sflag:$0x3] =	stream.indirect.gather [hbm4b:s4+s20], $0x10, s30, s20, $0xb8;
	[tilespmem:$0x1E800] =	vst v63  }
0x9c: {  	_ = 	snop  }
.LBB2_10:
0x9d: {  	[tilespmem:s23], [sflag:$0x3] =	stream.indirect.gather [hbm4b:s4+s20], $0x10, s30, s20, $0xb8;
	[tilespmem:$0x1E800] =	vst v63  }
.LBB2_12:
0x9e: {  	s9 =	sadd.s32 s8, s6  }
0x9f: {  	s12 =	sxor.u32 $0x400, s30;
	p3 =	seq.s32 s8, $0x0;
	s9 =	sadd.s32 $0x80, s9  }
0xa0: {  	[tilespmem:s12], [sflag:$0x1] =	stream.linear.gather [hbm4b:s9+s2], $0x200, $0x38;
	[tilespmem:$0x1E800] =	vst v63  }
.Ltmp18:
0xa1: {  	_ = 	snop;
	(pc) =	sbr.rel @!p3 .LBB2_13-.Ltmp18, $4  }
.Ltmp19:
0xa2: {  	_ = 	snop;
	(pc) =	sbr.rel @p3 .LBB2_14-.Ltmp19, $4  }
0xa3: {  	s9 =	sadd.s32 s8, s7  }
0xa4: {  	p2 =	por $0x0, $0x0;
	s12 =	sor.u32 $0x800, s12;
	s9 =	sadd.s32 $0x80, s9  }
0xa5: {  	[tilespmem:s12], [sflag:$0x1] =	stream.linear.gather [hbm4b:s9+s2], $0x200, $0x38;
	[tilespmem:$0x1E800] =	vst v63  }
0xa6: {  	_ = 	snop  }
.LBB2_22:
0xa7: {  	_ =	swait.ge [sflag:s28], $0x2000  }
0xa8: {  	[sflag:s28] =	ssyncset.done $0x0  }
0xa9: {  	s8 =	simm.s32 $0xE00;
	[sflag:s28] =	ssyncadd.s32 $0xFFFFE000  }
0xaa: {  	[spmem:s1] =	stream.indirect.scatter.add.f32 [tilespmem:s25], [sflag:$0x6], $0x10, s8, s20, $0xb8;
	[tilespmem:$0x1E800] =	vst v63  }
0xab: {  	_ =	swait.ge [sflag:s29], $0x2000  }
0xac: {  	[sflag:s29] =	ssyncset.done $0x0  }
0xad: {  	[sflag:s29] =	ssyncadd.s32 $0xFFFFE000  }
.Ltmp20:
0xae: {  	_ =	swait.ge [sflag:s31], $0x2000;
	(pc) =	sbr.rel @p1 .LBB2_26-.Ltmp20, $3  }
0xaf: {  	[sflag:s31] =	ssyncset.done $0x0  }
0xb0: {  	[sflag:s31] =	ssyncadd.s32 $0xFFFFE000  }
0xb1: {  	[bflag:$0x0] =	sbarrier.arrive $0xFFFF;
	_ =	sdelay $0x1  }
0xb2: {  	p2 =	sne.s32 s14, $0x1  }
.Ltmp21:
0xb3: {  	s8 =	stileid.u32;
	(pc) =	sbr.rel @!p2 .LBB2_25-.Ltmp21, $4  }
0xb4: {  	s9 =	sshrl.u32 s16, $0x3;
	s8 =	sshll.u32 s8, $0x6  }
0xb5: {  	s11 =	sshrl.u32 s15, $0x3;
	s9 =	sadd.s32 s5, s9;
	s8 =	sor.u32 $0x1C08, s8  }
0xb6: {  	[hbm:s9], [sflag:s8] =	dma.local [spmem:s11], $0x1000  }
0xb7: {  	s19 =	sadd.s32 $0x8000, s15;
	s21 =	smov.u32 s16;
	s11 =	sadd.s32 $0xFFFFFFFF, s14  }
.LBB2_24:
0xb8: {  	_ =	swait.ge [sflag:s0], $0x1000  }
0xb9: {  	s21 =	sadd.s32 $0x8000, s21;
	s12 =	sshrl.u32 s19, $0x3;
	p2 =	sne.s32 s11, $0x1  }
.Ltmp22:
0xba: {  	s9 =	sshrl.u32 s21, $0x3;
	[sflag:s0] =	ssyncset.done $0x0;
	(pc) =	sbr.rel @p2 .LBB2_24-.Ltmp22, $4  }
0xbb: {  	s9 =	sadd.s32 s5, s9;
	[sflag:s0] =	ssyncadd.s32 $0xFFFFF000  }
0xbc: {  	[hbm:s9], [sflag:s8] =	dma.local [spmem:s12], $0x1000  }
0xbd: {  	s11 =	sadd.s32 $0xFFFFFFFF, s11  }
0xbe: {  	s19 =	sadd.s32 $0x8000, s19  }
.Ltmp23:
0xbf: {  	_ = 	snop;
	(pc) =	sbr.rel .LBB2_25-.Ltmp23, $1  }
0xc0: {  	_ =	sdelay $0x3  }
.LBB2_27:
0xc1: {  	_ =	sfence.sel $0x180000  }
0xc2: {  	[bflag:$0x0] =	sbarrier.arrive $0xFFFF  }
0xc3: {  	_ =	strace $0x9000004D  }
0xc4: {  	s0 =	stileid.u32;
	[bflag:$0x2] =	sbarrier.arrive $0xFFFF  }
0xc5: {  	p0 =	sne.s32 s0, $0x0;
	s0 =	rddreg [dreg:$0x2]  }
0xc6: {  	s0 =	sadd.s32 @!p0 $0x100000, s0  }
0xc7: {  	[sflag:s0] =	ssyncadd.tile.s32 @!p0 $0x1;
	_ =	shalt  }
.Lfunc_end2:
_tile_overlayer_lowered:
.L_overlay_start_2:
0xc8: {  	(tag) =	ssettag $0x2  }
0xc9: {  	s0 =	rddreg [dreg:$0x0];
	s2 =	stileid.u32  }
0xca: {  	s1 =	rddreg [dreg:$0x1];
	p0 =	sne.s32 s2, $0x0  }
0xcb: {  	s3 =	rddreg [dreg:$0x2];
	[bflag:$0x3] =	sbarrier.arrive $0xFFFF;
	s2 =	simm.s32 @!p0 $0x1C08  }
0xcc: {  	[timem:s3], [sflag:s2] =	dma.local @!p0 [hbm:s0], s1  }
0xcd: {  	s0 =	simm.s32 @!p0 $0x8  }
0xce: {  	_ =	swait.ge @!p0 [sflag:s0], s1  }
0xcf: {  	s1 =	ssub.s32 @!p0 $0x0, s1;
	[sflag:s0] =	ssyncset.done @!p0 $0x0  }
0xd0: {  	[sflag:s0] =	ssyncadd.s32 @!p0 s1  }
0xd1: {  	[bflag:$0x3] =	sbarrier.arrive $0xFFFF  }
0xd2: {  	_ =	shalt  }

// kernel: kernel.7.cloned.1.call-start
scs
__scs_entry_jumppad:
0x0: {  	(pc) =	sbr.rel $0x88, $3  }
0x1: {  	(tag) =	ssettag $0x0;
	lr =	simm.s32 $0x1  }
0x2: {  	[smem:$0x3F99] =	sst lr;
	_ =	strace $0xD0000000  }
0x3: {  	_ = 	snop  }
0x4: {  	_ = 	snop  }
0x5: {  	_ = 	snop  }
0x6: {  	_ = 	snop  }
0x7: {  	_ = 	snop  }
__scs_overlays_trampoline_lowered:
0x8: {  	[smem:$0x3FA8] =	sst s0  }
0x9: {  	[smem:$0x3FA9] =	sst s1  }
0xa: {  	[smem:$0x3FAA] =	sst s2  }
0xb: {  	[smem:$0x3FAB] =	sst s3  }
0xc: {  	[smem:$0x3FAC] =	sst s4  }
0xd: {  	[smem:$0x3FAD] =	sst s5  }
0xe: {  	[smem:$0x3FAE] =	sst s6  }
0xf: {  	[smem:$0x3FAF] =	sst s7  }
0x10: {  	[smem:$0x3FB0] =	sst s8  }
0x11: {  	[smem:$0x3FB1] =	sst s9;
	s0 =	simm.s32 @!p0 $0x0  }
0x12: {  	s1 =	sld [smem:$0x3F97];
	s0 =	simm.s32 @p0 $0x1  }
0x13: {  	[smem:$0x3FB2] =	sst s0;
	s0 =	simm.s32 @!p1 $0x0  }
0x14: {  	s2 =	sld [smem:$0x3F96];
	s0 =	simm.s32 @p1 $0x1  }
0x15: {  	[smem:$0x3FB3] =	sst s0;
	s0 =	simm.s32 @!p2 $0x0  }
0x16: {  	s3 =	sld [smem:$0x3FDB];
	s0 =	simm.s32 @p2 $0x1  }
0x17: {  	s4 =	simm.s32 $0x1BF5;
	[smem:$0x3FB5] =	sst s0  }
0x18: {  	s0 =	sld [smem:$0x3F98];
	_ =	swait.ge [sflag:s4], $0x0  }
0x19: {  	s7 =	sld [smem:$0x3F99]  }
0x1a: {  	s8 =	sadd.s32 $0xFFFFE003, lr  }
0x1b: {  	s9 =	sadd.s32 $0xFFFFFEF7, lr;
	s5 =	simm.s32 $0xFFFFFFFF;
	p2 =	slt.u32 s8, $0xFFFFF086  }
0x1c: {  	p1 =	slt.u32 s9, $0xF7A;
	s5 =	simm.s32 @!p2 $0x0  }
0x1d: {  	s5 =	simm.s32 @p1 $0x1;
	p0 =	seq.s32 s7, s2  }
0x1e: {  	s7 =	smul.u32 @!p0 $0xF7A, s2;
	p2 =	seq.s32 @!p0 s5, $0x0  }
0x1f: {  	s9 =	smul.u32 $0xF7A, s1;
	s8 =	simm.s32 @!p0 $0x1BF5;
	p2 =	por !p2, p0  }
0x20: {  	[sflag:s8] =	ssyncset.s32 @!p0 $0xFFFFF086;
	s6 =	sadd.s32 @!p0 s3, s7;
	s7 =	simm.s32 @!p0 $0x108  }
0x21: {  	s3 =	sadd.s32 s3, s9;
	s6 =	sadd.s32 @!p0 $0x88, s6;
	s7 =	simm.s32 @p2 $0x1082  }
0x22: {  	[simem:s7], [sflag:s8] =	dma.local @!p0 [hbm:s6], $0xF7A  }
0x23: {  	s9 =	sor.u32 $0xD0000000, s2;
	s6 =	simm.s32 $0x108;
	_ =	swait.ge @!p0 [sflag:s8], $0x0  }
0x24: {  	s3 =	sadd.s32 $0x88, s3;
	s6 =	simm.s32 @!p1 $0x1082;
	[sflag:s4] =	ssyncset.s32 $0xFFFFF086  }
0x25: {  	[simem:s6], [sflag:s4] =	dma.local [hbm:s3], $0xF7A  }
0x26: {  	[smem:$0x3F99] =	sst s1;
	(tag) =	ssettag s2;
	_ =	strace s9  }
0x27: {  	s1 =	sld [smem:$0x3FA9]  }
0x28: {  	s2 =	sld [smem:$0x3FAA]  }
0x29: {  	s4 =	sld [smem:$0x3FAC]  }
0x2a: {  	p0 =	seq.s32 s5, $0x0;
	s5 =	sld [smem:$0x3FAD]  }
0x2b: {  	s6 =	sld [smem:$0x3FAE]  }
0x2c: {  	s7 =	sld [smem:$0x3FAF]  }
0x2d: {  	s3 =	simm.s32 $0x108;
	s8 =	sld [smem:$0x3FB0]  }
0x2e: {  	s3 =	simm.s32 @!p0 $0x1082;
	s9 =	sld [smem:$0x3FB1]  }
0x2f: {  	lr =	sadd.s32 s0, s3;
	s0 =	sld [smem:$0x3FA8]  }
0x30: {  	s3 =	sld [smem:$0x3FAB]  }
0x31: {  	[smem:$0x3FB4] =	sst s10  }
0x32: {  	s10 =	sld [smem:$0x3FB2];
	_ =	sdelay $0x3  }
0x33: {  	p0 =	seq.s32 s10, $0x1;
	s10 =	sld [smem:$0x3FB4];
	_ =	sdelay $0x3  }
0x34: {  	[smem:$0x3FB4] =	sst s10  }
0x35: {  	s10 =	sld [smem:$0x3FB3];
	_ =	sdelay $0x3  }
0x36: {  	p1 =	seq.s32 s10, $0x1;
	s10 =	sld [smem:$0x3FB4];
	_ =	sdelay $0x3  }
0x37: {  	[smem:$0x3FB4] =	sst s10  }
0x38: {  	s10 =	sld [smem:$0x3FB5]  }
0x39: {  	_ = 	snop;
	(pc) =	sbr.ind lr, $3  }
0x3a: {  	_ = 	snop  }
0x3b: {  	_ = 	snop  }
0x3c: {  	p2 =	seq.s32 s10, $0x1;
	s10 =	sld [smem:$0x3FB4]  }
0x3d: {  	_ =	shalt  }
0x3e: {  	_ =	shalt  }
0x3f: {  	_ =	shalt  }
0x40: {  	_ =	shalt  }
0x41: {  	_ =	shalt  }
0x42: {  	_ =	shalt  }
0x43: {  	_ =	shalt  }
0x44: {  	_ =	shalt  }
0x45: {  	_ =	shalt  }
0x46: {  	_ =	shalt  }
0x47: {  	_ =	shalt  }
0x48: {  	_ =	shalt  }
0x49: {  	_ =	shalt  }
0x4a: {  	_ =	shalt  }
0x4b: {  	_ =	shalt  }
0x4c: {  	_ =	shalt  }
0x4d: {  	_ =	shalt  }
0x4e: {  	_ =	shalt  }
0x4f: {  	_ =	shalt  }
0x50: {  	_ =	shalt  }
0x51: {  	_ =	shalt  }
0x52: {  	_ =	shalt  }
0x53: {  	_ =	shalt  }
0x54: {  	_ =	shalt  }
0x55: {  	_ =	shalt  }
0x56: {  	_ =	shalt  }
0x57: {  	_ =	shalt  }
0x58: {  	_ =	shalt  }
0x59: {  	_ =	shalt  }
0x5a: {  	_ =	shalt  }
0x5b: {  	_ =	shalt  }
0x5c: {  	_ =	shalt  }
0x5d: {  	_ =	shalt  }
0x5e: {  	_ =	shalt  }
0x5f: {  	_ =	shalt  }
0x60: {  	_ =	shalt  }
0x61: {  	_ =	shalt  }
0x62: {  	_ =	shalt  }
0x63: {  	_ =	shalt  }
0x64: {  	_ =	shalt  }
0x65: {  	_ =	shalt  }
0x66: {  	_ =	shalt  }
0x67: {  	_ =	shalt  }
0x68: {  	_ =	shalt  }
0x69: {  	_ =	shalt  }
0x6a: {  	_ =	shalt  }
0x6b: {  	_ =	shalt  }
0x6c: {  	_ =	shalt  }
0x6d: {  	_ =	shalt  }
0x6e: {  	_ =	shalt  }
0x6f: {  	_ =	shalt  }
0x70: {  	_ =	shalt  }
0x71: {  	_ =	shalt  }
0x72: {  	_ =	shalt  }
0x73: {  	_ =	shalt  }
0x74: {  	_ =	shalt  }
0x75: {  	_ =	shalt  }
0x76: {  	_ =	shalt  }
0x77: {  	_ =	shalt  }
0x78: {  	_ =	shalt  }
0x79: {  	_ =	shalt  }
0x7a: {  	_ =	shalt  }
0x7b: {  	_ =	shalt  }
0x7c: {  	_ =	shalt  }
0x7d: {  	_ =	shalt  }
0x7e: {  	_ =	shalt  }
0x7f: {  	_ =	shalt  }
0x80: {  	_ =	shalt  }
0x81: {  	_ =	shalt  }
0x82: {  	_ =	shalt  }
0x83: {  	_ =	shalt  }
0x84: {  	_ =	shalt  }
0x85: {  	_ =	shalt  }
0x86: {  	_ =	shalt  }
0x87: {  	_ =	shalt  }
.Lfunc_end0:
.L_simem_size_0:
called_computation_lowered:
.L_overlay_start_0:
0x88: {  	s2 =	sld [smem:$0x3FD9]  }
0x89: {  	s3 =	sld [smem:$0x3FFE];
	_ =	sdelay $0x1  }
0x8a: {  	s1 =	srdreg.scid  }
0x8b: {  	s0 =	sand.u32 $0x1, s1  }
0x8c: {  	s16 =	sshll.u32 s0, $0xA;
	s2 =	sadd.s32 s3, s2  }
0x8d: {  	s2 =	sadd.s32 s2, s16  }
0x8e: {  	[smem:$0x3FC0] =	sst s2  }
0x8f: {  	_ = 	snop  }
0x90: {  	(tm) =	ssettm $0x1  }
0x91: {  	s17 =	sld [smem:$0x3FFB];
	_ =	sdelay $0x3  }
0x92: {  	_ =	strace s17  }
0x93: {  	s2 =	sld [smem:$0x3FFC];
	_ =	sdelay $0x3  }
0x94: {  	_ =	strace s2  }
0x95: {  	s2 =	sld [smem:$0x3FFD];
	_ =	sdelay $0x3  }
0x96: {  	_ =	strace s2  }
0x97: {  	_ =	strace $0x8FFFFFFF  }
0x98: {  	s18 =	sld [smem:$0x3FDB];
	_ =	sdelay $0x1  }
0x99: {  	s19 =	simm.s32 $_scs_section_size  }
0x9a: {  	s4 =	simm.s32 $_size__tile_overlayer_lowered;
	s5 =	simm.s32 $_tile_overlayer_lowered  }
0x9b: {  	s22 =	simm.s32 $0x1BFF;
	s21 =	sshll.u32 s5, $0x1;
	s2 =	sadd.s32 s19, s18  }
0x9c: {  	s6 =	simm.s32 $0x0;
	s20 =	sshll.u32 s4, $0x1;
	s4 =	sadd.s32 s21, s2  }
0x9d: {  	[timem:s6], [sflag:s22] =	dma.local [hbm:s4], s20  }
0x9e: {  	_ =	swait.ge [sflag:s22], s20  }
0x9f: {  	s3 =	ssub.s32 $0x0, s20;
	[sflag:s22] =	ssyncset.done $0x0  }
0xa0: {  	[sflag:s22] =	ssyncadd.s32 s3;
	_ =	sdelay $0x1  }
0xa1: {  	s23 =	simm.s32 $0x1B8B  }
0xa2: {  	_ =	swait.ge [sflag:s23], $0x1  }
0xa3: {  	[sflag:s23] =	ssyncset.done $0x0  }
0xa4: {  	s25 =	simm.s32 $0x1B8E;
	s24 =	sld [smem:$0x3FFE];
	[sflag:s23] =	ssyncadd.s32 $0xFFFFFFFF  }
0xa5: {  	s26 =	simm.s32 $execute0_lowered;
	[smem:$0x3FD2] =	sst s25  }
0xa6: {  	s4 =	sshll.u32 s26, $0x1;
	_ =	strace $0x80000046;
	[dreg:$0x1] =	wrdreg $0xFFFFFFFF  }
0xa7: {  	s28 =	simm.s32 $_size_execute0_lowered;
	s2 =	sadd.s32 s2, s4;
	[dreg:$0x0] =	wrdreg $0x0  }
0xa8: {  	s4 =	sshll.u32 s28, $0x1;
	[dreg:$0x2] =	wrdreg s2  }
0xa9: {  	[dreg:$0x3] =	wrdreg s4  }
0xaa: {  	[dreg:$0x4] =	wrdreg $0xC0  }
0xab: {  	_ =	task [dreg:s6], $0x5FFFF  }
0xac: {  	[dreg:$0x1] =	wrdreg $0xFFFFFFFF  }
0xad: {  	[dreg:$0x0] =	wrdreg $0x60  }
0xae: {  	[dreg:$0x2] =	wrdreg s24  }
0xaf: {  	[dreg:$0x3] =	wrdreg $0x7DA00  }
0xb0: {  	[dreg:$0x4] =	wrdreg $0x9  }
0xb1: {  	_ =	task.clear_ibuf [dreg:s6], $0x5FFFF;
	_ =	strace $0x90000046  }
0xb2: {  	s29 =	simm.s32 $0x9;
	_ =	strace $0x80000048  }
0xb3: {  	_ =	swait.ge [sflag:s29], $0x1  }
0xb4: {  	[sflag:s29] =	ssyncadd.s32 $0xFFFFFFFF  }
0xb5: {  	_ =	strace $0x90000048  }
0xb6: {  	_ =	sfence  }
0xb7: {  	s30 =	sld [smem:$0x0];
	_ =	sdelay $0x2  }
0xb8: {  	s31 =	sshll.u32 s1, $0xD;
	s1 =	sshrl.u32 s1, $0x2  }
0xb9: {  	s3 =	sand.u32 $0x4000, s31;
	s1 =	sadd.s32 s1, s30  }
0xba: {  	s0 =	sor.u32 s3, s0;
	s1 =	sshll.u32 s1, $0x11  }
0xbb: {  	s0 =	sor.u32 s1, s0  }
0xbc: {  	s0 =	sadd.s32 $0x8F2B, s0  }
0xbd: {  	[sflag:s0] =	ssyncadd.remote.s32 $0x1  }
0xbe: {  	_ =	sfence.sel $0xFFFF  }
0xbf: {  	[dreg:$0x0] =	wrdreg $0xFFFFFFFF;
	(pc) =	sbr.abs _section_cstart, $3  }
0xc0: {  	[dreg:$0x1] =	wrdreg $0xFFFFFFFF  }
0xc1: {  	_ =	task.clear_ibuf [dreg:s6], $0x2FFFF;
	_ =	strace $0x9FFFFFFF  }
0xc2: {  	(tm) =	ssettm $0x7FFFFFFF  }
0xc3: {  	_ =	shalt  }
tec
execute0_lowered:
.L_overlay_start_1:
0x0: {  	(tag) =	ssettag $0x1  }
0x1: {  	s0 =	rddreg [dreg:$0x0]  }
0x2: {  	s2 =	rddreg [dreg:$0x1];
	s3 =	simm.s32 $0x0  }
0x3: {  	s11 =	stileid.u32;
	s4 =	srdreg.scid;
	s12 =	simm.s32 $0xE80  }
0x4: {  	s13 =	simm.s32 $0x4;
	s14 =	simm.s32 $0x1;
	s15 =	simm.s32 $0x700  }
0x5: {  	s16 =	simm.s32 $0x80;
	s17 =	simm.s32 $0xE00;
	s31 =	simm.s32 $0x200  }
0x6: {  	s18 =	simm.s32 $0xA80;
	s19 =	simm.s32 $0xB00;
	s28 =	simm.s32 $0x5  }
0x7: {  	s29 =	simm.s32 $0x4BA0;
	s30 =	simm.s32 $0x19A0;
	[smem:$0x7FF] =	sst s3  }
0x8: {  	s1 =	smul.u32 $0x3100, s11;
	s7 =	sand.u32 $0x1, s4;
	s4 =	sadd.s32 $0x2000, s0  }
0x9: {  	s5 =	sadd.s32 $0x97000, s0;
	s10 =	smul.u32 $0x32, s11;
	s6 =	sadd.s32 $0x65000, s0  }
0xa: {  	_ =	strace $0x80000047;
	s8 =	ssub.s32 $0x2, s7;
	s7 =	sshll.u32 s7, $0x4  }
0xb: {  	s1 =	sadd.s32 s1, s0;
	s9 =	sshrl.u32 s8, $0x1;
	s21 =	sshrl.u32 s10, $0x4  }
0xc: {  	s22 =	sadd.s32 $0x32, s10;
	s23 =	sor.u32 s11, s7;
	s10 =	simm.s32 $0x100  }
0xd: {  	s11 =	simm.s32 $0x180;
	s20 =	ssub.s32 s8, s9;
	s24 =	sshrl.u32 s22, $0x4  }
0xe: {  	s7 =	sadd.s32 $0x34000, s1;
	s8 =	smul.u32 $0xC80, s23;
	s26 =	sshll.u32 s21, $0xB  }
0xf: {  	s22 =	simm.s32 $0xC80;
	s23 =	simm.s32 $0xD00;
	s1 =	simm.s32 $0x0  }
0x10: {  	s0 =	smax.u32 s20, $0x1;
	s25 =	ssub.s32 s24, s21;
	p0 =	sle.u32 s24, s21  }
0x11: {  	s20 =	simm.s32 $0xB80;
	s21 =	simm.s32 $0xC00;
	[dreg:$0x3] =	wrdreg s0  }
0x12: {  	v2 =	vlaneseq.u32;
	s24 =	simm.s32 $0xD80;
	[dreg:$0x4] =	wrdreg s25;
	s0 =	sadd.s32 s26, s2  }
0x13: {  	v0 =	vimm.f32 $1.000000000e+00;
	v1 =	vimm.f32 $0.0e+00;
	v2 =	vmul.u32 $0x10, v2;
	s25 =	simm.s32 $0x2;
	s26 =	simm.s32 $0x3;
	[dreg:$0x5] =	wrdreg s0  }
.LBB2_1:
0x14: {  	[tilespmem:$0xE00] =	vst v0  }
0x15: {  	[tilespmem:$0xE10] =	vst v0  }
0x16: {  	[tilespmem:$0xE20] =	vst v0  }
0x17: {  	[tilespmem:$0xE30] =	vst v0  }
0x18: {  	[tilespmem:$0xE40] =	vst v0  }
0x19: {  	[tilespmem:$0xE50] =	vst v0  }
0x1a: {  	[tilespmem:$0xE60] =	vst v0  }
0x1b: {  	[dreg:$0x6] =	wrdreg s1;
	[tilespmem:$0xE70] =	vst v0;
	s0 =	simm.s32 $0x40;
	s1 =	simm.s32 $0x0  }
.LBB2_2:
0x1c: {  	p1 =	sne.s32 s0, $0x1FC0;
	[tilespmem:s1+$0xE80] =	vst v1;
	s1 =	smov.u32 s0;
	s0 =	sadd.s32 $0x40, s0  }
.Ltmp0:
0x1d: {  	(pc) =	sbr.rel @p1 .LBB2_2-.Ltmp0, $2  }
0x1e: {  	_ =	sdelay $0x2  }
0x1f: {  	s1 =	sshra.s32 s1, $0x2  }
.Ltmp1:
0x20: {  	(pc) =	sbr.rel @p0 .LBB2_9-.Ltmp1, $2  }
0x21: {  	_ =	sdelay $0x2  }
0x22: {  	[tilespmem:s1+$0xE80] =	vst v1  }
0x23: {  	s0 =	rddreg [dreg:$0x4]  }
0x24: {  	p1 =	sne.s32 s0, $0x1  }
.Ltmp2:
0x25: {  	_ = 	snop;
	(pc) =	sbr.rel @!p1 .LBB2_6-.Ltmp2, $4  }
0x26: {  	_ = 	snop  }
0x27: {  	s1 =	rddreg [dreg:$0x5]  }
0x28: {  	[spmem:s1] =	stream.linear.scatter [tilespmem:s12], [sflag:$0x4], $0x800, $0x38;
	[tilespmem:$0x96A0] =	vst v63  }
0x29: {  	s0 =	sadd.s32 $0xFFFFFFFF, s0  }
.LBB2_5:
0x2a: {  	p1 =	sne.s32 s0, $0x1  }
.Ltmp3:
0x2b: {  	_ = 	snop;
	(pc) =	sbr.rel @p1 .LBB2_5-.Ltmp3, $3  }
0x2c: {  	_ = 	snop  }
0x2d: {  	s0 =	sadd.s32 $0xFFFFFFFF, s0;
	s1 =	sadd.s32 $0x800, s1;
	_ =	sdelay $0x1  }
0x2e: {  	[spmem:s1] =	stream.linear.scatter [tilespmem:s12], [sflag:$0x4], $0x800, $0x38;
	[tilespmem:$0x96A0] =	vst v63  }
.LBB2_6:
0x2f: {  	s0 =	rddreg [dreg:$0x4]  }
0x30: {  	p1 =	sne.s32 s0, $0x1  }
.Ltmp4:
0x31: {  	_ = 	snop;
	(pc) =	sbr.rel @!p1 .LBB2_8-.Ltmp4, $3  }
0x32: {  	_ =	sdelay $0x1  }
0x33: {  	_ =	swait.ge [sflag:s13], $0x800  }
0x34: {  	s0 =	sadd.s32 $0xFFFFFFFF, s0;
	[sflag:s13] =	ssyncset.done $0x0  }
.LBB2_7:
0x35: {  	p1 =	sne.s32 s0, $0x1;
	s0 =	sadd.s32 $0xFFFFFFFF, s0;
	[sflag:s13] =	ssyncadd.s32 $0xFFFFF800  }
.Ltmp5:
0x36: {  	(pc) =	sbr.rel @p1 .LBB2_7-.Ltmp5, $3  }
0x37: {  	_ =	sdelay $0x1  }
0x38: {  	_ =	swait.ge [sflag:s13], $0x800  }
0x39: {  	[sflag:s13] =	ssyncset.done $0x0  }
.LBB2_8:
0x3a: {  	[sflag:s13] =	ssyncadd.s32 $0xFFFFF800  }
.LBB2_9:
0x3b: {  	[bflag:$0x0] =	sbarrier.arrive $0xFFFF;
	s0 =	simm.s32 $0x0  }
0x3c: {  	[tilespmem:s0], [sflag:$0x1] =	stream.linear.gather [hbm4b:s7+s0], $0x700, $0x38;
	[tilespmem:$0x96A0] =	vst v63  }
.LBB2_10:
0x3d: {  	_ =	swait.ge [sflag:s14], $0x700  }
0x3e: {  	s1 =	sadd.s32 s0, s7;
	[sflag:s14] =	ssyncset.done $0x0  }
0x3f: {  	p1 =	seq.s32 s0, $0x0;
	s1 =	sadd.s32 $0xE0, s1;
	[sflag:s14] =	ssyncadd.s32 $0xFFFFF900  }
0x40: {  	[tilespmem:s15], [sflag:$0x1] =	stream.linear.gather [hbm4b:s1+s3], $0x700, $0x38;
	[tilespmem:$0x96A0] =	vst v63  }
0x41: {  	s1 =	simm.s32 @!p1 $0x2  }
0x42: {  	_ =	swait.ge @!p1 [sflag:s1], $0x80  }
0x43: {  	[sflag:s1] =	ssyncset.done @!p1 $0x0  }
0x44: {  	[sflag:s1] =	ssyncadd.s32 @!p1 $0xFFFFFF80  }
0x45: {  	_ =	swait.ge @!p1 [sflag:s1], $0x80  }
0x46: {  	[sflag:s1] =	ssyncset.done @!p1 $0x0  }
0x47: {  	[sflag:s1] =	ssyncadd.s32 @!p1 $0xFFFFFF80  }
0x48: {  	_ =	swait.ge @!p1 [sflag:s1], $0x80  }
0x49: {  	[sflag:s1] =	ssyncset.done @!p1 $0x0  }
0x4a: {  	[sflag:s1] =	ssyncadd.s32 @!p1 $0xFFFFFF80  }
0x4b: {  	_ =	swait.ge @!p1 [sflag:s1], $0x80  }
0x4c: {  	[sflag:s1] =	ssyncset.done @!p1 $0x0  }
0x4d: {  	[sflag:s1] =	ssyncadd.s32 @!p1 $0xFFFFFF80  }
0x4e: {  	_ =	swait.ge @!p1 [sflag:s1], $0x80  }
0x4f: {  	[sflag:s1] =	ssyncset.done @!p1 $0x0  }
0x50: {  	[sflag:s1] =	ssyncadd.s32 @!p1 $0xFFFFFF80  }
0x51: {  	_ =	swait.ge @!p1 [sflag:s1], $0x80  }
0x52: {  	[sflag:s1] =	ssyncset.done @!p1 $0x0  }
0x53: {  	[sflag:s1] =	ssyncadd.s32 @!p1 $0xFFFFFF80  }
0x54: {  	_ =	swait.ge @!p1 [sflag:s1], $0x80  }
0x55: {  	[sflag:s1] =	ssyncset.done @!p1 $0x0  }
0x56: {  	[sflag:s1] =	ssyncadd.s32 @!p1 $0xFFFFFF80  }
0x57: {  	_ =	swait.ge @!p1 [sflag:s1], $0x80  }
0x58: {  	[sflag:s1] =	ssyncset.done @!p1 $0x0  }
0x59: {  	[sflag:s1] =	ssyncadd.s32 @!p1 $0xFFFFFF80  }
0x5a: {  	_ =	swait.ge @!p1 [sflag:s1], $0x80  }
0x5b: {  	[sflag:s1] =	ssyncset.done @!p1 $0x0  }
0x5c: {  	[sflag:s1] =	ssyncadd.s32 @!p1 $0xFFFFFF80  }
0x5d: {  	_ =	swait.ge @!p1 [sflag:s1], $0x80  }
0x5e: {  	[sflag:s1] =	ssyncset.done @!p1 $0x0  }
0x5f: {  	[sflag:s1] =	ssyncadd.s32 @!p1 $0xFFFFFF80  }
0x60: {  	_ =	swait.ge @!p1 [sflag:s1], $0x80  }
0x61: {  	[sflag:s1] =	ssyncset.done @!p1 $0x0  }
0x62: {  	[sflag:s1] =	ssyncadd.s32 @!p1 $0xFFFFFF80  }
0x63: {  	_ =	swait.ge @!p1 [sflag:s1], $0x80  }
0x64: {  	[sflag:s1] =	ssyncset.done @!p1 $0x0  }
0x65: {  	[sflag:s1] =	ssyncadd.s32 @!p1 $0xFFFFFF80  }
0x66: {  	_ =	swait.ge @!p1 [sflag:s1], $0x80  }
0x67: {  	[sflag:s1] =	ssyncset.done @!p1 $0x0  }
0x68: {  	[sflag:s1] =	ssyncadd.s32 @!p1 $0xFFFFFF80  }
0x69: {  	_ =	swait.ge @!p1 [sflag:s1], $0x80  }
0x6a: {  	[sflag:s1] =	ssyncset.done @!p1 $0x0  }
0x6b: {  	[sflag:s1] =	ssyncadd.s32 @!p1 $0xFFFFFF80  }
0x6c: {  	[spmem:s2] =	stream.indirect.scatter.add.f32 [tilespmem:s17], [sflag:$0x2], $0x1, s3, s16, $0xb8;
	[tilespmem:$0x96A0] =	vst v63  }
0x6d: {  	_ = 	snop  }
0x6e: {  	[spmem:s2] =	stream.indirect.scatter.add.f32 [tilespmem:s17], [sflag:$0x2], $0x1, s16, s16, $0xb8;
	[tilespmem:$0x96A0] =	vst v63  }
0x6f: {  	_ = 	snop  }
0x70: {  	[spmem:s2] =	stream.indirect.scatter.add.f32 [tilespmem:s17], [sflag:$0x2], $0x1, s10, s16, $0xb8;
	[tilespmem:$0x96A0] =	vst v63  }
0x71: {  	_ = 	snop  }
0x72: {  	[spmem:s2] =	stream.indirect.scatter.add.f32 [tilespmem:s17], [sflag:$0x2], $0x1, s11, s16, $0xb8;
	[tilespmem:$0x96A0] =	vst v63  }
0x73: {  	_ = 	snop  }
0x74: {  	[spmem:s2] =	stream.indirect.scatter.add.f32 [tilespmem:s17], [sflag:$0x2], $0x1, s31, s16, $0xb8;
	[tilespmem:$0x96A0] =	vst v63  }
0x75: {  	s9 =	simm.s32 $0x280  }
0x76: {  	[spmem:s2] =	stream.indirect.scatter.add.f32 [tilespmem:s17], [sflag:$0x2], $0x1, s9, s16, $0xb8;
	[tilespmem:$0x96A0] =	vst v63  }
0x77: {  	s9 =	simm.s32 $0x300  }
0x78: {  	[spmem:s2] =	stream.indirect.scatter.add.f32 [tilespmem:s17], [sflag:$0x2], $0x1, s9, s16, $0xb8;
	[tilespmem:$0x96A0] =	vst v63  }
0x79: {  	s9 =	simm.s32 $0x380  }
0x7a: {  	[spmem:s2] =	stream.indirect.scatter.add.f32 [tilespmem:s17], [sflag:$0x2], $0x1, s9, s16, $0xb8;
	[tilespmem:$0x96A0] =	vst v63  }
0x7b: {  	s9 =	simm.s32 $0x400  }
0x7c: {  	[spmem:s2] =	stream.indirect.scatter.add.f32 [tilespmem:s17], [sflag:$0x2], $0x1, s9, s16, $0xb8;
	[tilespmem:$0x96A0] =	vst v63  }
0x7d: {  	s9 =	simm.s32 $0x480  }
0x7e: {  	[spmem:s2] =	stream.indirect.scatter.add.f32 [tilespmem:s17], [sflag:$0x2], $0x1, s9, s16, $0xb8;
	[tilespmem:$0x96A0] =	vst v63  }
0x7f: {  	s9 =	simm.s32 $0x500  }
0x80: {  	[spmem:s2] =	stream.indirect.scatter.add.f32 [tilespmem:s17], [sflag:$0x2], $0x1, s9, s16, $0xb8;
	[tilespmem:$0x96A0] =	vst v63  }
0x81: {  	s9 =	simm.s32 $0x580  }
0x82: {  	[spmem:s2] =	stream.indirect.scatter.add.f32 [tilespmem:s17], [sflag:$0x2], $0x1, s9, s16, $0xb8;
	[tilespmem:$0x96A0] =	vst v63  }
0x83: {  	s9 =	simm.s32 $0x600  }
0x84: {  	[spmem:s2] =	stream.indirect.scatter.add.f32 [tilespmem:s17], [sflag:$0x2], $0x1, s9, s16, $0xb8;
	[tilespmem:$0x96A0] =	vst v63  }
0x85: {  	s9 =	simm.s32 $0x680  }
0x86: {  	[spmem:s2] =	stream.indirect.scatter.add.f32 [tilespmem:s17], [sflag:$0x2], $0x1, s9, s16, $0xb8;
	[tilespmem:$0x96A0] =	vst v63  }
0x87: {  	p1 =	seq.s32 s0, $0x2F40;
	_ =	swait.ge [sflag:s14], $0x700  }
0x88: {  	s1 =	sadd.s32 @!p1 s0, s7;
	p2 =	seq.s32 @!p1 s0, $0x0;
	[sflag:s14] =	ssyncset.done $0x0  }
0x89: {  	s1 =	sadd.s32 @!p1 $0x1C0, s1;
	s9 =	simm.s32 @!p1 $0x0;
	[sflag:s14] =	ssyncadd.s32 $0xFFFFF900  }
0x8a: {  	[tilespmem:s9], [sflag:$0x1] =	stream.linear.gather @!p1 [hbm4b:s1+s9], $0x700, $0x38;
	[tilespmem:$0x96A0] =	vst v63  }
0x8b: {  	p1 =	por p1, !p2  }
0x8c: {  	_ =	swait.ge @p1 [sflag:s26], $0x80  }
0x8d: {  	[sflag:s26] =	ssyncset.done @p1 $0x0  }
0x8e: {  	[sflag:s26] =	ssyncadd.s32 @p1 $0xFFFFFF80  }
0x8f: {  	_ =	swait.ge @p1 [sflag:s26], $0x80  }
0x90: {  	[sflag:s26] =	ssyncset.done @p1 $0x0  }
0x91: {  	[sflag:s26] =	ssyncadd.s32 @p1 $0xFFFFFF80  }
0x92: {  	_ =	swait.ge @p1 [sflag:s26], $0x80  }
0x93: {  	[sflag:s26] =	ssyncset.done @p1 $0x0  }
0x94: {  	[sflag:s26] =	ssyncadd.s32 @p1 $0xFFFFFF80  }
0x95: {  	_ =	swait.ge @p1 [sflag:s26], $0x80  }
0x96: {  	[sflag:s26] =	ssyncset.done @p1 $0x0  }
0x97: {  	[sflag:s26] =	ssyncadd.s32 @p1 $0xFFFFFF80  }
0x98: {  	_ =	swait.ge @p1 [sflag:s26], $0x80  }
0x99: {  	[sflag:s26] =	ssyncset.done @p1 $0x0  }
0x9a: {  	[sflag:s26] =	ssyncadd.s32 @p1 $0xFFFFFF80  }
0x9b: {  	_ =	swait.ge @p1 [sflag:s26], $0x80  }
0x9c: {  	[sflag:s26] =	ssyncset.done @p1 $0x0  }
0x9d: {  	[sflag:s26] =	ssyncadd.s32 @p1 $0xFFFFFF80  }
0x9e: {  	_ =	swait.ge @p1 [sflag:s26], $0x80  }
0x9f: {  	[sflag:s26] =	ssyncset.done @p1 $0x0  }
0xa0: {  	[sflag:s26] =	ssyncadd.s32 @p1 $0xFFFFFF80  }
0xa1: {  	_ =	swait.ge @p1 [sflag:s26], $0x80  }
0xa2: {  	[sflag:s26] =	ssyncset.done @p1 $0x0  }
0xa3: {  	[sflag:s26] =	ssyncadd.s32 @p1 $0xFFFFFF80  }
0xa4: {  	_ =	swait.ge @p1 [sflag:s26], $0x80  }
0xa5: {  	[sflag:s26] =	ssyncset.done @p1 $0x0  }
0xa6: {  	[sflag:s26] =	ssyncadd.s32 @p1 $0xFFFFFF80  }
0xa7: {  	_ =	swait.ge @p1 [sflag:s26], $0x80  }
0xa8: {  	[sflag:s26] =	ssyncset.done @p1 $0x0  }
0xa9: {  	[sflag:s26] =	ssyncadd.s32 @p1 $0xFFFFFF80  }
0xaa: {  	_ =	swait.ge @p1 [sflag:s26], $0x80  }
0xab: {  	[sflag:s26] =	ssyncset.done @p1 $0x0  }
0xac: {  	[sflag:s26] =	ssyncadd.s32 @p1 $0xFFFFFF80  }
0xad: {  	_ =	swait.ge @p1 [sflag:s26], $0x80  }
0xae: {  	[sflag:s26] =	ssyncset.done @p1 $0x0  }
0xaf: {  	[sflag:s26] =	ssyncadd.s32 @p1 $0xFFFFFF80  }
0xb0: {  	_ =	swait.ge @p1 [sflag:s26], $0x80  }
0xb1: {  	[sflag:s26] =	ssyncset.done @p1 $0x0  }
0xb2: {  	[sflag:s26] =	ssyncadd.s32 @p1 $0xFFFFFF80  }
0xb3: {  	_ =	swait.ge @p1 [sflag:s26], $0x80  }
0xb4: {  	[sflag:s26] =	ssyncset.done @p1 $0x0  }
0xb5: {  	[sflag:s26] =	ssyncadd.s32 @p1 $0xFFFFFF80  }
0xb6: {  	[spmem:s2] =	stream.indirect.scatter.add.f32 [tilespmem:s17], [sflag:$0x3], $0x1, s15, s16, $0xb8;
	[tilespmem:$0x96A0] =	vst v63  }
0xb7: {  	s9 =	simm.s32 $0x780  }
0xb8: {  	[spmem:s2] =	stream.indirect.scatter.add.f32 [tilespmem:s17], [sflag:$0x3], $0x1, s9, s16, $0xb8;
	[tilespmem:$0x96A0] =	vst v63  }
0xb9: {  	s9 =	simm.s32 $0x800  }
0xba: {  	[spmem:s2] =	stream.indirect.scatter.add.f32 [tilespmem:s17], [sflag:$0x3], $0x1, s9, s16, $0xb8;
	[tilespmem:$0x96A0] =	vst v63  }
0xbb: {  	s9 =	simm.s32 $0x880  }
0xbc: {  	[spmem:s2] =	stream.indirect.scatter.add.f32 [tilespmem:s17], [sflag:$0x3], $0x1, s9, s16, $0xb8;
	[tilespmem:$0x96A0] =	vst v63  }
0xbd: {  	s9 =	simm.s32 $0x900  }
0xbe: {  	[spmem:s2] =	stream.indirect.scatter.add.f32 [tilespmem:s17], [sflag:$0x3], $0x1, s9, s16, $0xb8;
	[tilespmem:$0x96A0] =	vst v63  }
0xbf: {  	s9 =	simm.s32 $0x980  }
0xc0: {  	[spmem:s2] =	stream.indirect.scatter.add.f32 [tilespmem:s17], [sflag:$0x3], $0x1, s9, s16, $0xb8;
	[tilespmem:$0x96A0] =	vst v63  }
0xc1: {  	s9 =	simm.s32 $0xA00  }
0xc2: {  	[spmem:s2] =	stream.indirect.scatter.add.f32 [tilespmem:s17], [sflag:$0x3], $0x1, s9, s16, $0xb8;
	[tilespmem:$0x96A0] =	vst v63  }
0xc3: {  	_ = 	snop  }
0xc4: {  	[spmem:s2] =	stream.indirect.scatter.add.f32 [tilespmem:s17], [sflag:$0x3], $0x1, s18, s16, $0xb8;
	[tilespmem:$0x96A0] =	vst v63  }
0xc5: {  	_ = 	snop  }
0xc6: {  	[spmem:s2] =	stream.indirect.scatter.add.f32 [tilespmem:s17], [sflag:$0x3], $0x1, s19, s16, $0xb8;
	[tilespmem:$0x96A0] =	vst v63  }
0xc7: {  	_ = 	snop  }
0xc8: {  	[spmem:s2] =	stream.indirect.scatter.add.f32 [tilespmem:s17], [sflag:$0x3], $0x1, s20, s16, $0xb8;
	[tilespmem:$0x96A0] =	vst v63  }
0xc9: {  	s0 =	sadd.s32 $0x1C0, s0  }
0xca: {  	[spmem:s2] =	stream.indirect.scatter.add.f32 [tilespmem:s17], [sflag:$0x3], $0x1, s21, s16, $0xb8;
	[tilespmem:$0x96A0] =	vst v63  }
0xcb: {  	p1 =	sne.s32 s0, $0x3100  }
0xcc: {  	[spmem:s2] =	stream.indirect.scatter.add.f32 [tilespmem:s17], [sflag:$0x3], $0x1, s22, s16, $0xb8;
	[tilespmem:$0x96A0] =	vst v63  }
.Ltmp6:
0xcd: {  	_ = 	snop;
	(pc) =	sbr.rel @p1 .LBB2_10-.Ltmp6, $4  }
0xce: {  	_ = 	snop  }
0xcf: {  	[spmem:s2] =	stream.indirect.scatter.add.f32 [tilespmem:s17], [sflag:$0x3], $0x1, s23, s16, $0xb8;
	[tilespmem:$0x96A0] =	vst v63  }
0xd0: {  	_ = 	snop  }
0xd1: {  	[spmem:s2] =	stream.indirect.scatter.add.f32 [tilespmem:s17], [sflag:$0x3], $0x1, s24, s16, $0xb8;
	[tilespmem:$0x96A0] =	vst v63  }
0xd2: {  	_ =	swait.ge [sflag:s25], $0x80  }
0xd3: {  	[sflag:s25] =	ssyncset.done $0x0  }
0xd4: {  	[sflag:s25] =	ssyncadd.s32 $0xFFFFFF80  }
0xd5: {  	_ =	swait.ge [sflag:s25], $0x80  }
0xd6: {  	[sflag:s25] =	ssyncset.done $0x0  }
0xd7: {  	[sflag:s25] =	ssyncadd.s32 $0xFFFFFF80  }
0xd8: {  	_ =	swait.ge [sflag:s25], $0x80  }
0xd9: {  	[sflag:s25] =	ssyncset.done $0x0  }
0xda: {  	[sflag:s25] =	ssyncadd.s32 $0xFFFFFF80  }
0xdb: {  	_ =	swait.ge [sflag:s25], $0x80  }
0xdc: {  	[sflag:s25] =	ssyncset.done $0x0  }
0xdd: {  	[sflag:s25] =	ssyncadd.s32 $0xFFFFFF80  }
0xde: {  	_ =	swait.ge [sflag:s25], $0x80  }
0xdf: {  	[sflag:s25] =	ssyncset.done $0x0  }
0xe0: {  	[sflag:s25] =	ssyncadd.s32 $0xFFFFFF80  }
0xe1: {  	_ =	swait.ge [sflag:s25], $0x80  }
0xe2: {  	[sflag:s25] =	ssyncset.done $0x0  }
0xe3: {  	[sflag:s25] =	ssyncadd.s32 $0xFFFFFF80  }
0xe4: {  	_ =	swait.ge [sflag:s25], $0x80  }
0xe5: {  	[sflag:s25] =	ssyncset.done $0x0  }
0xe6: {  	[sflag:s25] =	ssyncadd.s32 $0xFFFFFF80  }
0xe7: {  	_ =	swait.ge [sflag:s25], $0x80  }
0xe8: {  	[sflag:s25] =	ssyncset.done $0x0  }
0xe9: {  	[sflag:s25] =	ssyncadd.s32 $0xFFFFFF80  }
0xea: {  	_ =	swait.ge [sflag:s25], $0x80  }
0xeb: {  	[sflag:s25] =	ssyncset.done $0x0  }
0xec: {  	[sflag:s25] =	ssyncadd.s32 $0xFFFFFF80  }
0xed: {  	_ =	swait.ge [sflag:s25], $0x80  }
0xee: {  	[sflag:s25] =	ssyncset.done $0x0  }
0xef: {  	[sflag:s25] =	ssyncadd.s32 $0xFFFFFF80  }
0xf0: {  	_ =	swait.ge [sflag:s25], $0x80  }
0xf1: {  	[sflag:s25] =	ssyncset.done $0x0  }
0xf2: {  	[sflag:s25] =	ssyncadd.s32 $0xFFFFFF80  }
0xf3: {  	_ =	swait.ge [sflag:s25], $0x80  }
0xf4: {  	[sflag:s25] =	ssyncset.done $0x0  }
0xf5: {  	[sflag:s25] =	ssyncadd.s32 $0xFFFFFF80  }
0xf6: {  	_ =	swait.ge [sflag:s25], $0x80  }
0xf7: {  	[sflag:s25] =	ssyncset.done $0x0  }
0xf8: {  	[sflag:s25] =	ssyncadd.s32 $0xFFFFFF80  }
0xf9: {  	_ =	swait.ge [sflag:s25], $0x80  }
0xfa: {  	[sflag:s25] =	ssyncset.done $0x0  }
0xfb: {  	[sflag:s25] =	ssyncadd.s32 $0xFFFFFF80  }
0xfc: {  	_ =	swait.ge [sflag:s26], $0x80  }
0xfd: {  	[sflag:s26] =	ssyncset.done $0x0  }
0xfe: {  	[sflag:s26] =	ssyncadd.s32 $0xFFFFFF80  }
0xff: {  	_ =	swait.ge [sflag:s26], $0x80  }
0x100: {  	[sflag:s26] =	ssyncset.done $0x0  }
0x101: {  	[sflag:s26] =	ssyncadd.s32 $0xFFFFFF80  }
0x102: {  	_ =	swait.ge [sflag:s26], $0x80  }
0x103: {  	[sflag:s26] =	ssyncset.done $0x0  }
0x104: {  	[sflag:s26] =	ssyncadd.s32 $0xFFFFFF80  }
0x105: {  	_ =	swait.ge [sflag:s26], $0x80  }
0x106: {  	[sflag:s26] =	ssyncset.done $0x0  }
0x107: {  	[sflag:s26] =	ssyncadd.s32 $0xFFFFFF80  }
0x108: {  	_ =	swait.ge [sflag:s26], $0x80  }
0x109: {  	[sflag:s26] =	ssyncset.done $0x0  }
0x10a: {  	[sflag:s26] =	ssyncadd.s32 $0xFFFFFF80  }
0x10b: {  	_ =	swait.ge [sflag:s26], $0x80  }
0x10c: {  	[sflag:s26] =	ssyncset.done $0x0  }
0x10d: {  	[sflag:s26] =	ssyncadd.s32 $0xFFFFFF80  }
0x10e: {  	_ =	swait.ge [sflag:s26], $0x80  }
0x10f: {  	[sflag:s26] =	ssyncset.done $0x0  }
0x110: {  	[sflag:s26] =	ssyncadd.s32 $0xFFFFFF80  }
0x111: {  	_ =	swait.ge [sflag:s26], $0x80  }
0x112: {  	[sflag:s26] =	ssyncset.done $0x0  }
0x113: {  	[sflag:s26] =	ssyncadd.s32 $0xFFFFFF80  }
0x114: {  	_ =	swait.ge [sflag:s26], $0x80  }
0x115: {  	[sflag:s26] =	ssyncset.done $0x0  }
0x116: {  	[sflag:s26] =	ssyncadd.s32 $0xFFFFFF80  }
0x117: {  	_ =	swait.ge [sflag:s26], $0x80  }
0x118: {  	[sflag:s26] =	ssyncset.done $0x0  }
0x119: {  	[sflag:s26] =	ssyncadd.s32 $0xFFFFFF80  }
0x11a: {  	_ =	swait.ge [sflag:s26], $0x80  }
0x11b: {  	[sflag:s26] =	ssyncset.done $0x0  }
0x11c: {  	[sflag:s26] =	ssyncadd.s32 $0xFFFFFF80  }
0x11d: {  	_ =	swait.ge [sflag:s26], $0x80  }
0x11e: {  	[sflag:s26] =	ssyncset.done $0x0  }
0x11f: {  	[sflag:s26] =	ssyncadd.s32 $0xFFFFFF80  }
0x120: {  	_ =	swait.ge [sflag:s26], $0x80  }
0x121: {  	[sflag:s26] =	ssyncset.done $0x0  }
0x122: {  	[sflag:s26] =	ssyncadd.s32 $0xFFFFFF80  }
0x123: {  	_ =	swait.ge [sflag:s26], $0x80  }
0x124: {  	[sflag:s26] =	ssyncset.done $0x0  }
0x125: {  	[sflag:s26] =	ssyncadd.s32 $0xFFFFFF80  }
0x126: {  	s31 =	simm.s32 $0x0;
	s0 =	simm.s32 $0x0;
	[bflag:$0x0] =	sbarrier.arrive $0xFFFF  }
.LBB2_12:
0x127: {  	s1 =	smul.u32 $0x320, s0;
	_ =	sdelay $0x1  }
0x128: {  	s1 =	sadd.s32 s8, s1  }
0x129: {  	s9 =	simm.s32 $0x1680;
	s11 =	sadd.s32 s1, s2  }
0x12a: {  	[tilespmem:s9], [sflag:$0x5] =	stream.linear.gather [spmem:s11], $0x320, $0x38;
	[tilespmem:$0x96A0] =	vst v63  }
0x12b: {  	_ =	swait.ge [sflag:s28], $0x320  }
0x12c: {  	s1 =	sshll.u32 s1, $0x1;
	[sflag:s28] =	ssyncset.done $0x0  }
0x12d: {  	s10 =	sadd.s32 s4, s1;
	[sflag:s28] =	ssyncadd.s32 $0xFFFFFCE0  }
0x12e: {  	[tilespmem:s29], [sflag:$0x5] =	stream.linear.gather [hbm4b:s10+s31], $0x3200, $0x38;
	[tilespmem:$0x96A0] =	vst v63  }
0x12f: {  	_ =	swait.ge [sflag:s28], $0x3200  }
0x130: {  	[sflag:s28] =	ssyncset.done $0x0  }
0x131: {  	[sflag:s28] =	ssyncadd.s32 $0xFFFFCE00  }
0x132: {  	v3 =	vld [tilespmem:s9+$0x0];
	_ =	sdelay $0x4  }
0x133: {  	v3 =	vadd.f32 $1.000000000e+00, v3;
	_ =	sdelay $0x1  }
0x134: {  	v4 =	vshra.s32 v3, $0x1;
	v3 =	vmul.f32 $5.000000000e-01, v3  }
0x135: {  	v4 =	vsub.s32 $0x5F3759DF, v4  }
0x136: {  	v5 =	vmul.f32 v4, v3;
	_ =	sdelay $0x1  }
0x137: {  	v5 =	vmul.f32 v4, v5;
	_ =	sdelay $0x1  }
0x138: {  	v5 =	vsub.f32 $1.500000000e+00, v5;
	_ =	sdelay $0x1  }
0x139: {  	v4 =	vmul.f32 v4, v5;
	_ =	sdelay $0x1  }
0x13a: {  	v5 =	vmul.f32 v4, v3;
	_ =	sdelay $0x1  }
0x13b: {  	v5 =	vmul.f32 v5, v4;
	_ =	sdelay $0x1  }
0x13c: {  	v5 =	vsub.f32 $1.500000000e+00, v5;
	_ =	sdelay $0x1  }
0x13d: {  	v4 =	vmul.f32 v5, v4;
	_ =	sdelay $0x1  }
0x13e: {  	v5 =	vmul.f32 v4, v3;
	_ =	sdelay $0x1  }
0x13f: {  	v5 =	vmul.f32 v5, v4;
	_ =	sdelay $0x1  }
0x140: {  	v5 =	vsub.f32 $1.500000000e+00, v5;
	_ =	sdelay $0x1  }
0x141: {  	v4 =	vmul.f32 v5, v4;
	_ =	sdelay $0x1  }
0x142: {  	v3 =	vmul.f32 v4, v3  }
0x143: {  	v5 =	vmov s31  }
0x144: {  	v5 =	vshll.u32 v5, $0x4;
	v3 =	vmul.f32 v3, v4  }
0x145: {  	v5 =	vor.u32 v2, v5  }
0x146: {  	v6 =	vor.u32 $0x1, v5;
	v3 =	vsub.f32 $1.500000000e+00, v3  }
0x147: {  	v7 =	vor.u32 $0x2, v5  }
0x148: {  	v3 =	vmul.f32 v3, v4;
	v4 =	vor.u32 $0x3, v5  }
0x149: {  	v8 =	vor.u32 $0x4, v5  }
0x14a: {  	v9 =	vor.u32 $0x5, v5;
	[tilespmem:v5+s30+$0x0] =	vst.idx.msk $0xffff, v3  }
0x14b: {  	[tilespmem:v6+s30+$0x0] =	vst.idx.msk $0xffff, v3;
	v6 =	vor.u32 $0x6, v5  }
0x14c: {  	[tilespmem:v7+s30+$0x0] =	vst.idx.msk $0xffff, v3;
	v7 =	vor.u32 $0x7, v5  }
0x14d: {  	[tilespmem:v4+s30+$0x0] =	vst.idx.msk $0xffff, v3;
	v4 =	vor.u32 $0x8, v5  }
0x14e: {  	v61 =	vor.u32 $0x9, v5;
	[tilespmem:v8+s30+$0x0] =	vst.idx.msk $0xffff, v3  }
0x14f: {  	v62 =	vor.u32 $0xA, v5;
	[tilespmem:v9+s30+$0x0] =	vst.idx.msk $0xffff, v3  }
0x150: {  	[tilespmem:v6+s30+$0x0] =	vst.idx.msk $0xffff, v3;
	v6 =	vor.u32 $0xB, v5  }
0x151: {  	[tilespmem:v7+s30+$0x0] =	vst.idx.msk $0xffff, v3;
	v7 =	vor.u32 $0xC, v5  }
0x152: {  	[tilespmem:v4+s30+$0x0] =	vst.idx.msk $0xffff, v3;
	v4 =	vor.u32 $0xD, v5  }
0x153: {  	[tilespmem:v61+s30+$0x0] =	vst.idx.msk $0xffff, v3  }
0x154: {  	[tilespmem:v62+s30+$0x0] =	vst.idx.msk $0xffff, v3  }
0x155: {  	v63 =	vor.u32 $0xE, v5;
	[tilespmem:v6+s30+$0x0] =	vst.idx.msk $0xffff, v3  }
0x156: {  	[tilespmem:v7+s30+$0x0] =	vst.idx.msk $0xffff, v3  }
0x157: {  	[tilespmem:v4+s30+$0x0] =	vst.idx.msk $0xffff, v3;
	v4 =	vor.u32 $0xF, v5;
	_ =	sdelay $0x2  }
0x158: {  	s11 =	simm.s32 $0x10;
	[tilespmem:v63+s30+$0x0] =	vst.idx.msk $0xffff, v3  }
.LBB2_13:
0x159: {  	p1 =	sne.s32 s11, $0x310  }
0x15a: {  	[tilespmem:v4+s30+$0x0] =	vst.idx.msk $0xffff, v3;
	s9 =	sadd.s32 $0x10, s9;
	s10 =	smov.u32 s11;
	s11 =	sadd.s32 $0x10, s11  }
0x15b: {  	v3 =	vld [tilespmem:s9+$0x0];
	_ =	sdelay $0x4  }
0x15c: {  	v3 =	vadd.f32 $1.000000000e+00, v3;
	_ =	sdelay $0x1  }
0x15d: {  	v4 =	vshra.s32 v3, $0x1;
	v3 =	vmul.f32 $5.000000000e-01, v3  }
0x15e: {  	v4 =	vsub.s32 $0x5F3759DF, v4  }
0x15f: {  	v5 =	vmul.f32 v4, v3;
	_ =	sdelay $0x1  }
0x160: {  	v5 =	vmul.f32 v4, v5;
	_ =	sdelay $0x1  }
0x161: {  	v5 =	vsub.f32 $1.500000000e+00, v5;
	_ =	sdelay $0x1  }
0x162: {  	v4 =	vmul.f32 v4, v5;
	_ =	sdelay $0x1  }
0x163: {  	v5 =	vmul.f32 v4, v3;
	_ =	sdelay $0x1  }
0x164: {  	v5 =	vmul.f32 v5, v4;
	_ =	sdelay $0x1  }
0x165: {  	v5 =	vsub.f32 $1.500000000e+00, v5;
	_ =	sdelay $0x1  }
0x166: {  	v4 =	vmul.f32 v5, v4;
	_ =	sdelay $0x1  }
0x167: {  	v5 =	vmul.f32 v4, v3;
	_ =	sdelay $0x1  }
0x168: {  	v5 =	vmul.f32 v5, v4;
	_ =	sdelay $0x1  }
0x169: {  	v5 =	vsub.f32 $1.500000000e+00, v5;
	_ =	sdelay $0x1  }
0x16a: {  	v4 =	vmul.f32 v5, v4;
	_ =	sdelay $0x1  }
0x16b: {  	v3 =	vmul.f32 v4, v3  }
0x16c: {  	v5 =	vmov s10  }
0x16d: {  	v5 =	vshll.u32 v5, $0x4;
	v3 =	vmul.f32 v3, v4  }
0x16e: {  	v5 =	vor.u32 v2, v5  }
0x16f: {  	v6 =	vor.u32 $0x1, v5;
	v3 =	vsub.f32 $1.500000000e+00, v3  }
0x170: {  	v7 =	vor.u32 $0x2, v5  }
0x171: {  	v3 =	vmul.f32 v3, v4;
	v4 =	vor.u32 $0x3, v5  }
0x172: {  	v8 =	vor.u32 $0x4, v5  }
0x173: {  	v9 =	vor.u32 $0x5, v5;
	[tilespmem:v5+s30+$0x0] =	vst.idx.msk $0xffff, v3  }
0x174: {  	[tilespmem:v6+s30+$0x0] =	vst.idx.msk $0xffff, v3;
	v6 =	vor.u32 $0x6, v5  }
0x175: {  	[tilespmem:v7+s30+$0x0] =	vst.idx.msk $0xffff, v3;
	v7 =	vor.u32 $0x7, v5  }
0x176: {  	[tilespmem:v4+s30+$0x0] =	vst.idx.msk $0xffff, v3;
	v4 =	vor.u32 $0x8, v5  }
0x177: {  	[tilespmem:v8+s30+$0x0] =	vst.idx.msk $0xffff, v3;
	v8 =	vor.u32 $0x9, v5  }
0x178: {  	[tilespmem:v9+s30+$0x0] =	vst.idx.msk $0xffff, v3;
	v9 =	vor.u32 $0xA, v5  }
0x179: {  	[tilespmem:v6+s30+$0x0] =	vst.idx.msk $0xffff, v3;
	v6 =	vor.u32 $0xB, v5  }
0x17a: {  	[tilespmem:v7+s30+$0x0] =	vst.idx.msk $0xffff, v3;
	v7 =	vor.u32 $0xC, v5  }
0x17b: {  	v10 =	vor.u32 $0xD, v5;
	[tilespmem:v4+s30+$0x0] =	vst.idx.msk $0xffff, v3  }
0x17c: {  	[tilespmem:v8+s30+$0x0] =	vst.idx.msk $0xffff, v3;
	v8 =	vor.u32 $0xE, v5  }
.Ltmp7:
0x17d: {  	v4 =	vor.u32 $0xF, v5;
	[tilespmem:v9+s30+$0x0] =	vst.idx.msk $0xffff, v3;
	(pc) =	sbr.rel @p1 .LBB2_13-.Ltmp7, $4  }
0x17e: {  	[tilespmem:v6+s30+$0x0] =	vst.idx.msk $0xffff, v3  }
0x17f: {  	[tilespmem:v7+s30+$0x0] =	vst.idx.msk $0xffff, v3  }
0x180: {  	[tilespmem:v10+s30+$0x0] =	vst.idx.msk $0xffff, v3  }
0x181: {  	[tilespmem:v8+s30+$0x0] =	vst.idx.msk $0xffff, v3  }
0x182: {  	_ =	sdelay $0x3  }
0x183: {  	[tilespmem:v4+s30+$0x0] =	vst.idx.msk $0xffff, v3;
	s9 =	simm.s32 $0x0  }
0x184: {  	s11 =	simm.s32 $0x40;
	v3 =	vld [tilespmem:s9+$0x19A0]  }
.LBB2_15:
0x185: {  	p1 =	sne.s32 s11, $0xC7C0;
	v4 =	vld [tilespmem:s9+$0x4BA0];
	_ =	sdelay $0x2  }
.Ltmp8:
0x186: {  	(pc) =	sbr.rel @p1 .LBB2_15-.Ltmp8, $4  }
0x187: {  	_ = 	snop  }
0x188: {  	v4 =	vmul.f32 v3, v4  }
0x189: {  	s10 =	sshra.s32 s11, $0x2  }
0x18a: {  	s11 =	sadd.s32 $0x40, s11;
	v3 =	vld [tilespmem:s10+$0x19A0];
	[tilespmem:s9+$0x4BA0] =	vst v4;
	s9 =	smov.u32 s10  }
0x18b: {  	v4 =	vld [tilespmem:s9+$0x4BA0];
	_ =	sdelay $0x4  }
0x18c: {  	v3 =	vmul.f32 v3, v4;
	_ =	sdelay $0x1  }
0x18d: {  	s10 =	sadd.s32 s5, s1;
	[tilespmem:s9+$0x4BA0] =	vst v3  }
0x18e: {  	[hbm4b:s10+s3] =	stream.linear.scatter [tilespmem:s30], [sflag:$0x5], $0x3200, $0x38;
	[tilespmem:$0x96A0] =	vst v63  }
0x18f: {  	s0 =	sadd.s32 $0x1, s0;
	_ =	swait.ge [sflag:s28], $0x3200  }
0x190: {  	p1 =	sne.s32 s0, $0x4;
	[sflag:s28] =	ssyncset.done $0x0  }
.Ltmp9:
0x191: {  	s11 =	sadd.s32 s6, s1;
	[sflag:s28] =	ssyncadd.s32 $0xFFFFCE00;
	(pc) =	sbr.rel @p1 .LBB2_12-.Ltmp9, $4  }
0x192: {  	[hbm4b:s11+s3] =	stream.linear.scatter [tilespmem:s29], [sflag:$0x5], $0x3200, $0x38;
	[tilespmem:$0x96A0] =	vst v63  }
0x193: {  	_ =	swait.ge [sflag:s28], $0x3200  }
0x194: {  	[sflag:s28] =	ssyncset.done $0x0  }
0x195: {  	[sflag:s28] =	ssyncadd.s32 $0xFFFFCE00  }
0x196: {  	s1 =	rddreg [dreg:$0x6]  }
0x197: {  	s0 =	rddreg [dreg:$0x3];
	s1 =	sadd.s32 $0x1, s1  }
0x198: {  	p1 =	sne.s32 s1, s0  }
.Ltmp10:
0x199: {  	_ = 	snop;
	(pc) =	sbr.rel @p1 .LBB2_1-.Ltmp10, $2  }
0x19a: {  	_ =	sdelay $0x2  }
0x19b: {  	s10 =	simm.s32 $0x100;
	s11 =	simm.s32 $0x180;
	s31 =	simm.s32 $0x200  }
0x19c: {  	_ =	sfence.sel $0x180000  }
0x19d: {  	[bflag:$0x0] =	sbarrier.arrive $0xFFFF  }
0x19e: {  	_ =	strace $0x90000047  }
0x19f: {  	s0 =	stileid.u32;
	[bflag:$0x2] =	sbarrier.arrive $0xFFFF  }
0x1a0: {  	p0 =	sne.s32 s0, $0x0;
	s0 =	rddreg [dreg:$0x2]  }
0x1a1: {  	s0 =	sadd.s32 @!p0 $0x100000, s0  }
0x1a2: {  	[sflag:s0] =	ssyncadd.tile.s32 @!p0 $0x1;
	_ =	shalt  }
.Lfunc_end2:
_tile_overlayer_lowered:
.L_overlay_start_2:
0x1a3: {  	(tag) =	ssettag $0x2  }
0x1a4: {  	s0 =	rddreg [dreg:$0x0];
	s2 =	stileid.u32  }
0x1a5: {  	s1 =	rddreg [dreg:$0x1];
	p0 =	sne.s32 s2, $0x0  }
0x1a6: {  	s3 =	rddreg [dreg:$0x2];
	[bflag:$0x3] =	sbarrier.arrive $0xFFFF;
	s2 =	simm.s32 @!p0 $0x1C05  }
0x1a7: {  	[timem:s3], [sflag:s2] =	dma.local @!p0 [hbm:s0], s1  }
0x1a8: {  	s0 =	simm.s32 @!p0 $0x5  }
0x1a9: {  	_ =	swait.ge @!p0 [sflag:s0], s1  }
0x1aa: {  	s1 =	ssub.s32 @!p0 $0x0, s1;
	[sflag:s0] =	ssyncset.done @!p0 $0x0  }
0x1ab: {  	[sflag:s0] =	ssyncadd.s32 @!p0 s1  }
0x1ac: {  	[bflag:$0x3] =	sbarrier.arrive $0xFFFF  }
0x1ad: {  	_ =	shalt  }

</sc_bundles>
